<compile_context>
chip_gen: v7x
topology: tpu7x:2x2x1
jax: 0.10.2.dev20260603
libtpu: 0.0.44.dev20260713+nightly
codegen_flags: <defaults>
</compile_context>

<pallas_src>
import functools

import jax
import jax.numpy as jnp
from jax import lax
from jax.experimental import pallas as pl
from jax.experimental.pallas import tpu as pltpu
from jax.experimental.pallas import tpu_sc as plsc

N_NODES = 10000
N_EDGES = 320000
IN_CH = 128
HID = 64
HID2 = 32
OUT_CH = 1

NUM_SC = 2
NUM_TILES = 16
NW = NUM_SC * NUM_TILES
CHUNK = 128
CHUNKS_PER_TILE = 80
EDGES_PER_TILE = CHUNK * CHUNKS_PER_TILE
E_PAD = EDGES_PER_TILE * NW
TOT_CHUNKS = E_PAD // CHUNK
CH_ALL = TOT_CHUNKS // NUM_TILES
DUMMY_ROW = N_NODES
ACC_ROWS = 10112
STRIPE = ACC_ROWS // NUM_TILES
LAST_STRIPE = N_NODES - (NUM_TILES - 1) * STRIPE

_MESH = plsc.VectorSubcoreMesh(core_axis_name="c", subcore_axis_name="s")
_SC_PARAMS = pltpu.CompilerParams(use_tc_tiling_on_sc=False)
_MM = (((1,), (0,)), ((), ()))


def _zero_fill(buf, nrows, width):
    @pl.loop(0, nrows)
    def _(i):
        @pl.loop(0, width // 16)
        def _(k):
            buf[i, pl.ds(k * 16, 16)] = jnp.zeros((16,), jnp.float32)


def _make_sc_agg(width, nbuf):
    out_t = [jax.ShapeDtypeStruct((N_NODES, width), jnp.float32)] * 2
    assert CH_ALL % nbuf == 0

    @functools.partial(
        pl.kernel,
        out_type=out_t,
        mesh=_MESH,
        compiler_params=_SC_PARAMS,
        scratch_types=[
            pltpu.VMEM((CH_ALL, CHUNK), jnp.int32),
            pltpu.VMEM((CH_ALL, CHUNK), jnp.int32),
            pltpu.VMEM((nbuf, CHUNK, width), jnp.float32),
            pltpu.VMEM_SHARED((ACC_ROWS, width), jnp.float32),
            pltpu.VMEM_SHARED((ACC_ROWS, width), jnp.float32),
            pltpu.SemaphoreType.DMA((nbuf,)),
            pltpu.SemaphoreType.DMA((nbuf,)),
        ],
    )
    def agg(tbl0_hbm, tbl1_hbm, src_hbm, dst_hbm, out0, out1,
            src_v, dst_v, rows_v, acc, tbl, gsem, ssem):
        c = lax.axis_index("c")
        s = lax.axis_index("s")
        zbase = s * STRIPE

        def stage(tbl_h):
            @pl.when(s < NUM_TILES - 1)
            def _():
                pltpu.sync_copy(tbl_h.at[pl.ds(zbase, STRIPE)],
                                tbl.at[pl.ds(zbase, STRIPE)])

            @pl.when(s == NUM_TILES - 1)
            def _():
                pltpu.sync_copy(tbl_h.at[pl.ds(zbase, LAST_STRIPE)],
                                tbl.at[pl.ds(zbase, LAST_STRIPE)])

        @pl.when(c == 0)
        def _():
            stage(tbl0_hbm)

        @pl.when(c == 1)
        def _():
            stage(tbl1_hbm)

        pltpu.sync_copy(src_hbm.at[s], src_v)
        pltpu.sync_copy(dst_hbm.at[s], dst_v)
        _zero_fill(rows_v.at[0], CHUNK, width)
        for off in range(0, STRIPE, CHUNK):
            nrow = min(CHUNK, STRIPE - off)
            pltpu.sync_copy(rows_v.at[0].at[pl.ds(0, nrow)],
                            acc.at[pl.ds(zbase + off, nrow)])
        plsc.subcore_barrier()

        @pl.loop(0, CH_ALL, step=nbuf)
        def _(j):
            gds = [pltpu.async_copy(tbl.at[src_v.at[j + b]],
                                    rows_v.at[b], gsem.at[b])
                   for b in range(nbuf)]
            for b in range(nbuf):
                gds[b].wait()
                pltpu.sync_copy(rows_v.at[b], acc.at[dst_v.at[j + b]],
                                add=True)

        plsc.subcore_barrier()
        _copy_out(acc, out0, out1, c, s)

    return agg


def _copy_out(acc, out0, out1, c, s):
    ob = s * STRIPE

    def stripe_to(dst):
        @pl.when(s < NUM_TILES - 1)
        def _():
            pltpu.sync_copy(acc.at[pl.ds(ob, STRIPE)],
                            dst.at[pl.ds(ob, STRIPE)])

        @pl.when(s == NUM_TILES - 1)
        def _():
            pltpu.sync_copy(acc.at[pl.ds(ob, LAST_STRIPE)],
                            dst.at[pl.ds(ob, LAST_STRIPE)])

    @pl.when(c == 0)
    def _():
        stripe_to(out0)

    @pl.when(c == 1)
    def _():
        stripe_to(out1)


_CNT_W = 16
_CNT_NBUF = 8


def _sc_count(dst_hbm_arr):
    out_t = [jax.ShapeDtypeStruct((N_NODES, _CNT_W), jnp.float32)] * 2

    @functools.partial(
        pl.kernel,
        out_type=out_t,
        mesh=_MESH,
        compiler_params=_SC_PARAMS,
        scratch_types=[
            pltpu.VMEM((CHUNKS_PER_TILE, CHUNK), jnp.int32),
            pltpu.VMEM((CHUNK, _CNT_W), jnp.float32),
            pltpu.VMEM_SHARED((ACC_ROWS, _CNT_W), jnp.float32),
            pltpu.SemaphoreType.DMA,
        ],
    )
    def cnt(dst_hbm, out0, out1, dst_v, ones_v, acc, sem):
        c = lax.axis_index("c")
        s = lax.axis_index("s")
        w = c * NUM_TILES + s
        pltpu.sync_copy(dst_hbm.at[w], dst_v)
        _zero_fill(ones_v, CHUNK, _CNT_W)
        zbase = s * STRIPE
        for off in range(0, STRIPE, CHUNK):
            nrow = min(CHUNK, STRIPE - off)
            pltpu.sync_copy(ones_v.at[pl.ds(0, nrow)],
                            acc.at[pl.ds(zbase + off, nrow)])

        @pl.loop(0, CHUNK)
        def _(i):
            ones_v[i, pl.ds(0, _CNT_W)] = jnp.ones((_CNT_W,), jnp.float32)

        plsc.subcore_barrier()

        @pl.loop(0, CHUNKS_PER_TILE)
        def _(j):
            pltpu.sync_copy(ones_v, acc.at[dst_v.at[j]], add=True)

        plsc.subcore_barrier()
        _copy_out(acc, out0, out1, c, s)

    return cnt(dst_hbm_arr)


_BLK = 2000


def _tc_layer1(aA0, aA1, aB0, aB1, x, c0, c1, wl, wr, b):
    def body(aA0_ref, aA1_ref, aB0_ref, aB1_ref, x_ref, c0_ref, c1_ref,
             wl_ref, wr_ref, b_ref, h_ref):
        cntv = jnp.maximum(c0_ref[:, 0:1] + c1_ref[:, 0:1], 1.0)
        agg = jnp.concatenate([aA0_ref[...], aA1_ref[...],
                               aB0_ref[...], aB1_ref[...]], axis=1)
        mean1 = agg / cntv
        h = (lax.dot_general(mean1, wl_ref[...], _MM) + b_ref[...]
             + lax.dot_general(x_ref[...], wr_ref[...], _MM))
        h_ref[...] = jnp.maximum(h, 0.0)

    return pl.pallas_call(
        body,
        grid=(N_NODES // _BLK,),
        in_specs=[
            pl.BlockSpec((_BLK, HID2), lambda i: (i, 0)),
            pl.BlockSpec((_BLK, HID2), lambda i: (i, 0)),
            pl.BlockSpec((_BLK, HID2), lambda i: (i, 0)),
            pl.BlockSpec((_BLK, HID2), lambda i: (i, 0)),
            pl.BlockSpec((_BLK, IN_CH), lambda i: (i, 0)),
            pl.BlockSpec((_BLK, _CNT_W), lambda i: (i, 0)),
            pl.BlockSpec((_BLK, _CNT_W), lambda i: (i, 0)),
            pl.BlockSpec((IN_CH, HID), lambda i: (0, 0)),
            pl.BlockSpec((IN_CH, HID), lambda i: (0, 0)),
            pl.BlockSpec((1, HID), lambda i: (0, 0)),
        ],
        out_specs=pl.BlockSpec((_BLK, HID), lambda i: (i, 0)),
        out_shape=jax.ShapeDtypeStruct((N_NODES, HID), jnp.float32),
    )(aA0, aA1, aB0, aB1, x, c0, c1, wl, wr, b)


def _tc_layer2(b0, b1, h1, c0, c1, wl, wr, b, wc, bc):
    def body(b0_ref, b1_ref, h1_ref, c0_ref, c1_ref, wl_ref, wr_ref, b_ref,
             wc_ref, bc_ref, o_ref):
        cntv = jnp.maximum(c0_ref[:, 0:1] + c1_ref[:, 0:1], 1.0)
        mean2 = jnp.concatenate([b0_ref[...], b1_ref[...]], axis=1) / cntv
        h2 = (lax.dot_general(mean2, wl_ref[...], _MM) + b_ref[...]
              + lax.dot_general(h1_ref[...], wr_ref[...], _MM))
        h2 = jnp.maximum(h2, 0.0)
        o_ref[...] = lax.dot_general(h2, wc_ref[...], _MM) + bc_ref[...]

    return pl.pallas_call(
        body,
        grid=(N_NODES // _BLK,),
        in_specs=[
            pl.BlockSpec((_BLK, HID2), lambda i: (i, 0)),
            pl.BlockSpec((_BLK, HID2), lambda i: (i, 0)),
            pl.BlockSpec((_BLK, HID), lambda i: (i, 0)),
            pl.BlockSpec((_BLK, _CNT_W), lambda i: (i, 0)),
            pl.BlockSpec((_BLK, _CNT_W), lambda i: (i, 0)),
            pl.BlockSpec((HID, HID2), lambda i: (0, 0)),
            pl.BlockSpec((HID, HID2), lambda i: (0, 0)),
            pl.BlockSpec((1, HID2), lambda i: (0, 0)),
            pl.BlockSpec((HID2, OUT_CH), lambda i: (0, 0)),
            pl.BlockSpec((1, OUT_CH), lambda i: (0, 0)),
        ],
        out_specs=pl.BlockSpec((_BLK, OUT_CH), lambda i: (i, 0)),
        out_shape=jax.ShapeDtypeStruct((N_NODES, OUT_CH), jnp.float32),
    )(b0, b1, h1, c0, c1, wl, wr, b, wc, bc)


def kernel(x, edge_index, Wl1, bl1, Wr1, Wl2, bl2, Wr2, Wc, bc):
    ei = edge_index.astype(jnp.int32)
    pad = E_PAD - N_EDGES
    src = jnp.concatenate([ei[0], jnp.zeros((pad,), jnp.int32)])
    dst = jnp.concatenate([ei[1], jnp.full((pad,), DUMMY_ROW, jnp.int32)])
    src = src.reshape(TOT_CHUNKS, CHUNK)
    dst = dst.reshape(TOT_CHUNKS, CHUNK)
    srcT = src.reshape(NUM_TILES, CH_ALL, CHUNK)
    dstT = dst.reshape(NUM_TILES, CH_ALL, CHUNK)

    cnt0, cnt1 = _sc_count(dst.reshape(NW, CHUNKS_PER_TILE, CHUNK))
    agg32 = _make_sc_agg(HID2, 8)
    aA0, aA1 = agg32(x[:, 0:32], x[:, 32:64], srcT, dstT)
    aB0, aB1 = agg32(x[:, 64:96], x[:, 96:128], srcT, dstT)
    h1 = _tc_layer1(aA0, aA1, aB0, aB1, x, cnt0, cnt1, Wl1.T, Wr1.T,
                    bl1.reshape(1, HID))
    b0, b1 = agg32(h1[:, 0:32], h1[:, 32:64], srcT, dstT)
    return _tc_layer2(b0, b1, h1, cnt0, cnt1, Wl2.T, Wr2.T,
                      bl2.reshape(1, HID2), Wc.T, bc.reshape(1, OUT_CH))

# --- scband reference (transcript-rebuilt; emitter-appended) ---
"""Pipeline reference for scband-nexus-graph-sage-7310034337833 (READ-ONLY COPY).

The authoritative reference and input builder live on the scoring server;
editing this copy changes nothing except your own understanding.
"""

import jax, jax.numpy as jnp
import numpy as np

N_NODES = 10000
N_EDGES = 320000
IN_CH = 128
HID = 64
OUT_CH = 1


def setup_inputs(seed: int = 0) -> dict:
    key = jax.random.key(seed)
    ks = jax.random.split(key, 10)
    x = jax.random.normal(ks[0], (N_NODES, IN_CH), dtype=jnp.float32)
    edge_index = jax.random.randint(ks[1], (2, N_EDGES), 0, N_NODES, dtype=jnp.int64)
    # SAGEConv1: lin_l (on aggregated neighbors, with bias), lin_r (on root, no bias)
    Wl1 = jax.random.normal(ks[2], (HID, IN_CH), dtype=jnp.float32) * (1.0 / np.sqrt(IN_CH))
    bl1 = jnp.zeros((HID,), dtype=jnp.float32)
    Wr1 = jax.random.normal(ks[3], (HID, IN_CH), dtype=jnp.float32) * (1.0 / np.sqrt(IN_CH))
    # SAGEConv2: hidden -> hidden//2
    Wl2 = jax.random.normal(ks[4], (HID // 2, HID), dtype=jnp.float32) * (1.0 / np.sqrt(HID))
    bl2 = jnp.zeros((HID // 2,), dtype=jnp.float32)
    Wr2 = jax.random.normal(ks[5], (HID // 2, HID), dtype=jnp.float32) * (1.0 / np.sqrt(HID))
    # classifier
    Wc = jax.random.normal(ks[6], (OUT_CH, HID // 2), dtype=jnp.float32) * (1.0 / np.sqrt(HID // 2))
    bc = jnp.zeros((OUT_CH,), dtype=jnp.float32)
    return {"x": x, "edge_index": edge_index, "Wl1": Wl1, "bl1": bl1, "Wr1": Wr1,
            "Wl2": Wl2, "bl2": bl2, "Wr2": Wr2, "Wc": Wc, "bc": bc}


def _sage_conv(x, edge_index, Wl, bl, Wr):
    # PyG SAGEConv with mean aggregation:
    # out_i = lin_l(mean_{j in N(i)} x_j) + lin_r(x_i)
    src = edge_index[0]
    dst = edge_index[1]
    msg = jnp.take(x, src, axis=0)                       # gather  [E, d]
    agg = jax.ops.segment_sum(msg, dst, num_segments=x.shape[0])      # scatter-add
    cnt = jax.ops.segment_sum(jnp.ones((edge_index.shape[1],), dtype=x.dtype),
                              dst, num_segments=x.shape[0])
    mean = agg / jnp.clip(cnt, 1.0, None)[:, None]
    return mean @ Wl.T + bl + x @ Wr.T


def reference(x, edge_index, Wl1, bl1, Wr1, Wl2, bl2, Wr2, Wc, bc):
    h = _sage_conv(x, edge_index, Wl1, bl1, Wr1)
    h = jax.nn.relu(h)
    # F.dropout(p=0.3, training=self.training) -> identity in eval mode
    h = _sage_conv(h, edge_index, Wl2, bl2, Wr2)
    h = jax.nn.relu(h)
    logits = h @ Wc.T + bc
    return logits

if __name__ == "__main__":
    import jax
    _d = setup_inputs()
    print(jax.jit(kernel)(*tuple(_d.values())))

</pallas_src>

<mosaic_0001>
#map = affine_map<(d0, d1) -> (0, 0)>
#map1 = affine_map<(d0, d1) -> (0, 0, 0)>
module attributes {stable_mosaic.version = 14 : i64} {
  func.func @agg(%arg0: i32, %arg1: i32, %arg2: memref<10000x32xf32, #tpu.memory_space<hbm>>, %arg3: memref<10000x32xf32, #tpu.memory_space<hbm>>, %arg4: memref<16x160x128xi32, #tpu.memory_space<hbm>>, %arg5: memref<16x160x128xi32, #tpu.memory_space<hbm>>, %arg6: memref<10000x32xf32, #tpu.memory_space<hbm>>, %arg7: memref<10000x32xf32, #tpu.memory_space<hbm>>, %arg8: memref<160x128xi32, #tpu.memory_space<vmem>>, %arg9: memref<160x128xi32, #tpu.memory_space<vmem>>, %arg10: memref<8x128x32xf32, #tpu.memory_space<vmem>>, %arg11: memref<10112x32xf32, #tpu.memory_space<vmem_shared>>, %arg12: memref<10112x32xf32, #tpu.memory_space<vmem_shared>>, %arg13: memref<8x!tpu.dma_semaphore, #tpu.memory_space<semaphore_mem>>, %arg14: memref<8x!tpu.dma_semaphore, #tpu.memory_space<semaphore_mem>>) attributes {dimension_semantics = [#tpu.dimension_semantics<core_parallel>, #tpu.dimension_semantics<subcore_parallel>], iteration_bounds = array<i64: 2, 16>, scalar_prefetch = 0 : i64, scratch_operands = 7 : i64, tpu.core_type = #tpu.core_type<sc_vector_subcore>, window_params = [{transform_indices = #map}, {transform_indices = #map}, {transform_indices = #map1}, {transform_indices = #map1}, {transform_indices = #map}, {transform_indices = #map}]} {
    %mul3A = arith.constant 632 : i32
    %mul3A_0 = arith.muli %arg1, %mul3A : i32
    %eq3A = arith.constant 0 : i32
    %eq3A_1 = arith.cmpi eq, %arg0, %eq3A : i32
    %convert_element_type3A = arith.extui %eq3A_1 : i1 to i32
    %cond3A = arith.constant 0 : i32
    %cond3A_2 = arith.cmpi ne, %convert_element_type3A, %cond3A : i32
    scf.if %cond3A_2 {
      %lt3A = arith.constant 15 : i32
      %lt3A_44 = arith.cmpi slt, %arg1, %lt3A : i32
      %convert_element_type3A_45 = arith.extui %lt3A_44 : i1 to i32
      %cond3A_46 = arith.constant 0 : i32
      %cond3A_47 = arith.cmpi ne, %convert_element_type3A_45, %cond3A_46 : i32
      scf.if %cond3A_47 {
        "tpu.region"() ({
          %run_scoped3A_53 = tpu.sem_alloc : memref<!tpu.dma_semaphore, #tpu.memory_space<semaphore_mem>>
          %dma_start3A = arith.constant 0 : i32
          %dma_start3A_54 = tpu.memref_slice %arg12[%mul3A_0, %dma_start3A] : memref<10112x32xf32, #tpu.memory_space<vmem_shared>> -> memref<632x32xf32, #tpu.memory_space<vmem_shared>>
          %dma_start3A_55 = arith.constant 0 : i32
          %dma_start3A_56 = tpu.memref_slice %arg2[%mul3A_0, %dma_start3A_55] : memref<10000x32xf32, #tpu.memory_space<hbm>> -> memref<632x32xf32, #tpu.memory_space<hbm>>
          tpu.enqueue_dma source(%dma_start3A_56 : memref<632x32xf32, #tpu.memory_space<hbm>>) target(%dma_start3A_54 : memref<632x32xf32, #tpu.memory_space<vmem_shared>>) target_semaphore(%run_scoped3A_53 : memref<!tpu.dma_semaphore, #tpu.memory_space<semaphore_mem>>)
          %dma_wait3A = arith.constant 0 : i32
          %dma_wait3A_57 = tpu.memref_slice %arg12[%mul3A_0, %dma_wait3A] : memref<10112x32xf32, #tpu.memory_space<vmem_shared>> -> memref<632x32xf32, #tpu.memory_space<vmem_shared>>
          %dma_wait3A_58 = arith.constant 0 : i32
          %dma_wait3A_59 = tpu.memref_slice %arg2[%mul3A_0, %dma_wait3A_58] : memref<10000x32xf32, #tpu.memory_space<hbm>> -> memref<632x32xf32, #tpu.memory_space<hbm>>
          tpu.wait_dma2 semaphore(%run_scoped3A_53 : memref<!tpu.dma_semaphore, #tpu.memory_space<semaphore_mem>>) src(%dma_wait3A_59 : memref<632x32xf32, #tpu.memory_space<hbm>>) dst(%dma_wait3A_57 : memref<632x32xf32, #tpu.memory_space<vmem_shared>>)
          tpu.yield
        }) : () -> ()
      } else {
      }
      %eq3A_48 = arith.constant 15 : i32
      %eq3A_49 = arith.cmpi eq, %arg1, %eq3A_48 : i32
      %convert_element_type3A_50 = arith.extui %eq3A_49 : i1 to i32
      %cond3A_51 = arith.constant 0 : i32
      %cond3A_52 = arith.cmpi ne, %convert_element_type3A_50, %cond3A_51 : i32
      scf.if %cond3A_52 {
        "tpu.region"() ({
          %run_scoped3A_53 = tpu.sem_alloc : memref<!tpu.dma_semaphore, #tpu.memory_space<semaphore_mem>>
          %dma_start3A = arith.constant 0 : i32
          %dma_start3A_54 = tpu.memref_slice %arg12[%mul3A_0, %dma_start3A] : memref<10112x32xf32, #tpu.memory_space<vmem_shared>> -> memref<520x32xf32, #tpu.memory_space<vmem_shared>>
          %dma_start3A_55 = arith.constant 0 : i32
          %dma_start3A_56 = tpu.memref_slice %arg2[%mul3A_0, %dma_start3A_55] : memref<10000x32xf32, #tpu.memory_space<hbm>> -> memref<520x32xf32, #tpu.memory_space<hbm>>
          tpu.enqueue_dma source(%dma_start3A_56 : memref<520x32xf32, #tpu.memory_space<hbm>>) target(%dma_start3A_54 : memref<520x32xf32, #tpu.memory_space<vmem_shared>>) target_semaphore(%run_scoped3A_53 : memref<!tpu.dma_semaphore, #tpu.memory_space<semaphore_mem>>)
          %dma_wait3A = arith.constant 0 : i32
          %dma_wait3A_57 = tpu.memref_slice %arg12[%mul3A_0, %dma_wait3A] : memref<10112x32xf32, #tpu.memory_space<vmem_shared>> -> memref<520x32xf32, #tpu.memory_space<vmem_shared>>
          %dma_wait3A_58 = arith.constant 0 : i32
          %dma_wait3A_59 = tpu.memref_slice %arg2[%mul3A_0, %dma_wait3A_58] : memref<10000x32xf32, #tpu.memory_space<hbm>> -> memref<520x32xf32, #tpu.memory_space<hbm>>
          tpu.wait_dma2 semaphore(%run_scoped3A_53 : memref<!tpu.dma_semaphore, #tpu.memory_space<semaphore_mem>>) src(%dma_wait3A_59 : memref<520x32xf32, #tpu.memory_space<hbm>>) dst(%dma_wait3A_57 : memref<520x32xf32, #tpu.memory_space<vmem_shared>>)
          tpu.yield
        }) : () -> ()
      } else {
      }
    } else {
    }
    %eq3A_3 = arith.constant 1 : i32
    %eq3A_4 = arith.cmpi eq, %arg0, %eq3A_3 : i32
    %convert_element_type3A_5 = arith.extui %eq3A_4 : i1 to i32
    %cond3A_6 = arith.constant 0 : i32
    %cond3A_7 = arith.cmpi ne, %convert_element_type3A_5, %cond3A_6 : i32
    scf.if %cond3A_7 {
      %lt3A = arith.constant 15 : i32
      %lt3A_44 = arith.cmpi slt, %arg1, %lt3A : i32
      %convert_element_type3A_45 = arith.extui %lt3A_44 : i1 to i32
      %cond3A_46 = arith.constant 0 : i32
      %cond3A_47 = arith.cmpi ne, %convert_element_type3A_45, %cond3A_46 : i32
      scf.if %cond3A_47 {
        "tpu.region"() ({
          %run_scoped3A_53 = tpu.sem_alloc : memref<!tpu.dma_semaphore, #tpu.memory_space<semaphore_mem>>
          %dma_start3A = arith.constant 0 : i32
          %dma_start3A_54 = tpu.memref_slice %arg12[%mul3A_0, %dma_start3A] : memref<10112x32xf32, #tpu.memory_space<vmem_shared>> -> memref<632x32xf32, #tpu.memory_space<vmem_shared>>
          %dma_start3A_55 = arith.constant 0 : i32
          %dma_start3A_56 = tpu.memref_slice %arg3[%mul3A_0, %dma_start3A_55] : memref<10000x32xf32, #tpu.memory_space<hbm>> -> memref<632x32xf32, #tpu.memory_space<hbm>>
          tpu.enqueue_dma source(%dma_start3A_56 : memref<632x32xf32, #tpu.memory_space<hbm>>) target(%dma_start3A_54 : memref<632x32xf32, #tpu.memory_space<vmem_shared>>) target_semaphore(%run_scoped3A_53 : memref<!tpu.dma_semaphore, #tpu.memory_space<semaphore_mem>>)
          %dma_wait3A = arith.constant 0 : i32
          %dma_wait3A_57 = tpu.memref_slice %arg12[%mul3A_0, %dma_wait3A] : memref<10112x32xf32, #tpu.memory_space<vmem_shared>> -> memref<632x32xf32, #tpu.memory_space<vmem_shared>>
          %dma_wait3A_58 = arith.constant 0 : i32
          %dma_wait3A_59 = tpu.memref_slice %arg3[%mul3A_0, %dma_wait3A_58] : memref<10000x32xf32, #tpu.memory_space<hbm>> -> memref<632x32xf32, #tpu.memory_space<hbm>>
          tpu.wait_dma2 semaphore(%run_scoped3A_53 : memref<!tpu.dma_semaphore, #tpu.memory_space<semaphore_mem>>) src(%dma_wait3A_59 : memref<632x32xf32, #tpu.memory_space<hbm>>) dst(%dma_wait3A_57 : memref<632x32xf32, #tpu.memory_space<vmem_shared>>)
          tpu.yield
        }) : () -> ()
      } else {
      }
      %eq3A_48 = arith.constant 15 : i32
      %eq3A_49 = arith.cmpi eq, %arg1, %eq3A_48 : i32
      %convert_element_type3A_50 = arith.extui %eq3A_49 : i1 to i32
      %cond3A_51 = arith.constant 0 : i32
      %cond3A_52 = arith.cmpi ne, %convert_element_type3A_50, %cond3A_51 : i32
      scf.if %cond3A_52 {
        "tpu.region"() ({
          %run_scoped3A_53 = tpu.sem_alloc : memref<!tpu.dma_semaphore, #tpu.memory_space<semaphore_mem>>
          %dma_start3A = arith.constant 0 : i32
          %dma_start3A_54 = tpu.memref_slice %arg12[%mul3A_0, %dma_start3A] : memref<10112x32xf32, #tpu.memory_space<vmem_shared>> -> memref<520x32xf32, #tpu.memory_space<vmem_shared>>
          %dma_start3A_55 = arith.constant 0 : i32
          %dma_start3A_56 = tpu.memref_slice %arg3[%mul3A_0, %dma_start3A_55] : memref<10000x32xf32, #tpu.memory_space<hbm>> -> memref<520x32xf32, #tpu.memory_space<hbm>>
          tpu.enqueue_dma source(%dma_start3A_56 : memref<520x32xf32, #tpu.memory_space<hbm>>) target(%dma_start3A_54 : memref<520x32xf32, #tpu.memory_space<vmem_shared>>) target_semaphore(%run_scoped3A_53 : memref<!tpu.dma_semaphore, #tpu.memory_space<semaphore_mem>>)
          %dma_wait3A = arith.constant 0 : i32
          %dma_wait3A_57 = tpu.memref_slice %arg12[%mul3A_0, %dma_wait3A] : memref<10112x32xf32, #tpu.memory_space<vmem_shared>> -> memref<520x32xf32, #tpu.memory_space<vmem_shared>>
          %dma_wait3A_58 = arith.constant 0 : i32
          %dma_wait3A_59 = tpu.memref_slice %arg3[%mul3A_0, %dma_wait3A_58] : memref<10000x32xf32, #tpu.memory_space<hbm>> -> memref<520x32xf32, #tpu.memory_space<hbm>>
          tpu.wait_dma2 semaphore(%run_scoped3A_53 : memref<!tpu.dma_semaphore, #tpu.memory_space<semaphore_mem>>) src(%dma_wait3A_59 : memref<520x32xf32, #tpu.memory_space<hbm>>) dst(%dma_wait3A_57 : memref<520x32xf32, #tpu.memory_space<vmem_shared>>)
          tpu.yield
        }) : () -> ()
      } else {
      }
    } else {
    }
    "tpu.region"() ({
      %run_scoped3A_44 = tpu.sem_alloc : memref<!tpu.dma_semaphore, #tpu.memory_space<semaphore_mem>>
      %dma_start3A = arith.constant 0 : i32
      %dma_start3A_45 = arith.constant 0 : i32
      %dma_start3A_46 = tpu.memref_slice %arg4[%arg1, %dma_start3A, %dma_start3A_45] : memref<16x160x128xi32, #tpu.memory_space<hbm>> -> memref<1x160x128xi32, #tpu.memory_space<hbm>>
      %dma_start3A_47 = tpu.memref_squeeze %dma_start3A_46 : memref<1x160x128xi32, #tpu.memory_space<hbm>> -> memref<160x128xi32, #tpu.memory_space<hbm>>
      %dma_start3A_48 = arith.constant 0 : i32
      %dma_start3A_49 = arith.constant 0 : i32
      %dma_start3A_50 = tpu.memref_slice %arg4[%arg1, %dma_start3A_48, %dma_start3A_49] : memref<16x160x128xi32, #tpu.memory_space<hbm>> -> memref<1x160x128xi32, #tpu.memory_space<hbm>>
      %dma_start3A_51 = tpu.memref_squeeze %dma_start3A_50 : memref<1x160x128xi32, #tpu.memory_space<hbm>> -> memref<160x128xi32, #tpu.memory_space<hbm>>
      tpu.enqueue_dma source(%dma_start3A_51 : memref<160x128xi32, #tpu.memory_space<hbm>>) target(%arg8 : memref<160x128xi32, #tpu.memory_space<vmem>>) target_semaphore(%run_scoped3A_44 : memref<!tpu.dma_semaphore, #tpu.memory_space<semaphore_mem>>)
      %dma_wait3A = arith.constant 0 : i32
      %dma_wait3A_52 = arith.constant 0 : i32
      %dma_wait3A_53 = tpu.memref_slice %arg4[%arg1, %dma_wait3A, %dma_wait3A_52] : memref<16x160x128xi32, #tpu.memory_space<hbm>> -> memref<1x160x128xi32, #tpu.memory_space<hbm>>
      %dma_wait3A_54 = tpu.memref_squeeze %dma_wait3A_53 : memref<1x160x128xi32, #tpu.memory_space<hbm>> -> memref<160x128xi32, #tpu.memory_space<hbm>>
      %dma_wait3A_55 = arith.constant 0 : i32
      %dma_wait3A_56 = arith.constant 0 : i32
      %dma_wait3A_57 = tpu.memref_slice %arg4[%arg1, %dma_wait3A_55, %dma_wait3A_56] : memref<16x160x128xi32, #tpu.memory_space<hbm>> -> memref<1x160x128xi32, #tpu.memory_space<hbm>>
      %dma_wait3A_58 = tpu.memref_squeeze %dma_wait3A_57 : memref<1x160x128xi32, #tpu.memory_space<hbm>> -> memref<160x128xi32, #tpu.memory_space<hbm>>
      tpu.wait_dma2 semaphore(%run_scoped3A_44 : memref<!tpu.dma_semaphore, #tpu.memory_space<semaphore_mem>>) src(%dma_wait3A_58 : memref<160x128xi32, #tpu.memory_space<hbm>>) dst(%arg8 : memref<160x128xi32, #tpu.memory_space<vmem>>)
      tpu.yield
    }) : () -> ()
    "tpu.region"() ({
      %run_scoped3A_44 = tpu.sem_alloc : memref<!tpu.dma_semaphore, #tpu.memory_space<semaphore_mem>>
      %dma_start3A = arith.constant 0 : i32
      %dma_start3A_45 = arith.constant 0 : i32
      %dma_start3A_46 = tpu.memref_slice %arg5[%arg1, %dma_start3A, %dma_start3A_45] : memref<16x160x128xi32, #tpu.memory_space<hbm>> -> memref<1x160x128xi32, #tpu.memory_space<hbm>>
      %dma_start3A_47 = tpu.memref_squeeze %dma_start3A_46 : memref<1x160x128xi32, #tpu.memory_space<hbm>> -> memref<160x128xi32, #tpu.memory_space<hbm>>
      %dma_start3A_48 = arith.constant 0 : i32
      %dma_start3A_49 = arith.constant 0 : i32
      %dma_start3A_50 = tpu.memref_slice %arg5[%arg1, %dma_start3A_48, %dma_start3A_49] : memref<16x160x128xi32, #tpu.memory_space<hbm>> -> memref<1x160x128xi32, #tpu.memory_space<hbm>>
      %dma_start3A_51 = tpu.memref_squeeze %dma_start3A_50 : memref<1x160x128xi32, #tpu.memory_space<hbm>> -> memref<160x128xi32, #tpu.memory_space<hbm>>
      tpu.enqueue_dma source(%dma_start3A_51 : memref<160x128xi32, #tpu.memory_space<hbm>>) target(%arg9 : memref<160x128xi32, #tpu.memory_space<vmem>>) target_semaphore(%run_scoped3A_44 : memref<!tpu.dma_semaphore, #tpu.memory_space<semaphore_mem>>)
      %dma_wait3A = arith.constant 0 : i32
      %dma_wait3A_52 = arith.constant 0 : i32
      %dma_wait3A_53 = tpu.memref_slice %arg5[%arg1, %dma_wait3A, %dma_wait3A_52] : memref<16x160x128xi32, #tpu.memory_space<hbm>> -> memref<1x160x128xi32, #tpu.memory_space<hbm>>
      %dma_wait3A_54 = tpu.memref_squeeze %dma_wait3A_53 : memref<1x160x128xi32, #tpu.memory_space<hbm>> -> memref<160x128xi32, #tpu.memory_space<hbm>>
      %dma_wait3A_55 = arith.constant 0 : i32
      %dma_wait3A_56 = arith.constant 0 : i32
      %dma_wait3A_57 = tpu.memref_slice %arg5[%arg1, %dma_wait3A_55, %dma_wait3A_56] : memref<16x160x128xi32, #tpu.memory_space<hbm>> -> memref<1x160x128xi32, #tpu.memory_space<hbm>>
      %dma_wait3A_58 = tpu.memref_squeeze %dma_wait3A_57 : memref<1x160x128xi32, #tpu.memory_space<hbm>> -> memref<160x128xi32, #tpu.memory_space<hbm>>
      tpu.wait_dma2 semaphore(%run_scoped3A_44 : memref<!tpu.dma_semaphore, #tpu.memory_space<semaphore_mem>>) src(%dma_wait3A_58 : memref<160x128xi32, #tpu.memory_space<hbm>>) dst(%arg9 : memref<160x128xi32, #tpu.memory_space<vmem>>)
      tpu.yield
    }) : () -> ()
    %scan3A = arith.constant 0 : i32
    %scan3A_8 = arith.constant 0 : i32
    %scan3A_9 = arith.constant 128 : i32
    %scan3A_10 = arith.addi %scan3A_8, %scan3A_9 : i32
    %scan3A_11 = arith.constant 1 : i32
    scf.for %scan3A_44 = %scan3A_8 to %scan3A_10 step %scan3A_11  : i32 {
      %mul3A_45 = arith.constant 1 : i32
      %mul3A_46 = arith.muli %scan3A_44, %mul3A_45 : i32
      %add3A_47 = arith.constant 0 : i32
      %add3A_48 = arith.addi %add3A_47, %mul3A_46 : i32
      %scan3A_49 = arith.constant 0 : i32
      %scan3A_50 = arith.constant 2 : i32
      %scan3A_51 = arith.addi %scan3A_49, %scan3A_50 : i32
      %scan3A_52 = arith.constant 1 : i32
      scf.for %scan3A_54 = %scan3A_49 to %scan3A_51 step %scan3A_52  : i32 {
        %mul3A_55 = arith.constant 1 : i32
        %mul3A_56 = arith.muli %scan3A_54, %mul3A_55 : i32
        %add3A_57 = arith.constant 0 : i32
        %add3A_58 = arith.addi %add3A_57, %mul3A_56 : i32
        %broadcast_in_dim3A = arith.constant 0.000000e+00 : f32
        %broadcast_in_dim3A_59 = vector.broadcast %broadcast_in_dim3A : f32 to vector<16xf32>
        %mul3A_60 = arith.constant 16 : i32
        %mul3A_61 = arith.muli %add3A_58, %mul3A_60 : i32
        %swap3A = arith.constant 0 : i32
        %swap3A_62 = arith.constant 0 : i32
        %swap3A_63 = tpu.memref_slice %arg10[%scan3A, %swap3A, %swap3A_62] : memref<8x128x32xf32, #tpu.memory_space<vmem>> -> memref<1x128x32xf32, #tpu.memory_space<vmem>>
        %swap3A_64 = tpu.memref_squeeze %swap3A_63 : memref<1x128x32xf32, #tpu.memory_space<vmem>> -> memref<128x32xf32, #tpu.memory_space<vmem>>
        %swap3A_65 = arith.index_cast %add3A_48 : i32 to index
        %swap3A_66 = arith.index_cast %mul3A_61 : i32 to index
        %swap3A_67 = tpu.vector_load %swap3A_64[%swap3A_65, %swap3A_66] {strides = array<i32>} : memref<128x32xf32, #tpu.memory_space<vmem>>, vector<1x16xf32>,
        %swap3A_68 = vector.shape_cast %swap3A_67 : vector<1x16xf32> to vector<16xf32>
        %swap3A_69 = vector.shape_cast %broadcast_in_dim3A_59 : vector<16xf32> to vector<1x16xf32>
        tpu.vector_store %swap3A_64[%swap3A_65, %swap3A_66], %swap3A_69 {strides = array<i32>} : memref<128x32xf32, #tpu.memory_space<vmem>>, vector<1x16xf32>,
      }
      %scan3A_53 = arith.constant 2 : i32
    }
    %scan3A_12 = arith.constant 128 : i32
    %add3A = arith.constant 0 : i32
    %add3A_13 = arith.addi %mul3A_0, %add3A : i32
    %run_scoped3A = arith.constant 0 : i32
    "tpu.region"() ({
      %run_scoped3A_44 = tpu.sem_alloc : memref<!tpu.dma_semaphore, #tpu.memory_space<semaphore_mem>>
      %dma_start3A = arith.constant 0 : i32
      %dma_start3A_45 = arith.constant 0 : i32
      %dma_start3A_46 = tpu.memref_slice %arg10[%run_scoped3A, %dma_start3A, %dma_start3A_45] : memref<8x128x32xf32, #tpu.memory_space<vmem>> -> memref<1x128x32xf32, #tpu.memory_space<vmem>>
      %dma_start3A_47 = tpu.memref_squeeze %dma_start3A_46 : memref<1x128x32xf32, #tpu.memory_space<vmem>> -> memref<128x32xf32, #tpu.memory_space<vmem>>
      %dma_start3A_48 = arith.constant 0 : i32
      %dma_start3A_49 = arith.constant 0 : i32
      %dma_start3A_50 = tpu.memref_slice %dma_start3A_47[%dma_start3A_48, %dma_start3A_49] : memref<128x32xf32, #tpu.memory_space<vmem>> -> memref<128x32xf32, #tpu.memory_space<vmem>>
      %dma_start3A_51 = arith.constant 0 : i32
      %dma_start3A_52 = tpu.memref_slice %arg11[%add3A_13, %dma_start3A_51] : memref<10112x32xf32, #tpu.memory_space<vmem_shared>> -> memref<128x32xf32, #tpu.memory_space<vmem_shared>>
      %dma_start3A_53 = arith.constant 0 : i32
      %dma_start3A_54 = tpu.memref_slice %arg11[%add3A_13, %dma_start3A_53] : memref<10112x32xf32, #tpu.memory_space<vmem_shared>> -> memref<128x32xf32, #tpu.memory_space<vmem_shared>>
      %dma_start3A_55 = arith.constant 0 : i32
      %dma_start3A_56 = arith.constant 0 : i32
      %dma_start3A_57 = tpu.memref_slice %arg10[%run_scoped3A, %dma_start3A_55, %dma_start3A_56] : memref<8x128x32xf32, #tpu.memory_space<vmem>> -> memref<1x128x32xf32, #tpu.memory_space<vmem>>
      %dma_start3A_58 = tpu.memref_squeeze %dma_start3A_57 : memref<1x128x32xf32, #tpu.memory_space<vmem>> -> memref<128x32xf32, #tpu.memory_space<vmem>>
      %dma_start3A_59 = arith.constant 0 : i32
      %dma_start3A_60 = arith.constant 0 : i32
      %dma_start3A_61 = tpu.memref_slice %dma_start3A_58[%dma_start3A_59, %dma_start3A_60] : memref<128x32xf32, #tpu.memory_space<vmem>> -> memref<128x32xf32, #tpu.memory_space<vmem>>
      tpu.enqueue_dma source(%dma_start3A_61 : memref<128x32xf32, #tpu.memory_space<vmem>>) target(%dma_start3A_54 : memref<128x32xf32, #tpu.memory_space<vmem_shared>>) target_semaphore(%run_scoped3A_44 : memref<!tpu.dma_semaphore, #tpu.memory_space<semaphore_mem>>)
      %dma_wait3A = arith.constant 0 : i32
      %dma_wait3A_62 = arith.constant 0 : i32
      %dma_wait3A_63 = tpu.memref_slice %arg10[%run_scoped3A, %dma_wait3A, %dma_wait3A_62] : memref<8x128x32xf32, #tpu.memory_space<vmem>> -> memref<1x128x32xf32, #tpu.memory_space<vmem>>
      %dma_wait3A_64 = tpu.memref_squeeze %dma_wait3A_63 : memref<1x128x32xf32, #tpu.memory_space<vmem>> -> memref<128x32xf32, #tpu.memory_space<vmem>>
      %dma_wait3A_65 = arith.constant 0 : i32
      %dma_wait3A_66 = arith.constant 0 : i32
      %dma_wait3A_67 = tpu.memref_slice %dma_wait3A_64[%dma_wait3A_65, %dma_wait3A_66] : memref<128x32xf32, #tpu.memory_space<vmem>> -> memref<128x32xf32, #tpu.memory_space<vmem>>
      %dma_wait3A_68 = arith.constant 0 : i32
      %dma_wait3A_69 = tpu.memref_slice %arg11[%add3A_13, %dma_wait3A_68] : memref<10112x32xf32, #tpu.memory_space<vmem_shared>> -> memref<128x32xf32, #tpu.memory_space<vmem_shared>>
      %dma_wait3A_70 = arith.constant 0 : i32
      %dma_wait3A_71 = tpu.memref_slice %arg11[%add3A_13, %dma_wait3A_70] : memref<10112x32xf32, #tpu.memory_space<vmem_shared>> -> memref<128x32xf32, #tpu.memory_space<vmem_shared>>
      %dma_wait3A_72 = arith.constant 0 : i32
      %dma_wait3A_73 = arith.constant 0 : i32
      %dma_wait3A_74 = tpu.memref_slice %arg10[%run_scoped3A, %dma_wait3A_72, %dma_wait3A_73] : memref<8x128x32xf32, #tpu.memory_space<vmem>> -> memref<1x128x32xf32, #tpu.memory_space<vmem>>
      %dma_wait3A_75 = tpu.memref_squeeze %dma_wait3A_74 : memref<1x128x32xf32, #tpu.memory_space<vmem>> -> memref<128x32xf32, #tpu.memory_space<vmem>>
      %dma_wait3A_76 = arith.constant 0 : i32
      %dma_wait3A_77 = arith.constant 0 : i32
      %dma_wait3A_78 = tpu.memref_slice %dma_wait3A_75[%dma_wait3A_76, %dma_wait3A_77] : memref<128x32xf32, #tpu.memory_space<vmem>> -> memref<128x32xf32, #tpu.memory_space<vmem>>
      tpu.wait_dma2 semaphore(%run_scoped3A_44 : memref<!tpu.dma_semaphore, #tpu.memory_space<semaphore_mem>>) src(%dma_wait3A_78 : memref<128x32xf32, #tpu.memory_space<vmem>>) dst(%dma_wait3A_71 : memref<128x32xf32, #tpu.memory_space<vmem_shared>>)
      tpu.yield
    }) : () -> ()
    %add3A_14 = arith.constant 128 : i32
    %add3A_15 = arith.addi %mul3A_0, %add3A_14 : i32
    %run_scoped3A_16 = arith.constant 0 : i32
    "tpu.region"() ({
      %run_scoped3A_44 = tpu.sem_alloc : memref<!tpu.dma_semaphore, #tpu.memory_space<semaphore_mem>>
      %dma_start3A = arith.constant 0 : i32
      %dma_start3A_45 = arith.constant 0 : i32
      %dma_start3A_46 = tpu.memref_slice %arg10[%run_scoped3A_16, %dma_start3A, %dma_start3A_45] : memref<8x128x32xf32, #tpu.memory_space<vmem>> -> memref<1x128x32xf32, #tpu.memory_space<vmem>>
      %dma_start3A_47 = tpu.memref_squeeze %dma_start3A_46 : memref<1x128x32xf32, #tpu.memory_space<vmem>> -> memref<128x32xf32, #tpu.memory_space<vmem>>
      %dma_start3A_48 = arith.constant 0 : i32
      %dma_start3A_49 = arith.constant 0 : i32
      %dma_start3A_50 = tpu.memref_slice %dma_start3A_47[%dma_start3A_48, %dma_start3A_49] : memref<128x32xf32, #tpu.memory_space<vmem>> -> memref<128x32xf32, #tpu.memory_space<vmem>>
      %dma_start3A_51 = arith.constant 0 : i32
      %dma_start3A_52 = tpu.memref_slice %arg11[%add3A_15, %dma_start3A_51] : memref<10112x32xf32, #tpu.memory_space<vmem_shared>> -> memref<128x32xf32, #tpu.memory_space<vmem_shared>>
      %dma_start3A_53 = arith.constant 0 : i32
      %dma_start3A_54 = tpu.memref_slice %arg11[%add3A_15, %dma_start3A_53] : memref<10112x32xf32, #tpu.memory_space<vmem_shared>> -> memref<128x32xf32, #tpu.memory_space<vmem_shared>>
      %dma_start3A_55 = arith.constant 0 : i32
      %dma_start3A_56 = arith.constant 0 : i32
      %dma_start3A_57 = tpu.memref_slice %arg10[%run_scoped3A_16, %dma_start3A_55, %dma_start3A_56] : memref<8x128x32xf32, #tpu.memory_space<vmem>> -> memref<1x128x32xf32, #tpu.memory_space<vmem>>
      %dma_start3A_58 = tpu.memref_squeeze %dma_start3A_57 : memref<1x128x32xf32, #tpu.memory_space<vmem>> -> memref<128x32xf32, #tpu.memory_space<vmem>>
      %dma_start3A_59 = arith.constant 0 : i32
      %dma_start3A_60 = arith.constant 0 : i32
      %dma_start3A_61 = tpu.memref_slice %dma_start3A_58[%dma_start3A_59, %dma_start3A_60] : memref<128x32xf32, #tpu.memory_space<vmem>> -> memref<128x32xf32, #tpu.memory_space<vmem>>
      tpu.enqueue_dma source(%dma_start3A_61 : memref<128x32xf32, #tpu.memory_space<vmem>>) target(%dma_start3A_54 : memref<128x32xf32, #tpu.memory_space<vmem_shared>>) target_semaphore(%run_scoped3A_44 : memref<!tpu.dma_semaphore, #tpu.memory_space<semaphore_mem>>)
      %dma_wait3A = arith.constant 0 : i32
      %dma_wait3A_62 = arith.constant 0 : i32
      %dma_wait3A_63 = tpu.memref_slice %arg10[%run_scoped3A_16, %dma_wait3A, %dma_wait3A_62] : memref<8x128x32xf32, #tpu.memory_space<vmem>> -> memref<1x128x32xf32, #tpu.memory_space<vmem>>
      %dma_wait3A_64 = tpu.memref_squeeze %dma_wait3A_63 : memref<1x128x32xf32, #tpu.memory_space<vmem>> -> memref<128x32xf32, #tpu.memory_space<vmem>>
      %dma_wait3A_65 = arith.constant 0 : i32
      %dma_wait3A_66 = arith.constant 0 : i32
      %dma_wait3A_67 = tpu.memref_slice %dma_wait3A_64[%dma_wait3A_65, %dma_wait3A_66] : memref<128x32xf32, #tpu.memory_space<vmem>> -> memref<128x32xf32, #tpu.memory_space<vmem>>
      %dma_wait3A_68 = arith.constant 0 : i32
      %dma_wait3A_69 = tpu.memref_slice %arg11[%add3A_15, %dma_wait3A_68] : memref<10112x32xf32, #tpu.memory_space<vmem_shared>> -> memref<128x32xf32, #tpu.memory_space<vmem_shared>>
      %dma_wait3A_70 = arith.constant 0 : i32
      %dma_wait3A_71 = tpu.memref_slice %arg11[%add3A_15, %dma_wait3A_70] : memref<10112x32xf32, #tpu.memory_space<vmem_shared>> -> memref<128x32xf32, #tpu.memory_space<vmem_shared>>
      %dma_wait3A_72 = arith.constant 0 : i32
      %dma_wait3A_73 = arith.constant 0 : i32
      %dma_wait3A_74 = tpu.memref_slice %arg10[%run_scoped3A_16, %dma_wait3A_72, %dma_wait3A_73] : memref<8x128x32xf32, #tpu.memory_space<vmem>> -> memref<1x128x32xf32, #tpu.memory_space<vmem>>
      %dma_wait3A_75 = tpu.memref_squeeze %dma_wait3A_74 : memref<1x128x32xf32, #tpu.memory_space<vmem>> -> memref<128x32xf32, #tpu.memory_space<vmem>>
      %dma_wait3A_76 = arith.constant 0 : i32
      %dma_wait3A_77 = arith.constant 0 : i32
      %dma_wait3A_78 = tpu.memref_slice %dma_wait3A_75[%dma_wait3A_76, %dma_wait3A_77] : memref<128x32xf32, #tpu.memory_space<vmem>> -> memref<128x32xf32, #tpu.memory_space<vmem>>
      tpu.wait_dma2 semaphore(%run_scoped3A_44 : memref<!tpu.dma_semaphore, #tpu.memory_space<semaphore_mem>>) src(%dma_wait3A_78 : memref<128x32xf32, #tpu.memory_space<vmem>>) dst(%dma_wait3A_71 : memref<128x32xf32, #tpu.memory_space<vmem_shared>>)
      tpu.yield
    }) : () -> ()
    %add3A_17 = arith.constant 256 : i32
    %add3A_18 = arith.addi %mul3A_0, %add3A_17 : i32
    %run_scoped3A_19 = arith.constant 0 : i32
    "tpu.region"() ({
      %run_scoped3A_44 = tpu.sem_alloc : memref<!tpu.dma_semaphore, #tpu.memory_space<semaphore_mem>>
      %dma_start3A = arith.constant 0 : i32
      %dma_start3A_45 = arith.constant 0 : i32
      %dma_start3A_46 = tpu.memref_slice %arg10[%run_scoped3A_19, %dma_start3A, %dma_start3A_45] : memref<8x128x32xf32, #tpu.memory_space<vmem>> -> memref<1x128x32xf32, #tpu.memory_space<vmem>>
      %dma_start3A_47 = tpu.memref_squeeze %dma_start3A_46 : memref<1x128x32xf32, #tpu.memory_space<vmem>> -> memref<128x32xf32, #tpu.memory_space<vmem>>
      %dma_start3A_48 = arith.constant 0 : i32
      %dma_start3A_49 = arith.constant 0 : i32
      %dma_start3A_50 = tpu.memref_slice %dma_start3A_47[%dma_start3A_48, %dma_start3A_49] : memref<128x32xf32, #tpu.memory_space<vmem>> -> memref<128x32xf32, #tpu.memory_space<vmem>>
      %dma_start3A_51 = arith.constant 0 : i32
      %dma_start3A_52 = tpu.memref_slice %arg11[%add3A_18, %dma_start3A_51] : memref<10112x32xf32, #tpu.memory_space<vmem_shared>> -> memref<128x32xf32, #tpu.memory_space<vmem_shared>>
      %dma_start3A_53 = arith.constant 0 : i32
      %dma_start3A_54 = tpu.memref_slice %arg11[%add3A_18, %dma_start3A_53] : memref<10112x32xf32, #tpu.memory_space<vmem_shared>> -> memref<128x32xf32, #tpu.memory_space<vmem_shared>>
      %dma_start3A_55 = arith.constant 0 : i32
      %dma_start3A_56 = arith.constant 0 : i32
      %dma_start3A_57 = tpu.memref_slice %arg10[%run_scoped3A_19, %dma_start3A_55, %dma_start3A_56] : memref<8x128x32xf32, #tpu.memory_space<vmem>> -> memref<1x128x32xf32, #tpu.memory_space<vmem>>
      %dma_start3A_58 = tpu.memref_squeeze %dma_start3A_57 : memref<1x128x32xf32, #tpu.memory_space<vmem>> -> memref<128x32xf32, #tpu.memory_space<vmem>>
      %dma_start3A_59 = arith.constant 0 : i32
      %dma_start3A_60 = arith.constant 0 : i32
      %dma_start3A_61 = tpu.memref_slice %dma_start3A_58[%dma_start3A_59, %dma_start3A_60] : memref<128x32xf32, #tpu.memory_space<vmem>> -> memref<128x32xf32, #tpu.memory_space<vmem>>
      tpu.enqueue_dma source(%dma_start3A_61 : memref<128x32xf32, #tpu.memory_space<vmem>>) target(%dma_start3A_54 : memref<128x32xf32, #tpu.memory_space<vmem_shared>>) target_semaphore(%run_scoped3A_44 : memref<!tpu.dma_semaphore, #tpu.memory_space<semaphore_mem>>)
      %dma_wait3A = arith.constant 0 : i32
      %dma_wait3A_62 = arith.constant 0 : i32
      %dma_wait3A_63 = tpu.memref_slice %arg10[%run_scoped3A_19, %dma_wait3A, %dma_wait3A_62] : memref<8x128x32xf32, #tpu.memory_space<vmem>> -> memref<1x128x32xf32, #tpu.memory_space<vmem>>
      %dma_wait3A_64 = tpu.memref_squeeze %dma_wait3A_63 : memref<1x128x32xf32, #tpu.memory_space<vmem>> -> memref<128x32xf32, #tpu.memory_space<vmem>>
      %dma_wait3A_65 = arith.constant 0 : i32
      %dma_wait3A_66 = arith.constant 0 : i32
      %dma_wait3A_67 = tpu.memref_slice %dma_wait3A_64[%dma_wait3A_65, %dma_wait3A_66] : memref<128x32xf32, #tpu.memory_space<vmem>> -> memref<128x32xf32, #tpu.memory_space<vmem>>
      %dma_wait3A_68 = arith.constant 0 : i32
      %dma_wait3A_69 = tpu.memref_slice %arg11[%add3A_18, %dma_wait3A_68] : memref<10112x32xf32, #tpu.memory_space<vmem_shared>> -> memref<128x32xf32, #tpu.memory_space<vmem_shared>>
      %dma_wait3A_70 = arith.constant 0 : i32
      %dma_wait3A_71 = tpu.memref_slice %arg11[%add3A_18, %dma_wait3A_70] : memref<10112x32xf32, #tpu.memory_space<vmem_shared>> -> memref<128x32xf32, #tpu.memory_space<vmem_shared>>
      %dma_wait3A_72 = arith.constant 0 : i32
      %dma_wait3A_73 = arith.constant 0 : i32
      %dma_wait3A_74 = tpu.memref_slice %arg10[%run_scoped3A_19, %dma_wait3A_72, %dma_wait3A_73] : memref<8x128x32xf32, #tpu.memory_space<vmem>> -> memref<1x128x32xf32, #tpu.memory_space<vmem>>
      %dma_wait3A_75 = tpu.memref_squeeze %dma_wait3A_74 : memref<1x128x32xf32, #tpu.memory_space<vmem>> -> memref<128x32xf32, #tpu.memory_space<vmem>>
      %dma_wait3A_76 = arith.constant 0 : i32
      %dma_wait3A_77 = arith.constant 0 : i32
      %dma_wait3A_78 = tpu.memref_slice %dma_wait3A_75[%dma_wait3A_76, %dma_wait3A_77] : memref<128x32xf32, #tpu.memory_space<vmem>> -> memref<128x32xf32, #tpu.memory_space<vmem>>
      tpu.wait_dma2 semaphore(%run_scoped3A_44 : memref<!tpu.dma_semaphore, #tpu.memory_space<semaphore_mem>>) src(%dma_wait3A_78 : memref<128x32xf32, #tpu.memory_space<vmem>>) dst(%dma_wait3A_71 : memref<128x32xf32, #tpu.memory_space<vmem_shared>>)
      tpu.yield
    }) : () -> ()
    %add3A_20 = arith.constant 384 : i32
    %add3A_21 = arith.addi %mul3A_0, %add3A_20 : i32
    %run_scoped3A_22 = arith.constant 0 : i32
    "tpu.region"() ({
      %run_scoped3A_44 = tpu.sem_alloc : memref<!tpu.dma_semaphore, #tpu.memory_space<semaphore_mem>>
      %dma_start3A = arith.constant 0 : i32
      %dma_start3A_45 = arith.constant 0 : i32
      %dma_start3A_46 = tpu.memref_slice %arg10[%run_scoped3A_22, %dma_start3A, %dma_start3A_45] : memref<8x128x32xf32, #tpu.memory_space<vmem>> -> memref<1x128x32xf32, #tpu.memory_space<vmem>>
      %dma_start3A_47 = tpu.memref_squeeze %dma_start3A_46 : memref<1x128x32xf32, #tpu.memory_space<vmem>> -> memref<128x32xf32, #tpu.memory_space<vmem>>
      %dma_start3A_48 = arith.constant 0 : i32
      %dma_start3A_49 = arith.constant 0 : i32
      %dma_start3A_50 = tpu.memref_slice %dma_start3A_47[%dma_start3A_48, %dma_start3A_49] : memref<128x32xf32, #tpu.memory_space<vmem>> -> memref<128x32xf32, #tpu.memory_space<vmem>>
      %dma_start3A_51 = arith.constant 0 : i32
      %dma_start3A_52 = tpu.memref_slice %arg11[%add3A_21, %dma_start3A_51] : memref<10112x32xf32, #tpu.memory_space<vmem_shared>> -> memref<128x32xf32, #tpu.memory_space<vmem_shared>>
      %dma_start3A_53 = arith.constant 0 : i32
      %dma_start3A_54 = tpu.memref_slice %arg11[%add3A_21, %dma_start3A_53] : memref<10112x32xf32, #tpu.memory_space<vmem_shared>> -> memref<128x32xf32, #tpu.memory_space<vmem_shared>>
      %dma_start3A_55 = arith.constant 0 : i32
      %dma_start3A_56 = arith.constant 0 : i32
      %dma_start3A_57 = tpu.memref_slice %arg10[%run_scoped3A_22, %dma_start3A_55, %dma_start3A_56] : memref<8x128x32xf32, #tpu.memory_space<vmem>> -> memref<1x128x32xf32, #tpu.memory_space<vmem>>
      %dma_start3A_58 = tpu.memref_squeeze %dma_start3A_57 : memref<1x128x32xf32, #tpu.memory_space<vmem>> -> memref<128x32xf32, #tpu.memory_space<vmem>>
      %dma_start3A_59 = arith.constant 0 : i32
      %dma_start3A_60 = arith.constant 0 : i32
      %dma_start3A_61 = tpu.memref_slice %dma_start3A_58[%dma_start3A_59, %dma_start3A_60] : memref<128x32xf32, #tpu.memory_space<vmem>> -> memref<128x32xf32, #tpu.memory_space<vmem>>
      tpu.enqueue_dma source(%dma_start3A_61 : memref<128x32xf32, #tpu.memory_space<vmem>>) target(%dma_start3A_54 : memref<128x32xf32, #tpu.memory_space<vmem_shared>>) target_semaphore(%run_scoped3A_44 : memref<!tpu.dma_semaphore, #tpu.memory_space<semaphore_mem>>)
      %dma_wait3A = arith.constant 0 : i32
      %dma_wait3A_62 = arith.constant 0 : i32
      %dma_wait3A_63 = tpu.memref_slice %arg10[%run_scoped3A_22, %dma_wait3A, %dma_wait3A_62] : memref<8x128x32xf32, #tpu.memory_space<vmem>> -> memref<1x128x32xf32, #tpu.memory_space<vmem>>
      %dma_wait3A_64 = tpu.memref_squeeze %dma_wait3A_63 : memref<1x128x32xf32, #tpu.memory_space<vmem>> -> memref<128x32xf32, #tpu.memory_space<vmem>>
      %dma_wait3A_65 = arith.constant 0 : i32
      %dma_wait3A_66 = arith.constant 0 : i32
      %dma_wait3A_67 = tpu.memref_slice %dma_wait3A_64[%dma_wait3A_65, %dma_wait3A_66] : memref<128x32xf32, #tpu.memory_space<vmem>> -> memref<128x32xf32, #tpu.memory_space<vmem>>
      %dma_wait3A_68 = arith.constant 0 : i32
      %dma_wait3A_69 = tpu.memref_slice %arg11[%add3A_21, %dma_wait3A_68] : memref<10112x32xf32, #tpu.memory_space<vmem_shared>> -> memref<128x32xf32, #tpu.memory_space<vmem_shared>>
      %dma_wait3A_70 = arith.constant 0 : i32
      %dma_wait3A_71 = tpu.memref_slice %arg11[%add3A_21, %dma_wait3A_70] : memref<10112x32xf32, #tpu.memory_space<vmem_shared>> -> memref<128x32xf32, #tpu.memory_space<vmem_shared>>
      %dma_wait3A_72 = arith.constant 0 : i32
      %dma_wait3A_73 = arith.constant 0 : i32
      %dma_wait3A_74 = tpu.memref_slice %arg10[%run_scoped3A_22, %dma_wait3A_72, %dma_wait3A_73] : memref<8x128x32xf32, #tpu.memory_space<vmem>> -> memref<1x128x32xf32, #tpu.memory_space<vmem>>
      %dma_wait3A_75 = tpu.memref_squeeze %dma_wait3A_74 : memref<1x128x32xf32, #tpu.memory_space<vmem>> -> memref<128x32xf32, #tpu.memory_space<vmem>>
      %dma_wait3A_76 = arith.constant 0 : i32
      %dma_wait3A_77 = arith.constant 0 : i32
      %dma_wait3A_78 = tpu.memref_slice %dma_wait3A_75[%dma_wait3A_76, %dma_wait3A_77] : memref<128x32xf32, #tpu.memory_space<vmem>> -> memref<128x32xf32, #tpu.memory_space<vmem>>
      tpu.wait_dma2 semaphore(%run_scoped3A_44 : memref<!tpu.dma_semaphore, #tpu.memory_space<semaphore_mem>>) src(%dma_wait3A_78 : memref<128x32xf32, #tpu.memory_space<vmem>>) dst(%dma_wait3A_71 : memref<128x32xf32, #tpu.memory_space<vmem_shared>>)
      tpu.yield
    }) : () -> ()
    %add3A_23 = arith.constant 512 : i32
    %add3A_24 = arith.addi %mul3A_0, %add3A_23 : i32
    %run_scoped3A_25 = arith.constant 0 : i32
    "tpu.region"() ({
      %run_scoped3A_44 = tpu.sem_alloc : memref<!tpu.dma_semaphore, #tpu.memory_space<semaphore_mem>>
      %dma_start3A = arith.constant 0 : i32
      %dma_start3A_45 = arith.constant 0 : i32
      %dma_start3A_46 = tpu.memref_slice %arg10[%run_scoped3A_25, %dma_start3A, %dma_start3A_45] : memref<8x128x32xf32, #tpu.memory_space<vmem>> -> memref<1x128x32xf32, #tpu.memory_space<vmem>>
      %dma_start3A_47 = tpu.memref_squeeze %dma_start3A_46 : memref<1x128x32xf32, #tpu.memory_space<vmem>> -> memref<128x32xf32, #tpu.memory_space<vmem>>
      %dma_start3A_48 = arith.constant 0 : i32
      %dma_start3A_49 = arith.constant 0 : i32
      %dma_start3A_50 = tpu.memref_slice %dma_start3A_47[%dma_start3A_48, %dma_start3A_49] : memref<128x32xf32, #tpu.memory_space<vmem>> -> memref<120x32xf32, #tpu.memory_space<vmem>>
      %dma_start3A_51 = arith.constant 0 : i32
      %dma_start3A_52 = tpu.memref_slice %arg11[%add3A_24, %dma_start3A_51] : memref<10112x32xf32, #tpu.memory_space<vmem_shared>> -> memref<120x32xf32, #tpu.memory_space<vmem_shared>>
      %dma_start3A_53 = arith.constant 0 : i32
      %dma_start3A_54 = tpu.memref_slice %arg11[%add3A_24, %dma_start3A_53] : memref<10112x32xf32, #tpu.memory_space<vmem_shared>> -> memref<120x32xf32, #tpu.memory_space<vmem_shared>>
      %dma_start3A_55 = arith.constant 0 : i32
      %dma_start3A_56 = arith.constant 0 : i32
      %dma_start3A_57 = tpu.memref_slice %arg10[%run_scoped3A_25, %dma_start3A_55, %dma_start3A_56] : memref<8x128x32xf32, #tpu.memory_space<vmem>> -> memref<1x128x32xf32, #tpu.memory_space<vmem>>
      %dma_start3A_58 = tpu.memref_squeeze %dma_start3A_57 : memref<1x128x32xf32, #tpu.memory_space<vmem>> -> memref<128x32xf32, #tpu.memory_space<vmem>>
      %dma_start3A_59 = arith.constant 0 : i32
      %dma_start3A_60 = arith.constant 0 : i32
      %dma_start3A_61 = tpu.memref_slice %dma_start3A_58[%dma_start3A_59, %dma_start3A_60] : memref<128x32xf32, #tpu.memory_space<vmem>> -> memref<120x32xf32, #tpu.memory_space<vmem>>
      tpu.enqueue_dma source(%dma_start3A_61 : memref<120x32xf32, #tpu.memory_space<vmem>>) target(%dma_start3A_54 : memref<120x32xf32, #tpu.memory_space<vmem_shared>>) target_semaphore(%run_scoped3A_44 : memref<!tpu.dma_semaphore, #tpu.memory_space<semaphore_mem>>)
      %dma_wait3A = arith.constant 0 : i32
      %dma_wait3A_62 = arith.constant 0 : i32
      %dma_wait3A_63 = tpu.memref_slice %arg10[%run_scoped3A_25, %dma_wait3A, %dma_wait3A_62] : memref<8x128x32xf32, #tpu.memory_space<vmem>> -> memref<1x128x32xf32, #tpu.memory_space<vmem>>
      %dma_wait3A_64 = tpu.memref_squeeze %dma_wait3A_63 : memref<1x128x32xf32, #tpu.memory_space<vmem>> -> memref<128x32xf32, #tpu.memory_space<vmem>>
      %dma_wait3A_65 = arith.constant 0 : i32
      %dma_wait3A_66 = arith.constant 0 : i32
      %dma_wait3A_67 = tpu.memref_slice %dma_wait3A_64[%dma_wait3A_65, %dma_wait3A_66] : memref<128x32xf32, #tpu.memory_space<vmem>> -> memref<120x32xf32, #tpu.memory_space<vmem>>
      %dma_wait3A_68 = arith.constant 0 : i32
      %dma_wait3A_69 = tpu.memref_slice %arg11[%add3A_24, %dma_wait3A_68] : memref<10112x32xf32, #tpu.memory_space<vmem_shared>> -> memref<120x32xf32, #tpu.memory_space<vmem_shared>>
      %dma_wait3A_70 = arith.constant 0 : i32
      %dma_wait3A_71 = tpu.memref_slice %arg11[%add3A_24, %dma_wait3A_70] : memref<10112x32xf32, #tpu.memory_space<vmem_shared>> -> memref<120x32xf32, #tpu.memory_space<vmem_shared>>
      %dma_wait3A_72 = arith.constant 0 : i32
      %dma_wait3A_73 = arith.constant 0 : i32
      %dma_wait3A_74 = tpu.memref_slice %arg10[%run_scoped3A_25, %dma_wait3A_72, %dma_wait3A_73] : memref<8x128x32xf32, #tpu.memory_space<vmem>> -> memref<1x128x32xf32, #tpu.memory_space<vmem>>
      %dma_wait3A_75 = tpu.memref_squeeze %dma_wait3A_74 : memref<1x128x32xf32, #tpu.memory_space<vmem>> -> memref<128x32xf32, #tpu.memory_space<vmem>>
      %dma_wait3A_76 = arith.constant 0 : i32
      %dma_wait3A_77 = arith.constant 0 : i32
      %dma_wait3A_78 = tpu.memref_slice %dma_wait3A_75[%dma_wait3A_76, %dma_wait3A_77] : memref<128x32xf32, #tpu.memory_space<vmem>> -> memref<120x32xf32, #tpu.memory_space<vmem>>
      tpu.wait_dma2 semaphore(%run_scoped3A_44 : memref<!tpu.dma_semaphore, #tpu.memory_space<semaphore_mem>>) src(%dma_wait3A_78 : memref<120x32xf32, #tpu.memory_space<vmem>>) dst(%dma_wait3A_71 : memref<120x32xf32, #tpu.memory_space<vmem_shared>>)
      tpu.yield
    }) : () -> ()
    %barrier3A = arith.constant 0 : index
    tpu.barrier barrier_id(%barrier3A)
    %scan3A_26 = arith.constant 0 : i32
    %scan3A_27 = arith.constant 20 : i32
    %scan3A_28 = arith.addi %scan3A_26, %scan3A_27 : i32
    %scan3A_29 = arith.constant 1 : i32
    scf.for %scan3A_44 = %scan3A_26 to %scan3A_28 step %scan3A_29  : i32 {
      %mul3A_45 = arith.constant 8 : i32
      %mul3A_46 = arith.muli %scan3A_44, %mul3A_45 : i32
      %add3A_47 = arith.constant 0 : i32
      %add3A_48 = arith.addi %add3A_47, %mul3A_46 : i32
      %add3A_49 = arith.constant 0 : i32
      %add3A_50 = arith.addi %add3A_48, %add3A_49 : i32
      %dma_start3A = arith.constant 0 : i32
      %dma_start3A_51 = arith.constant 0 : i32
      %dma_start3A_52 = arith.constant 0 : i32
      %dma_start3A_53 = arith.constant 0 : i32
      %dma_start3A_54 = tpu.memref_slice %arg10[%dma_start3A, %dma_start3A_52, %dma_start3A_53] : memref<8x128x32xf32, #tpu.memory_space<vmem>> -> memref<1x128x32xf32, #tpu.memory_space<vmem>>
      %dma_start3A_55 = tpu.memref_squeeze %dma_start3A_54 : memref<1x128x32xf32, #tpu.memory_space<vmem>> -> memref<128x32xf32, #tpu.memory_space<vmem>>
      %dma_start3A_56 = arith.constant 0 : i32
      %dma_start3A_57 = tpu.memref_slice %arg8[%add3A_50, %dma_start3A_56] : memref<160x128xi32, #tpu.memory_space<vmem>> -> memref<1x128xi32, #tpu.memory_space<vmem>>
      %dma_start3A_58 = tpu.memref_squeeze %dma_start3A_57 : memref<1x128xi32, #tpu.memory_space<vmem>> -> memref<128xi32, #tpu.memory_space<vmem>>
      %dma_start3A_59 = arith.constant 0 : i32
      %dma_start3A_60 = arith.constant 0 : i32
      %dma_start3A_61 = tpu.memref_slice %arg12[%dma_start3A_59, %dma_start3A_60] : memref<10112x32xf32, #tpu.memory_space<vmem_shared>> -> memref<10112x32xf32, #tpu.memory_space<vmem_shared>>
      %dma_start3A_62 = tpu.memref_slice %arg13[%dma_start3A_51] : memref<8x!tpu.dma_semaphore, #tpu.memory_space<semaphore_mem>> -> memref<1x!tpu.dma_semaphore, #tpu.memory_space<semaphore_mem>>
      %dma_start3A_63 = tpu.memref_squeeze %dma_start3A_62 : memref<1x!tpu.dma_semaphore, #tpu.memory_space<semaphore_mem>> -> memref<!tpu.dma_semaphore, #tpu.memory_space<semaphore_mem>>
      tpu.enqueue_indirect_dma source(%dma_start3A_61 : memref<10112x32xf32, #tpu.memory_space<vmem_shared>>) target(%dma_start3A_55 : memref<128x32xf32, #tpu.memory_space<vmem>>) offsets(%dma_start3A_58 : memref<128xi32, #tpu.memory_space<vmem>>) semaphore(%dma_start3A_63 : memref<!tpu.dma_semaphore, #tpu.memory_space<semaphore_mem>>)
      %add3A_64 = arith.constant 1 : i32
      %add3A_65 = arith.addi %add3A_48, %add3A_64 : i32
      %dma_start3A_66 = arith.constant 1 : i32
      %dma_start3A_67 = arith.constant 1 : i32
      %dma_start3A_68 = arith.constant 0 : i32
      %dma_start3A_69 = arith.constant 0 : i32
      %dma_start3A_70 = tpu.memref_slice %arg10[%dma_start3A_66, %dma_start3A_68, %dma_start3A_69] : memref<8x128x32xf32, #tpu.memory_space<vmem>> -> memref<1x128x32xf32, #tpu.memory_space<vmem>>
      %dma_start3A_71 = tpu.memref_squeeze %dma_start3A_70 : memref<1x128x32xf32, #tpu.memory_space<vmem>> -> memref<128x32xf32, #tpu.memory_space<vmem>>
      %dma_start3A_72 = arith.constant 0 : i32
      %dma_start3A_73 = tpu.memref_slice %arg8[%add3A_65, %dma_start3A_72] : memref<160x128xi32, #tpu.memory_space<vmem>> -> memref<1x128xi32, #tpu.memory_space<vmem>>
      %dma_start3A_74 = tpu.memref_squeeze %dma_start3A_73 : memref<1x128xi32, #tpu.memory_space<vmem>> -> memref<128xi32, #tpu.memory_space<vmem>>
      %dma_start3A_75 = arith.constant 0 : i32
      %dma_start3A_76 = arith.constant 0 : i32
      %dma_start3A_77 = tpu.memref_slice %arg12[%dma_start3A_75, %dma_start3A_76] : memref<10112x32xf32, #tpu.memory_space<vmem_shared>> -> memref<10112x32xf32, #tpu.memory_space<vmem_shared>>
      %dma_start3A_78 = tpu.memref_slice %arg13[%dma_start3A_67] : memref<8x!tpu.dma_semaphore, #tpu.memory_space<semaphore_mem>> -> memref<1x!tpu.dma_semaphore, #tpu.memory_space<semaphore_mem>>
      %dma_start3A_79 = tpu.memref_squeeze %dma_start3A_78 : memref<1x!tpu.dma_semaphore, #tpu.memory_space<semaphore_mem>> -> memref<!tpu.dma_semaphore, #tpu.memory_space<semaphore_mem>>
      tpu.enqueue_indirect_dma source(%dma_start3A_77 : memref<10112x32xf32, #tpu.memory_space<vmem_shared>>) target(%dma_start3A_71 : memref<128x32xf32, #tpu.memory_space<vmem>>) offsets(%dma_start3A_74 : memref<128xi32, #tpu.memory_space<vmem>>) semaphore(%dma_start3A_79 : memref<!tpu.dma_semaphore, #tpu.memory_space<semaphore_mem>>)
      %add3A_80 = arith.constant 2 : i32
      %add3A_81 = arith.addi %add3A_48, %add3A_80 : i32
      %dma_start3A_82 = arith.constant 2 : i32
      %dma_start3A_83 = arith.constant 2 : i32
      %dma_start3A_84 = arith.constant 0 : i32
      %dma_start3A_85 = arith.constant 0 : i32
      %dma_start3A_86 = tpu.memref_slice %arg10[%dma_start3A_82, %dma_start3A_84, %dma_start3A_85] : memref<8x128x32xf32, #tpu.memory_space<vmem>> -> memref<1x128x32xf32, #tpu.memory_space<vmem>>
      %dma_start3A_87 = tpu.memref_squeeze %dma_start3A_86 : memref<1x128x32xf32, #tpu.memory_space<vmem>> -> memref<128x32xf32, #tpu.memory_space<vmem>>
      %dma_start3A_88 = arith.constant 0 : i32
      %dma_start3A_89 = tpu.memref_slice %arg8[%add3A_81, %dma_start3A_88] : memref<160x128xi32, #tpu.memory_space<vmem>> -> memref<1x128xi32, #tpu.memory_space<vmem>>
      %dma_start3A_90 = tpu.memref_squeeze %dma_start3A_89 : memref<1x128xi32, #tpu.memory_space<vmem>> -> memref<128xi32, #tpu.memory_space<vmem>>
      %dma_start3A_91 = arith.constant 0 : i32
      %dma_start3A_92 = arith.constant 0 : i32
      %dma_start3A_93 = tpu.memref_slice %arg12[%dma_start3A_91, %dma_start3A_92] : memref<10112x32xf32, #tpu.memory_space<vmem_shared>> -> memref<10112x32xf32, #tpu.memory_space<vmem_shared>>
      %dma_start3A_94 = tpu.memref_slice %arg13[%dma_start3A_83] : memref<8x!tpu.dma_semaphore, #tpu.memory_space<semaphore_mem>> -> memref<1x!tpu.dma_semaphore, #tpu.memory_space<semaphore_mem>>
      %dma_start3A_95 = tpu.memref_squeeze %dma_start3A_94 : memref<1x!tpu.dma_semaphore, #tpu.memory_space<semaphore_mem>> -> memref<!tpu.dma_semaphore, #tpu.memory_space<semaphore_mem>>
      tpu.enqueue_indirect_dma source(%dma_start3A_93 : memref<10112x32xf32, #tpu.memory_space<vmem_shared>>) target(%dma_start3A_87 : memref<128x32xf32, #tpu.memory_space<vmem>>) offsets(%dma_start3A_90 : memref<128xi32, #tpu.memory_space<vmem>>) semaphore(%dma_start3A_95 : memref<!tpu.dma_semaphore, #tpu.memory_space<semaphore_mem>>)
      %add3A_96 = arith.constant 3 : i32
      %add3A_97 = arith.addi %add3A_48, %add3A_96 : i32
      %dma_start3A_98 = arith.constant 3 : i32
      %dma_start3A_99 = arith.constant 3 : i32
      %dma_start3A_100 = arith.constant 0 : i32
      %dma_start3A_101 = arith.constant 0 : i32
      %dma_start3A_102 = tpu.memref_slice %arg10[%dma_start3A_98, %dma_start3A_100, %dma_start3A_101] : memref<8x128x32xf32, #tpu.memory_space<vmem>> -> memref<1x128x32xf32, #tpu.memory_space<vmem>>
      %dma_start3A_103 = tpu.memref_squeeze %dma_start3A_102 : memref<1x128x32xf32, #tpu.memory_space<vmem>> -> memref<128x32xf32, #tpu.memory_space<vmem>>
      %dma_start3A_104 = arith.constant 0 : i32
      %dma_start3A_105 = tpu.memref_slice %arg8[%add3A_97, %dma_start3A_104] : memref<160x128xi32, #tpu.memory_space<vmem>> -> memref<1x128xi32, #tpu.memory_space<vmem>>
      %dma_start3A_106 = tpu.memref_squeeze %dma_start3A_105 : memref<1x128xi32, #tpu.memory_space<vmem>> -> memref<128xi32, #tpu.memory_space<vmem>>
      %dma_start3A_107 = arith.constant 0 : i32
      %dma_start3A_108 = arith.constant 0 : i32
      %dma_start3A_109 = tpu.memref_slice %arg12[%dma_start3A_107, %dma_start3A_108] : memref<10112x32xf32, #tpu.memory_space<vmem_shared>> -> memref<10112x32xf32, #tpu.memory_space<vmem_shared>>
      %dma_start3A_110 = tpu.memref_slice %arg13[%dma_start3A_99] : memref<8x!tpu.dma_semaphore, #tpu.memory_space<semaphore_mem>> -> memref<1x!tpu.dma_semaphore, #tpu.memory_space<semaphore_mem>>
      %dma_start3A_111 = tpu.memref_squeeze %dma_start3A_110 : memref<1x!tpu.dma_semaphore, #tpu.memory_space<semaphore_mem>> -> memref<!tpu.dma_semaphore, #tpu.memory_space<semaphore_mem>>
      tpu.enqueue_indirect_dma source(%dma_start3A_109 : memref<10112x32xf32, #tpu.memory_space<vmem_shared>>) target(%dma_start3A_103 : memref<128x32xf32, #tpu.memory_space<vmem>>) offsets(%dma_start3A_106 : memref<128xi32, #tpu.memory_space<vmem>>) semaphore(%dma_start3A_111 : memref<!tpu.dma_semaphore, #tpu.memory_space<semaphore_mem>>)
      %add3A_112 = arith.constant 4 : i32
      %add3A_113 = arith.addi %add3A_48, %add3A_112 : i32
      %dma_start3A_114 = arith.constant 4 : i32
      %dma_start3A_115 = arith.constant 4 : i32
      %dma_start3A_116 = arith.constant 0 : i32
      %dma_start3A_117 = arith.constant 0 : i32
      %dma_start3A_118 = tpu.memref_slice %arg10[%dma_start3A_114, %dma_start3A_116, %dma_start3A_117] : memref<8x128x32xf32, #tpu.memory_space<vmem>> -> memref<1x128x32xf32, #tpu.memory_space<vmem>>
      %dma_start3A_119 = tpu.memref_squeeze %dma_start3A_118 : memref<1x128x32xf32, #tpu.memory_space<vmem>> -> memref<128x32xf32, #tpu.memory_space<vmem>>
      %dma_start3A_120 = arith.constant 0 : i32
      %dma_start3A_121 = tpu.memref_slice %arg8[%add3A_113, %dma_start3A_120] : memref<160x128xi32, #tpu.memory_space<vmem>> -> memref<1x128xi32, #tpu.memory_space<vmem>>
      %dma_start3A_122 = tpu.memref_squeeze %dma_start3A_121 : memref<1x128xi32, #tpu.memory_space<vmem>> -> memref<128xi32, #tpu.memory_space<vmem>>
      %dma_start3A_123 = arith.constant 0 : i32
      %dma_start3A_124 = arith.constant 0 : i32
      %dma_start3A_125 = tpu.memref_slice %arg12[%dma_start3A_123, %dma_start3A_124] : memref<10112x32xf32, #tpu.memory_space<vmem_shared>> -> memref<10112x32xf32, #tpu.memory_space<vmem_shared>>
      %dma_start3A_126 = tpu.memref_slice %arg13[%dma_start3A_115] : memref<8x!tpu.dma_semaphore, #tpu.memory_space<semaphore_mem>> -> memref<1x!tpu.dma_semaphore, #tpu.memory_space<semaphore_mem>>
      %dma_start3A_127 = tpu.memref_squeeze %dma_start3A_126 : memref<1x!tpu.dma_semaphore, #tpu.memory_space<semaphore_mem>> -> memref<!tpu.dma_semaphore, #tpu.memory_space<semaphore_mem>>
      tpu.enqueue_indirect_dma source(%dma_start3A_125 : memref<10112x32xf32, #tpu.memory_space<vmem_shared>>) target(%dma_start3A_119 : memref<128x32xf32, #tpu.memory_space<vmem>>) offsets(%dma_start3A_122 : memref<128xi32, #tpu.memory_space<vmem>>) semaphore(%dma_start3A_127 : memref<!tpu.dma_semaphore, #tpu.memory_space<semaphore_mem>>)
      %add3A_128 = arith.constant 5 : i32
      %add3A_129 = arith.addi %add3A_48, %add3A_128 : i32
      %dma_start3A_130 = arith.constant 5 : i32
      %dma_start3A_131 = arith.constant 5 : i32
      %dma_start3A_132 = arith.constant 0 : i32
      %dma_start3A_133 = arith.constant 0 : i32
      %dma_start3A_134 = tpu.memref_slice %arg10[%dma_start3A_130, %dma_start3A_132, %dma_start3A_133] : memref<8x128x32xf32, #tpu.memory_space<vmem>> -> memref<1x128x32xf32, #tpu.memory_space<vmem>>
      %dma_start3A_135 = tpu.memref_squeeze %dma_start3A_134 : memref<1x128x32xf32, #tpu.memory_space<vmem>> -> memref<128x32xf32, #tpu.memory_space<vmem>>
      %dma_start3A_136 = arith.constant 0 : i32
      %dma_start3A_137 = tpu.memref_slice %arg8[%add3A_129, %dma_start3A_136] : memref<160x128xi32, #tpu.memory_space<vmem>> -> memref<1x128xi32, #tpu.memory_space<vmem>>
      %dma_start3A_138 = tpu.memref_squeeze %dma_start3A_137 : memref<1x128xi32, #tpu.memory_space<vmem>> -> memref<128xi32, #tpu.memory_space<vmem>>
      %dma_start3A_139 = arith.constant 0 : i32
      %dma_start3A_140 = arith.constant 0 : i32
      %dma_start3A_141 = tpu.memref_slice %arg12[%dma_start3A_139, %dma_start3A_140] : memref<10112x32xf32, #tpu.memory_space<vmem_shared>> -> memref<10112x32xf32, #tpu.memory_space<vmem_shared>>
      %dma_start3A_142 = tpu.memref_slice %arg13[%dma_start3A_131] : memref<8x!tpu.dma_semaphore, #tpu.memory_space<semaphore_mem>> -> memref<1x!tpu.dma_semaphore, #tpu.memory_space<semaphore_mem>>
      %dma_start3A_143 = tpu.memref_squeeze %dma_start3A_142 : memref<1x!tpu.dma_semaphore, #tpu.memory_space<semaphore_mem>> -> memref<!tpu.dma_semaphore, #tpu.memory_space<semaphore_mem>>
      tpu.enqueue_indirect_dma source(%dma_start3A_141 : memref<10112x32xf32, #tpu.memory_space<vmem_shared>>) target(%dma_start3A_135 : memref<128x32xf32, #tpu.memory_space<vmem>>) offsets(%dma_start3A_138 : memref<128xi32, #tpu.memory_space<vmem>>) semaphore(%dma_start3A_143 : memref<!tpu.dma_semaphore, #tpu.memory_space<semaphore_mem>>)
      %add3A_144 = arith.constant 6 : i32
      %add3A_145 = arith.addi %add3A_48, %add3A_144 : i32
      %dma_start3A_146 = arith.constant 6 : i32
      %dma_start3A_147 = arith.constant 6 : i32
      %dma_start3A_148 = arith.constant 0 : i32
      %dma_start3A_149 = arith.constant 0 : i32
      %dma_start3A_150 = tpu.memref_slice %arg10[%dma_start3A_146, %dma_start3A_148, %dma_start3A_149] : memref<8x128x32xf32, #tpu.memory_space<vmem>> -> memref<1x128x32xf32, #tpu.memory_space<vmem>>
      %dma_start3A_151 = tpu.memref_squeeze %dma_start3A_150 : memref<1x128x32xf32, #tpu.memory_space<vmem>> -> memref<128x32xf32, #tpu.memory_space<vmem>>
      %dma_start3A_152 = arith.constant 0 : i32
      %dma_start3A_153 = tpu.memref_slice %arg8[%add3A_145, %dma_start3A_152] : memref<160x128xi32, #tpu.memory_space<vmem>> -> memref<1x128xi32, #tpu.memory_space<vmem>>
      %dma_start3A_154 = tpu.memref_squeeze %dma_start3A_153 : memref<1x128xi32, #tpu.memory_space<vmem>> -> memref<128xi32, #tpu.memory_space<vmem>>
      %dma_start3A_155 = arith.constant 0 : i32
      %dma_start3A_156 = arith.constant 0 : i32
      %dma_start3A_157 = tpu.memref_slice %arg12[%dma_start3A_155, %dma_start3A_156] : memref<10112x32xf32, #tpu.memory_space<vmem_shared>> -> memref<10112x32xf32, #tpu.memory_space<vmem_shared>>
      %dma_start3A_158 = tpu.memref_slice %arg13[%dma_start3A_147] : memref<8x!tpu.dma_semaphore, #tpu.memory_space<semaphore_mem>> -> memref<1x!tpu.dma_semaphore, #tpu.memory_space<semaphore_mem>>
      %dma_start3A_159 = tpu.memref_squeeze %dma_start3A_158 : memref<1x!tpu.dma_semaphore, #tpu.memory_space<semaphore_mem>> -> memref<!tpu.dma_semaphore, #tpu.memory_space<semaphore_mem>>
      tpu.enqueue_indirect_dma source(%dma_start3A_157 : memref<10112x32xf32, #tpu.memory_space<vmem_shared>>) target(%dma_start3A_151 : memref<128x32xf32, #tpu.memory_space<vmem>>) offsets(%dma_start3A_154 : memref<128xi32, #tpu.memory_space<vmem>>) semaphore(%dma_start3A_159 : memref<!tpu.dma_semaphore, #tpu.memory_space<semaphore_mem>>)
      %add3A_160 = arith.constant 7 : i32
      %add3A_161 = arith.addi %add3A_48, %add3A_160 : i32
      %dma_start3A_162 = arith.constant 7 : i32
      %dma_start3A_163 = arith.constant 7 : i32
      %dma_start3A_164 = arith.constant 0 : i32
      %dma_start3A_165 = arith.constant 0 : i32
      %dma_start3A_166 = tpu.memref_slice %arg10[%dma_start3A_162, %dma_start3A_164, %dma_start3A_165] : memref<8x128x32xf32, #tpu.memory_space<vmem>> -> memref<1x128x32xf32, #tpu.memory_space<vmem>>
      %dma_start3A_167 = tpu.memref_squeeze %dma_start3A_166 : memref<1x128x32xf32, #tpu.memory_space<vmem>> -> memref<128x32xf32, #tpu.memory_space<vmem>>
      %dma_start3A_168 = arith.constant 0 : i32
      %dma_start3A_169 = tpu.memref_slice %arg8[%add3A_161, %dma_start3A_168] : memref<160x128xi32, #tpu.memory_space<vmem>> -> memref<1x128xi32, #tpu.memory_space<vmem>>
      %dma_start3A_170 = tpu.memref_squeeze %dma_start3A_169 : memref<1x128xi32, #tpu.memory_space<vmem>> -> memref<128xi32, #tpu.memory_space<vmem>>
      %dma_start3A_171 = arith.constant 0 : i32
      %dma_start3A_172 = arith.constant 0 : i32
      %dma_start3A_173 = tpu.memref_slice %arg12[%dma_start3A_171, %dma_start3A_172] : memref<10112x32xf32, #tpu.memory_space<vmem_shared>> -> memref<10112x32xf32, #tpu.memory_space<vmem_shared>>
      %dma_start3A_174 = tpu.memref_slice %arg13[%dma_start3A_163] : memref<8x!tpu.dma_semaphore, #tpu.memory_space<semaphore_mem>> -> memref<1x!tpu.dma_semaphore, #tpu.memory_space<semaphore_mem>>
      %dma_start3A_175 = tpu.memref_squeeze %dma_start3A_174 : memref<1x!tpu.dma_semaphore, #tpu.memory_space<semaphore_mem>> -> memref<!tpu.dma_semaphore, #tpu.memory_space<semaphore_mem>>
      tpu.enqueue_indirect_dma source(%dma_start3A_173 : memref<10112x32xf32, #tpu.memory_space<vmem_shared>>) target(%dma_start3A_167 : memref<128x32xf32, #tpu.memory_space<vmem>>) offsets(%dma_start3A_170 : memref<128xi32, #tpu.memory_space<vmem>>) semaphore(%dma_start3A_175 : memref<!tpu.dma_semaphore, #tpu.memory_space<semaphore_mem>>)
      %dma_wait3A = arith.constant 0 : i32
      %dma_wait3A_176 = arith.constant 0 : i32
      %dma_wait3A_177 = arith.constant 0 : i32
      %dma_wait3A_178 = arith.constant 0 : i32
      %dma_wait3A_179 = tpu.memref_slice %arg10[%dma_wait3A, %dma_wait3A_177, %dma_wait3A_178] : memref<8x128x32xf32, #tpu.memory_space<vmem>> -> memref<1x128x32xf32, #tpu.memory_space<vmem>>
      %dma_wait3A_180 = tpu.memref_squeeze %dma_wait3A_179 : memref<1x128x32xf32, #tpu.memory_space<vmem>> -> memref<128x32xf32, #tpu.memory_space<vmem>>
      %dma_wait3A_181 = arith.constant 0 : i32
      %dma_wait3A_182 = tpu.memref_slice %arg8[%add3A_50, %dma_wait3A_181] : memref<160x128xi32, #tpu.memory_space<vmem>> -> memref<1x128xi32, #tpu.memory_space<vmem>>
      %dma_wait3A_183 = tpu.memref_squeeze %dma_wait3A_182 : memref<1x128xi32, #tpu.memory_space<vmem>> -> memref<128xi32, #tpu.memory_space<vmem>>
      %dma_wait3A_184 = arith.constant 0 : i32
      %dma_wait3A_185 = arith.constant 0 : i32
      %dma_wait3A_186 = tpu.memref_slice %arg12[%dma_wait3A_184, %dma_wait3A_185] : memref<10112x32xf32, #tpu.memory_space<vmem_shared>> -> memref<10112x32xf32, #tpu.memory_space<vmem_shared>>
      %dma_wait3A_187 = tpu.memref_slice %arg13[%dma_wait3A_176] : memref<8x!tpu.dma_semaphore, #tpu.memory_space<semaphore_mem>> -> memref<1x!tpu.dma_semaphore, #tpu.memory_space<semaphore_mem>>
      %dma_wait3A_188 = tpu.memref_squeeze %dma_wait3A_187 : memref<1x!tpu.dma_semaphore, #tpu.memory_space<semaphore_mem>> -> memref<!tpu.dma_semaphore, #tpu.memory_space<semaphore_mem>>
      tpu.wait_indirect_dma semaphore(%dma_wait3A_188 : memref<!tpu.dma_semaphore, #tpu.memory_space<semaphore_mem>>) src(%dma_wait3A_186 : memref<10112x32xf32, #tpu.memory_space<vmem_shared>>) dst(%dma_wait3A_180 : memref<128x32xf32, #tpu.memory_space<vmem>>)
      %add3A_189 = arith.constant 0 : i32
      %add3A_190 = arith.addi %add3A_48, %add3A_189 : i32
      %run_scoped3A_191 = arith.constant 0 : i32
      "tpu.region"() ({
        %run_scoped3A_311 = tpu.sem_alloc : memref<!tpu.dma_semaphore, #tpu.memory_space<semaphore_mem>>
        %dma_start3A_312 = arith.constant 0 : i32
        %dma_start3A_313 = arith.constant 0 : i32
        %dma_start3A_314 = tpu.memref_slice %arg10[%run_scoped3A_191, %dma_start3A_312, %dma_start3A_313] : memref<8x128x32xf32, #tpu.memory_space<vmem>> -> memref<1x128x32xf32, #tpu.memory_space<vmem>>
        %dma_start3A_315 = tpu.memref_squeeze %dma_start3A_314 : memref<1x128x32xf32, #tpu.memory_space<vmem>> -> memref<128x32xf32, #tpu.memory_space<vmem>>
        %dma_start3A_316 = arith.constant 0 : i32
        %dma_start3A_317 = tpu.memref_slice %arg9[%add3A_190, %dma_start3A_316] : memref<160x128xi32, #tpu.memory_space<vmem>> -> memref<1x128xi32, #tpu.memory_space<vmem>>
        %dma_start3A_318 = tpu.memref_squeeze %dma_start3A_317 : memref<1x128xi32, #tpu.memory_space<vmem>> -> memref<128xi32, #tpu.memory_space<vmem>>
        %dma_start3A_319 = arith.constant 0 : i32
        %dma_start3A_320 = arith.constant 0 : i32
        %dma_start3A_321 = tpu.memref_slice %arg11[%dma_start3A_319, %dma_start3A_320] : memref<10112x32xf32, #tpu.memory_space<vmem_shared>> -> memref<10112x32xf32, #tpu.memory_space<vmem_shared>>
        tpu.enqueue_indirect_dma source(%dma_start3A_315 : memref<128x32xf32, #tpu.memory_space<vmem>>) target(%dma_start3A_321 : memref<10112x32xf32, #tpu.memory_space<vmem_shared>>) offsets(%dma_start3A_318 : memref<128xi32, #tpu.memory_space<vmem>>) semaphore(%run_scoped3A_311 : memref<!tpu.dma_semaphore, #tpu.memory_space<semaphore_mem>>) {add = true}
        %dma_wait3A_322 = arith.constant 0 : i32
        %dma_wait3A_323 = arith.constant 0 : i32
        %dma_wait3A_324 = tpu.memref_slice %arg10[%run_scoped3A_191, %dma_wait3A_322, %dma_wait3A_323] : memref<8x128x32xf32, #tpu.memory_space<vmem>> -> memref<1x128x32xf32, #tpu.memory_space<vmem>>
        %dma_wait3A_325 = tpu.memref_squeeze %dma_wait3A_324 : memref<1x128x32xf32, #tpu.memory_space<vmem>> -> memref<128x32xf32, #tpu.memory_space<vmem>>
        %dma_wait3A_326 = arith.constant 0 : i32
        %dma_wait3A_327 = tpu.memref_slice %arg9[%add3A_190, %dma_wait3A_326] : memref<160x128xi32, #tpu.memory_space<vmem>> -> memref<1x128xi32, #tpu.memory_space<vmem>>
        %dma_wait3A_328 = tpu.memref_squeeze %dma_wait3A_327 : memref<1x128xi32, #tpu.memory_space<vmem>> -> memref<128xi32, #tpu.memory_space<vmem>>
        %dma_wait3A_329 = arith.constant 0 : i32
        %dma_wait3A_330 = arith.constant 0 : i32
        %dma_wait3A_331 = tpu.memref_slice %arg11[%dma_wait3A_329, %dma_wait3A_330] : memref<10112x32xf32, #tpu.memory_space<vmem_shared>> -> memref<10112x32xf32, #tpu.memory_space<vmem_shared>>
        tpu.wait_indirect_dma semaphore(%run_scoped3A_311 : memref<!tpu.dma_semaphore, #tpu.memory_space<semaphore_mem>>) src(%dma_wait3A_325 : memref<128x32xf32, #tpu.memory_space<vmem>>) dst(%dma_wait3A_331 : memref<10112x32xf32, #tpu.memory_space<vmem_shared>>)
        tpu.yield
      }) : () -> ()
      %dma_wait3A_192 = arith.constant 1 : i32
      %dma_wait3A_193 = arith.constant 1 : i32
      %dma_wait3A_194 = arith.constant 0 : i32
      %dma_wait3A_195 = arith.constant 0 : i32
      %dma_wait3A_196 = tpu.memref_slice %arg10[%dma_wait3A_192, %dma_wait3A_194, %dma_wait3A_195] : memref<8x128x32xf32, #tpu.memory_space<vmem>> -> memref<1x128x32xf32, #tpu.memory_space<vmem>>
      %dma_wait3A_197 = tpu.memref_squeeze %dma_wait3A_196 : memref<1x128x32xf32, #tpu.memory_space<vmem>> -> memref<128x32xf32, #tpu.memory_space<vmem>>
      %dma_wait3A_198 = arith.constant 0 : i32
      %dma_wait3A_199 = tpu.memref_slice %arg8[%add3A_65, %dma_wait3A_198] : memref<160x128xi32, #tpu.memory_space<vmem>> -> memref<1x128xi32, #tpu.memory_space<vmem>>
      %dma_wait3A_200 = tpu.memref_squeeze %dma_wait3A_199 : memref<1x128xi32, #tpu.memory_space<vmem>> -> memref<128xi32, #tpu.memory_space<vmem>>
      %dma_wait3A_201 = arith.constant 0 : i32
      %dma_wait3A_202 = arith.constant 0 : i32
      %dma_wait3A_203 = tpu.memref_slice %arg12[%dma_wait3A_201, %dma_wait3A_202] : memref<10112x32xf32, #tpu.memory_space<vmem_shared>> -> memref<10112x32xf32, #tpu.memory_space<vmem_shared>>
      %dma_wait3A_204 = tpu.memref_slice %arg13[%dma_wait3A_193] : memref<8x!tpu.dma_semaphore, #tpu.memory_space<semaphore_mem>> -> memref<1x!tpu.dma_semaphore, #tpu.memory_space<semaphore_mem>>
      %dma_wait3A_205 = tpu.memref_squeeze %dma_wait3A_204 : memref<1x!tpu.dma_semaphore, #tpu.memory_space<semaphore_mem>> -> memref<!tpu.dma_semaphore, #tpu.memory_space<semaphore_mem>>
      tpu.wait_indirect_dma semaphore(%dma_wait3A_205 : memref<!tpu.dma_semaphore, #tpu.memory_space<semaphore_mem>>) src(%dma_wait3A_203 : memref<10112x32xf32, #tpu.memory_space<vmem_shared>>) dst(%dma_wait3A_197 : memref<128x32xf32, #tpu.memory_space<vmem>>)
      %add3A_206 = arith.constant 1 : i32
      %add3A_207 = arith.addi %add3A_48, %add3A_206 : i32
      %run_scoped3A_208 = arith.constant 1 : i32
      "tpu.region"() ({
        %run_scoped3A_311 = tpu.sem_alloc : memref<!tpu.dma_semaphore, #tpu.memory_space<semaphore_mem>>
        %dma_start3A_312 = arith.constant 0 : i32
        %dma_start3A_313 = arith.constant 0 : i32
        %dma_start3A_314 = tpu.memref_slice %arg10[%run_scoped3A_208, %dma_start3A_312, %dma_start3A_313] : memref<8x128x32xf32, #tpu.memory_space<vmem>> -> memref<1x128x32xf32, #tpu.memory_space<vmem>>
        %dma_start3A_315 = tpu.memref_squeeze %dma_start3A_314 : memref<1x128x32xf32, #tpu.memory_space<vmem>> -> memref<128x32xf32, #tpu.memory_space<vmem>>
        %dma_start3A_316 = arith.constant 0 : i32
        %dma_start3A_317 = tpu.memref_slice %arg9[%add3A_207, %dma_start3A_316] : memref<160x128xi32, #tpu.memory_space<vmem>> -> memref<1x128xi32, #tpu.memory_space<vmem>>
        %dma_start3A_318 = tpu.memref_squeeze %dma_start3A_317 : memref<1x128xi32, #tpu.memory_space<vmem>> -> memref<128xi32, #tpu.memory_space<vmem>>
        %dma_start3A_319 = arith.constant 0 : i32
        %dma_start3A_320 = arith.constant 0 : i32
        %dma_start3A_321 = tpu.memref_slice %arg11[%dma_start3A_319, %dma_start3A_320] : memref<10112x32xf32, #tpu.memory_space<vmem_shared>> -> memref<10112x32xf32, #tpu.memory_space<vmem_shared>>
        tpu.enqueue_indirect_dma source(%dma_start3A_315 : memref<128x32xf32, #tpu.memory_space<vmem>>) target(%dma_start3A_321 : memref<10112x32xf32, #tpu.memory_space<vmem_shared>>) offsets(%dma_start3A_318 : memref<128xi32, #tpu.memory_space<vmem>>) semaphore(%run_scoped3A_311 : memref<!tpu.dma_semaphore, #tpu.memory_space<semaphore_mem>>) {add = true}
        %dma_wait3A_322 = arith.constant 0 : i32
        %dma_wait3A_323 = arith.constant 0 : i32
        %dma_wait3A_324 = tpu.memref_slice %arg10[%run_scoped3A_208, %dma_wait3A_322, %dma_wait3A_323] : memref<8x128x32xf32, #tpu.memory_space<vmem>> -> memref<1x128x32xf32, #tpu.memory_space<vmem>>
        %dma_wait3A_325 = tpu.memref_squeeze %dma_wait3A_324 : memref<1x128x32xf32, #tpu.memory_space<vmem>> -> memref<128x32xf32, #tpu.memory_space<vmem>>
        %dma_wait3A_326 = arith.constant 0 : i32
        %dma_wait3A_327 = tpu.memref_slice %arg9[%add3A_207, %dma_wait3A_326] : memref<160x128xi32, #tpu.memory_space<vmem>> -> memref<1x128xi32, #tpu.memory_space<vmem>>
        %dma_wait3A_328 = tpu.memref_squeeze %dma_wait3A_327 : memref<1x128xi32, #tpu.memory_space<vmem>> -> memref<128xi32, #tpu.memory_space<vmem>>
        %dma_wait3A_329 = arith.constant 0 : i32
        %dma_wait3A_330 = arith.constant 0 : i32
        %dma_wait3A_331 = tpu.memref_slice %arg11[%dma_wait3A_329, %dma_wait3A_330] : memref<10112x32xf32, #tpu.memory_space<vmem_shared>> -> memref<10112x32xf32, #tpu.memory_space<vmem_shared>>
        tpu.wait_indirect_dma semaphore(%run_scoped3A_311 : memref<!tpu.dma_semaphore, #tpu.memory_space<semaphore_mem>>) src(%dma_wait3A_325 : memref<128x32xf32, #tpu.memory_space<vmem>>) dst(%dma_wait3A_331 : memref<10112x32xf32, #tpu.memory_space<vmem_shared>>)
        tpu.yield
      }) : () -> ()
      %dma_wait3A_209 = arith.constant 2 : i32
      %dma_wait3A_210 = arith.constant 2 : i32
      %dma_wait3A_211 = arith.constant 0 : i32
      %dma_wait3A_212 = arith.constant 0 : i32
      %dma_wait3A_213 = tpu.memref_slice %arg10[%dma_wait3A_209, %dma_wait3A_211, %dma_wait3A_212] : memref<8x128x32xf32, #tpu.memory_space<vmem>> -> memref<1x128x32xf32, #tpu.memory_space<vmem>>
      %dma_wait3A_214 = tpu.memref_squeeze %dma_wait3A_213 : memref<1x128x32xf32, #tpu.memory_space<vmem>> -> memref<128x32xf32, #tpu.memory_space<vmem>>
      %dma_wait3A_215 = arith.constant 0 : i32
      %dma_wait3A_216 = tpu.memref_slice %arg8[%add3A_81, %dma_wait3A_215] : memref<160x128xi32, #tpu.memory_space<vmem>> -> memref<1x128xi32, #tpu.memory_space<vmem>>
      %dma_wait3A_217 = tpu.memref_squeeze %dma_wait3A_216 : memref<1x128xi32, #tpu.memory_space<vmem>> -> memref<128xi32, #tpu.memory_space<vmem>>
      %dma_wait3A_218 = arith.constant 0 : i32
      %dma_wait3A_219 = arith.constant 0 : i32
      %dma_wait3A_220 = tpu.memref_slice %arg12[%dma_wait3A_218, %dma_wait3A_219] : memref<10112x32xf32, #tpu.memory_space<vmem_shared>> -> memref<10112x32xf32, #tpu.memory_space<vmem_shared>>
      %dma_wait3A_221 = tpu.memref_slice %arg13[%dma_wait3A_210] : memref<8x!tpu.dma_semaphore, #tpu.memory_space<semaphore_mem>> -> memref<1x!tpu.dma_semaphore, #tpu.memory_space<semaphore_mem>>
      %dma_wait3A_222 = tpu.memref_squeeze %dma_wait3A_221 : memref<1x!tpu.dma_semaphore, #tpu.memory_space<semaphore_mem>> -> memref<!tpu.dma_semaphore, #tpu.memory_space<semaphore_mem>>
      tpu.wait_indirect_dma semaphore(%dma_wait3A_222 : memref<!tpu.dma_semaphore, #tpu.memory_space<semaphore_mem>>) src(%dma_wait3A_220 : memref<10112x32xf32, #tpu.memory_space<vmem_shared>>) dst(%dma_wait3A_214 : memref<128x32xf32, #tpu.memory_space<vmem>>)
      %add3A_223 = arith.constant 2 : i32
      %add3A_224 = arith.addi %add3A_48, %add3A_223 : i32
      %run_scoped3A_225 = arith.constant 2 : i32
      "tpu.region"() ({
        %run_scoped3A_311 = tpu.sem_alloc : memref<!tpu.dma_semaphore, #tpu.memory_space<semaphore_mem>>
        %dma_start3A_312 = arith.constant 0 : i32
        %dma_start3A_313 = arith.constant 0 : i32
        %dma_start3A_314 = tpu.memref_slice %arg10[%run_scoped3A_225, %dma_start3A_312, %dma_start3A_313] : memref<8x128x32xf32, #tpu.memory_space<vmem>> -> memref<1x128x32xf32, #tpu.memory_space<vmem>>
        %dma_start3A_315 = tpu.memref_squeeze %dma_start3A_314 : memref<1x128x32xf32, #tpu.memory_space<vmem>> -> memref<128x32xf32, #tpu.memory_space<vmem>>
        %dma_start3A_316 = arith.constant 0 : i32
        %dma_start3A_317 = tpu.memref_slice %arg9[%add3A_224, %dma_start3A_316] : memref<160x128xi32, #tpu.memory_space<vmem>> -> memref<1x128xi32, #tpu.memory_space<vmem>>
        %dma_start3A_318 = tpu.memref_squeeze %dma_start3A_317 : memref<1x128xi32, #tpu.memory_space<vmem>> -> memref<128xi32, #tpu.memory_space<vmem>>
        %dma_start3A_319 = arith.constant 0 : i32
        %dma_start3A_320 = arith.constant 0 : i32
        %dma_start3A_321 = tpu.memref_slice %arg11[%dma_start3A_319, %dma_start3A_320] : memref<10112x32xf32, #tpu.memory_space<vmem_shared>> -> memref<10112x32xf32, #tpu.memory_space<vmem_shared>>
        tpu.enqueue_indirect_dma source(%dma_start3A_315 : memref<128x32xf32, #tpu.memory_space<vmem>>) target(%dma_start3A_321 : memref<10112x32xf32, #tpu.memory_space<vmem_shared>>) offsets(%dma_start3A_318 : memref<128xi32, #tpu.memory_space<vmem>>) semaphore(%run_scoped3A_311 : memref<!tpu.dma_semaphore, #tpu.memory_space<semaphore_mem>>) {add = true}
        %dma_wait3A_322 = arith.constant 0 : i32
        %dma_wait3A_323 = arith.constant 0 : i32
        %dma_wait3A_324 = tpu.memref_slice %arg10[%run_scoped3A_225, %dma_wait3A_322, %dma_wait3A_323] : memref<8x128x32xf32, #tpu.memory_space<vmem>> -> memref<1x128x32xf32, #tpu.memory_space<vmem>>
        %dma_wait3A_325 = tpu.memref_squeeze %dma_wait3A_324 : memref<1x128x32xf32, #tpu.memory_space<vmem>> -> memref<128x32xf32, #tpu.memory_space<vmem>>
        %dma_wait3A_326 = arith.constant 0 : i32
        %dma_wait3A_327 = tpu.memref_slice %arg9[%add3A_224, %dma_wait3A_326] : memref<160x128xi32, #tpu.memory_space<vmem>> -> memref<1x128xi32, #tpu.memory_space<vmem>>
        %dma_wait3A_328 = tpu.memref_squeeze %dma_wait3A_327 : memref<1x128xi32, #tpu.memory_space<vmem>> -> memref<128xi32, #tpu.memory_space<vmem>>
        %dma_wait3A_329 = arith.constant 0 : i32
        %dma_wait3A_330 = arith.constant 0 : i32
        %dma_wait3A_331 = tpu.memref_slice %arg11[%dma_wait3A_329, %dma_wait3A_330] : memref<10112x32xf32, #tpu.memory_space<vmem_shared>> -> memref<10112x32xf32, #tpu.memory_space<vmem_shared>>
        tpu.wait_indirect_dma semaphore(%run_scoped3A_311 : memref<!tpu.dma_semaphore, #tpu.memory_space<semaphore_mem>>) src(%dma_wait3A_325 : memref<128x32xf32, #tpu.memory_space<vmem>>) dst(%dma_wait3A_331 : memref<10112x32xf32, #tpu.memory_space<vmem_shared>>)
        tpu.yield
      }) : () -> ()
      %dma_wait3A_226 = arith.constant 3 : i32
      %dma_wait3A_227 = arith.constant 3 : i32
      %dma_wait3A_228 = arith.constant 0 : i32
      %dma_wait3A_229 = arith.constant 0 : i32
      %dma_wait3A_230 = tpu.memref_slice %arg10[%dma_wait3A_226, %dma_wait3A_228, %dma_wait3A_229] : memref<8x128x32xf32, #tpu.memory_space<vmem>> -> memref<1x128x32xf32, #tpu.memory_space<vmem>>
      %dma_wait3A_231 = tpu.memref_squeeze %dma_wait3A_230 : memref<1x128x32xf32, #tpu.memory_space<vmem>> -> memref<128x32xf32, #tpu.memory_space<vmem>>
      %dma_wait3A_232 = arith.constant 0 : i32
      %dma_wait3A_233 = tpu.memref_slice %arg8[%add3A_97, %dma_wait3A_232] : memref<160x128xi32, #tpu.memory_space<vmem>> -> memref<1x128xi32, #tpu.memory_space<vmem>>
      %dma_wait3A_234 = tpu.memref_squeeze %dma_wait3A_233 : memref<1x128xi32, #tpu.memory_space<vmem>> -> memref<128xi32, #tpu.memory_space<vmem>>
      %dma_wait3A_235 = arith.constant 0 : i32
      %dma_wait3A_236 = arith.constant 0 : i32
      %dma_wait3A_237 = tpu.memref_slice %arg12[%dma_wait3A_235, %dma_wait3A_236] : memref<10112x32xf32, #tpu.memory_space<vmem_shared>> -> memref<10112x32xf32, #tpu.memory_space<vmem_shared>>
      %dma_wait3A_238 = tpu.memref_slice %arg13[%dma_wait3A_227] : memref<8x!tpu.dma_semaphore, #tpu.memory_space<semaphore_mem>> -> memref<1x!tpu.dma_semaphore, #tpu.memory_space<semaphore_mem>>
      %dma_wait3A_239 = tpu.memref_squeeze %dma_wait3A_238 : memref<1x!tpu.dma_semaphore, #tpu.memory_space<semaphore_mem>> -> memref<!tpu.dma_semaphore, #tpu.memory_space<semaphore_mem>>
      tpu.wait_indirect_dma semaphore(%dma_wait3A_239 : memref<!tpu.dma_semaphore, #tpu.memory_space<semaphore_mem>>) src(%dma_wait3A_237 : memref<10112x32xf32, #tpu.memory_space<vmem_shared>>) dst(%dma_wait3A_231 : memref<128x32xf32, #tpu.memory_space<vmem>>)
      %add3A_240 = arith.constant 3 : i32
      %add3A_241 = arith.addi %add3A_48, %add3A_240 : i32
      %run_scoped3A_242 = arith.constant 3 : i32
      "tpu.region"() ({
        %run_scoped3A_311 = tpu.sem_alloc : memref<!tpu.dma_semaphore, #tpu.memory_space<semaphore_mem>>
        %dma_start3A_312 = arith.constant 0 : i32
        %dma_start3A_313 = arith.constant 0 : i32
        %dma_start3A_314 = tpu.memref_slice %arg10[%run_scoped3A_242, %dma_start3A_312, %dma_start3A_313] : memref<8x128x32xf32, #tpu.memory_space<vmem>> -> memref<1x128x32xf32, #tpu.memory_space<vmem>>
        %dma_start3A_315 = tpu.memref_squeeze %dma_start3A_314 : memref<1x128x32xf32, #tpu.memory_space<vmem>> -> memref<128x32xf32, #tpu.memory_space<vmem>>
        %dma_start3A_316 = arith.constant 0 : i32
        %dma_start3A_317 = tpu.memref_slice %arg9[%add3A_241, %dma_start3A_316] : memref<160x128xi32, #tpu.memory_space<vmem>> -> memref<1x128xi32, #tpu.memory_space<vmem>>
        %dma_start3A_318 = tpu.memref_squeeze %dma_start3A_317 : memref<1x128xi32, #tpu.memory_space<vmem>> -> memref<128xi32, #tpu.memory_space<vmem>>
        %dma_start3A_319 = arith.constant 0 : i32
        %dma_start3A_320 = arith.constant 0 : i32
        %dma_start3A_321 = tpu.memref_slice %arg11[%dma_start3A_319, %dma_start3A_320] : memref<10112x32xf32, #tpu.memory_space<vmem_shared>> -> memref<10112x32xf32, #tpu.memory_space<vmem_shared>>
        tpu.enqueue_indirect_dma source(%dma_start3A_315 : memref<128x32xf32, #tpu.memory_space<vmem>>) target(%dma_start3A_321 : memref<10112x32xf32, #tpu.memory_space<vmem_shared>>) offsets(%dma_start3A_318 : memref<128xi32, #tpu.memory_space<vmem>>) semaphore(%run_scoped3A_311 : memref<!tpu.dma_semaphore, #tpu.memory_space<semaphore_mem>>) {add = true}
        %dma_wait3A_322 = arith.constant 0 : i32
        %dma_wait3A_323 = arith.constant 0 : i32
        %dma_wait3A_324 = tpu.memref_slice %arg10[%run_scoped3A_242, %dma_wait3A_322, %dma_wait3A_323] : memref<8x128x32xf32, #tpu.memory_space<vmem>> -> memref<1x128x32xf32, #tpu.memory_space<vmem>>
        %dma_wait3A_325 = tpu.memref_squeeze %dma_wait3A_324 : memref<1x128x32xf32, #tpu.memory_space<vmem>> -> memref<128x32xf32, #tpu.memory_space<vmem>>
        %dma_wait3A_326 = arith.constant 0 : i32
        %dma_wait3A_327 = tpu.memref_slice %arg9[%add3A_241, %dma_wait3A_326] : memref<160x128xi32, #tpu.memory_space<vmem>> -> memref<1x128xi32, #tpu.memory_space<vmem>>
        %dma_wait3A_328 = tpu.memref_squeeze %dma_wait3A_327 : memref<1x128xi32, #tpu.memory_space<vmem>> -> memref<128xi32, #tpu.memory_space<vmem>>
        %dma_wait3A_329 = arith.constant 0 : i32
        %dma_wait3A_330 = arith.constant 0 : i32
        %dma_wait3A_331 = tpu.memref_slice %arg11[%dma_wait3A_329, %dma_wait3A_330] : memref<10112x32xf32, #tpu.memory_space<vmem_shared>> -> memref<10112x32xf32, #tpu.memory_space<vmem_shared>>
        tpu.wait_indirect_dma semaphore(%run_scoped3A_311 : memref<!tpu.dma_semaphore, #tpu.memory_space<semaphore_mem>>) src(%dma_wait3A_325 : memref<128x32xf32, #tpu.memory_space<vmem>>) dst(%dma_wait3A_331 : memref<10112x32xf32, #tpu.memory_space<vmem_shared>>)
        tpu.yield
      }) : () -> ()
      %dma_wait3A_243 = arith.constant 4 : i32
      %dma_wait3A_244 = arith.constant 4 : i32
      %dma_wait3A_245 = arith.constant 0 : i32
      %dma_wait3A_246 = arith.constant 0 : i32
      %dma_wait3A_247 = tpu.memref_slice %arg10[%dma_wait3A_243, %dma_wait3A_245, %dma_wait3A_246] : memref<8x128x32xf32, #tpu.memory_space<vmem>> -> memref<1x128x32xf32, #tpu.memory_space<vmem>>
      %dma_wait3A_248 = tpu.memref_squeeze %dma_wait3A_247 : memref<1x128x32xf32, #tpu.memory_space<vmem>> -> memref<128x32xf32, #tpu.memory_space<vmem>>
      %dma_wait3A_249 = arith.constant 0 : i32
      %dma_wait3A_250 = tpu.memref_slice %arg8[%add3A_113, %dma_wait3A_249] : memref<160x128xi32, #tpu.memory_space<vmem>> -> memref<1x128xi32, #tpu.memory_space<vmem>>
      %dma_wait3A_251 = tpu.memref_squeeze %dma_wait3A_250 : memref<1x128xi32, #tpu.memory_space<vmem>> -> memref<128xi32, #tpu.memory_space<vmem>>
      %dma_wait3A_252 = arith.constant 0 : i32
      %dma_wait3A_253 = arith.constant 0 : i32
      %dma_wait3A_254 = tpu.memref_slice %arg12[%dma_wait3A_252, %dma_wait3A_253] : memref<10112x32xf32, #tpu.memory_space<vmem_shared>> -> memref<10112x32xf32, #tpu.memory_space<vmem_shared>>
      %dma_wait3A_255 = tpu.memref_slice %arg13[%dma_wait3A_244] : memref<8x!tpu.dma_semaphore, #tpu.memory_space<semaphore_mem>> -> memref<1x!tpu.dma_semaphore, #tpu.memory_space<semaphore_mem>>
      %dma_wait3A_256 = tpu.memref_squeeze %dma_wait3A_255 : memref<1x!tpu.dma_semaphore, #tpu.memory_space<semaphore_mem>> -> memref<!tpu.dma_semaphore, #tpu.memory_space<semaphore_mem>>
      tpu.wait_indirect_dma semaphore(%dma_wait3A_256 : memref<!tpu.dma_semaphore, #tpu.memory_space<semaphore_mem>>) src(%dma_wait3A_254 : memref<10112x32xf32, #tpu.memory_space<vmem_shared>>) dst(%dma_wait3A_248 : memref<128x32xf32, #tpu.memory_space<vmem>>)
      %add3A_257 = arith.constant 4 : i32
      %add3A_258 = arith.addi %add3A_48, %add3A_257 : i32
      %run_scoped3A_259 = arith.constant 4 : i32
      "tpu.region"() ({
        %run_scoped3A_311 = tpu.sem_alloc : memref<!tpu.dma_semaphore, #tpu.memory_space<semaphore_mem>>
        %dma_start3A_312 = arith.constant 0 : i32
        %dma_start3A_313 = arith.constant 0 : i32
        %dma_start3A_314 = tpu.memref_slice %arg10[%run_scoped3A_259, %dma_start3A_312, %dma_start3A_313] : memref<8x128x32xf32, #tpu.memory_space<vmem>> -> memref<1x128x32xf32, #tpu.memory_space<vmem>>
        %dma_start3A_315 = tpu.memref_squeeze %dma_start3A_314 : memref<1x128x32xf32, #tpu.memory_space<vmem>> -> memref<128x32xf32, #tpu.memory_space<vmem>>
        %dma_start3A_316 = arith.constant 0 : i32
        %dma_start3A_317 = tpu.memref_slice %arg9[%add3A_258, %dma_start3A_316] : memref<160x128xi32, #tpu.memory_space<vmem>> -> memref<1x128xi32, #tpu.memory_space<vmem>>
        %dma_start3A_318 = tpu.memref_squeeze %dma_start3A_317 : memref<1x128xi32, #tpu.memory_space<vmem>> -> memref<128xi32, #tpu.memory_space<vmem>>
        %dma_start3A_319 = arith.constant 0 : i32
        %dma_start3A_320 = arith.constant 0 : i32
        %dma_start3A_321 = tpu.memref_slice %arg11[%dma_start3A_319, %dma_start3A_320] : memref<10112x32xf32, #tpu.memory_space<vmem_shared>> -> memref<10112x32xf32, #tpu.memory_space<vmem_shared>>
        tpu.enqueue_indirect_dma source(%dma_start3A_315 : memref<128x32xf32, #tpu.memory_space<vmem>>) target(%dma_start3A_321 : memref<10112x32xf32, #tpu.memory_space<vmem_shared>>) offsets(%dma_start3A_318 : memref<128xi32, #tpu.memory_space<vmem>>) semaphore(%run_scoped3A_311 : memref<!tpu.dma_semaphore, #tpu.memory_space<semaphore_mem>>) {add = true}
        %dma_wait3A_322 = arith.constant 0 : i32
        %dma_wait3A_323 = arith.constant 0 : i32
        %dma_wait3A_324 = tpu.memref_slice %arg10[%run_scoped3A_259, %dma_wait3A_322, %dma_wait3A_323] : memref<8x128x32xf32, #tpu.memory_space<vmem>> -> memref<1x128x32xf32, #tpu.memory_space<vmem>>
        %dma_wait3A_325 = tpu.memref_squeeze %dma_wait3A_324 : memref<1x128x32xf32, #tpu.memory_space<vmem>> -> memref<128x32xf32, #tpu.memory_space<vmem>>
        %dma_wait3A_326 = arith.constant 0 : i32
        %dma_wait3A_327 = tpu.memref_slice %arg9[%add3A_258, %dma_wait3A_326] : memref<160x128xi32, #tpu.memory_space<vmem>> -> memref<1x128xi32, #tpu.memory_space<vmem>>
        %dma_wait3A_328 = tpu.memref_squeeze %dma_wait3A_327 : memref<1x128xi32, #tpu.memory_space<vmem>> -> memref<128xi32, #tpu.memory_space<vmem>>
        %dma_wait3A_329 = arith.constant 0 : i32
        %dma_wait3A_330 = arith.constant 0 : i32
        %dma_wait3A_331 = tpu.memref_slice %arg11[%dma_wait3A_329, %dma_wait3A_330] : memref<10112x32xf32, #tpu.memory_space<vmem_shared>> -> memref<10112x32xf32, #tpu.memory_space<vmem_shared>>
        tpu.wait_indirect_dma semaphore(%run_scoped3A_311 : memref<!tpu.dma_semaphore, #tpu.memory_space<semaphore_mem>>) src(%dma_wait3A_325 : memref<128x32xf32, #tpu.memory_space<vmem>>) dst(%dma_wait3A_331 : memref<10112x32xf32, #tpu.memory_space<vmem_shared>>)
        tpu.yield
      }) : () -> ()
      %dma_wait3A_260 = arith.constant 5 : i32
      %dma_wait3A_261 = arith.constant 5 : i32
      %dma_wait3A_262 = arith.constant 0 : i32
      %dma_wait3A_263 = arith.constant 0 : i32
      %dma_wait3A_264 = tpu.memref_slice %arg10[%dma_wait3A_260, %dma_wait3A_262, %dma_wait3A_263] : memref<8x128x32xf32, #tpu.memory_space<vmem>> -> memref<1x128x32xf32, #tpu.memory_space<vmem>>
      %dma_wait3A_265 = tpu.memref_squeeze %dma_wait3A_264 : memref<1x128x32xf32, #tpu.memory_space<vmem>> -> memref<128x32xf32, #tpu.memory_space<vmem>>
      %dma_wait3A_266 = arith.constant 0 : i32
      %dma_wait3A_267 = tpu.memref_slice %arg8[%add3A_129, %dma_wait3A_266] : memref<160x128xi32, #tpu.memory_space<vmem>> -> memref<1x128xi32, #tpu.memory_space<vmem>>
      %dma_wait3A_268 = tpu.memref_squeeze %dma_wait3A_267 : memref<1x128xi32, #tpu.memory_space<vmem>> -> memref<128xi32, #tpu.memory_space<vmem>>
      %dma_wait3A_269 = arith.constant 0 : i32
      %dma_wait3A_270 = arith.constant 0 : i32
      %dma_wait3A_271 = tpu.memref_slice %arg12[%dma_wait3A_269, %dma_wait3A_270] : memref<10112x32xf32, #tpu.memory_space<vmem_shared>> -> memref<10112x32xf32, #tpu.memory_space<vmem_shared>>
      %dma_wait3A_272 = tpu.memref_slice %arg13[%dma_wait3A_261] : memref<8x!tpu.dma_semaphore, #tpu.memory_space<semaphore_mem>> -> memref<1x!tpu.dma_semaphore, #tpu.memory_space<semaphore_mem>>
      %dma_wait3A_273 = tpu.memref_squeeze %dma_wait3A_272 : memref<1x!tpu.dma_semaphore, #tpu.memory_space<semaphore_mem>> -> memref<!tpu.dma_semaphore, #tpu.memory_space<semaphore_mem>>
      tpu.wait_indirect_dma semaphore(%dma_wait3A_273 : memref<!tpu.dma_semaphore, #tpu.memory_space<semaphore_mem>>) src(%dma_wait3A_271 : memref<10112x32xf32, #tpu.memory_space<vmem_shared>>) dst(%dma_wait3A_265 : memref<128x32xf32, #tpu.memory_space<vmem>>)
      %add3A_274 = arith.constant 5 : i32
      %add3A_275 = arith.addi %add3A_48, %add3A_274 : i32
      %run_scoped3A_276 = arith.constant 5 : i32
      "tpu.region"() ({
        %run_scoped3A_311 = tpu.sem_alloc : memref<!tpu.dma_semaphore, #tpu.memory_space<semaphore_mem>>
        %dma_start3A_312 = arith.constant 0 : i32
        %dma_start3A_313 = arith.constant 0 : i32
        %dma_start3A_314 = tpu.memref_slice %arg10[%run_scoped3A_276, %dma_start3A_312, %dma_start3A_313] : memref<8x128x32xf32, #tpu.memory_space<vmem>> -> memref<1x128x32xf32, #tpu.memory_space<vmem>>
        %dma_start3A_315 = tpu.memref_squeeze %dma_start3A_314 : memref<1x128x32xf32, #tpu.memory_space<vmem>> -> memref<128x32xf32, #tpu.memory_space<vmem>>
        %dma_start3A_316 = arith.constant 0 : i32
        %dma_start3A_317 = tpu.memref_slice %arg9[%add3A_275, %dma_start3A_316] : memref<160x128xi32, #tpu.memory_space<vmem>> -> memref<1x128xi32, #tpu.memory_space<vmem>>
        %dma_start3A_318 = tpu.memref_squeeze %dma_start3A_317 : memref<1x128xi32, #tpu.memory_space<vmem>> -> memref<128xi32, #tpu.memory_space<vmem>>
        %dma_start3A_319 = arith.constant 0 : i32
        %dma_start3A_320 = arith.constant 0 : i32
        %dma_start3A_321 = tpu.memref_slice %arg11[%dma_start3A_319, %dma_start3A_320] : memref<10112x32xf32, #tpu.memory_space<vmem_shared>> -> memref<10112x32xf32, #tpu.memory_space<vmem_shared>>
        tpu.enqueue_indirect_dma source(%dma_start3A_315 : memref<128x32xf32, #tpu.memory_space<vmem>>) target(%dma_start3A_321 : memref<10112x32xf32, #tpu.memory_space<vmem_shared>>) offsets(%dma_start3A_318 : memref<128xi32, #tpu.memory_space<vmem>>) semaphore(%run_scoped3A_311 : memref<!tpu.dma_semaphore, #tpu.memory_space<semaphore_mem>>) {add = true}
        %dma_wait3A_322 = arith.constant 0 : i32
        %dma_wait3A_323 = arith.constant 0 : i32
        %dma_wait3A_324 = tpu.memref_slice %arg10[%run_scoped3A_276, %dma_wait3A_322, %dma_wait3A_323] : memref<8x128x32xf32, #tpu.memory_space<vmem>> -> memref<1x128x32xf32, #tpu.memory_space<vmem>>
        %dma_wait3A_325 = tpu.memref_squeeze %dma_wait3A_324 : memref<1x128x32xf32, #tpu.memory_space<vmem>> -> memref<128x32xf32, #tpu.memory_space<vmem>>
        %dma_wait3A_326 = arith.constant 0 : i32
        %dma_wait3A_327 = tpu.memref_slice %arg9[%add3A_275, %dma_wait3A_326] : memref<160x128xi32, #tpu.memory_space<vmem>> -> memref<1x128xi32, #tpu.memory_space<vmem>>
        %dma_wait3A_328 = tpu.memref_squeeze %dma_wait3A_327 : memref<1x128xi32, #tpu.memory_space<vmem>> -> memref<128xi32, #tpu.memory_space<vmem>>
        %dma_wait3A_329 = arith.constant 0 : i32
        %dma_wait3A_330 = arith.constant 0 : i32
        %dma_wait3A_331 = tpu.memref_slice %arg11[%dma_wait3A_329, %dma_wait3A_330] : memref<10112x32xf32, #tpu.memory_space<vmem_shared>> -> memref<10112x32xf32, #tpu.memory_space<vmem_shared>>
        tpu.wait_indirect_dma semaphore(%run_scoped3A_311 : memref<!tpu.dma_semaphore, #tpu.memory_space<semaphore_mem>>) src(%dma_wait3A_325 : memref<128x32xf32, #tpu.memory_space<vmem>>) dst(%dma_wait3A_331 : memref<10112x32xf32, #tpu.memory_space<vmem_shared>>)
        tpu.yield
      }) : () -> ()
      %dma_wait3A_277 = arith.constant 6 : i32
      %dma_wait3A_278 = arith.constant 6 : i32
      %dma_wait3A_279 = arith.constant 0 : i32
      %dma_wait3A_280 = arith.constant 0 : i32
      %dma_wait3A_281 = tpu.memref_slice %arg10[%dma_wait3A_277, %dma_wait3A_279, %dma_wait3A_280] : memref<8x128x32xf32, #tpu.memory_space<vmem>> -> memref<1x128x32xf32, #tpu.memory_space<vmem>>
      %dma_wait3A_282 = tpu.memref_squeeze %dma_wait3A_281 : memref<1x128x32xf32, #tpu.memory_space<vmem>> -> memref<128x32xf32, #tpu.memory_space<vmem>>
      %dma_wait3A_283 = arith.constant 0 : i32
      %dma_wait3A_284 = tpu.memref_slice %arg8[%add3A_145, %dma_wait3A_283] : memref<160x128xi32, #tpu.memory_space<vmem>> -> memref<1x128xi32, #tpu.memory_space<vmem>>
      %dma_wait3A_285 = tpu.memref_squeeze %dma_wait3A_284 : memref<1x128xi32, #tpu.memory_space<vmem>> -> memref<128xi32, #tpu.memory_space<vmem>>
      %dma_wait3A_286 = arith.constant 0 : i32
      %dma_wait3A_287 = arith.constant 0 : i32
      %dma_wait3A_288 = tpu.memref_slice %arg12[%dma_wait3A_286, %dma_wait3A_287] : memref<10112x32xf32, #tpu.memory_space<vmem_shared>> -> memref<10112x32xf32, #tpu.memory_space<vmem_shared>>
      %dma_wait3A_289 = tpu.memref_slice %arg13[%dma_wait3A_278] : memref<8x!tpu.dma_semaphore, #tpu.memory_space<semaphore_mem>> -> memref<1x!tpu.dma_semaphore, #tpu.memory_space<semaphore_mem>>
      %dma_wait3A_290 = tpu.memref_squeeze %dma_wait3A_289 : memref<1x!tpu.dma_semaphore, #tpu.memory_space<semaphore_mem>> -> memref<!tpu.dma_semaphore, #tpu.memory_space<semaphore_mem>>
      tpu.wait_indirect_dma semaphore(%dma_wait3A_290 : memref<!tpu.dma_semaphore, #tpu.memory_space<semaphore_mem>>) src(%dma_wait3A_288 : memref<10112x32xf32, #tpu.memory_space<vmem_shared>>) dst(%dma_wait3A_282 : memref<128x32xf32, #tpu.memory_space<vmem>>)
      %add3A_291 = arith.constant 6 : i32
      %add3A_292 = arith.addi %add3A_48, %add3A_291 : i32
      %run_scoped3A_293 = arith.constant 6 : i32
      "tpu.region"() ({
        %run_scoped3A_311 = tpu.sem_alloc : memref<!tpu.dma_semaphore, #tpu.memory_space<semaphore_mem>>
        %dma_start3A_312 = arith.constant 0 : i32
        %dma_start3A_313 = arith.constant 0 : i32
        %dma_start3A_314 = tpu.memref_slice %arg10[%run_scoped3A_293, %dma_start3A_312, %dma_start3A_313] : memref<8x128x32xf32, #tpu.memory_space<vmem>> -> memref<1x128x32xf32, #tpu.memory_space<vmem>>
        %dma_start3A_315 = tpu.memref_squeeze %dma_start3A_314 : memref<1x128x32xf32, #tpu.memory_space<vmem>> -> memref<128x32xf32, #tpu.memory_space<vmem>>
        %dma_start3A_316 = arith.constant 0 : i32
        %dma_start3A_317 = tpu.memref_slice %arg9[%add3A_292, %dma_start3A_316] : memref<160x128xi32, #tpu.memory_space<vmem>> -> memref<1x128xi32, #tpu.memory_space<vmem>>
        %dma_start3A_318 = tpu.memref_squeeze %dma_start3A_317 : memref<1x128xi32, #tpu.memory_space<vmem>> -> memref<128xi32, #tpu.memory_space<vmem>>
        %dma_start3A_319 = arith.constant 0 : i32
        %dma_start3A_320 = arith.constant 0 : i32
        %dma_start3A_321 = tpu.memref_slice %arg11[%dma_start3A_319, %dma_start3A_320] : memref<10112x32xf32, #tpu.memory_space<vmem_shared>> -> memref<10112x32xf32, #tpu.memory_space<vmem_shared>>
        tpu.enqueue_indirect_dma source(%dma_start3A_315 : memref<128x32xf32, #tpu.memory_space<vmem>>) target(%dma_start3A_321 : memref<10112x32xf32, #tpu.memory_space<vmem_shared>>) offsets(%dma_start3A_318 : memref<128xi32, #tpu.memory_space<vmem>>) semaphore(%run_scoped3A_311 : memref<!tpu.dma_semaphore, #tpu.memory_space<semaphore_mem>>) {add = true}
        %dma_wait3A_322 = arith.constant 0 : i32
        %dma_wait3A_323 = arith.constant 0 : i32
        %dma_wait3A_324 = tpu.memref_slice %arg10[%run_scoped3A_293, %dma_wait3A_322, %dma_wait3A_323] : memref<8x128x32xf32, #tpu.memory_space<vmem>> -> memref<1x128x32xf32, #tpu.memory_space<vmem>>
        %dma_wait3A_325 = tpu.memref_squeeze %dma_wait3A_324 : memref<1x128x32xf32, #tpu.memory_space<vmem>> -> memref<128x32xf32, #tpu.memory_space<vmem>>
        %dma_wait3A_326 = arith.constant 0 : i32
        %dma_wait3A_327 = tpu.memref_slice %arg9[%add3A_292, %dma_wait3A_326] : memref<160x128xi32, #tpu.memory_space<vmem>> -> memref<1x128xi32, #tpu.memory_space<vmem>>
        %dma_wait3A_328 = tpu.memref_squeeze %dma_wait3A_327 : memref<1x128xi32, #tpu.memory_space<vmem>> -> memref<128xi32, #tpu.memory_space<vmem>>
        %dma_wait3A_329 = arith.constant 0 : i32
        %dma_wait3A_330 = arith.constant 0 : i32
        %dma_wait3A_331 = tpu.memref_slice %arg11[%dma_wait3A_329, %dma_wait3A_330] : memref<10112x32xf32, #tpu.memory_space<vmem_shared>> -> memref<10112x32xf32, #tpu.memory_space<vmem_shared>>
        tpu.wait_indirect_dma semaphore(%run_scoped3A_311 : memref<!tpu.dma_semaphore, #tpu.memory_space<semaphore_mem>>) src(%dma_wait3A_325 : memref<128x32xf32, #tpu.memory_space<vmem>>) dst(%dma_wait3A_331 : memref<10112x32xf32, #tpu.memory_space<vmem_shared>>)
        tpu.yield
      }) : () -> ()
      %dma_wait3A_294 = arith.constant 7 : i32
      %dma_wait3A_295 = arith.constant 7 : i32
      %dma_wait3A_296 = arith.constant 0 : i32
      %dma_wait3A_297 = arith.constant 0 : i32
      %dma_wait3A_298 = tpu.memref_slice %arg10[%dma_wait3A_294, %dma_wait3A_296, %dma_wait3A_297] : memref<8x128x32xf32, #tpu.memory_space<vmem>> -> memref<1x128x32xf32, #tpu.memory_space<vmem>>
      %dma_wait3A_299 = tpu.memref_squeeze %dma_wait3A_298 : memref<1x128x32xf32, #tpu.memory_space<vmem>> -> memref<128x32xf32, #tpu.memory_space<vmem>>
      %dma_wait3A_300 = arith.constant 0 : i32
      %dma_wait3A_301 = tpu.memref_slice %arg8[%add3A_161, %dma_wait3A_300] : memref<160x128xi32, #tpu.memory_space<vmem>> -> memref<1x128xi32, #tpu.memory_space<vmem>>
      %dma_wait3A_302 = tpu.memref_squeeze %dma_wait3A_301 : memref<1x128xi32, #tpu.memory_space<vmem>> -> memref<128xi32, #tpu.memory_space<vmem>>
      %dma_wait3A_303 = arith.constant 0 : i32
      %dma_wait3A_304 = arith.constant 0 : i32
      %dma_wait3A_305 = tpu.memref_slice %arg12[%dma_wait3A_303, %dma_wait3A_304] : memref<10112x32xf32, #tpu.memory_space<vmem_shared>> -> memref<10112x32xf32, #tpu.memory_space<vmem_shared>>
      %dma_wait3A_306 = tpu.memref_slice %arg13[%dma_wait3A_295] : memref<8x!tpu.dma_semaphore, #tpu.memory_space<semaphore_mem>> -> memref<1x!tpu.dma_semaphore, #tpu.memory_space<semaphore_mem>>
      %dma_wait3A_307 = tpu.memref_squeeze %dma_wait3A_306 : memref<1x!tpu.dma_semaphore, #tpu.memory_space<semaphore_mem>> -> memref<!tpu.dma_semaphore, #tpu.memory_space<semaphore_mem>>
      tpu.wait_indirect_dma semaphore(%dma_wait3A_307 : memref<!tpu.dma_semaphore, #tpu.memory_space<semaphore_mem>>) src(%dma_wait3A_305 : memref<10112x32xf32, #tpu.memory_space<vmem_shared>>) dst(%dma_wait3A_299 : memref<128x32xf32, #tpu.memory_space<vmem>>)
      %add3A_308 = arith.constant 7 : i32
      %add3A_309 = arith.addi %add3A_48, %add3A_308 : i32
      %run_scoped3A_310 = arith.constant 7 : i32
      "tpu.region"() ({
        %run_scoped3A_311 = tpu.sem_alloc : memref<!tpu.dma_semaphore, #tpu.memory_space<semaphore_mem>>
        %dma_start3A_312 = arith.constant 0 : i32
        %dma_start3A_313 = arith.constant 0 : i32
        %dma_start3A_314 = tpu.memref_slice %arg10[%run_scoped3A_310, %dma_start3A_312, %dma_start3A_313] : memref<8x128x32xf32, #tpu.memory_space<vmem>> -> memref<1x128x32xf32, #tpu.memory_space<vmem>>
        %dma_start3A_315 = tpu.memref_squeeze %dma_start3A_314 : memref<1x128x32xf32, #tpu.memory_space<vmem>> -> memref<128x32xf32, #tpu.memory_space<vmem>>
        %dma_start3A_316 = arith.constant 0 : i32
        %dma_start3A_317 = tpu.memref_slice %arg9[%add3A_309, %dma_start3A_316] : memref<160x128xi32, #tpu.memory_space<vmem>> -> memref<1x128xi32, #tpu.memory_space<vmem>>
        %dma_start3A_318 = tpu.memref_squeeze %dma_start3A_317 : memref<1x128xi32, #tpu.memory_space<vmem>> -> memref<128xi32, #tpu.memory_space<vmem>>
        %dma_start3A_319 = arith.constant 0 : i32
        %dma_start3A_320 = arith.constant 0 : i32
        %dma_start3A_321 = tpu.memref_slice %arg11[%dma_start3A_319, %dma_start3A_320] : memref<10112x32xf32, #tpu.memory_space<vmem_shared>> -> memref<10112x32xf32, #tpu.memory_space<vmem_shared>>
        tpu.enqueue_indirect_dma source(%dma_start3A_315 : memref<128x32xf32, #tpu.memory_space<vmem>>) target(%dma_start3A_321 : memref<10112x32xf32, #tpu.memory_space<vmem_shared>>) offsets(%dma_start3A_318 : memref<128xi32, #tpu.memory_space<vmem>>) semaphore(%run_scoped3A_311 : memref<!tpu.dma_semaphore, #tpu.memory_space<semaphore_mem>>) {add = true}
        %dma_wait3A_322 = arith.constant 0 : i32
        %dma_wait3A_323 = arith.constant 0 : i32
        %dma_wait3A_324 = tpu.memref_slice %arg10[%run_scoped3A_310, %dma_wait3A_322, %dma_wait3A_323] : memref<8x128x32xf32, #tpu.memory_space<vmem>> -> memref<1x128x32xf32, #tpu.memory_space<vmem>>
        %dma_wait3A_325 = tpu.memref_squeeze %dma_wait3A_324 : memref<1x128x32xf32, #tpu.memory_space<vmem>> -> memref<128x32xf32, #tpu.memory_space<vmem>>
        %dma_wait3A_326 = arith.constant 0 : i32
        %dma_wait3A_327 = tpu.memref_slice %arg9[%add3A_309, %dma_wait3A_326] : memref<160x128xi32, #tpu.memory_space<vmem>> -> memref<1x128xi32, #tpu.memory_space<vmem>>
        %dma_wait3A_328 = tpu.memref_squeeze %dma_wait3A_327 : memref<1x128xi32, #tpu.memory_space<vmem>> -> memref<128xi32, #tpu.memory_space<vmem>>
        %dma_wait3A_329 = arith.constant 0 : i32
        %dma_wait3A_330 = arith.constant 0 : i32
        %dma_wait3A_331 = tpu.memref_slice %arg11[%dma_wait3A_329, %dma_wait3A_330] : memref<10112x32xf32, #tpu.memory_space<vmem_shared>> -> memref<10112x32xf32, #tpu.memory_space<vmem_shared>>
        tpu.wait_indirect_dma semaphore(%run_scoped3A_311 : memref<!tpu.dma_semaphore, #tpu.memory_space<semaphore_mem>>) src(%dma_wait3A_325 : memref<128x32xf32, #tpu.memory_space<vmem>>) dst(%dma_wait3A_331 : memref<10112x32xf32, #tpu.memory_space<vmem_shared>>)
        tpu.yield
      }) : () -> ()
    }
    %scan3A_30 = arith.constant 20 : i32
    %barrier3A_31 = arith.constant 0 : index
    tpu.barrier barrier_id(%barrier3A_31)
    %mul3A_32 = arith.constant 632 : i32
    %mul3A_33 = arith.muli %arg1, %mul3A_32 : i32
    %eq3A_34 = arith.constant 0 : i32
    %eq3A_35 = arith.cmpi eq, %arg0, %eq3A_34 : i32
    %convert_element_type3A_36 = arith.extui %eq3A_35 : i1 to i32
    %cond3A_37 = arith.constant 0 : i32
    %cond3A_38 = arith.cmpi ne, %convert_element_type3A_36, %cond3A_37 : i32
    scf.if %cond3A_38 {
      %lt3A = arith.constant 15 : i32
      %lt3A_44 = arith.cmpi slt, %arg1, %lt3A : i32
      %convert_element_type3A_45 = arith.extui %lt3A_44 : i1 to i32
      %cond3A_46 = arith.constant 0 : i32
      %cond3A_47 = arith.cmpi ne, %convert_element_type3A_45, %cond3A_46 : i32
      scf.if %cond3A_47 {
        "tpu.region"() ({
          %run_scoped3A_53 = tpu.sem_alloc : memref<!tpu.dma_semaphore, #tpu.memory_space<semaphore_mem>>
          %dma_start3A = arith.constant 0 : i32
          %dma_start3A_54 = tpu.memref_slice %arg6[%mul3A_33, %dma_start3A] : memref<10000x32xf32, #tpu.memory_space<hbm>> -> memref<632x32xf32, #tpu.memory_space<hbm>>
          %dma_start3A_55 = arith.constant 0 : i32
          %dma_start3A_56 = tpu.memref_slice %arg11[%mul3A_33, %dma_start3A_55] : memref<10112x32xf32, #tpu.memory_space<vmem_shared>> -> memref<632x32xf32, #tpu.memory_space<vmem_shared>>
          tpu.enqueue_dma source(%dma_start3A_56 : memref<632x32xf32, #tpu.memory_space<vmem_shared>>) target(%dma_start3A_54 : memref<632x32xf32, #tpu.memory_space<hbm>>) target_semaphore(%run_scoped3A_53 : memref<!tpu.dma_semaphore, #tpu.memory_space<semaphore_mem>>)
          %dma_wait3A = arith.constant 0 : i32
          %dma_wait3A_57 = tpu.memref_slice %arg6[%mul3A_33, %dma_wait3A] : memref<10000x32xf32, #tpu.memory_space<hbm>> -> memref<632x32xf32, #tpu.memory_space<hbm>>
          %dma_wait3A_58 = arith.constant 0 : i32
          %dma_wait3A_59 = tpu.memref_slice %arg11[%mul3A_33, %dma_wait3A_58] : memref<10112x32xf32, #tpu.memory_space<vmem_shared>> -> memref<632x32xf32, #tpu.memory_space<vmem_shared>>
          tpu.wait_dma2 semaphore(%run_scoped3A_53 : memref<!tpu.dma_semaphore, #tpu.memory_space<semaphore_mem>>) src(%dma_wait3A_59 : memref<632x32xf32, #tpu.memory_space<vmem_shared>>) dst(%dma_wait3A_57 : memref<632x32xf32, #tpu.memory_space<hbm>>)
          tpu.yield
        }) : () -> ()
      } else {
      }
      %eq3A_48 = arith.constant 15 : i32
      %eq3A_49 = arith.cmpi eq, %arg1, %eq3A_48 : i32
      %convert_element_type3A_50 = arith.extui %eq3A_49 : i1 to i32
      %cond3A_51 = arith.constant 0 : i32
      %cond3A_52 = arith.cmpi ne, %convert_element_type3A_50, %cond3A_51 : i32
      scf.if %cond3A_52 {
        "tpu.region"() ({
          %run_scoped3A_53 = tpu.sem_alloc : memref<!tpu.dma_semaphore, #tpu.memory_space<semaphore_mem>>
          %dma_start3A = arith.constant 0 : i32
          %dma_start3A_54 = tpu.memref_slice %arg6[%mul3A_33, %dma_start3A] : memref<10000x32xf32, #tpu.memory_space<hbm>> -> memref<520x32xf32, #tpu.memory_space<hbm>>
          %dma_start3A_55 = arith.constant 0 : i32
          %dma_start3A_56 = tpu.memref_slice %arg11[%mul3A_33, %dma_start3A_55] : memref<10112x32xf32, #tpu.memory_space<vmem_shared>> -> memref<520x32xf32, #tpu.memory_space<vmem_shared>>
          tpu.enqueue_dma source(%dma_start3A_56 : memref<520x32xf32, #tpu.memory_space<vmem_shared>>) target(%dma_start3A_54 : memref<520x32xf32, #tpu.memory_space<hbm>>) target_semaphore(%run_scoped3A_53 : memref<!tpu.dma_semaphore, #tpu.memory_space<semaphore_mem>>)
          %dma_wait3A = arith.constant 0 : i32
          %dma_wait3A_57 = tpu.memref_slice %arg6[%mul3A_33, %dma_wait3A] : memref<10000x32xf32, #tpu.memory_space<hbm>> -> memref<520x32xf32, #tpu.memory_space<hbm>>
          %dma_wait3A_58 = arith.constant 0 : i32
          %dma_wait3A_59 = tpu.memref_slice %arg11[%mul3A_33, %dma_wait3A_58] : memref<10112x32xf32, #tpu.memory_space<vmem_shared>> -> memref<520x32xf32, #tpu.memory_space<vmem_shared>>
          tpu.wait_dma2 semaphore(%run_scoped3A_53 : memref<!tpu.dma_semaphore, #tpu.memory_space<semaphore_mem>>) src(%dma_wait3A_59 : memref<520x32xf32, #tpu.memory_space<vmem_shared>>) dst(%dma_wait3A_57 : memref<520x32xf32, #tpu.memory_space<hbm>>)
          tpu.yield
        }) : () -> ()
      } else {
      }
    } else {
    }
    %eq3A_39 = arith.constant 1 : i32
    %eq3A_40 = arith.cmpi eq, %arg0, %eq3A_39 : i32
    %convert_element_type3A_41 = arith.extui %eq3A_40 : i1 to i32
    %cond3A_42 = arith.constant 0 : i32
    %cond3A_43 = arith.cmpi ne, %convert_element_type3A_41, %cond3A_42 : i32
    scf.if %cond3A_43 {
      %lt3A = arith.constant 15 : i32
      %lt3A_44 = arith.cmpi slt, %arg1, %lt3A : i32
      %convert_element_type3A_45 = arith.extui %lt3A_44 : i1 to i32
      %cond3A_46 = arith.constant 0 : i32
      %cond3A_47 = arith.cmpi ne, %convert_element_type3A_45, %cond3A_46 : i32
      scf.if %cond3A_47 {
        "tpu.region"() ({
          %run_scoped3A_53 = tpu.sem_alloc : memref<!tpu.dma_semaphore, #tpu.memory_space<semaphore_mem>>
          %dma_start3A = arith.constant 0 : i32
          %dma_start3A_54 = tpu.memref_slice %arg7[%mul3A_33, %dma_start3A] : memref<10000x32xf32, #tpu.memory_space<hbm>> -> memref<632x32xf32, #tpu.memory_space<hbm>>
          %dma_start3A_55 = arith.constant 0 : i32
          %dma_start3A_56 = tpu.memref_slice %arg11[%mul3A_33, %dma_start3A_55] : memref<10112x32xf32, #tpu.memory_space<vmem_shared>> -> memref<632x32xf32, #tpu.memory_space<vmem_shared>>
          tpu.enqueue_dma source(%dma_start3A_56 : memref<632x32xf32, #tpu.memory_space<vmem_shared>>) target(%dma_start3A_54 : memref<632x32xf32, #tpu.memory_space<hbm>>) target_semaphore(%run_scoped3A_53 : memref<!tpu.dma_semaphore, #tpu.memory_space<semaphore_mem>>)
          %dma_wait3A = arith.constant 0 : i32
          %dma_wait3A_57 = tpu.memref_slice %arg7[%mul3A_33, %dma_wait3A] : memref<10000x32xf32, #tpu.memory_space<hbm>> -> memref<632x32xf32, #tpu.memory_space<hbm>>
          %dma_wait3A_58 = arith.constant 0 : i32
          %dma_wait3A_59 = tpu.memref_slice %arg11[%mul3A_33, %dma_wait3A_58] : memref<10112x32xf32, #tpu.memory_space<vmem_shared>> -> memref<632x32xf32, #tpu.memory_space<vmem_shared>>
          tpu.wait_dma2 semaphore(%run_scoped3A_53 : memref<!tpu.dma_semaphore, #tpu.memory_space<semaphore_mem>>) src(%dma_wait3A_59 : memref<632x32xf32, #tpu.memory_space<vmem_shared>>) dst(%dma_wait3A_57 : memref<632x32xf32, #tpu.memory_space<hbm>>)
          tpu.yield
        }) : () -> ()
      } else {
      }
      %eq3A_48 = arith.constant 15 : i32
      %eq3A_49 = arith.cmpi eq, %arg1, %eq3A_48 : i32
      %convert_element_type3A_50 = arith.extui %eq3A_49 : i1 to i32
      %cond3A_51 = arith.constant 0 : i32
      %cond3A_52 = arith.cmpi ne, %convert_element_type3A_50, %cond3A_51 : i32
      scf.if %cond3A_52 {
        "tpu.region"() ({
          %run_scoped3A_53 = tpu.sem_alloc : memref<!tpu.dma_semaphore, #tpu.memory_space<semaphore_mem>>
          %dma_start3A = arith.constant 0 : i32
          %dma_start3A_54 = tpu.memref_slice %arg7[%mul3A_33, %dma_start3A] : memref<10000x32xf32, #tpu.memory_space<hbm>> -> memref<520x32xf32, #tpu.memory_space<hbm>>
          %dma_start3A_55 = arith.constant 0 : i32
          %dma_start3A_56 = tpu.memref_slice %arg11[%mul3A_33, %dma_start3A_55] : memref<10112x32xf32, #tpu.memory_space<vmem_shared>> -> memref<520x32xf32, #tpu.memory_space<vmem_shared>>
          tpu.enqueue_dma source(%dma_start3A_56 : memref<520x32xf32, #tpu.memory_space<vmem_shared>>) target(%dma_start3A_54 : memref<520x32xf32, #tpu.memory_space<hbm>>) target_semaphore(%run_scoped3A_53 : memref<!tpu.dma_semaphore, #tpu.memory_space<semaphore_mem>>)
          %dma_wait3A = arith.constant 0 : i32
          %dma_wait3A_57 = tpu.memref_slice %arg7[%mul3A_33, %dma_wait3A] : memref<10000x32xf32, #tpu.memory_space<hbm>> -> memref<520x32xf32, #tpu.memory_space<hbm>>
          %dma_wait3A_58 = arith.constant 0 : i32
          %dma_wait3A_59 = tpu.memref_slice %arg11[%mul3A_33, %dma_wait3A_58] : memref<10112x32xf32, #tpu.memory_space<vmem_shared>> -> memref<520x32xf32, #tpu.memory_space<vmem_shared>>
          tpu.wait_dma2 semaphore(%run_scoped3A_53 : memref<!tpu.dma_semaphore, #tpu.memory_space<semaphore_mem>>) src(%dma_wait3A_59 : memref<520x32xf32, #tpu.memory_space<vmem_shared>>) dst(%dma_wait3A_57 : memref<520x32xf32, #tpu.memory_space<hbm>>)
          tpu.yield
        }) : () -> ()
      } else {
      }
    } else {
    }
    return
  }
}

#map = affine_map<(d0, d1) -> (0, 0, 0)>
#map1 = affine_map<(d0, d1) -> (0, 0)>
module attributes {stable_mosaic.version = 14 : i64} {
  func.func @cnt(%arg0: i32, %arg1: i32, %arg2: memref<32x80x128xi32, #tpu.memory_space<hbm>>, %arg3: memref<10000x16xf32, #tpu.memory_space<hbm>>, %arg4: memref<10000x16xf32, #tpu.memory_space<hbm>>, %arg5: memref<80x128xi32, #tpu.memory_space<vmem>>, %arg6: memref<128x16xf32, #tpu.memory_space<vmem>>, %arg7: memref<10112x16xf32, #tpu.memory_space<vmem_shared>>, %arg8: memref<!tpu.dma_semaphore, #tpu.memory_space<semaphore_mem>>) attributes {dimension_semantics = [#tpu.dimension_semantics<core_parallel>, #tpu.dimension_semantics<subcore_parallel>], iteration_bounds = array<i64: 2, 16>, scalar_prefetch = 0 : i64, scratch_operands = 4 : i64, tpu.core_type = #tpu.core_type<sc_vector_subcore>, window_params = [{transform_indices = #map}, {transform_indices = #map1}, {transform_indices = #map1}]} {
    %mul3A = arith.constant 16 : i32
    %mul3A_0 = arith.muli %arg0, %mul3A : i32
    %add3A = arith.addi %mul3A_0, %arg1 : i32
    "tpu.region"() ({
      %run_scoped3A = tpu.sem_alloc : memref<!tpu.dma_semaphore, #tpu.memory_space<semaphore_mem>>
      %dma_start3A = arith.constant 0 : i32
      %dma_start3A_37 = arith.constant 0 : i32
      %dma_start3A_38 = tpu.memref_slice %arg2[%add3A, %dma_start3A, %dma_start3A_37] : memref<32x80x128xi32, #tpu.memory_space<hbm>> -> memref<1x80x128xi32, #tpu.memory_space<hbm>>
      %dma_start3A_39 = tpu.memref_squeeze %dma_start3A_38 : memref<1x80x128xi32, #tpu.memory_space<hbm>> -> memref<80x128xi32, #tpu.memory_space<hbm>>
      %dma_start3A_40 = arith.constant 0 : i32
      %dma_start3A_41 = arith.constant 0 : i32
      %dma_start3A_42 = tpu.memref_slice %arg2[%add3A, %dma_start3A_40, %dma_start3A_41] : memref<32x80x128xi32, #tpu.memory_space<hbm>> -> memref<1x80x128xi32, #tpu.memory_space<hbm>>
      %dma_start3A_43 = tpu.memref_squeeze %dma_start3A_42 : memref<1x80x128xi32, #tpu.memory_space<hbm>> -> memref<80x128xi32, #tpu.memory_space<hbm>>
      tpu.enqueue_dma source(%dma_start3A_43 : memref<80x128xi32, #tpu.memory_space<hbm>>) target(%arg5 : memref<80x128xi32, #tpu.memory_space<vmem>>) target_semaphore(%run_scoped3A : memref<!tpu.dma_semaphore, #tpu.memory_space<semaphore_mem>>)
      %dma_wait3A = arith.constant 0 : i32
      %dma_wait3A_44 = arith.constant 0 : i32
      %dma_wait3A_45 = tpu.memref_slice %arg2[%add3A, %dma_wait3A, %dma_wait3A_44] : memref<32x80x128xi32, #tpu.memory_space<hbm>> -> memref<1x80x128xi32, #tpu.memory_space<hbm>>
      %dma_wait3A_46 = tpu.memref_squeeze %dma_wait3A_45 : memref<1x80x128xi32, #tpu.memory_space<hbm>> -> memref<80x128xi32, #tpu.memory_space<hbm>>
      %dma_wait3A_47 = arith.constant 0 : i32
      %dma_wait3A_48 = arith.constant 0 : i32
      %dma_wait3A_49 = tpu.memref_slice %arg2[%add3A, %dma_wait3A_47, %dma_wait3A_48] : memref<32x80x128xi32, #tpu.memory_space<hbm>> -> memref<1x80x128xi32, #tpu.memory_space<hbm>>
      %dma_wait3A_50 = tpu.memref_squeeze %dma_wait3A_49 : memref<1x80x128xi32, #tpu.memory_space<hbm>> -> memref<80x128xi32, #tpu.memory_space<hbm>>
      tpu.wait_dma2 semaphore(%run_scoped3A : memref<!tpu.dma_semaphore, #tpu.memory_space<semaphore_mem>>) src(%dma_wait3A_50 : memref<80x128xi32, #tpu.memory_space<hbm>>) dst(%arg5 : memref<80x128xi32, #tpu.memory_space<vmem>>)
      tpu.yield
    }) : () -> ()
    %scan3A = arith.constant 0 : i32
    %scan3A_1 = arith.constant 128 : i32
    %scan3A_2 = arith.addi %scan3A, %scan3A_1 : i32
    %scan3A_3 = arith.constant 1 : i32
    scf.for %scan3A_37 = %scan3A to %scan3A_2 step %scan3A_3  : i32 {
      %mul3A_38 = arith.constant 1 : i32
      %mul3A_39 = arith.muli %scan3A_37, %mul3A_38 : i32
      %add3A_40 = arith.constant 0 : i32
      %add3A_41 = arith.addi %add3A_40, %mul3A_39 : i32
      %scan3A_42 = arith.constant 0 : i32
      %mul3A_43 = arith.constant 1 : i32
      %mul3A_44 = arith.muli %scan3A_42, %mul3A_43 : i32
      %add3A_45 = arith.constant 0 : i32
      %add3A_46 = arith.addi %add3A_45, %mul3A_44 : i32
      %broadcast_in_dim3A = arith.constant 0.000000e+00 : f32
      %broadcast_in_dim3A_47 = vector.broadcast %broadcast_in_dim3A : f32 to vector<16xf32>
      %mul3A_48 = arith.constant 16 : i32
      %mul3A_49 = arith.muli %add3A_46, %mul3A_48 : i32
      %swap3A = arith.index_cast %add3A_41 : i32 to index
      %swap3A_50 = arith.index_cast %mul3A_49 : i32 to index
      %swap3A_51 = tpu.vector_load %arg6[%swap3A, %swap3A_50] {strides = array<i32>} : memref<128x16xf32, #tpu.memory_space<vmem>>, vector<1x16xf32>,
      %swap3A_52 = vector.shape_cast %swap3A_51 : vector<1x16xf32> to vector<16xf32>
      %swap3A_53 = vector.shape_cast %broadcast_in_dim3A_47 : vector<16xf32> to vector<1x16xf32>
      tpu.vector_store %arg6[%swap3A, %swap3A_50], %swap3A_53 {strides = array<i32>} : memref<128x16xf32, #tpu.memory_space<vmem>>, vector<1x16xf32>,
      %scan3A_54 = arith.constant 1 : i32
    }
    %scan3A_4 = arith.constant 128 : i32
    %mul3A_5 = arith.constant 632 : i32
    %mul3A_6 = arith.muli %arg1, %mul3A_5 : i32
    %add3A_7 = arith.constant 0 : i32
    %add3A_8 = arith.addi %mul3A_6, %add3A_7 : i32
    "tpu.region"() ({
      %run_scoped3A = tpu.sem_alloc : memref<!tpu.dma_semaphore, #tpu.memory_space<semaphore_mem>>
      %dma_start3A = arith.constant 0 : i32
      %dma_start3A_37 = arith.constant 0 : i32
      %dma_start3A_38 = tpu.memref_slice %arg6[%dma_start3A, %dma_start3A_37] : memref<128x16xf32, #tpu.memory_space<vmem>> -> memref<128x16xf32, #tpu.memory_space<vmem>>
      %dma_start3A_39 = arith.constant 0 : i32
      %dma_start3A_40 = tpu.memref_slice %arg7[%add3A_8, %dma_start3A_39] : memref<10112x16xf32, #tpu.memory_space<vmem_shared>> -> memref<128x16xf32, #tpu.memory_space<vmem_shared>>
      %dma_start3A_41 = arith.constant 0 : i32
      %dma_start3A_42 = tpu.memref_slice %arg7[%add3A_8, %dma_start3A_41] : memref<10112x16xf32, #tpu.memory_space<vmem_shared>> -> memref<128x16xf32, #tpu.memory_space<vmem_shared>>
      %dma_start3A_43 = arith.constant 0 : i32
      %dma_start3A_44 = arith.constant 0 : i32
      %dma_start3A_45 = tpu.memref_slice %arg6[%dma_start3A_43, %dma_start3A_44] : memref<128x16xf32, #tpu.memory_space<vmem>> -> memref<128x16xf32, #tpu.memory_space<vmem>>
      tpu.enqueue_dma source(%dma_start3A_45 : memref<128x16xf32, #tpu.memory_space<vmem>>) target(%dma_start3A_42 : memref<128x16xf32, #tpu.memory_space<vmem_shared>>) target_semaphore(%run_scoped3A : memref<!tpu.dma_semaphore, #tpu.memory_space<semaphore_mem>>)
      %dma_wait3A = arith.constant 0 : i32
      %dma_wait3A_46 = arith.constant 0 : i32
      %dma_wait3A_47 = tpu.memref_slice %arg6[%dma_wait3A, %dma_wait3A_46] : memref<128x16xf32, #tpu.memory_space<vmem>> -> memref<128x16xf32, #tpu.memory_space<vmem>>
      %dma_wait3A_48 = arith.constant 0 : i32
      %dma_wait3A_49 = tpu.memref_slice %arg7[%add3A_8, %dma_wait3A_48] : memref<10112x16xf32, #tpu.memory_space<vmem_shared>> -> memref<128x16xf32, #tpu.memory_space<vmem_shared>>
      %dma_wait3A_50 = arith.constant 0 : i32
      %dma_wait3A_51 = tpu.memref_slice %arg7[%add3A_8, %dma_wait3A_50] : memref<10112x16xf32, #tpu.memory_space<vmem_shared>> -> memref<128x16xf32, #tpu.memory_space<vmem_shared>>
      %dma_wait3A_52 = arith.constant 0 : i32
      %dma_wait3A_53 = arith.constant 0 : i32
      %dma_wait3A_54 = tpu.memref_slice %arg6[%dma_wait3A_52, %dma_wait3A_53] : memref<128x16xf32, #tpu.memory_space<vmem>> -> memref<128x16xf32, #tpu.memory_space<vmem>>
      tpu.wait_dma2 semaphore(%run_scoped3A : memref<!tpu.dma_semaphore, #tpu.memory_space<semaphore_mem>>) src(%dma_wait3A_54 : memref<128x16xf32, #tpu.memory_space<vmem>>) dst(%dma_wait3A_51 : memref<128x16xf32, #tpu.memory_space<vmem_shared>>)
      tpu.yield
    }) : () -> ()
    %add3A_9 = arith.constant 128 : i32
    %add3A_10 = arith.addi %mul3A_6, %add3A_9 : i32
    "tpu.region"() ({
      %run_scoped3A = tpu.sem_alloc : memref<!tpu.dma_semaphore, #tpu.memory_space<semaphore_mem>>
      %dma_start3A = arith.constant 0 : i32
      %dma_start3A_37 = arith.constant 0 : i32
      %dma_start3A_38 = tpu.memref_slice %arg6[%dma_start3A, %dma_start3A_37] : memref<128x16xf32, #tpu.memory_space<vmem>> -> memref<128x16xf32, #tpu.memory_space<vmem>>
      %dma_start3A_39 = arith.constant 0 : i32
      %dma_start3A_40 = tpu.memref_slice %arg7[%add3A_10, %dma_start3A_39] : memref<10112x16xf32, #tpu.memory_space<vmem_shared>> -> memref<128x16xf32, #tpu.memory_space<vmem_shared>>
      %dma_start3A_41 = arith.constant 0 : i32
      %dma_start3A_42 = tpu.memref_slice %arg7[%add3A_10, %dma_start3A_41] : memref<10112x16xf32, #tpu.memory_space<vmem_shared>> -> memref<128x16xf32, #tpu.memory_space<vmem_shared>>
      %dma_start3A_43 = arith.constant 0 : i32
      %dma_start3A_44 = arith.constant 0 : i32
      %dma_start3A_45 = tpu.memref_slice %arg6[%dma_start3A_43, %dma_start3A_44] : memref<128x16xf32, #tpu.memory_space<vmem>> -> memref<128x16xf32, #tpu.memory_space<vmem>>
      tpu.enqueue_dma source(%dma_start3A_45 : memref<128x16xf32, #tpu.memory_space<vmem>>) target(%dma_start3A_42 : memref<128x16xf32, #tpu.memory_space<vmem_shared>>) target_semaphore(%run_scoped3A : memref<!tpu.dma_semaphore, #tpu.memory_space<semaphore_mem>>)
      %dma_wait3A = arith.constant 0 : i32
      %dma_wait3A_46 = arith.constant 0 : i32
      %dma_wait3A_47 = tpu.memref_slice %arg6[%dma_wait3A, %dma_wait3A_46] : memref<128x16xf32, #tpu.memory_space<vmem>> -> memref<128x16xf32, #tpu.memory_space<vmem>>
      %dma_wait3A_48 = arith.constant 0 : i32
      %dma_wait3A_49 = tpu.memref_slice %arg7[%add3A_10, %dma_wait3A_48] : memref<10112x16xf32, #tpu.memory_space<vmem_shared>> -> memref<128x16xf32, #tpu.memory_space<vmem_shared>>
      %dma_wait3A_50 = arith.constant 0 : i32
      %dma_wait3A_51 = tpu.memref_slice %arg7[%add3A_10, %dma_wait3A_50] : memref<10112x16xf32, #tpu.memory_space<vmem_shared>> -> memref<128x16xf32, #tpu.memory_space<vmem_shared>>
      %dma_wait3A_52 = arith.constant 0 : i32
      %dma_wait3A_53 = arith.constant 0 : i32
      %dma_wait3A_54 = tpu.memref_slice %arg6[%dma_wait3A_52, %dma_wait3A_53] : memref<128x16xf32, #tpu.memory_space<vmem>> -> memref<128x16xf32, #tpu.memory_space<vmem>>
      tpu.wait_dma2 semaphore(%run_scoped3A : memref<!tpu.dma_semaphore, #tpu.memory_space<semaphore_mem>>) src(%dma_wait3A_54 : memref<128x16xf32, #tpu.memory_space<vmem>>) dst(%dma_wait3A_51 : memref<128x16xf32, #tpu.memory_space<vmem_shared>>)
      tpu.yield
    }) : () -> ()
    %add3A_11 = arith.constant 256 : i32
    %add3A_12 = arith.addi %mul3A_6, %add3A_11 : i32
    "tpu.region"() ({
      %run_scoped3A = tpu.sem_alloc : memref<!tpu.dma_semaphore, #tpu.memory_space<semaphore_mem>>
      %dma_start3A = arith.constant 0 : i32
      %dma_start3A_37 = arith.constant 0 : i32
      %dma_start3A_38 = tpu.memref_slice %arg6[%dma_start3A, %dma_start3A_37] : memref<128x16xf32, #tpu.memory_space<vmem>> -> memref<128x16xf32, #tpu.memory_space<vmem>>
      %dma_start3A_39 = arith.constant 0 : i32
      %dma_start3A_40 = tpu.memref_slice %arg7[%add3A_12, %dma_start3A_39] : memref<10112x16xf32, #tpu.memory_space<vmem_shared>> -> memref<128x16xf32, #tpu.memory_space<vmem_shared>>
      %dma_start3A_41 = arith.constant 0 : i32
      %dma_start3A_42 = tpu.memref_slice %arg7[%add3A_12, %dma_start3A_41] : memref<10112x16xf32, #tpu.memory_space<vmem_shared>> -> memref<128x16xf32, #tpu.memory_space<vmem_shared>>
      %dma_start3A_43 = arith.constant 0 : i32
      %dma_start3A_44 = arith.constant 0 : i32
      %dma_start3A_45 = tpu.memref_slice %arg6[%dma_start3A_43, %dma_start3A_44] : memref<128x16xf32, #tpu.memory_space<vmem>> -> memref<128x16xf32, #tpu.memory_space<vmem>>
      tpu.enqueue_dma source(%dma_start3A_45 : memref<128x16xf32, #tpu.memory_space<vmem>>) target(%dma_start3A_42 : memref<128x16xf32, #tpu.memory_space<vmem_shared>>) target_semaphore(%run_scoped3A : memref<!tpu.dma_semaphore, #tpu.memory_space<semaphore_mem>>)
      %dma_wait3A = arith.constant 0 : i32
      %dma_wait3A_46 = arith.constant 0 : i32
      %dma_wait3A_47 = tpu.memref_slice %arg6[%dma_wait3A, %dma_wait3A_46] : memref<128x16xf32, #tpu.memory_space<vmem>> -> memref<128x16xf32, #tpu.memory_space<vmem>>
      %dma_wait3A_48 = arith.constant 0 : i32
      %dma_wait3A_49 = tpu.memref_slice %arg7[%add3A_12, %dma_wait3A_48] : memref<10112x16xf32, #tpu.memory_space<vmem_shared>> -> memref<128x16xf32, #tpu.memory_space<vmem_shared>>
      %dma_wait3A_50 = arith.constant 0 : i32
      %dma_wait3A_51 = tpu.memref_slice %arg7[%add3A_12, %dma_wait3A_50] : memref<10112x16xf32, #tpu.memory_space<vmem_shared>> -> memref<128x16xf32, #tpu.memory_space<vmem_shared>>
      %dma_wait3A_52 = arith.constant 0 : i32
      %dma_wait3A_53 = arith.constant 0 : i32
      %dma_wait3A_54 = tpu.memref_slice %arg6[%dma_wait3A_52, %dma_wait3A_53] : memref<128x16xf32, #tpu.memory_space<vmem>> -> memref<128x16xf32, #tpu.memory_space<vmem>>
      tpu.wait_dma2 semaphore(%run_scoped3A : memref<!tpu.dma_semaphore, #tpu.memory_space<semaphore_mem>>) src(%dma_wait3A_54 : memref<128x16xf32, #tpu.memory_space<vmem>>) dst(%dma_wait3A_51 : memref<128x16xf32, #tpu.memory_space<vmem_shared>>)
      tpu.yield
    }) : () -> ()
    %add3A_13 = arith.constant 384 : i32
    %add3A_14 = arith.addi %mul3A_6, %add3A_13 : i32
    "tpu.region"() ({
      %run_scoped3A = tpu.sem_alloc : memref<!tpu.dma_semaphore, #tpu.memory_space<semaphore_mem>>
      %dma_start3A = arith.constant 0 : i32
      %dma_start3A_37 = arith.constant 0 : i32
      %dma_start3A_38 = tpu.memref_slice %arg6[%dma_start3A, %dma_start3A_37] : memref<128x16xf32, #tpu.memory_space<vmem>> -> memref<128x16xf32, #tpu.memory_space<vmem>>
      %dma_start3A_39 = arith.constant 0 : i32
      %dma_start3A_40 = tpu.memref_slice %arg7[%add3A_14, %dma_start3A_39] : memref<10112x16xf32, #tpu.memory_space<vmem_shared>> -> memref<128x16xf32, #tpu.memory_space<vmem_shared>>
      %dma_start3A_41 = arith.constant 0 : i32
      %dma_start3A_42 = tpu.memref_slice %arg7[%add3A_14, %dma_start3A_41] : memref<10112x16xf32, #tpu.memory_space<vmem_shared>> -> memref<128x16xf32, #tpu.memory_space<vmem_shared>>
      %dma_start3A_43 = arith.constant 0 : i32
      %dma_start3A_44 = arith.constant 0 : i32
      %dma_start3A_45 = tpu.memref_slice %arg6[%dma_start3A_43, %dma_start3A_44] : memref<128x16xf32, #tpu.memory_space<vmem>> -> memref<128x16xf32, #tpu.memory_space<vmem>>
      tpu.enqueue_dma source(%dma_start3A_45 : memref<128x16xf32, #tpu.memory_space<vmem>>) target(%dma_start3A_42 : memref<128x16xf32, #tpu.memory_space<vmem_shared>>) target_semaphore(%run_scoped3A : memref<!tpu.dma_semaphore, #tpu.memory_space<semaphore_mem>>)
      %dma_wait3A = arith.constant 0 : i32
      %dma_wait3A_46 = arith.constant 0 : i32
      %dma_wait3A_47 = tpu.memref_slice %arg6[%dma_wait3A, %dma_wait3A_46] : memref<128x16xf32, #tpu.memory_space<vmem>> -> memref<128x16xf32, #tpu.memory_space<vmem>>
      %dma_wait3A_48 = arith.constant 0 : i32
      %dma_wait3A_49 = tpu.memref_slice %arg7[%add3A_14, %dma_wait3A_48] : memref<10112x16xf32, #tpu.memory_space<vmem_shared>> -> memref<128x16xf32, #tpu.memory_space<vmem_shared>>
      %dma_wait3A_50 = arith.constant 0 : i32
      %dma_wait3A_51 = tpu.memref_slice %arg7[%add3A_14, %dma_wait3A_50] : memref<10112x16xf32, #tpu.memory_space<vmem_shared>> -> memref<128x16xf32, #tpu.memory_space<vmem_shared>>
      %dma_wait3A_52 = arith.constant 0 : i32
      %dma_wait3A_53 = arith.constant 0 : i32
      %dma_wait3A_54 = tpu.memref_slice %arg6[%dma_wait3A_52, %dma_wait3A_53] : memref<128x16xf32, #tpu.memory_space<vmem>> -> memref<128x16xf32, #tpu.memory_space<vmem>>
      tpu.wait_dma2 semaphore(%run_scoped3A : memref<!tpu.dma_semaphore, #tpu.memory_space<semaphore_mem>>) src(%dma_wait3A_54 : memref<128x16xf32, #tpu.memory_space<vmem>>) dst(%dma_wait3A_51 : memref<128x16xf32, #tpu.memory_space<vmem_shared>>)
      tpu.yield
    }) : () -> ()
    %add3A_15 = arith.constant 512 : i32
    %add3A_16 = arith.addi %mul3A_6, %add3A_15 : i32
    "tpu.region"() ({
      %run_scoped3A = tpu.sem_alloc : memref<!tpu.dma_semaphore, #tpu.memory_space<semaphore_mem>>
      %dma_start3A = arith.constant 0 : i32
      %dma_start3A_37 = arith.constant 0 : i32
      %dma_start3A_38 = tpu.memref_slice %arg6[%dma_start3A, %dma_start3A_37] : memref<128x16xf32, #tpu.memory_space<vmem>> -> memref<120x16xf32, #tpu.memory_space<vmem>>
      %dma_start3A_39 = arith.constant 0 : i32
      %dma_start3A_40 = tpu.memref_slice %arg7[%add3A_16, %dma_start3A_39] : memref<10112x16xf32, #tpu.memory_space<vmem_shared>> -> memref<120x16xf32, #tpu.memory_space<vmem_shared>>
      %dma_start3A_41 = arith.constant 0 : i32
      %dma_start3A_42 = tpu.memref_slice %arg7[%add3A_16, %dma_start3A_41] : memref<10112x16xf32, #tpu.memory_space<vmem_shared>> -> memref<120x16xf32, #tpu.memory_space<vmem_shared>>
      %dma_start3A_43 = arith.constant 0 : i32
      %dma_start3A_44 = arith.constant 0 : i32
      %dma_start3A_45 = tpu.memref_slice %arg6[%dma_start3A_43, %dma_start3A_44] : memref<128x16xf32, #tpu.memory_space<vmem>> -> memref<120x16xf32, #tpu.memory_space<vmem>>
      tpu.enqueue_dma source(%dma_start3A_45 : memref<120x16xf32, #tpu.memory_space<vmem>>) target(%dma_start3A_42 : memref<120x16xf32, #tpu.memory_space<vmem_shared>>) target_semaphore(%run_scoped3A : memref<!tpu.dma_semaphore, #tpu.memory_space<semaphore_mem>>)
      %dma_wait3A = arith.constant 0 : i32
      %dma_wait3A_46 = arith.constant 0 : i32
      %dma_wait3A_47 = tpu.memref_slice %arg6[%dma_wait3A, %dma_wait3A_46] : memref<128x16xf32, #tpu.memory_space<vmem>> -> memref<120x16xf32, #tpu.memory_space<vmem>>
      %dma_wait3A_48 = arith.constant 0 : i32
      %dma_wait3A_49 = tpu.memref_slice %arg7[%add3A_16, %dma_wait3A_48] : memref<10112x16xf32, #tpu.memory_space<vmem_shared>> -> memref<120x16xf32, #tpu.memory_space<vmem_shared>>
      %dma_wait3A_50 = arith.constant 0 : i32
      %dma_wait3A_51 = tpu.memref_slice %arg7[%add3A_16, %dma_wait3A_50] : memref<10112x16xf32, #tpu.memory_space<vmem_shared>> -> memref<120x16xf32, #tpu.memory_space<vmem_shared>>
      %dma_wait3A_52 = arith.constant 0 : i32
      %dma_wait3A_53 = arith.constant 0 : i32
      %dma_wait3A_54 = tpu.memref_slice %arg6[%dma_wait3A_52, %dma_wait3A_53] : memref<128x16xf32, #tpu.memory_space<vmem>> -> memref<120x16xf32, #tpu.memory_space<vmem>>
      tpu.wait_dma2 semaphore(%run_scoped3A : memref<!tpu.dma_semaphore, #tpu.memory_space<semaphore_mem>>) src(%dma_wait3A_54 : memref<120x16xf32, #tpu.memory_space<vmem>>) dst(%dma_wait3A_51 : memref<120x16xf32, #tpu.memory_space<vmem_shared>>)
      tpu.yield
    }) : () -> ()
    %scan3A_17 = arith.constant 0 : i32
    %scan3A_18 = arith.constant 128 : i32
    %scan3A_19 = arith.addi %scan3A_17, %scan3A_18 : i32
    %scan3A_20 = arith.constant 1 : i32
    scf.for %scan3A_37 = %scan3A_17 to %scan3A_19 step %scan3A_20  : i32 {
      %mul3A_38 = arith.constant 1 : i32
      %mul3A_39 = arith.muli %scan3A_37, %mul3A_38 : i32
      %add3A_40 = arith.constant 0 : i32
      %add3A_41 = arith.addi %add3A_40, %mul3A_39 : i32
      %broadcast_in_dim3A = arith.constant 1.000000e+00 : f32
      %broadcast_in_dim3A_42 = vector.broadcast %broadcast_in_dim3A : f32 to vector<16xf32>
      %swap3A = arith.index_cast %add3A_41 : i32 to index
      %swap3A_43 = arith.constant 0 : index
      %swap3A_44 = tpu.vector_load %arg6[%swap3A, %swap3A_43] {strides = array<i32>} : memref<128x16xf32, #tpu.memory_space<vmem>>, vector<1x16xf32>,
      %swap3A_45 = vector.shape_cast %swap3A_44 : vector<1x16xf32> to vector<16xf32>
      %swap3A_46 = vector.shape_cast %broadcast_in_dim3A_42 : vector<16xf32> to vector<1x16xf32>
      tpu.vector_store %arg6[%swap3A, %swap3A_43], %swap3A_46 {strides = array<i32>} : memref<128x16xf32, #tpu.memory_space<vmem>>, vector<1x16xf32>,
    }
    %scan3A_21 = arith.constant 128 : i32
    %barrier3A = arith.constant 0 : index
    tpu.barrier barrier_id(%barrier3A)
    %scan3A_22 = arith.constant 0 : i32
    %scan3A_23 = arith.constant 80 : i32
    %scan3A_24 = arith.addi %scan3A_22, %scan3A_23 : i32
    %scan3A_25 = arith.constant 1 : i32
    scf.for %scan3A_37 = %scan3A_22 to %scan3A_24 step %scan3A_25  : i32 {
      %mul3A_38 = arith.constant 1 : i32
      %mul3A_39 = arith.muli %scan3A_37, %mul3A_38 : i32
      %add3A_40 = arith.constant 0 : i32
      %add3A_41 = arith.addi %add3A_40, %mul3A_39 : i32
      "tpu.region"() ({
        %run_scoped3A = tpu.sem_alloc : memref<!tpu.dma_semaphore, #tpu.memory_space<semaphore_mem>>
        %dma_start3A = arith.constant 0 : i32
        %dma_start3A_42 = tpu.memref_slice %arg5[%add3A_41, %dma_start3A] : memref<80x128xi32, #tpu.memory_space<vmem>> -> memref<1x128xi32, #tpu.memory_space<vmem>>
        %dma_start3A_43 = tpu.memref_squeeze %dma_start3A_42 : memref<1x128xi32, #tpu.memory_space<vmem>> -> memref<128xi32, #tpu.memory_space<vmem>>
        %dma_start3A_44 = arith.constant 0 : i32
        %dma_start3A_45 = arith.constant 0 : i32
        %dma_start3A_46 = tpu.memref_slice %arg7[%dma_start3A_44, %dma_start3A_45] : memref<10112x16xf32, #tpu.memory_space<vmem_shared>> -> memref<10112x16xf32, #tpu.memory_space<vmem_shared>>
        tpu.enqueue_indirect_dma source(%arg6 : memref<128x16xf32, #tpu.memory_space<vmem>>) target(%dma_start3A_46 : memref<10112x16xf32, #tpu.memory_space<vmem_shared>>) offsets(%dma_start3A_43 : memref<128xi32, #tpu.memory_space<vmem>>) semaphore(%run_scoped3A : memref<!tpu.dma_semaphore, #tpu.memory_space<semaphore_mem>>) {add = true}
        %dma_wait3A = arith.constant 0 : i32
        %dma_wait3A_47 = tpu.memref_slice %arg5[%add3A_41, %dma_wait3A] : memref<80x128xi32, #tpu.memory_space<vmem>> -> memref<1x128xi32, #tpu.memory_space<vmem>>
        %dma_wait3A_48 = tpu.memref_squeeze %dma_wait3A_47 : memref<1x128xi32, #tpu.memory_space<vmem>> -> memref<128xi32, #tpu.memory_space<vmem>>
        %dma_wait3A_49 = arith.constant 0 : i32
        %dma_wait3A_50 = arith.constant 0 : i32
        %dma_wait3A_51 = tpu.memref_slice %arg7[%dma_wait3A_49, %dma_wait3A_50] : memref<10112x16xf32, #tpu.memory_space<vmem_shared>> -> memref<10112x16xf32, #tpu.memory_space<vmem_shared>>
        tpu.wait_indirect_dma semaphore(%run_scoped3A : memref<!tpu.dma_semaphore, #tpu.memory_space<semaphore_mem>>) src(%arg6 : memref<128x16xf32, #tpu.memory_space<vmem>>) dst(%dma_wait3A_51 : memref<10112x16xf32, #tpu.memory_space<vmem_shared>>)
        tpu.yield
      }) : () -> ()
    }
    %scan3A_26 = arith.constant 80 : i32
    %barrier3A_27 = arith.constant 0 : index
    tpu.barrier barrier_id(%barrier3A_27)
    %mul3A_28 = arith.constant 632 : i32
    %mul3A_29 = arith.muli %arg1, %mul3A_28 : i32
    %eq3A = arith.constant 0 : i32
    %eq3A_30 = arith.cmpi eq, %arg0, %eq3A : i32
    %convert_element_type3A = arith.extui %eq3A_30 : i1 to i32
    %cond3A = arith.constant 0 : i32
    %cond3A_31 = arith.cmpi ne, %convert_element_type3A, %cond3A : i32
    scf.if %cond3A_31 {
      %lt3A = arith.constant 15 : i32
      %lt3A_37 = arith.cmpi slt, %arg1, %lt3A : i32
      %convert_element_type3A_38 = arith.extui %lt3A_37 : i1 to i32
      %cond3A_39 = arith.constant 0 : i32
      %cond3A_40 = arith.cmpi ne, %convert_element_type3A_38, %cond3A_39 : i32
      scf.if %cond3A_40 {
        "tpu.region"() ({
          %run_scoped3A = tpu.sem_alloc : memref<!tpu.dma_semaphore, #tpu.memory_space<semaphore_mem>>
          %dma_start3A = arith.constant 0 : i32
          %dma_start3A_46 = tpu.memref_slice %arg3[%mul3A_29, %dma_start3A] : memref<10000x16xf32, #tpu.memory_space<hbm>> -> memref<632x16xf32, #tpu.memory_space<hbm>>
          %dma_start3A_47 = arith.constant 0 : i32
          %dma_start3A_48 = tpu.memref_slice %arg7[%mul3A_29, %dma_start3A_47] : memref<10112x16xf32, #tpu.memory_space<vmem_shared>> -> memref<632x16xf32, #tpu.memory_space<vmem_shared>>
          tpu.enqueue_dma source(%dma_start3A_48 : memref<632x16xf32, #tpu.memory_space<vmem_shared>>) target(%dma_start3A_46 : memref<632x16xf32, #tpu.memory_space<hbm>>) target_semaphore(%run_scoped3A : memref<!tpu.dma_semaphore, #tpu.memory_space<semaphore_mem>>)
          %dma_wait3A = arith.constant 0 : i32
          %dma_wait3A_49 = tpu.memref_slice %arg3[%mul3A_29, %dma_wait3A] : memref<10000x16xf32, #tpu.memory_space<hbm>> -> memref<632x16xf32, #tpu.memory_space<hbm>>
          %dma_wait3A_50 = arith.constant 0 : i32
          %dma_wait3A_51 = tpu.memref_slice %arg7[%mul3A_29, %dma_wait3A_50] : memref<10112x16xf32, #tpu.memory_space<vmem_shared>> -> memref<632x16xf32, #tpu.memory_space<vmem_shared>>
          tpu.wait_dma2 semaphore(%run_scoped3A : memref<!tpu.dma_semaphore, #tpu.memory_space<semaphore_mem>>) src(%dma_wait3A_51 : memref<632x16xf32, #tpu.memory_space<vmem_shared>>) dst(%dma_wait3A_49 : memref<632x16xf32, #tpu.memory_space<hbm>>)
          tpu.yield
        }) : () -> ()
      } else {
      }
      %eq3A_41 = arith.constant 15 : i32
      %eq3A_42 = arith.cmpi eq, %arg1, %eq3A_41 : i32
      %convert_element_type3A_43 = arith.extui %eq3A_42 : i1 to i32
      %cond3A_44 = arith.constant 0 : i32
      %cond3A_45 = arith.cmpi ne, %convert_element_type3A_43, %cond3A_44 : i32
      scf.if %cond3A_45 {
        "tpu.region"() ({
          %run_scoped3A = tpu.sem_alloc : memref<!tpu.dma_semaphore, #tpu.memory_space<semaphore_mem>>
          %dma_start3A = arith.constant 0 : i32
          %dma_start3A_46 = tpu.memref_slice %arg3[%mul3A_29, %dma_start3A] : memref<10000x16xf32, #tpu.memory_space<hbm>> -> memref<520x16xf32, #tpu.memory_space<hbm>>
          %dma_start3A_47 = arith.constant 0 : i32
          %dma_start3A_48 = tpu.memref_slice %arg7[%mul3A_29, %dma_start3A_47] : memref<10112x16xf32, #tpu.memory_space<vmem_shared>> -> memref<520x16xf32, #tpu.memory_space<vmem_shared>>
          tpu.enqueue_dma source(%dma_start3A_48 : memref<520x16xf32, #tpu.memory_space<vmem_shared>>) target(%dma_start3A_46 : memref<520x16xf32, #tpu.memory_space<hbm>>) target_semaphore(%run_scoped3A : memref<!tpu.dma_semaphore, #tpu.memory_space<semaphore_mem>>)
          %dma_wait3A = arith.constant 0 : i32
          %dma_wait3A_49 = tpu.memref_slice %arg3[%mul3A_29, %dma_wait3A] : memref<10000x16xf32, #tpu.memory_space<hbm>> -> memref<520x16xf32, #tpu.memory_space<hbm>>
          %dma_wait3A_50 = arith.constant 0 : i32
          %dma_wait3A_51 = tpu.memref_slice %arg7[%mul3A_29, %dma_wait3A_50] : memref<10112x16xf32, #tpu.memory_space<vmem_shared>> -> memref<520x16xf32, #tpu.memory_space<vmem_shared>>
          tpu.wait_dma2 semaphore(%run_scoped3A : memref<!tpu.dma_semaphore, #tpu.memory_space<semaphore_mem>>) src(%dma_wait3A_51 : memref<520x16xf32, #tpu.memory_space<vmem_shared>>) dst(%dma_wait3A_49 : memref<520x16xf32, #tpu.memory_space<hbm>>)
          tpu.yield
        }) : () -> ()
      } else {
      }
    } else {
    }
    %eq3A_32 = arith.constant 1 : i32
    %eq3A_33 = arith.cmpi eq, %arg0, %eq3A_32 : i32
    %convert_element_type3A_34 = arith.extui %eq3A_33 : i1 to i32
    %cond3A_35 = arith.constant 0 : i32
    %cond3A_36 = arith.cmpi ne, %convert_element_type3A_34, %cond3A_35 : i32
    scf.if %cond3A_36 {
      %lt3A = arith.constant 15 : i32
      %lt3A_37 = arith.cmpi slt, %arg1, %lt3A : i32
      %convert_element_type3A_38 = arith.extui %lt3A_37 : i1 to i32
      %cond3A_39 = arith.constant 0 : i32
      %cond3A_40 = arith.cmpi ne, %convert_element_type3A_38, %cond3A_39 : i32
      scf.if %cond3A_40 {
        "tpu.region"() ({
          %run_scoped3A = tpu.sem_alloc : memref<!tpu.dma_semaphore, #tpu.memory_space<semaphore_mem>>
          %dma_start3A = arith.constant 0 : i32
          %dma_start3A_46 = tpu.memref_slice %arg4[%mul3A_29, %dma_start3A] : memref<10000x16xf32, #tpu.memory_space<hbm>> -> memref<632x16xf32, #tpu.memory_space<hbm>>
          %dma_start3A_47 = arith.constant 0 : i32
          %dma_start3A_48 = tpu.memref_slice %arg7[%mul3A_29, %dma_start3A_47] : memref<10112x16xf32, #tpu.memory_space<vmem_shared>> -> memref<632x16xf32, #tpu.memory_space<vmem_shared>>
          tpu.enqueue_dma source(%dma_start3A_48 : memref<632x16xf32, #tpu.memory_space<vmem_shared>>) target(%dma_start3A_46 : memref<632x16xf32, #tpu.memory_space<hbm>>) target_semaphore(%run_scoped3A : memref<!tpu.dma_semaphore, #tpu.memory_space<semaphore_mem>>)
          %dma_wait3A = arith.constant 0 : i32
          %dma_wait3A_49 = tpu.memref_slice %arg4[%mul3A_29, %dma_wait3A] : memref<10000x16xf32, #tpu.memory_space<hbm>> -> memref<632x16xf32, #tpu.memory_space<hbm>>
          %dma_wait3A_50 = arith.constant 0 : i32
          %dma_wait3A_51 = tpu.memref_slice %arg7[%mul3A_29, %dma_wait3A_50] : memref<10112x16xf32, #tpu.memory_space<vmem_shared>> -> memref<632x16xf32, #tpu.memory_space<vmem_shared>>
          tpu.wait_dma2 semaphore(%run_scoped3A : memref<!tpu.dma_semaphore, #tpu.memory_space<semaphore_mem>>) src(%dma_wait3A_51 : memref<632x16xf32, #tpu.memory_space<vmem_shared>>) dst(%dma_wait3A_49 : memref<632x16xf32, #tpu.memory_space<hbm>>)
          tpu.yield
        }) : () -> ()
      } else {
      }
      %eq3A_41 = arith.constant 15 : i32
      %eq3A_42 = arith.cmpi eq, %arg1, %eq3A_41 : i32
      %convert_element_type3A_43 = arith.extui %eq3A_42 : i1 to i32
      %cond3A_44 = arith.constant 0 : i32
      %cond3A_45 = arith.cmpi ne, %convert_element_type3A_43, %cond3A_44 : i32
      scf.if %cond3A_45 {
        "tpu.region"() ({
          %run_scoped3A = tpu.sem_alloc : memref<!tpu.dma_semaphore, #tpu.memory_space<semaphore_mem>>
          %dma_start3A = arith.constant 0 : i32
          %dma_start3A_46 = tpu.memref_slice %arg4[%mul3A_29, %dma_start3A] : memref<10000x16xf32, #tpu.memory_space<hbm>> -> memref<520x16xf32, #tpu.memory_space<hbm>>
          %dma_start3A_47 = arith.constant 0 : i32
          %dma_start3A_48 = tpu.memref_slice %arg7[%mul3A_29, %dma_start3A_47] : memref<10112x16xf32, #tpu.memory_space<vmem_shared>> -> memref<520x16xf32, #tpu.memory_space<vmem_shared>>
          tpu.enqueue_dma source(%dma_start3A_48 : memref<520x16xf32, #tpu.memory_space<vmem_shared>>) target(%dma_start3A_46 : memref<520x16xf32, #tpu.memory_space<hbm>>) target_semaphore(%run_scoped3A : memref<!tpu.dma_semaphore, #tpu.memory_space<semaphore_mem>>)
          %dma_wait3A = arith.constant 0 : i32
          %dma_wait3A_49 = tpu.memref_slice %arg4[%mul3A_29, %dma_wait3A] : memref<10000x16xf32, #tpu.memory_space<hbm>> -> memref<520x16xf32, #tpu.memory_space<hbm>>
          %dma_wait3A_50 = arith.constant 0 : i32
          %dma_wait3A_51 = tpu.memref_slice %arg7[%mul3A_29, %dma_wait3A_50] : memref<10112x16xf32, #tpu.memory_space<vmem_shared>> -> memref<520x16xf32, #tpu.memory_space<vmem_shared>>
          tpu.wait_dma2 semaphore(%run_scoped3A : memref<!tpu.dma_semaphore, #tpu.memory_space<semaphore_mem>>) src(%dma_wait3A_51 : memref<520x16xf32, #tpu.memory_space<vmem_shared>>) dst(%dma_wait3A_49 : memref<520x16xf32, #tpu.memory_space<hbm>>)
          tpu.yield
        }) : () -> ()
      } else {
      }
    } else {
    }
    return
  }
}

#map = affine_map<(d0, d1) -> (0, 0)>
#map1 = affine_map<(d0, d1) -> (0, 0, 0)>
module attributes {stable_mosaic.version = 14 : i64} {
  func.func @agg(%arg0: i32, %arg1: i32, %arg2: memref<10000x32xf32, #tpu.memory_space<hbm>>, %arg3: memref<10000x32xf32, #tpu.memory_space<hbm>>, %arg4: memref<16x160x128xi32, #tpu.memory_space<hbm>>, %arg5: memref<16x160x128xi32, #tpu.memory_space<hbm>>, %arg6: memref<10000x32xf32, #tpu.memory_space<hbm>>, %arg7: memref<10000x32xf32, #tpu.memory_space<hbm>>, %arg8: memref<160x128xi32, #tpu.memory_space<vmem>>, %arg9: memref<160x128xi32, #tpu.memory_space<vmem>>, %arg10: memref<8x128x32xf32, #tpu.memory_space<vmem>>, %arg11: memref<10112x32xf32, #tpu.memory_space<vmem_shared>>, %arg12: memref<10112x32xf32, #tpu.memory_space<vmem_shared>>, %arg13: memref<8x!tpu.dma_semaphore, #tpu.memory_space<semaphore_mem>>, %arg14: memref<8x!tpu.dma_semaphore, #tpu.memory_space<semaphore_mem>>) attributes {dimension_semantics = [#tpu.dimension_semantics<core_parallel>, #tpu.dimension_semantics<subcore_parallel>], iteration_bounds = array<i64: 2, 16>, scalar_prefetch = 0 : i64, scratch_operands = 7 : i64, tpu.core_type = #tpu.core_type<sc_vector_subcore>, window_params = [{transform_indices = #map}, {transform_indices = #map}, {transform_indices = #map1}, {transform_indices = #map1}, {transform_indices = #map}, {transform_indices = #map}]} {
    %mul3A = arith.constant 632 : i32
    %mul3A_0 = arith.muli %arg1, %mul3A : i32
    %eq3A = arith.constant 0 : i32
    %eq3A_1 = arith.cmpi eq, %arg0, %eq3A : i32
    %convert_element_type3A = arith.extui %eq3A_1 : i1 to i32
    %cond3A = arith.constant 0 : i32
    %cond3A_2 = arith.cmpi ne, %convert_element_type3A, %cond3A : i32
    scf.if %cond3A_2 {
      %lt3A = arith.constant 15 : i32
      %lt3A_44 = arith.cmpi slt, %arg1, %lt3A : i32
      %convert_element_type3A_45 = arith.extui %lt3A_44 : i1 to i32
      %cond3A_46 = arith.constant 0 : i32
      %cond3A_47 = arith.cmpi ne, %convert_element_type3A_45, %cond3A_46 : i32
      scf.if %cond3A_47 {
        "tpu.region"() ({
          %run_scoped3A_53 = tpu.sem_alloc : memref<!tpu.dma_semaphore, #tpu.memory_space<semaphore_mem>>
          %dma_start3A = arith.constant 0 : i32
          %dma_start3A_54 = tpu.memref_slice %arg12[%mul3A_0, %dma_start3A] : memref<10112x32xf32, #tpu.memory_space<vmem_shared>> -> memref<632x32xf32, #tpu.memory_space<vmem_shared>>
          %dma_start3A_55 = arith.constant 0 : i32
          %dma_start3A_56 = tpu.memref_slice %arg2[%mul3A_0, %dma_start3A_55] : memref<10000x32xf32, #tpu.memory_space<hbm>> -> memref<632x32xf32, #tpu.memory_space<hbm>>
          tpu.enqueue_dma source(%dma_start3A_56 : memref<632x32xf32, #tpu.memory_space<hbm>>) target(%dma_start3A_54 : memref<632x32xf32, #tpu.memory_space<vmem_shared>>) target_semaphore(%run_scoped3A_53 : memref<!tpu.dma_semaphore, #tpu.memory_space<semaphore_mem>>)
          %dma_wait3A = arith.constant 0 : i32
          %dma_wait3A_57 = tpu.memref_slice %arg12[%mul3A_0, %dma_wait3A] : memref<10112x32xf32, #tpu.memory_space<vmem_shared>> -> memref<632x32xf32, #tpu.memory_space<vmem_shared>>
          %dma_wait3A_58 = arith.constant 0 : i32
          %dma_wait3A_59 = tpu.memref_slice %arg2[%mul3A_0, %dma_wait3A_58] : memref<10000x32xf32, #tpu.memory_space<hbm>> -> memref<632x32xf32, #tpu.memory_space<hbm>>
          tpu.wait_dma2 semaphore(%run_scoped3A_53 : memref<!tpu.dma_semaphore, #tpu.memory_space<semaphore_mem>>) src(%dma_wait3A_59 : memref<632x32xf32, #tpu.memory_space<hbm>>) dst(%dma_wait3A_57 : memref<632x32xf32, #tpu.memory_space<vmem_shared>>)
          tpu.yield
        }) : () -> ()
      } else {
      }
      %eq3A_48 = arith.constant 15 : i32
      %eq3A_49 = arith.cmpi eq, %arg1, %eq3A_48 : i32
      %convert_element_type3A_50 = arith.extui %eq3A_49 : i1 to i32
      %cond3A_51 = arith.constant 0 : i32
      %cond3A_52 = arith.cmpi ne, %convert_element_type3A_50, %cond3A_51 : i32
      scf.if %cond3A_52 {
        "tpu.region"() ({
          %run_scoped3A_53 = tpu.sem_alloc : memref<!tpu.dma_semaphore, #tpu.memory_space<semaphore_mem>>
          %dma_start3A = arith.constant 0 : i32
          %dma_start3A_54 = tpu.memref_slice %arg12[%mul3A_0, %dma_start3A] : memref<10112x32xf32, #tpu.memory_space<vmem_shared>> -> memref<520x32xf32, #tpu.memory_space<vmem_shared>>
          %dma_start3A_55 = arith.constant 0 : i32
          %dma_start3A_56 = tpu.memref_slice %arg2[%mul3A_0, %dma_start3A_55] : memref<10000x32xf32, #tpu.memory_space<hbm>> -> memref<520x32xf32, #tpu.memory_space<hbm>>
          tpu.enqueue_dma source(%dma_start3A_56 : memref<520x32xf32, #tpu.memory_space<hbm>>) target(%dma_start3A_54 : memref<520x32xf32, #tpu.memory_space<vmem_shared>>) target_semaphore(%run_scoped3A_53 : memref<!tpu.dma_semaphore, #tpu.memory_space<semaphore_mem>>)
          %dma_wait3A = arith.constant 0 : i32
          %dma_wait3A_57 = tpu.memref_slice %arg12[%mul3A_0, %dma_wait3A] : memref<10112x32xf32, #tpu.memory_space<vmem_shared>> -> memref<520x32xf32, #tpu.memory_space<vmem_shared>>
          %dma_wait3A_58 = arith.constant 0 : i32
          %dma_wait3A_59 = tpu.memref_slice %arg2[%mul3A_0, %dma_wait3A_58] : memref<10000x32xf32, #tpu.memory_space<hbm>> -> memref<520x32xf32, #tpu.memory_space<hbm>>
          tpu.wait_dma2 semaphore(%run_scoped3A_53 : memref<!tpu.dma_semaphore, #tpu.memory_space<semaphore_mem>>) src(%dma_wait3A_59 : memref<520x32xf32, #tpu.memory_space<hbm>>) dst(%dma_wait3A_57 : memref<520x32xf32, #tpu.memory_space<vmem_shared>>)
          tpu.yield
        }) : () -> ()
      } else {
      }
    } else {
    }
    %eq3A_3 = arith.constant 1 : i32
    %eq3A_4 = arith.cmpi eq, %arg0, %eq3A_3 : i32
    %convert_element_type3A_5 = arith.extui %eq3A_4 : i1 to i32
    %cond3A_6 = arith.constant 0 : i32
    %cond3A_7 = arith.cmpi ne, %convert_element_type3A_5, %cond3A_6 : i32
    scf.if %cond3A_7 {
      %lt3A = arith.constant 15 : i32
      %lt3A_44 = arith.cmpi slt, %arg1, %lt3A : i32
      %convert_element_type3A_45 = arith.extui %lt3A_44 : i1 to i32
      %cond3A_46 = arith.constant 0 : i32
      %cond3A_47 = arith.cmpi ne, %convert_element_type3A_45, %cond3A_46 : i32
      scf.if %cond3A_47 {
        "tpu.region"() ({
          %run_scoped3A_53 = tpu.sem_alloc : memref<!tpu.dma_semaphore, #tpu.memory_space<semaphore_mem>>
          %dma_start3A = arith.constant 0 : i32
          %dma_start3A_54 = tpu.memref_slice %arg12[%mul3A_0, %dma_start3A] : memref<10112x32xf32, #tpu.memory_space<vmem_shared>> -> memref<632x32xf32, #tpu.memory_space<vmem_shared>>
          %dma_start3A_55 = arith.constant 0 : i32
          %dma_start3A_56 = tpu.memref_slice %arg3[%mul3A_0, %dma_start3A_55] : memref<10000x32xf32, #tpu.memory_space<hbm>> -> memref<632x32xf32, #tpu.memory_space<hbm>>
          tpu.enqueue_dma source(%dma_start3A_56 : memref<632x32xf32, #tpu.memory_space<hbm>>) target(%dma_start3A_54 : memref<632x32xf32, #tpu.memory_space<vmem_shared>>) target_semaphore(%run_scoped3A_53 : memref<!tpu.dma_semaphore, #tpu.memory_space<semaphore_mem>>)
          %dma_wait3A = arith.constant 0 : i32
          %dma_wait3A_57 = tpu.memref_slice %arg12[%mul3A_0, %dma_wait3A] : memref<10112x32xf32, #tpu.memory_space<vmem_shared>> -> memref<632x32xf32, #tpu.memory_space<vmem_shared>>
          %dma_wait3A_58 = arith.constant 0 : i32
          %dma_wait3A_59 = tpu.memref_slice %arg3[%mul3A_0, %dma_wait3A_58] : memref<10000x32xf32, #tpu.memory_space<hbm>> -> memref<632x32xf32, #tpu.memory_space<hbm>>
          tpu.wait_dma2 semaphore(%run_scoped3A_53 : memref<!tpu.dma_semaphore, #tpu.memory_space<semaphore_mem>>) src(%dma_wait3A_59 : memref<632x32xf32, #tpu.memory_space<hbm>>) dst(%dma_wait3A_57 : memref<632x32xf32, #tpu.memory_space<vmem_shared>>)
          tpu.yield
        }) : () -> ()
      } else {
      }
      %eq3A_48 = arith.constant 15 : i32
      %eq3A_49 = arith.cmpi eq, %arg1, %eq3A_48 : i32
      %convert_element_type3A_50 = arith.extui %eq3A_49 : i1 to i32
      %cond3A_51 = arith.constant 0 : i32
      %cond3A_52 = arith.cmpi ne, %convert_element_type3A_50, %cond3A_51 : i32
      scf.if %cond3A_52 {
        "tpu.region"() ({
          %run_scoped3A_53 = tpu.sem_alloc : memref<!tpu.dma_semaphore, #tpu.memory_space<semaphore_mem>>
          %dma_start3A = arith.constant 0 : i32
          %dma_start3A_54 = tpu.memref_slice %arg12[%mul3A_0, %dma_start3A] : memref<10112x32xf32, #tpu.memory_space<vmem_shared>> -> memref<520x32xf32, #tpu.memory_space<vmem_shared>>
          %dma_start3A_55 = arith.constant 0 : i32
          %dma_start3A_56 = tpu.memref_slice %arg3[%mul3A_0, %dma_start3A_55] : memref<10000x32xf32, #tpu.memory_space<hbm>> -> memref<520x32xf32, #tpu.memory_space<hbm>>
          tpu.enqueue_dma source(%dma_start3A_56 : memref<520x32xf32, #tpu.memory_space<hbm>>) target(%dma_start3A_54 : memref<520x32xf32, #tpu.memory_space<vmem_shared>>) target_semaphore(%run_scoped3A_53 : memref<!tpu.dma_semaphore, #tpu.memory_space<semaphore_mem>>)
          %dma_wait3A = arith.constant 0 : i32
          %dma_wait3A_57 = tpu.memref_slice %arg12[%mul3A_0, %dma_wait3A] : memref<10112x32xf32, #tpu.memory_space<vmem_shared>> -> memref<520x32xf32, #tpu.memory_space<vmem_shared>>
          %dma_wait3A_58 = arith.constant 0 : i32
          %dma_wait3A_59 = tpu.memref_slice %arg3[%mul3A_0, %dma_wait3A_58] : memref<10000x32xf32, #tpu.memory_space<hbm>> -> memref<520x32xf32, #tpu.memory_space<hbm>>
          tpu.wait_dma2 semaphore(%run_scoped3A_53 : memref<!tpu.dma_semaphore, #tpu.memory_space<semaphore_mem>>) src(%dma_wait3A_59 : memref<520x32xf32, #tpu.memory_space<hbm>>) dst(%dma_wait3A_57 : memref<520x32xf32, #tpu.memory_space<vmem_shared>>)
          tpu.yield
        }) : () -> ()
      } else {
      }
    } else {
    }
    "tpu.region"() ({
      %run_scoped3A_44 = tpu.sem_alloc : memref<!tpu.dma_semaphore, #tpu.memory_space<semaphore_mem>>
      %dma_start3A = arith.constant 0 : i32
      %dma_start3A_45 = arith.constant 0 : i32
      %dma_start3A_46 = tpu.memref_slice %arg4[%arg1, %dma_start3A, %dma_start3A_45] : memref<16x160x128xi32, #tpu.memory_space<hbm>> -> memref<1x160x128xi32, #tpu.memory_space<hbm>>
      %dma_start3A_47 = tpu.memref_squeeze %dma_start3A_46 : memref<1x160x128xi32, #tpu.memory_space<hbm>> -> memref<160x128xi32, #tpu.memory_space<hbm>>
      %dma_start3A_48 = arith.constant 0 : i32
      %dma_start3A_49 = arith.constant 0 : i32
      %dma_start3A_50 = tpu.memref_slice %arg4[%arg1, %dma_start3A_48, %dma_start3A_49] : memref<16x160x128xi32, #tpu.memory_space<hbm>> -> memref<1x160x128xi32, #tpu.memory_space<hbm>>
      %dma_start3A_51 = tpu.memref_squeeze %dma_start3A_50 : memref<1x160x128xi32, #tpu.memory_space<hbm>> -> memref<160x128xi32, #tpu.memory_space<hbm>>
      tpu.enqueue_dma source(%dma_start3A_51 : memref<160x128xi32, #tpu.memory_space<hbm>>) target(%arg8 : memref<160x128xi32, #tpu.memory_space<vmem>>) target_semaphore(%run_scoped3A_44 : memref<!tpu.dma_semaphore, #tpu.memory_space<semaphore_mem>>)
      %dma_wait3A = arith.constant 0 : i32
      %dma_wait3A_52 = arith.constant 0 : i32
      %dma_wait3A_53 = tpu.memref_slice %arg4[%arg1, %dma_wait3A, %dma_wait3A_52] : memref<16x160x128xi32, #tpu.memory_space<hbm>> -> memref<1x160x128xi32, #tpu.memory_space<hbm>>
      %dma_wait3A_54 = tpu.memref_squeeze %dma_wait3A_53 : memref<1x160x128xi32, #tpu.memory_space<hbm>> -> memref<160x128xi32, #tpu.memory_space<hbm>>
      %dma_wait3A_55 = arith.constant 0 : i32
      %dma_wait3A_56 = arith.constant 0 : i32
      %dma_wait3A_57 = tpu.memref_slice %arg4[%arg1, %dma_wait3A_55, %dma_wait3A_56] : memref<16x160x128xi32, #tpu.memory_space<hbm>> -> memref<1x160x128xi32, #tpu.memory_space<hbm>>
      %dma_wait3A_58 = tpu.memref_squeeze %dma_wait3A_57 : memref<1x160x128xi32, #tpu.memory_space<hbm>> -> memref<160x128xi32, #tpu.memory_space<hbm>>
      tpu.wait_dma2 semaphore(%run_scoped3A_44 : memref<!tpu.dma_semaphore, #tpu.memory_space<semaphore_mem>>) src(%dma_wait3A_58 : memref<160x128xi32, #tpu.memory_space<hbm>>) dst(%arg8 : memref<160x128xi32, #tpu.memory_space<vmem>>)
      tpu.yield
    }) : () -> ()
    "tpu.region"() ({
      %run_scoped3A_44 = tpu.sem_alloc : memref<!tpu.dma_semaphore, #tpu.memory_space<semaphore_mem>>
      %dma_start3A = arith.constant 0 : i32
      %dma_start3A_45 = arith.constant 0 : i32
      %dma_start3A_46 = tpu.memref_slice %arg5[%arg1, %dma_start3A, %dma_start3A_45] : memref<16x160x128xi32, #tpu.memory_space<hbm>> -> memref<1x160x128xi32, #tpu.memory_space<hbm>>
      %dma_start3A_47 = tpu.memref_squeeze %dma_start3A_46 : memref<1x160x128xi32, #tpu.memory_space<hbm>> -> memref<160x128xi32, #tpu.memory_space<hbm>>
      %dma_start3A_48 = arith.constant 0 : i32
      %dma_start3A_49 = arith.constant 0 : i32
      %dma_start3A_50 = tpu.memref_slice %arg5[%arg1, %dma_start3A_48, %dma_start3A_49] : memref<16x160x128xi32, #tpu.memory_space<hbm>> -> memref<1x160x128xi32, #tpu.memory_space<hbm>>
      %dma_start3A_51 = tpu.memref_squeeze %dma_start3A_50 : memref<1x160x128xi32, #tpu.memory_space<hbm>> -> memref<160x128xi32, #tpu.memory_space<hbm>>
      tpu.enqueue_dma source(%dma_start3A_51 : memref<160x128xi32, #tpu.memory_space<hbm>>) target(%arg9 : memref<160x128xi32, #tpu.memory_space<vmem>>) target_semaphore(%run_scoped3A_44 : memref<!tpu.dma_semaphore, #tpu.memory_space<semaphore_mem>>)
      %dma_wait3A = arith.constant 0 : i32
      %dma_wait3A_52 = arith.constant 0 : i32
      %dma_wait3A_53 = tpu.memref_slice %arg5[%arg1, %dma_wait3A, %dma_wait3A_52] : memref<16x160x128xi32, #tpu.memory_space<hbm>> -> memref<1x160x128xi32, #tpu.memory_space<hbm>>
      %dma_wait3A_54 = tpu.memref_squeeze %dma_wait3A_53 : memref<1x160x128xi32, #tpu.memory_space<hbm>> -> memref<160x128xi32, #tpu.memory_space<hbm>>
      %dma_wait3A_55 = arith.constant 0 : i32
      %dma_wait3A_56 = arith.constant 0 : i32
      %dma_wait3A_57 = tpu.memref_slice %arg5[%arg1, %dma_wait3A_55, %dma_wait3A_56] : memref<16x160x128xi32, #tpu.memory_space<hbm>> -> memref<1x160x128xi32, #tpu.memory_space<hbm>>
      %dma_wait3A_58 = tpu.memref_squeeze %dma_wait3A_57 : memref<1x160x128xi32, #tpu.memory_space<hbm>> -> memref<160x128xi32, #tpu.memory_space<hbm>>
      tpu.wait_dma2 semaphore(%run_scoped3A_44 : memref<!tpu.dma_semaphore, #tpu.memory_space<semaphore_mem>>) src(%dma_wait3A_58 : memref<160x128xi32, #tpu.memory_space<hbm>>) dst(%arg9 : memref<160x128xi32, #tpu.memory_space<vmem>>)
      tpu.yield
    }) : () -> ()
    %scan3A = arith.constant 0 : i32
    %scan3A_8 = arith.constant 0 : i32
    %scan3A_9 = arith.constant 128 : i32
    %scan3A_10 = arith.addi %scan3A_8, %scan3A_9 : i32
    %scan3A_11 = arith.constant 1 : i32
    scf.for %scan3A_44 = %scan3A_8 to %scan3A_10 step %scan3A_11  : i32 {
      %mul3A_45 = arith.constant 1 : i32
      %mul3A_46 = arith.muli %scan3A_44, %mul3A_45 : i32
      %add3A_47 = arith.constant 0 : i32
      %add3A_48 = arith.addi %add3A_47, %mul3A_46 : i32
      %scan3A_49 = arith.constant 0 : i32
      %scan3A_50 = arith.constant 2 : i32
      %scan3A_51 = arith.addi %scan3A_49, %scan3A_50 : i32
      %scan3A_52 = arith.constant 1 : i32
      scf.for %scan3A_54 = %scan3A_49 to %scan3A_51 step %scan3A_52  : i32 {
        %mul3A_55 = arith.constant 1 : i32
        %mul3A_56 = arith.muli %scan3A_54, %mul3A_55 : i32
        %add3A_57 = arith.constant 0 : i32
        %add3A_58 = arith.addi %add3A_57, %mul3A_56 : i32
        %broadcast_in_dim3A = arith.constant 0.000000e+00 : f32
        %broadcast_in_dim3A_59 = vector.broadcast %broadcast_in_dim3A : f32 to vector<16xf32>
        %mul3A_60 = arith.constant 16 : i32
        %mul3A_61 = arith.muli %add3A_58, %mul3A_60 : i32
        %swap3A = arith.constant 0 : i32
        %swap3A_62 = arith.constant 0 : i32
        %swap3A_63 = tpu.memref_slice %arg10[%scan3A, %swap3A, %swap3A_62] : memref<8x128x32xf32, #tpu.memory_space<vmem>> -> memref<1x128x32xf32, #tpu.memory_space<vmem>>
        %swap3A_64 = tpu.memref_squeeze %swap3A_63 : memref<1x128x32xf32, #tpu.memory_space<vmem>> -> memref<128x32xf32, #tpu.memory_space<vmem>>
        %swap3A_65 = arith.index_cast %add3A_48 : i32 to index
        %swap3A_66 = arith.index_cast %mul3A_61 : i32 to index
        %swap3A_67 = tpu.vector_load %swap3A_64[%swap3A_65, %swap3A_66] {strides = array<i32>} : memref<128x32xf32, #tpu.memory_space<vmem>>, vector<1x16xf32>,
        %swap3A_68 = vector.shape_cast %swap3A_67 : vector<1x16xf32> to vector<16xf32>
        %swap3A_69 = vector.shape_cast %broadcast_in_dim3A_59 : vector<16xf32> to vector<1x16xf32>
        tpu.vector_store %swap3A_64[%swap3A_65, %swap3A_66], %swap3A_69 {strides = array<i32>} : memref<128x32xf32, #tpu.memory_space<vmem>>, vector<1x16xf32>,
      }
      %scan3A_53 = arith.constant 2 : i32
    }
    %scan3A_12 = arith.constant 128 : i32
    %add3A = arith.constant 0 : i32
    %add3A_13 = arith.addi %mul3A_0, %add3A : i32
    %run_scoped3A = arith.constant 0 : i32
    "tpu.region"() ({
      %run_scoped3A_44 = tpu.sem_alloc : memref<!tpu.dma_semaphore, #tpu.memory_space<semaphore_mem>>
      %dma_start3A = arith.constant 0 : i32
      %dma_start3A_45 = arith.constant 0 : i32
      %dma_start3A_46 = tpu.memref_slice %arg10[%run_scoped3A, %dma_start3A, %dma_start3A_45] : memref<8x128x32xf32, #tpu.memory_space<vmem>> -> memref<1x128x32xf32, #tpu.memory_space<vmem>>
      %dma_start3A_47 = tpu.memref_squeeze %dma_start3A_46 : memref<1x128x32xf32, #tpu.memory_space<vmem>> -> memref<128x32xf32, #tpu.memory_space<vmem>>
      %dma_start3A_48 = arith.constant 0 : i32
      %dma_start3A_49 = arith.constant 0 : i32
      %dma_start3A_50 = tpu.memref_slice %dma_start3A_47[%dma_start3A_48, %dma_start3A_49] : memref<128x32xf32, #tpu.memory_space<vmem>> -> memref<128x32xf32, #tpu.memory_space<vmem>>
      %dma_start3A_51 = arith.constant 0 : i32
      %dma_start3A_52 = tpu.memref_slice %arg11[%add3A_13, %dma_start3A_51] : memref<10112x32xf32, #tpu.memory_space<vmem_shared>> -> memref<128x32xf32, #tpu.memory_space<vmem_shared>>
      %dma_start3A_53 = arith.constant 0 : i32
      %dma_start3A_54 = tpu.memref_slice %arg11[%add3A_13, %dma_start3A_53] : memref<10112x32xf32, #tpu.memory_space<vmem_shared>> -> memref<128x32xf32, #tpu.memory_space<vmem_shared>>
      %dma_start3A_55 = arith.constant 0 : i32
      %dma_start3A_56 = arith.constant 0 : i32
      %dma_start3A_57 = tpu.memref_slice %arg10[%run_scoped3A, %dma_start3A_55, %dma_start3A_56] : memref<8x128x32xf32, #tpu.memory_space<vmem>> -> memref<1x128x32xf32, #tpu.memory_space<vmem>>
      %dma_start3A_58 = tpu.memref_squeeze %dma_start3A_57 : memref<1x128x32xf32, #tpu.memory_space<vmem>> -> memref<128x32xf32, #tpu.memory_space<vmem>>
      %dma_start3A_59 = arith.constant 0 : i32
      %dma_start3A_60 = arith.constant 0 : i32
      %dma_start3A_61 = tpu.memref_slice %dma_start3A_58[%dma_start3A_59, %dma_start3A_60] : memref<128x32xf32, #tpu.memory_space<vmem>> -> memref<128x32xf32, #tpu.memory_space<vmem>>
      tpu.enqueue_dma source(%dma_start3A_61 : memref<128x32xf32, #tpu.memory_space<vmem>>) target(%dma_start3A_54 : memref<128x32xf32, #tpu.memory_space<vmem_shared>>) target_semaphore(%run_scoped3A_44 : memref<!tpu.dma_semaphore, #tpu.memory_space<semaphore_mem>>)
      %dma_wait3A = arith.constant 0 : i32
      %dma_wait3A_62 = arith.constant 0 : i32
      %dma_wait3A_63 = tpu.memref_slice %arg10[%run_scoped3A, %dma_wait3A, %dma_wait3A_62] : memref<8x128x32xf32, #tpu.memory_space<vmem>> -> memref<1x128x32xf32, #tpu.memory_space<vmem>>
      %dma_wait3A_64 = tpu.memref_squeeze %dma_wait3A_63 : memref<1x128x32xf32, #tpu.memory_space<vmem>> -> memref<128x32xf32, #tpu.memory_space<vmem>>
      %dma_wait3A_65 = arith.constant 0 : i32
      %dma_wait3A_66 = arith.constant 0 : i32
      %dma_wait3A_67 = tpu.memref_slice %dma_wait3A_64[%dma_wait3A_65, %dma_wait3A_66] : memref<128x32xf32, #tpu.memory_space<vmem>> -> memref<128x32xf32, #tpu.memory_space<vmem>>
      %dma_wait3A_68 = arith.constant 0 : i32
      %dma_wait3A_69 = tpu.memref_slice %arg11[%add3A_13, %dma_wait3A_68] : memref<10112x32xf32, #tpu.memory_space<vmem_shared>> -> memref<128x32xf32, #tpu.memory_space<vmem_shared>>
      %dma_wait3A_70 = arith.constant 0 : i32
      %dma_wait3A_71 = tpu.memref_slice %arg11[%add3A_13, %dma_wait3A_70] : memref<10112x32xf32, #tpu.memory_space<vmem_shared>> -> memref<128x32xf32, #tpu.memory_space<vmem_shared>>
      %dma_wait3A_72 = arith.constant 0 : i32
      %dma_wait3A_73 = arith.constant 0 : i32
      %dma_wait3A_74 = tpu.memref_slice %arg10[%run_scoped3A, %dma_wait3A_72, %dma_wait3A_73] : memref<8x128x32xf32, #tpu.memory_space<vmem>> -> memref<1x128x32xf32, #tpu.memory_space<vmem>>
      %dma_wait3A_75 = tpu.memref_squeeze %dma_wait3A_74 : memref<1x128x32xf32, #tpu.memory_space<vmem>> -> memref<128x32xf32, #tpu.memory_space<vmem>>
      %dma_wait3A_76 = arith.constant 0 : i32
      %dma_wait3A_77 = arith.constant 0 : i32
      %dma_wait3A_78 = tpu.memref_slice %dma_wait3A_75[%dma_wait3A_76, %dma_wait3A_77] : memref<128x32xf32, #tpu.memory_space<vmem>> -> memref<128x32xf32, #tpu.memory_space<vmem>>
      tpu.wait_dma2 semaphore(%run_scoped3A_44 : memref<!tpu.dma_semaphore, #tpu.memory_space<semaphore_mem>>) src(%dma_wait3A_78 : memref<128x32xf32, #tpu.memory_space<vmem>>) dst(%dma_wait3A_71 : memref<128x32xf32, #tpu.memory_space<vmem_shared>>)
      tpu.yield
    }) : () -> ()
    %add3A_14 = arith.constant 128 : i32
    %add3A_15 = arith.addi %mul3A_0, %add3A_14 : i32
    %run_scoped3A_16 = arith.constant 0 : i32
    "tpu.region"() ({
      %run_scoped3A_44 = tpu.sem_alloc : memref<!tpu.dma_semaphore, #tpu.memory_space<semaphore_mem>>
      %dma_start3A = arith.constant 0 : i32
      %dma_start3A_45 = arith.constant 0 : i32
      %dma_start3A_46 = tpu.memref_slice %arg10[%run_scoped3A_16, %dma_start3A, %dma_start3A_45] : memref<8x128x32xf32, #tpu.memory_space<vmem>> -> memref<1x128x32xf32, #tpu.memory_space<vmem>>
      %dma_start3A_47 = tpu.memref_squeeze %dma_start3A_46 : memref<1x128x32xf32, #tpu.memory_space<vmem>> -> memref<128x32xf32, #tpu.memory_space<vmem>>
      %dma_start3A_48 = arith.constant 0 : i32
      %dma_start3A_49 = arith.constant 0 : i32
      %dma_start3A_50 = tpu.memref_slice %dma_start3A_47[%dma_start3A_48, %dma_start3A_49] : memref<128x32xf32, #tpu.memory_space<vmem>> -> memref<128x32xf32, #tpu.memory_space<vmem>>
      %dma_start3A_51 = arith.constant 0 : i32
      %dma_start3A_52 = tpu.memref_slice %arg11[%add3A_15, %dma_start3A_51] : memref<10112x32xf32, #tpu.memory_space<vmem_shared>> -> memref<128x32xf32, #tpu.memory_space<vmem_shared>>
      %dma_start3A_53 = arith.constant 0 : i32
      %dma_start3A_54 = tpu.memref_slice %arg11[%add3A_15, %dma_start3A_53] : memref<10112x32xf32, #tpu.memory_space<vmem_shared>> -> memref<128x32xf32, #tpu.memory_space<vmem_shared>>
      %dma_start3A_55 = arith.constant 0 : i32
      %dma_start3A_56 = arith.constant 0 : i32
      %dma_start3A_57 = tpu.memref_slice %arg10[%run_scoped3A_16, %dma_start3A_55, %dma_start3A_56] : memref<8x128x32xf32, #tpu.memory_space<vmem>> -> memref<1x128x32xf32, #tpu.memory_space<vmem>>
      %dma_start3A_58 = tpu.memref_squeeze %dma_start3A_57 : memref<1x128x32xf32, #tpu.memory_space<vmem>> -> memref<128x32xf32, #tpu.memory_space<vmem>>
      %dma_start3A_59 = arith.constant 0 : i32
      %dma_start3A_60 = arith.constant 0 : i32
      %dma_start3A_61 = tpu.memref_slice %dma_start3A_58[%dma_start3A_59, %dma_start3A_60] : memref<128x32xf32, #tpu.memory_space<vmem>> -> memref<128x32xf32, #tpu.memory_space<vmem>>
      tpu.enqueue_dma source(%dma_start3A_61 : memref<128x32xf32, #tpu.memory_space<vmem>>) target(%dma_start3A_54 : memref<128x32xf32, #tpu.memory_space<vmem_shared>>) target_semaphore(%run_scoped3A_44 : memref<!tpu.dma_semaphore, #tpu.memory_space<semaphore_mem>>)
      %dma_wait3A = arith.constant 0 : i32
      %dma_wait3A_62 = arith.constant 0 : i32
      %dma_wait3A_63 = tpu.memref_slice %arg10[%run_scoped3A_16, %dma_wait3A, %dma_wait3A_62] : memref<8x128x32xf32, #tpu.memory_space<vmem>> -> memref<1x128x32xf32, #tpu.memory_space<vmem>>
      %dma_wait3A_64 = tpu.memref_squeeze %dma_wait3A_63 : memref<1x128x32xf32, #tpu.memory_space<vmem>> -> memref<128x32xf32, #tpu.memory_space<vmem>>
      %dma_wait3A_65 = arith.constant 0 : i32
      %dma_wait3A_66 = arith.constant 0 : i32
      %dma_wait3A_67 = tpu.memref_slice %dma_wait3A_64[%dma_wait3A_65, %dma_wait3A_66] : memref<128x32xf32, #tpu.memory_space<vmem>> -> memref<128x32xf32, #tpu.memory_space<vmem>>
      %dma_wait3A_68 = arith.constant 0 : i32
      %dma_wait3A_69 = tpu.memref_slice %arg11[%add3A_15, %dma_wait3A_68] : memref<10112x32xf32, #tpu.memory_space<vmem_shared>> -> memref<128x32xf32, #tpu.memory_space<vmem_shared>>
      %dma_wait3A_70 = arith.constant 0 : i32
      %dma_wait3A_71 = tpu.memref_slice %arg11[%add3A_15, %dma_wait3A_70] : memref<10112x32xf32, #tpu.memory_space<vmem_shared>> -> memref<128x32xf32, #tpu.memory_space<vmem_shared>>
      %dma_wait3A_72 = arith.constant 0 : i32
      %dma_wait3A_73 = arith.constant 0 : i32
      %dma_wait3A_74 = tpu.memref_slice %arg10[%run_scoped3A_16, %dma_wait3A_72, %dma_wait3A_73] : memref<8x128x32xf32, #tpu.memory_space<vmem>> -> memref<1x128x32xf32, #tpu.memory_space<vmem>>
      %dma_wait3A_75 = tpu.memref_squeeze %dma_wait3A_74 : memref<1x128x32xf32, #tpu.memory_space<vmem>> -> memref<128x32xf32, #tpu.memory_space<vmem>>
      %dma_wait3A_76 = arith.constant 0 : i32
      %dma_wait3A_77 = arith.constant 0 : i32
      %dma_wait3A_78 = tpu.memref_slice %dma_wait3A_75[%dma_wait3A_76, %dma_wait3A_77] : memref<128x32xf32, #tpu.memory_space<vmem>> -> memref<128x32xf32, #tpu.memory_space<vmem>>
      tpu.wait_dma2 semaphore(%run_scoped3A_44 : memref<!tpu.dma_semaphore, #tpu.memory_space<semaphore_mem>>) src(%dma_wait3A_78 : memref<128x32xf32, #tpu.memory_space<vmem>>) dst(%dma_wait3A_71 : memref<128x32xf32, #tpu.memory_space<vmem_shared>>)
      tpu.yield
    }) : () -> ()
    %add3A_17 = arith.constant 256 : i32
    %add3A_18 = arith.addi %mul3A_0, %add3A_17 : i32
    %run_scoped3A_19 = arith.constant 0 : i32
    "tpu.region"() ({
      %run_scoped3A_44 = tpu.sem_alloc : memref<!tpu.dma_semaphore, #tpu.memory_space<semaphore_mem>>
      %dma_start3A = arith.constant 0 : i32
      %dma_start3A_45 = arith.constant 0 : i32
      %dma_start3A_46 = tpu.memref_slice %arg10[%run_scoped3A_19, %dma_start3A, %dma_start3A_45] : memref<8x128x32xf32, #tpu.memory_space<vmem>> -> memref<1x128x32xf32, #tpu.memory_space<vmem>>
      %dma_start3A_47 = tpu.memref_squeeze %dma_start3A_46 : memref<1x128x32xf32, #tpu.memory_space<vmem>> -> memref<128x32xf32, #tpu.memory_space<vmem>>
      %dma_start3A_48 = arith.constant 0 : i32
      %dma_start3A_49 = arith.constant 0 : i32
      %dma_start3A_50 = tpu.memref_slice %dma_start3A_47[%dma_start3A_48, %dma_start3A_49] : memref<128x32xf32, #tpu.memory_space<vmem>> -> memref<128x32xf32, #tpu.memory_space<vmem>>
      %dma_start3A_51 = arith.constant 0 : i32
      %dma_start3A_52 = tpu.memref_slice %arg11[%add3A_18, %dma_start3A_51] : memref<10112x32xf32, #tpu.memory_space<vmem_shared>> -> memref<128x32xf32, #tpu.memory_space<vmem_shared>>
      %dma_start3A_53 = arith.constant 0 : i32
      %dma_start3A_54 = tpu.memref_slice %arg11[%add3A_18, %dma_start3A_53] : memref<10112x32xf32, #tpu.memory_space<vmem_shared>> -> memref<128x32xf32, #tpu.memory_space<vmem_shared>>
      %dma_start3A_55 = arith.constant 0 : i32
      %dma_start3A_56 = arith.constant 0 : i32
      %dma_start3A_57 = tpu.memref_slice %arg10[%run_scoped3A_19, %dma_start3A_55, %dma_start3A_56] : memref<8x128x32xf32, #tpu.memory_space<vmem>> -> memref<1x128x32xf32, #tpu.memory_space<vmem>>
      %dma_start3A_58 = tpu.memref_squeeze %dma_start3A_57 : memref<1x128x32xf32, #tpu.memory_space<vmem>> -> memref<128x32xf32, #tpu.memory_space<vmem>>
      %dma_start3A_59 = arith.constant 0 : i32
      %dma_start3A_60 = arith.constant 0 : i32
      %dma_start3A_61 = tpu.memref_slice %dma_start3A_58[%dma_start3A_59, %dma_start3A_60] : memref<128x32xf32, #tpu.memory_space<vmem>> -> memref<128x32xf32, #tpu.memory_space<vmem>>
      tpu.enqueue_dma source(%dma_start3A_61 : memref<128x32xf32, #tpu.memory_space<vmem>>) target(%dma_start3A_54 : memref<128x32xf32, #tpu.memory_space<vmem_shared>>) target_semaphore(%run_scoped3A_44 : memref<!tpu.dma_semaphore, #tpu.memory_space<semaphore_mem>>)
      %dma_wait3A = arith.constant 0 : i32
      %dma_wait3A_62 = arith.constant 0 : i32
      %dma_wait3A_63 = tpu.memref_slice %arg10[%run_scoped3A_19, %dma_wait3A, %dma_wait3A_62] : memref<8x128x32xf32, #tpu.memory_space<vmem>> -> memref<1x128x32xf32, #tpu.memory_space<vmem>>
      %dma_wait3A_64 = tpu.memref_squeeze %dma_wait3A_63 : memref<1x128x32xf32, #tpu.memory_space<vmem>> -> memref<128x32xf32, #tpu.memory_space<vmem>>
      %dma_wait3A_65 = arith.constant 0 : i32
      %dma_wait3A_66 = arith.constant 0 : i32
      %dma_wait3A_67 = tpu.memref_slice %dma_wait3A_64[%dma_wait3A_65, %dma_wait3A_66] : memref<128x32xf32, #tpu.memory_space<vmem>> -> memref<128x32xf32, #tpu.memory_space<vmem>>
      %dma_wait3A_68 = arith.constant 0 : i32
      %dma_wait3A_69 = tpu.memref_slice %arg11[%add3A_18, %dma_wait3A_68] : memref<10112x32xf32, #tpu.memory_space<vmem_shared>> -> memref<128x32xf32, #tpu.memory_space<vmem_shared>>
      %dma_wait3A_70 = arith.constant 0 : i32
      %dma_wait3A_71 = tpu.memref_slice %arg11[%add3A_18, %dma_wait3A_70] : memref<10112x32xf32, #tpu.memory_space<vmem_shared>> -> memref<128x32xf32, #tpu.memory_space<vmem_shared>>
      %dma_wait3A_72 = arith.constant 0 : i32
      %dma_wait3A_73 = arith.constant 0 : i32
      %dma_wait3A_74 = tpu.memref_slice %arg10[%run_scoped3A_19, %dma_wait3A_72, %dma_wait3A_73] : memref<8x128x32xf32, #tpu.memory_space<vmem>> -> memref<1x128x32xf32, #tpu.memory_space<vmem>>
      %dma_wait3A_75 = tpu.memref_squeeze %dma_wait3A_74 : memref<1x128x32xf32, #tpu.memory_space<vmem>> -> memref<128x32xf32, #tpu.memory_space<vmem>>
      %dma_wait3A_76 = arith.constant 0 : i32
      %dma_wait3A_77 = arith.constant 0 : i32
      %dma_wait3A_78 = tpu.memref_slice %dma_wait3A_75[%dma_wait3A_76, %dma_wait3A_77] : memref<128x32xf32, #tpu.memory_space<vmem>> -> memref<128x32xf32, #tpu.memory_space<vmem>>
      tpu.wait_dma2 semaphore(%run_scoped3A_44 : memref<!tpu.dma_semaphore, #tpu.memory_space<semaphore_mem>>) src(%dma_wait3A_78 : memref<128x32xf32, #tpu.memory_space<vmem>>) dst(%dma_wait3A_71 : memref<128x32xf32, #tpu.memory_space<vmem_shared>>)
      tpu.yield
    }) : () -> ()
    %add3A_20 = arith.constant 384 : i32
    %add3A_21 = arith.addi %mul3A_0, %add3A_20 : i32
    %run_scoped3A_22 = arith.constant 0 : i32
    "tpu.region"() ({
      %run_scoped3A_44 = tpu.sem_alloc : memref<!tpu.dma_semaphore, #tpu.memory_space<semaphore_mem>>
      %dma_start3A = arith.constant 0 : i32
      %dma_start3A_45 = arith.constant 0 : i32
      %dma_start3A_46 = tpu.memref_slice %arg10[%run_scoped3A_22, %dma_start3A, %dma_start3A_45] : memref<8x128x32xf32, #tpu.memory_space<vmem>> -> memref<1x128x32xf32, #tpu.memory_space<vmem>>
      %dma_start3A_47 = tpu.memref_squeeze %dma_start3A_46 : memref<1x128x32xf32, #tpu.memory_space<vmem>> -> memref<128x32xf32, #tpu.memory_space<vmem>>
      %dma_start3A_48 = arith.constant 0 : i32
      %dma_start3A_49 = arith.constant 0 : i32
      %dma_start3A_50 = tpu.memref_slice %dma_start3A_47[%dma_start3A_48, %dma_start3A_49] : memref<128x32xf32, #tpu.memory_space<vmem>> -> memref<128x32xf32, #tpu.memory_space<vmem>>
      %dma_start3A_51 = arith.constant 0 : i32
      %dma_start3A_52 = tpu.memref_slice %arg11[%add3A_21, %dma_start3A_51] : memref<10112x32xf32, #tpu.memory_space<vmem_shared>> -> memref<128x32xf32, #tpu.memory_space<vmem_shared>>
      %dma_start3A_53 = arith.constant 0 : i32
      %dma_start3A_54 = tpu.memref_slice %arg11[%add3A_21, %dma_start3A_53] : memref<10112x32xf32, #tpu.memory_space<vmem_shared>> -> memref<128x32xf32, #tpu.memory_space<vmem_shared>>
      %dma_start3A_55 = arith.constant 0 : i32
      %dma_start3A_56 = arith.constant 0 : i32
      %dma_start3A_57 = tpu.memref_slice %arg10[%run_scoped3A_22, %dma_start3A_55, %dma_start3A_56] : memref<8x128x32xf32, #tpu.memory_space<vmem>> -> memref<1x128x32xf32, #tpu.memory_space<vmem>>
      %dma_start3A_58 = tpu.memref_squeeze %dma_start3A_57 : memref<1x128x32xf32, #tpu.memory_space<vmem>> -> memref<128x32xf32, #tpu.memory_space<vmem>>
      %dma_start3A_59 = arith.constant 0 : i32
      %dma_start3A_60 = arith.constant 0 : i32
      %dma_start3A_61 = tpu.memref_slice %dma_start3A_58[%dma_start3A_59, %dma_start3A_60] : memref<128x32xf32, #tpu.memory_space<vmem>> -> memref<128x32xf32, #tpu.memory_space<vmem>>
      tpu.enqueue_dma source(%dma_start3A_61 : memref<128x32xf32, #tpu.memory_space<vmem>>) target(%dma_start3A_54 : memref<128x32xf32, #tpu.memory_space<vmem_shared>>) target_semaphore(%run_scoped3A_44 : memref<!tpu.dma_semaphore, #tpu.memory_space<semaphore_mem>>)
      %dma_wait3A = arith.constant 0 : i32
      %dma_wait3A_62 = arith.constant 0 : i32
      %dma_wait3A_63 = tpu.memref_slice %arg10[%run_scoped3A_22, %dma_wait3A, %dma_wait3A_62] : memref<8x128x32xf32, #tpu.memory_space<vmem>> -> memref<1x128x32xf32, #tpu.memory_space<vmem>>
      %dma_wait3A_64 = tpu.memref_squeeze %dma_wait3A_63 : memref<1x128x32xf32, #tpu.memory_space<vmem>> -> memref<128x32xf32, #tpu.memory_space<vmem>>
      %dma_wait3A_65 = arith.constant 0 : i32
      %dma_wait3A_66 = arith.constant 0 : i32
      %dma_wait3A_67 = tpu.memref_slice %dma_wait3A_64[%dma_wait3A_65, %dma_wait3A_66] : memref<128x32xf32, #tpu.memory_space<vmem>> -> memref<128x32xf32, #tpu.memory_space<vmem>>
      %dma_wait3A_68 = arith.constant 0 : i32
      %dma_wait3A_69 = tpu.memref_slice %arg11[%add3A_21, %dma_wait3A_68] : memref<10112x32xf32, #tpu.memory_space<vmem_shared>> -> memref<128x32xf32, #tpu.memory_space<vmem_shared>>
      %dma_wait3A_70 = arith.constant 0 : i32
      %dma_wait3A_71 = tpu.memref_slice %arg11[%add3A_21, %dma_wait3A_70] : memref<10112x32xf32, #tpu.memory_space<vmem_shared>> -> memref<128x32xf32, #tpu.memory_space<vmem_shared>>
      %dma_wait3A_72 = arith.constant 0 : i32
      %dma_wait3A_73 = arith.constant 0 : i32
      %dma_wait3A_74 = tpu.memref_slice %arg10[%run_scoped3A_22, %dma_wait3A_72, %dma_wait3A_73] : memref<8x128x32xf32, #tpu.memory_space<vmem>> -> memref<1x128x32xf32, #tpu.memory_space<vmem>>
      %dma_wait3A_75 = tpu.memref_squeeze %dma_wait3A_74 : memref<1x128x32xf32, #tpu.memory_space<vmem>> -> memref<128x32xf32, #tpu.memory_space<vmem>>
      %dma_wait3A_76 = arith.constant 0 : i32
      %dma_wait3A_77 = arith.constant 0 : i32
      %dma_wait3A_78 = tpu.memref_slice %dma_wait3A_75[%dma_wait3A_76, %dma_wait3A_77] : memref<128x32xf32, #tpu.memory_space<vmem>> -> memref<128x32xf32, #tpu.memory_space<vmem>>
      tpu.wait_dma2 semaphore(%run_scoped3A_44 : memref<!tpu.dma_semaphore, #tpu.memory_space<semaphore_mem>>) src(%dma_wait3A_78 : memref<128x32xf32, #tpu.memory_space<vmem>>) dst(%dma_wait3A_71 : memref<128x32xf32, #tpu.memory_space<vmem_shared>>)
      tpu.yield
    }) : () -> ()
    %add3A_23 = arith.constant 512 : i32
    %add3A_24 = arith.addi %mul3A_0, %add3A_23 : i32
    %run_scoped3A_25 = arith.constant 0 : i32
    "tpu.region"() ({
      %run_scoped3A_44 = tpu.sem_alloc : memref<!tpu.dma_semaphore, #tpu.memory_space<semaphore_mem>>
      %dma_start3A = arith.constant 0 : i32
      %dma_start3A_45 = arith.constant 0 : i32
      %dma_start3A_46 = tpu.memref_slice %arg10[%run_scoped3A_25, %dma_start3A, %dma_start3A_45] : memref<8x128x32xf32, #tpu.memory_space<vmem>> -> memref<1x128x32xf32, #tpu.memory_space<vmem>>
      %dma_start3A_47 = tpu.memref_squeeze %dma_start3A_46 : memref<1x128x32xf32, #tpu.memory_space<vmem>> -> memref<128x32xf32, #tpu.memory_space<vmem>>
      %dma_start3A_48 = arith.constant 0 : i32
      %dma_start3A_49 = arith.constant 0 : i32
      %dma_start3A_50 = tpu.memref_slice %dma_start3A_47[%dma_start3A_48, %dma_start3A_49] : memref<128x32xf32, #tpu.memory_space<vmem>> -> memref<120x32xf32, #tpu.memory_space<vmem>>
      %dma_start3A_51 = arith.constant 0 : i32
      %dma_start3A_52 = tpu.memref_slice %arg11[%add3A_24, %dma_start3A_51] : memref<10112x32xf32, #tpu.memory_space<vmem_shared>> -> memref<120x32xf32, #tpu.memory_space<vmem_shared>>
      %dma_start3A_53 = arith.constant 0 : i32
      %dma_start3A_54 = tpu.memref_slice %arg11[%add3A_24, %dma_start3A_53] : memref<10112x32xf32, #tpu.memory_space<vmem_shared>> -> memref<120x32xf32, #tpu.memory_space<vmem_shared>>
      %dma_start3A_55 = arith.constant 0 : i32
      %dma_start3A_56 = arith.constant 0 : i32
      %dma_start3A_57 = tpu.memref_slice %arg10[%run_scoped3A_25, %dma_start3A_55, %dma_start3A_56] : memref<8x128x32xf32, #tpu.memory_space<vmem>> -> memref<1x128x32xf32, #tpu.memory_space<vmem>>
      %dma_start3A_58 = tpu.memref_squeeze %dma_start3A_57 : memref<1x128x32xf32, #tpu.memory_space<vmem>> -> memref<128x32xf32, #tpu.memory_space<vmem>>
      %dma_start3A_59 = arith.constant 0 : i32
      %dma_start3A_60 = arith.constant 0 : i32
      %dma_start3A_61 = tpu.memref_slice %dma_start3A_58[%dma_start3A_59, %dma_start3A_60] : memref<128x32xf32, #tpu.memory_space<vmem>> -> memref<120x32xf32, #tpu.memory_space<vmem>>
      tpu.enqueue_dma source(%dma_start3A_61 : memref<120x32xf32, #tpu.memory_space<vmem>>) target(%dma_start3A_54 : memref<120x32xf32, #tpu.memory_space<vmem_shared>>) target_semaphore(%run_scoped3A_44 : memref<!tpu.dma_semaphore, #tpu.memory_space<semaphore_mem>>)
      %dma_wait3A = arith.constant 0 : i32
      %dma_wait3A_62 = arith.constant 0 : i32
      %dma_wait3A_63 = tpu.memref_slice %arg10[%run_scoped3A_25, %dma_wait3A, %dma_wait3A_62] : memref<8x128x32xf32, #tpu.memory_space<vmem>> -> memref<1x128x32xf32, #tpu.memory_space<vmem>>
      %dma_wait3A_64 = tpu.memref_squeeze %dma_wait3A_63 : memref<1x128x32xf32, #tpu.memory_space<vmem>> -> memref<128x32xf32, #tpu.memory_space<vmem>>
      %dma_wait3A_65 = arith.constant 0 : i32
      %dma_wait3A_66 = arith.constant 0 : i32
      %dma_wait3A_67 = tpu.memref_slice %dma_wait3A_64[%dma_wait3A_65, %dma_wait3A_66] : memref<128x32xf32, #tpu.memory_space<vmem>> -> memref<120x32xf32, #tpu.memory_space<vmem>>
      %dma_wait3A_68 = arith.constant 0 : i32
      %dma_wait3A_69 = tpu.memref_slice %arg11[%add3A_24, %dma_wait3A_68] : memref<10112x32xf32, #tpu.memory_space<vmem_shared>> -> memref<120x32xf32, #tpu.memory_space<vmem_shared>>
      %dma_wait3A_70 = arith.constant 0 : i32
      %dma_wait3A_71 = tpu.memref_slice %arg11[%add3A_24, %dma_wait3A_70] : memref<10112x32xf32, #tpu.memory_space<vmem_shared>> -> memref<120x32xf32, #tpu.memory_space<vmem_shared>>
      %dma_wait3A_72 = arith.constant 0 : i32
      %dma_wait3A_73 = arith.constant 0 : i32
      %dma_wait3A_74 = tpu.memref_slice %arg10[%run_scoped3A_25, %dma_wait3A_72, %dma_wait3A_73] : memref<8x128x32xf32, #tpu.memory_space<vmem>> -> memref<1x128x32xf32, #tpu.memory_space<vmem>>
      %dma_wait3A_75 = tpu.memref_squeeze %dma_wait3A_74 : memref<1x128x32xf32, #tpu.memory_space<vmem>> -> memref<128x32xf32, #tpu.memory_space<vmem>>
      %dma_wait3A_76 = arith.constant 0 : i32
      %dma_wait3A_77 = arith.constant 0 : i32
      %dma_wait3A_78 = tpu.memref_slice %dma_wait3A_75[%dma_wait3A_76, %dma_wait3A_77] : memref<128x32xf32, #tpu.memory_space<vmem>> -> memref<120x32xf32, #tpu.memory_space<vmem>>
      tpu.wait_dma2 semaphore(%run_scoped3A_44 : memref<!tpu.dma_semaphore, #tpu.memory_space<semaphore_mem>>) src(%dma_wait3A_78 : memref<120x32xf32, #tpu.memory_space<vmem>>) dst(%dma_wait3A_71 : memref<120x32xf32, #tpu.memory_space<vmem_shared>>)
      tpu.yield
    }) : () -> ()
    %barrier3A = arith.constant 0 : index
    tpu.barrier barrier_id(%barrier3A)
    %scan3A_26 = arith.constant 0 : i32
    %scan3A_27 = arith.constant 20 : i32
    %scan3A_28 = arith.addi %scan3A_26, %scan3A_27 : i32
    %scan3A_29 = arith.constant 1 : i32
    scf.for %scan3A_44 = %scan3A_26 to %scan3A_28 step %scan3A_29  : i32 {
      %mul3A_45 = arith.constant 8 : i32
      %mul3A_46 = arith.muli %scan3A_44, %mul3A_45 : i32
      %add3A_47 = arith.constant 0 : i32
      %add3A_48 = arith.addi %add3A_47, %mul3A_46 : i32
      %add3A_49 = arith.constant 0 : i32
      %add3A_50 = arith.addi %add3A_48, %add3A_49 : i32
      %dma_start3A = arith.constant 0 : i32
      %dma_start3A_51 = arith.constant 0 : i32
      %dma_start3A_52 = arith.constant 0 : i32
      %dma_start3A_53 = arith.constant 0 : i32
      %dma_start3A_54 = tpu.memref_slice %arg10[%dma_start3A, %dma_start3A_52, %dma_start3A_53] : memref<8x128x32xf32, #tpu.memory_space<vmem>> -> memref<1x128x32xf32, #tpu.memory_space<vmem>>
      %dma_start3A_55 = tpu.memref_squeeze %dma_start3A_54 : memref<1x128x32xf32, #tpu.memory_space<vmem>> -> memref<128x32xf32, #tpu.memory_space<vmem>>
      %dma_start3A_56 = arith.constant 0 : i32
      %dma_start3A_57 = tpu.memref_slice %arg8[%add3A_50, %dma_start3A_56] : memref<160x128xi32, #tpu.memory_space<vmem>> -> memref<1x128xi32, #tpu.memory_space<vmem>>
      %dma_start3A_58 = tpu.memref_squeeze %dma_start3A_57 : memref<1x128xi32, #tpu.memory_space<vmem>> -> memref<128xi32, #tpu.memory_space<vmem>>
      %dma_start3A_59 = arith.constant 0 : i32
      %dma_start3A_60 = arith.constant 0 : i32
      %dma_start3A_61 = tpu.memref_slice %arg12[%dma_start3A_59, %dma_start3A_60] : memref<10112x32xf32, #tpu.memory_space<vmem_shared>> -> memref<10112x32xf32, #tpu.memory_space<vmem_shared>>
      %dma_start3A_62 = tpu.memref_slice %arg13[%dma_start3A_51] : memref<8x!tpu.dma_semaphore, #tpu.memory_space<semaphore_mem>> -> memref<1x!tpu.dma_semaphore, #tpu.memory_space<semaphore_mem>>
      %dma_start3A_63 = tpu.memref_squeeze %dma_start3A_62 : memref<1x!tpu.dma_semaphore, #tpu.memory_space<semaphore_mem>> -> memref<!tpu.dma_semaphore, #tpu.memory_space<semaphore_mem>>
      tpu.enqueue_indirect_dma source(%dma_start3A_61 : memref<10112x32xf32, #tpu.memory_space<vmem_shared>>) target(%dma_start3A_55 : memref<128x32xf32, #tpu.memory_space<vmem>>) offsets(%dma_start3A_58 : memref<128xi32, #tpu.memory_space<vmem>>) semaphore(%dma_start3A_63 : memref<!tpu.dma_semaphore, #tpu.memory_space<semaphore_mem>>)
      %add3A_64 = arith.constant 1 : i32
      %add3A_65 = arith.addi %add3A_48, %add3A_64 : i32
      %dma_start3A_66 = arith.constant 1 : i32
      %dma_start3A_67 = arith.constant 1 : i32
      %dma_start3A_68 = arith.constant 0 : i32
      %dma_start3A_69 = arith.constant 0 : i32
      %dma_start3A_70 = tpu.memref_slice %arg10[%dma_start3A_66, %dma_start3A_68, %dma_start3A_69] : memref<8x128x32xf32, #tpu.memory_space<vmem>> -> memref<1x128x32xf32, #tpu.memory_space<vmem>>
      %dma_start3A_71 = tpu.memref_squeeze %dma_start3A_70 : memref<1x128x32xf32, #tpu.memory_space<vmem>> -> memref<128x32xf32, #tpu.memory_space<vmem>>
      %dma_start3A_72 = arith.constant 0 : i32
      %dma_start3A_73 = tpu.memref_slice %arg8[%add3A_65, %dma_start3A_72] : memref<160x128xi32, #tpu.memory_space<vmem>> -> memref<1x128xi32, #tpu.memory_space<vmem>>
      %dma_start3A_74 = tpu.memref_squeeze %dma_start3A_73 : memref<1x128xi32, #tpu.memory_space<vmem>> -> memref<128xi32, #tpu.memory_space<vmem>>
      %dma_start3A_75 = arith.constant 0 : i32
      %dma_start3A_76 = arith.constant 0 : i32
      %dma_start3A_77 = tpu.memref_slice %arg12[%dma_start3A_75, %dma_start3A_76] : memref<10112x32xf32, #tpu.memory_space<vmem_shared>> -> memref<10112x32xf32, #tpu.memory_space<vmem_shared>>
      %dma_start3A_78 = tpu.memref_slice %arg13[%dma_start3A_67] : memref<8x!tpu.dma_semaphore, #tpu.memory_space<semaphore_mem>> -> memref<1x!tpu.dma_semaphore, #tpu.memory_space<semaphore_mem>>
      %dma_start3A_79 = tpu.memref_squeeze %dma_start3A_78 : memref<1x!tpu.dma_semaphore, #tpu.memory_space<semaphore_mem>> -> memref<!tpu.dma_semaphore, #tpu.memory_space<semaphore_mem>>
      tpu.enqueue_indirect_dma source(%dma_start3A_77 : memref<10112x32xf32, #tpu.memory_space<vmem_shared>>) target(%dma_start3A_71 : memref<128x32xf32, #tpu.memory_space<vmem>>) offsets(%dma_start3A_74 : memref<128xi32, #tpu.memory_space<vmem>>) semaphore(%dma_start3A_79 : memref<!tpu.dma_semaphore, #tpu.memory_space<semaphore_mem>>)
      %add3A_80 = arith.constant 2 : i32
      %add3A_81 = arith.addi %add3A_48, %add3A_80 : i32
      %dma_start3A_82 = arith.constant 2 : i32
      %dma_start3A_83 = arith.constant 2 : i32
      %dma_start3A_84 = arith.constant 0 : i32
      %dma_start3A_85 = arith.constant 0 : i32
      %dma_start3A_86 = tpu.memref_slice %arg10[%dma_start3A_82, %dma_start3A_84, %dma_start3A_85] : memref<8x128x32xf32, #tpu.memory_space<vmem>> -> memref<1x128x32xf32, #tpu.memory_space<vmem>>
      %dma_start3A_87 = tpu.memref_squeeze %dma_start3A_86 : memref<1x128x32xf32, #tpu.memory_space<vmem>> -> memref<128x32xf32, #tpu.memory_space<vmem>>
      %dma_start3A_88 = arith.constant 0 : i32
      %dma_start3A_89 = tpu.memref_slice %arg8[%add3A_81, %dma_start3A_88] : memref<160x128xi32, #tpu.memory_space<vmem>> -> memref<1x128xi32, #tpu.memory_space<vmem>>
      %dma_start3A_90 = tpu.memref_squeeze %dma_start3A_89 : memref<1x128xi32, #tpu.memory_space<vmem>> -> memref<128xi32, #tpu.memory_space<vmem>>
      %dma_start3A_91 = arith.constant 0 : i32
      %dma_start3A_92 = arith.constant 0 : i32
      %dma_start3A_93 = tpu.memref_slice %arg12[%dma_start3A_91, %dma_start3A_92] : memref<10112x32xf32, #tpu.memory_space<vmem_shared>> -> memref<10112x32xf32, #tpu.memory_space<vmem_shared>>
      %dma_start3A_94 = tpu.memref_slice %arg13[%dma_start3A_83] : memref<8x!tpu.dma_semaphore, #tpu.memory_space<semaphore_mem>> -> memref<1x!tpu.dma_semaphore, #tpu.memory_space<semaphore_mem>>
      %dma_start3A_95 = tpu.memref_squeeze %dma_start3A_94 : memref<1x!tpu.dma_semaphore, #tpu.memory_space<semaphore_mem>> -> memref<!tpu.dma_semaphore, #tpu.memory_space<semaphore_mem>>
      tpu.enqueue_indirect_dma source(%dma_start3A_93 : memref<10112x32xf32, #tpu.memory_space<vmem_shared>>) target(%dma_start3A_87 : memref<128x32xf32, #tpu.memory_space<vmem>>) offsets(%dma_start3A_90 : memref<128xi32, #tpu.memory_space<vmem>>) semaphore(%dma_start3A_95 : memref<!tpu.dma_semaphore, #tpu.memory_space<semaphore_mem>>)
      %add3A_96 = arith.constant 3 : i32
      %add3A_97 = arith.addi %add3A_48, %add3A_96 : i32
      %dma_start3A_98 = arith.constant 3 : i32
      %dma_start3A_99 = arith.constant 3 : i32
      %dma_start3A_100 = arith.constant 0 : i32
      %dma_start3A_101 = arith.constant 0 : i32
      %dma_start3A_102 = tpu.memref_slice %arg10[%dma_start3A_98, %dma_start3A_100, %dma_start3A_101] : memref<8x128x32xf32, #tpu.memory_space<vmem>> -> memref<1x128x32xf32, #tpu.memory_space<vmem>>
      %dma_start3A_103 = tpu.memref_squeeze %dma_start3A_102 : memref<1x128x32xf32, #tpu.memory_space<vmem>> -> memref<128x32xf32, #tpu.memory_space<vmem>>
      %dma_start3A_104 = arith.constant 0 : i32
      %dma_start3A_105 = tpu.memref_slice %arg8[%add3A_97, %dma_start3A_104] : memref<160x128xi32, #tpu.memory_space<vmem>> -> memref<1x128xi32, #tpu.memory_space<vmem>>
      %dma_start3A_106 = tpu.memref_squeeze %dma_start3A_105 : memref<1x128xi32, #tpu.memory_space<vmem>> -> memref<128xi32, #tpu.memory_space<vmem>>
      %dma_start3A_107 = arith.constant 0 : i32
      %dma_start3A_108 = arith.constant 0 : i32
      %dma_start3A_109 = tpu.memref_slice %arg12[%dma_start3A_107, %dma_start3A_108] : memref<10112x32xf32, #tpu.memory_space<vmem_shared>> -> memref<10112x32xf32, #tpu.memory_space<vmem_shared>>
      %dma_start3A_110 = tpu.memref_slice %arg13[%dma_start3A_99] : memref<8x!tpu.dma_semaphore, #tpu.memory_space<semaphore_mem>> -> memref<1x!tpu.dma_semaphore, #tpu.memory_space<semaphore_mem>>
      %dma_start3A_111 = tpu.memref_squeeze %dma_start3A_110 : memref<1x!tpu.dma_semaphore, #tpu.memory_space<semaphore_mem>> -> memref<!tpu.dma_semaphore, #tpu.memory_space<semaphore_mem>>
      tpu.enqueue_indirect_dma source(%dma_start3A_109 : memref<10112x32xf32, #tpu.memory_space<vmem_shared>>) target(%dma_start3A_103 : memref<128x32xf32, #tpu.memory_space<vmem>>) offsets(%dma_start3A_106 : memref<128xi32, #tpu.memory_space<vmem>>) semaphore(%dma_start3A_111 : memref<!tpu.dma_semaphore, #tpu.memory_space<semaphore_mem>>)
      %add3A_112 = arith.constant 4 : i32
      %add3A_113 = arith.addi %add3A_48, %add3A_112 : i32
      %dma_start3A_114 = arith.constant 4 : i32
      %dma_start3A_115 = arith.constant 4 : i32
      %dma_start3A_116 = arith.constant 0 : i32
      %dma_start3A_117 = arith.constant 0 : i32
      %dma_start3A_118 = tpu.memref_slice %arg10[%dma_start3A_114, %dma_start3A_116, %dma_start3A_117] : memref<8x128x32xf32, #tpu.memory_space<vmem>> -> memref<1x128x32xf32, #tpu.memory_space<vmem>>
      %dma_start3A_119 = tpu.memref_squeeze %dma_start3A_118 : memref<1x128x32xf32, #tpu.memory_space<vmem>> -> memref<128x32xf32, #tpu.memory_space<vmem>>
      %dma_start3A_120 = arith.constant 0 : i32
      %dma_start3A_121 = tpu.memref_slice %arg8[%add3A_113, %dma_start3A_120] : memref<160x128xi32, #tpu.memory_space<vmem>> -> memref<1x128xi32, #tpu.memory_space<vmem>>
      %dma_start3A_122 = tpu.memref_squeeze %dma_start3A_121 : memref<1x128xi32, #tpu.memory_space<vmem>> -> memref<128xi32, #tpu.memory_space<vmem>>
      %dma_start3A_123 = arith.constant 0 : i32
      %dma_start3A_124 = arith.constant 0 : i32
      %dma_start3A_125 = tpu.memref_slice %arg12[%dma_start3A_123, %dma_start3A_124] : memref<10112x32xf32, #tpu.memory_space<vmem_shared>> -> memref<10112x32xf32, #tpu.memory_space<vmem_shared>>
      %dma_start3A_126 = tpu.memref_slice %arg13[%dma_start3A_115] : memref<8x!tpu.dma_semaphore, #tpu.memory_space<semaphore_mem>> -> memref<1x!tpu.dma_semaphore, #tpu.memory_space<semaphore_mem>>
      %dma_start3A_127 = tpu.memref_squeeze %dma_start3A_126 : memref<1x!tpu.dma_semaphore, #tpu.memory_space<semaphore_mem>> -> memref<!tpu.dma_semaphore, #tpu.memory_space<semaphore_mem>>
      tpu.enqueue_indirect_dma source(%dma_start3A_125 : memref<10112x32xf32, #tpu.memory_space<vmem_shared>>) target(%dma_start3A_119 : memref<128x32xf32, #tpu.memory_space<vmem>>) offsets(%dma_start3A_122 : memref<128xi32, #tpu.memory_space<vmem>>) semaphore(%dma_start3A_127 : memref<!tpu.dma_semaphore, #tpu.memory_space<semaphore_mem>>)
      %add3A_128 = arith.constant 5 : i32
      %add3A_129 = arith.addi %add3A_48, %add3A_128 : i32
      %dma_start3A_130 = arith.constant 5 : i32
      %dma_start3A_131 = arith.constant 5 : i32
      %dma_start3A_132 = arith.constant 0 : i32
      %dma_start3A_133 = arith.constant 0 : i32
      %dma_start3A_134 = tpu.memref_slice %arg10[%dma_start3A_130, %dma_start3A_132, %dma_start3A_133] : memref<8x128x32xf32, #tpu.memory_space<vmem>> -> memref<1x128x32xf32, #tpu.memory_space<vmem>>
      %dma_start3A_135 = tpu.memref_squeeze %dma_start3A_134 : memref<1x128x32xf32, #tpu.memory_space<vmem>> -> memref<128x32xf32, #tpu.memory_space<vmem>>
      %dma_start3A_136 = arith.constant 0 : i32
      %dma_start3A_137 = tpu.memref_slice %arg8[%add3A_129, %dma_start3A_136] : memref<160x128xi32, #tpu.memory_space<vmem>> -> memref<1x128xi32, #tpu.memory_space<vmem>>
      %dma_start3A_138 = tpu.memref_squeeze %dma_start3A_137 : memref<1x128xi32, #tpu.memory_space<vmem>> -> memref<128xi32, #tpu.memory_space<vmem>>
      %dma_start3A_139 = arith.constant 0 : i32
      %dma_start3A_140 = arith.constant 0 : i32
      %dma_start3A_141 = tpu.memref_slice %arg12[%dma_start3A_139, %dma_start3A_140] : memref<10112x32xf32, #tpu.memory_space<vmem_shared>> -> memref<10112x32xf32, #tpu.memory_space<vmem_shared>>
      %dma_start3A_142 = tpu.memref_slice %arg13[%dma_start3A_131] : memref<8x!tpu.dma_semaphore, #tpu.memory_space<semaphore_mem>> -> memref<1x!tpu.dma_semaphore, #tpu.memory_space<semaphore_mem>>
      %dma_start3A_143 = tpu.memref_squeeze %dma_start3A_142 : memref<1x!tpu.dma_semaphore, #tpu.memory_space<semaphore_mem>> -> memref<!tpu.dma_semaphore, #tpu.memory_space<semaphore_mem>>
      tpu.enqueue_indirect_dma source(%dma_start3A_141 : memref<10112x32xf32, #tpu.memory_space<vmem_shared>>) target(%dma_start3A_135 : memref<128x32xf32, #tpu.memory_space<vmem>>) offsets(%dma_start3A_138 : memref<128xi32, #tpu.memory_space<vmem>>) semaphore(%dma_start3A_143 : memref<!tpu.dma_semaphore, #tpu.memory_space<semaphore_mem>>)
      %add3A_144 = arith.constant 6 : i32
      %add3A_145 = arith.addi %add3A_48, %add3A_144 : i32
      %dma_start3A_146 = arith.constant 6 : i32
      %dma_start3A_147 = arith.constant 6 : i32
      %dma_start3A_148 = arith.constant 0 : i32
      %dma_start3A_149 = arith.constant 0 : i32
      %dma_start3A_150 = tpu.memref_slice %arg10[%dma_start3A_146, %dma_start3A_148, %dma_start3A_149] : memref<8x128x32xf32, #tpu.memory_space<vmem>> -> memref<1x128x32xf32, #tpu.memory_space<vmem>>
      %dma_start3A_151 = tpu.memref_squeeze %dma_start3A_150 : memref<1x128x32xf32, #tpu.memory_space<vmem>> -> memref<128x32xf32, #tpu.memory_space<vmem>>
      %dma_start3A_152 = arith.constant 0 : i32
      %dma_start3A_153 = tpu.memref_slice %arg8[%add3A_145, %dma_start3A_152] : memref<160x128xi32, #tpu.memory_space<vmem>> -> memref<1x128xi32, #tpu.memory_space<vmem>>
      %dma_start3A_154 = tpu.memref_squeeze %dma_start3A_153 : memref<1x128xi32, #tpu.memory_space<vmem>> -> memref<128xi32, #tpu.memory_space<vmem>>
      %dma_start3A_155 = arith.constant 0 : i32
      %dma_start3A_156 = arith.constant 0 : i32
      %dma_start3A_157 = tpu.memref_slice %arg12[%dma_start3A_155, %dma_start3A_156] : memref<10112x32xf32, #tpu.memory_space<vmem_shared>> -> memref<10112x32xf32, #tpu.memory_space<vmem_shared>>
      %dma_start3A_158 = tpu.memref_slice %arg13[%dma_start3A_147] : memref<8x!tpu.dma_semaphore, #tpu.memory_space<semaphore_mem>> -> memref<1x!tpu.dma_semaphore, #tpu.memory_space<semaphore_mem>>
      %dma_start3A_159 = tpu.memref_squeeze %dma_start3A_158 : memref<1x!tpu.dma_semaphore, #tpu.memory_space<semaphore_mem>> -> memref<!tpu.dma_semaphore, #tpu.memory_space<semaphore_mem>>
      tpu.enqueue_indirect_dma source(%dma_start3A_157 : memref<10112x32xf32, #tpu.memory_space<vmem_shared>>) target(%dma_start3A_151 : memref<128x32xf32, #tpu.memory_space<vmem>>) offsets(%dma_start3A_154 : memref<128xi32, #tpu.memory_space<vmem>>) semaphore(%dma_start3A_159 : memref<!tpu.dma_semaphore, #tpu.memory_space<semaphore_mem>>)
      %add3A_160 = arith.constant 7 : i32
      %add3A_161 = arith.addi %add3A_48, %add3A_160 : i32
      %dma_start3A_162 = arith.constant 7 : i32
      %dma_start3A_163 = arith.constant 7 : i32
      %dma_start3A_164 = arith.constant 0 : i32
      %dma_start3A_165 = arith.constant 0 : i32
      %dma_start3A_166 = tpu.memref_slice %arg10[%dma_start3A_162, %dma_start3A_164, %dma_start3A_165] : memref<8x128x32xf32, #tpu.memory_space<vmem>> -> memref<1x128x32xf32, #tpu.memory_space<vmem>>
      %dma_start3A_167 = tpu.memref_squeeze %dma_start3A_166 : memref<1x128x32xf32, #tpu.memory_space<vmem>> -> memref<128x32xf32, #tpu.memory_space<vmem>>
      %dma_start3A_168 = arith.constant 0 : i32
      %dma_start3A_169 = tpu.memref_slice %arg8[%add3A_161, %dma_start3A_168] : memref<160x128xi32, #tpu.memory_space<vmem>> -> memref<1x128xi32, #tpu.memory_space<vmem>>
      %dma_start3A_170 = tpu.memref_squeeze %dma_start3A_169 : memref<1x128xi32, #tpu.memory_space<vmem>> -> memref<128xi32, #tpu.memory_space<vmem>>
      %dma_start3A_171 = arith.constant 0 : i32
      %dma_start3A_172 = arith.constant 0 : i32
      %dma_start3A_173 = tpu.memref_slice %arg12[%dma_start3A_171, %dma_start3A_172] : memref<10112x32xf32, #tpu.memory_space<vmem_shared>> -> memref<10112x32xf32, #tpu.memory_space<vmem_shared>>
      %dma_start3A_174 = tpu.memref_slice %arg13[%dma_start3A_163] : memref<8x!tpu.dma_semaphore, #tpu.memory_space<semaphore_mem>> -> memref<1x!tpu.dma_semaphore, #tpu.memory_space<semaphore_mem>>
      %dma_start3A_175 = tpu.memref_squeeze %dma_start3A_174 : memref<1x!tpu.dma_semaphore, #tpu.memory_space<semaphore_mem>> -> memref<!tpu.dma_semaphore, #tpu.memory_space<semaphore_mem>>
      tpu.enqueue_indirect_dma source(%dma_start3A_173 : memref<10112x32xf32, #tpu.memory_space<vmem_shared>>) target(%dma_start3A_167 : memref<128x32xf32, #tpu.memory_space<vmem>>) offsets(%dma_start3A_170 : memref<128xi32, #tpu.memory_space<vmem>>) semaphore(%dma_start3A_175 : memref<!tpu.dma_semaphore, #tpu.memory_space<semaphore_mem>>)
      %dma_wait3A = arith.constant 0 : i32
      %dma_wait3A_176 = arith.constant 0 : i32
      %dma_wait3A_177 = arith.constant 0 : i32
      %dma_wait3A_178 = arith.constant 0 : i32
      %dma_wait3A_179 = tpu.memref_slice %arg10[%dma_wait3A, %dma_wait3A_177, %dma_wait3A_178] : memref<8x128x32xf32, #tpu.memory_space<vmem>> -> memref<1x128x32xf32, #tpu.memory_space<vmem>>
      %dma_wait3A_180 = tpu.memref_squeeze %dma_wait3A_179 : memref<1x128x32xf32, #tpu.memory_space<vmem>> -> memref<128x32xf32, #tpu.memory_space<vmem>>
      %dma_wait3A_181 = arith.constant 0 : i32
      %dma_wait3A_182 = tpu.memref_slice %arg8[%add3A_50, %dma_wait3A_181] : memref<160x128xi32, #tpu.memory_space<vmem>> -> memref<1x128xi32, #tpu.memory_space<vmem>>
      %dma_wait3A_183 = tpu.memref_squeeze %dma_wait3A_182 : memref<1x128xi32, #tpu.memory_space<vmem>> -> memref<128xi32, #tpu.memory_space<vmem>>
      %dma_wait3A_184 = arith.constant 0 : i32
      %dma_wait3A_185 = arith.constant 0 : i32
      %dma_wait3A_186 = tpu.memref_slice %arg12[%dma_wait3A_184, %dma_wait3A_185] : memref<10112x32xf32, #tpu.memory_space<vmem_shared>> -> memref<10112x32xf32, #tpu.memory_space<vmem_shared>>
      %dma_wait3A_187 = tpu.memref_slice %arg13[%dma_wait3A_176] : memref<8x!tpu.dma_semaphore, #tpu.memory_space<semaphore_mem>> -> memref<1x!tpu.dma_semaphore, #tpu.memory_space<semaphore_mem>>
      %dma_wait3A_188 = tpu.memref_squeeze %dma_wait3A_187 : memref<1x!tpu.dma_semaphore, #tpu.memory_space<semaphore_mem>> -> memref<!tpu.dma_semaphore, #tpu.memory_space<semaphore_mem>>
      tpu.wait_indirect_dma semaphore(%dma_wait3A_188 : memref<!tpu.dma_semaphore, #tpu.memory_space<semaphore_mem>>) src(%dma_wait3A_186 : memref<10112x32xf32, #tpu.memory_space<vmem_shared>>) dst(%dma_wait3A_180 : memref<128x32xf32, #tpu.memory_space<vmem>>)
      %add3A_189 = arith.constant 0 : i32
      %add3A_190 = arith.addi %add3A_48, %add3A_189 : i32
      %run_scoped3A_191 = arith.constant 0 : i32
      "tpu.region"() ({
        %run_scoped3A_311 = tpu.sem_alloc : memref<!tpu.dma_semaphore, #tpu.memory_space<semaphore_mem>>
        %dma_start3A_312 = arith.constant 0 : i32
        %dma_start3A_313 = arith.constant 0 : i32
        %dma_start3A_314 = tpu.memref_slice %arg10[%run_scoped3A_191, %dma_start3A_312, %dma_start3A_313] : memref<8x128x32xf32, #tpu.memory_space<vmem>> -> memref<1x128x32xf32, #tpu.memory_space<vmem>>
        %dma_start3A_315 = tpu.memref_squeeze %dma_start3A_314 : memref<1x128x32xf32, #tpu.memory_space<vmem>> -> memref<128x32xf32, #tpu.memory_space<vmem>>
        %dma_start3A_316 = arith.constant 0 : i32
        %dma_start3A_317 = tpu.memref_slice %arg9[%add3A_190, %dma_start3A_316] : memref<160x128xi32, #tpu.memory_space<vmem>> -> memref<1x128xi32, #tpu.memory_space<vmem>>
        %dma_start3A_318 = tpu.memref_squeeze %dma_start3A_317 : memref<1x128xi32, #tpu.memory_space<vmem>> -> memref<128xi32, #tpu.memory_space<vmem>>
        %dma_start3A_319 = arith.constant 0 : i32
        %dma_start3A_320 = arith.constant 0 : i32
        %dma_start3A_321 = tpu.memref_slice %arg11[%dma_start3A_319, %dma_start3A_320] : memref<10112x32xf32, #tpu.memory_space<vmem_shared>> -> memref<10112x32xf32, #tpu.memory_space<vmem_shared>>
        tpu.enqueue_indirect_dma source(%dma_start3A_315 : memref<128x32xf32, #tpu.memory_space<vmem>>) target(%dma_start3A_321 : memref<10112x32xf32, #tpu.memory_space<vmem_shared>>) offsets(%dma_start3A_318 : memref<128xi32, #tpu.memory_space<vmem>>) semaphore(%run_scoped3A_311 : memref<!tpu.dma_semaphore, #tpu.memory_space<semaphore_mem>>) {add = true}
        %dma_wait3A_322 = arith.constant 0 : i32
        %dma_wait3A_323 = arith.constant 0 : i32
        %dma_wait3A_324 = tpu.memref_slice %arg10[%run_scoped3A_191, %dma_wait3A_322, %dma_wait3A_323] : memref<8x128x32xf32, #tpu.memory_space<vmem>> -> memref<1x128x32xf32, #tpu.memory_space<vmem>>
        %dma_wait3A_325 = tpu.memref_squeeze %dma_wait3A_324 : memref<1x128x32xf32, #tpu.memory_space<vmem>> -> memref<128x32xf32, #tpu.memory_space<vmem>>
        %dma_wait3A_326 = arith.constant 0 : i32
        %dma_wait3A_327 = tpu.memref_slice %arg9[%add3A_190, %dma_wait3A_326] : memref<160x128xi32, #tpu.memory_space<vmem>> -> memref<1x128xi32, #tpu.memory_space<vmem>>
        %dma_wait3A_328 = tpu.memref_squeeze %dma_wait3A_327 : memref<1x128xi32, #tpu.memory_space<vmem>> -> memref<128xi32, #tpu.memory_space<vmem>>
        %dma_wait3A_329 = arith.constant 0 : i32
        %dma_wait3A_330 = arith.constant 0 : i32
        %dma_wait3A_331 = tpu.memref_slice %arg11[%dma_wait3A_329, %dma_wait3A_330] : memref<10112x32xf32, #tpu.memory_space<vmem_shared>> -> memref<10112x32xf32, #tpu.memory_space<vmem_shared>>
        tpu.wait_indirect_dma semaphore(%run_scoped3A_311 : memref<!tpu.dma_semaphore, #tpu.memory_space<semaphore_mem>>) src(%dma_wait3A_325 : memref<128x32xf32, #tpu.memory_space<vmem>>) dst(%dma_wait3A_331 : memref<10112x32xf32, #tpu.memory_space<vmem_shared>>)
        tpu.yield
      }) : () -> ()
      %dma_wait3A_192 = arith.constant 1 : i32
      %dma_wait3A_193 = arith.constant 1 : i32
      %dma_wait3A_194 = arith.constant 0 : i32
      %dma_wait3A_195 = arith.constant 0 : i32
      %dma_wait3A_196 = tpu.memref_slice %arg10[%dma_wait3A_192, %dma_wait3A_194, %dma_wait3A_195] : memref<8x128x32xf32, #tpu.memory_space<vmem>> -> memref<1x128x32xf32, #tpu.memory_space<vmem>>
      %dma_wait3A_197 = tpu.memref_squeeze %dma_wait3A_196 : memref<1x128x32xf32, #tpu.memory_space<vmem>> -> memref<128x32xf32, #tpu.memory_space<vmem>>
      %dma_wait3A_198 = arith.constant 0 : i32
      %dma_wait3A_199 = tpu.memref_slice %arg8[%add3A_65, %dma_wait3A_198] : memref<160x128xi32, #tpu.memory_space<vmem>> -> memref<1x128xi32, #tpu.memory_space<vmem>>
      %dma_wait3A_200 = tpu.memref_squeeze %dma_wait3A_199 : memref<1x128xi32, #tpu.memory_space<vmem>> -> memref<128xi32, #tpu.memory_space<vmem>>
      %dma_wait3A_201 = arith.constant 0 : i32
      %dma_wait3A_202 = arith.constant 0 : i32
      %dma_wait3A_203 = tpu.memref_slice %arg12[%dma_wait3A_201, %dma_wait3A_202] : memref<10112x32xf32, #tpu.memory_space<vmem_shared>> -> memref<10112x32xf32, #tpu.memory_space<vmem_shared>>
      %dma_wait3A_204 = tpu.memref_slice %arg13[%dma_wait3A_193] : memref<8x!tpu.dma_semaphore, #tpu.memory_space<semaphore_mem>> -> memref<1x!tpu.dma_semaphore, #tpu.memory_space<semaphore_mem>>
      %dma_wait3A_205 = tpu.memref_squeeze %dma_wait3A_204 : memref<1x!tpu.dma_semaphore, #tpu.memory_space<semaphore_mem>> -> memref<!tpu.dma_semaphore, #tpu.memory_space<semaphore_mem>>
      tpu.wait_indirect_dma semaphore(%dma_wait3A_205 : memref<!tpu.dma_semaphore, #tpu.memory_space<semaphore_mem>>) src(%dma_wait3A_203 : memref<10112x32xf32, #tpu.memory_space<vmem_shared>>) dst(%dma_wait3A_197 : memref<128x32xf32, #tpu.memory_space<vmem>>)
      %add3A_206 = arith.constant 1 : i32
      %add3A_207 = arith.addi %add3A_48, %add3A_206 : i32
      %run_scoped3A_208 = arith.constant 1 : i32
      "tpu.region"() ({
        %run_scoped3A_311 = tpu.sem_alloc : memref<!tpu.dma_semaphore, #tpu.memory_space<semaphore_mem>>
        %dma_start3A_312 = arith.constant 0 : i32
        %dma_start3A_313 = arith.constant 0 : i32
        %dma_start3A_314 = tpu.memref_slice %arg10[%run_scoped3A_208, %dma_start3A_312, %dma_start3A_313] : memref<8x128x32xf32, #tpu.memory_space<vmem>> -> memref<1x128x32xf32, #tpu.memory_space<vmem>>
        %dma_start3A_315 = tpu.memref_squeeze %dma_start3A_314 : memref<1x128x32xf32, #tpu.memory_space<vmem>> -> memref<128x32xf32, #tpu.memory_space<vmem>>
        %dma_start3A_316 = arith.constant 0 : i32
        %dma_start3A_317 = tpu.memref_slice %arg9[%add3A_207, %dma_start3A_316] : memref<160x128xi32, #tpu.memory_space<vmem>> -> memref<1x128xi32, #tpu.memory_space<vmem>>
        %dma_start3A_318 = tpu.memref_squeeze %dma_start3A_317 : memref<1x128xi32, #tpu.memory_space<vmem>> -> memref<128xi32, #tpu.memory_space<vmem>>
        %dma_start3A_319 = arith.constant 0 : i32
        %dma_start3A_320 = arith.constant 0 : i32
        %dma_start3A_321 = tpu.memref_slice %arg11[%dma_start3A_319, %dma_start3A_320] : memref<10112x32xf32, #tpu.memory_space<vmem_shared>> -> memref<10112x32xf32, #tpu.memory_space<vmem_shared>>
        tpu.enqueue_indirect_dma source(%dma_start3A_315 : memref<128x32xf32, #tpu.memory_space<vmem>>) target(%dma_start3A_321 : memref<10112x32xf32, #tpu.memory_space<vmem_shared>>) offsets(%dma_start3A_318 : memref<128xi32, #tpu.memory_space<vmem>>) semaphore(%run_scoped3A_311 : memref<!tpu.dma_semaphore, #tpu.memory_space<semaphore_mem>>) {add = true}
        %dma_wait3A_322 = arith.constant 0 : i32
        %dma_wait3A_323 = arith.constant 0 : i32
        %dma_wait3A_324 = tpu.memref_slice %arg10[%run_scoped3A_208, %dma_wait3A_322, %dma_wait3A_323] : memref<8x128x32xf32, #tpu.memory_space<vmem>> -> memref<1x128x32xf32, #tpu.memory_space<vmem>>
        %dma_wait3A_325 = tpu.memref_squeeze %dma_wait3A_324 : memref<1x128x32xf32, #tpu.memory_space<vmem>> -> memref<128x32xf32, #tpu.memory_space<vmem>>
        %dma_wait3A_326 = arith.constant 0 : i32
        %dma_wait3A_327 = tpu.memref_slice %arg9[%add3A_207, %dma_wait3A_326] : memref<160x128xi32, #tpu.memory_space<vmem>> -> memref<1x128xi32, #tpu.memory_space<vmem>>
        %dma_wait3A_328 = tpu.memref_squeeze %dma_wait3A_327 : memref<1x128xi32, #tpu.memory_space<vmem>> -> memref<128xi32, #tpu.memory_space<vmem>>
        %dma_wait3A_329 = arith.constant 0 : i32
        %dma_wait3A_330 = arith.constant 0 : i32
        %dma_wait3A_331 = tpu.memref_slice %arg11[%dma_wait3A_329, %dma_wait3A_330] : memref<10112x32xf32, #tpu.memory_space<vmem_shared>> -> memref<10112x32xf32, #tpu.memory_space<vmem_shared>>
        tpu.wait_indirect_dma semaphore(%run_scoped3A_311 : memref<!tpu.dma_semaphore, #tpu.memory_space<semaphore_mem>>) src(%dma_wait3A_325 : memref<128x32xf32, #tpu.memory_space<vmem>>) dst(%dma_wait3A_331 : memref<10112x32xf32, #tpu.memory_space<vmem_shared>>)
        tpu.yield
      }) : () -> ()
      %dma_wait3A_209 = arith.constant 2 : i32
      %dma_wait3A_210 = arith.constant 2 : i32
      %dma_wait3A_211 = arith.constant 0 : i32
      %dma_wait3A_212 = arith.constant 0 : i32
      %dma_wait3A_213 = tpu.memref_slice %arg10[%dma_wait3A_209, %dma_wait3A_211, %dma_wait3A_212] : memref<8x128x32xf32, #tpu.memory_space<vmem>> -> memref<1x128x32xf32, #tpu.memory_space<vmem>>
      %dma_wait3A_214 = tpu.memref_squeeze %dma_wait3A_213 : memref<1x128x32xf32, #tpu.memory_space<vmem>> -> memref<128x32xf32, #tpu.memory_space<vmem>>
      %dma_wait3A_215 = arith.constant 0 : i32
      %dma_wait3A_216 = tpu.memref_slice %arg8[%add3A_81, %dma_wait3A_215] : memref<160x128xi32, #tpu.memory_space<vmem>> -> memref<1x128xi32, #tpu.memory_space<vmem>>
      %dma_wait3A_217 = tpu.memref_squeeze %dma_wait3A_216 : memref<1x128xi32, #tpu.memory_space<vmem>> -> memref<128xi32, #tpu.memory_space<vmem>>
      %dma_wait3A_218 = arith.constant 0 : i32
      %dma_wait3A_219 = arith.constant 0 : i32
      %dma_wait3A_220 = tpu.memref_slice %arg12[%dma_wait3A_218, %dma_wait3A_219] : memref<10112x32xf32, #tpu.memory_space<vmem_shared>> -> memref<10112x32xf32, #tpu.memory_space<vmem_shared>>
      %dma_wait3A_221 = tpu.memref_slice %arg13[%dma_wait3A_210] : memref<8x!tpu.dma_semaphore, #tpu.memory_space<semaphore_mem>> -> memref<1x!tpu.dma_semaphore, #tpu.memory_space<semaphore_mem>>
      %dma_wait3A_222 = tpu.memref_squeeze %dma_wait3A_221 : memref<1x!tpu.dma_semaphore, #tpu.memory_space<semaphore_mem>> -> memref<!tpu.dma_semaphore, #tpu.memory_space<semaphore_mem>>
      tpu.wait_indirect_dma semaphore(%dma_wait3A_222 : memref<!tpu.dma_semaphore, #tpu.memory_space<semaphore_mem>>) src(%dma_wait3A_220 : memref<10112x32xf32, #tpu.memory_space<vmem_shared>>) dst(%dma_wait3A_214 : memref<128x32xf32, #tpu.memory_space<vmem>>)
      %add3A_223 = arith.constant 2 : i32
      %add3A_224 = arith.addi %add3A_48, %add3A_223 : i32
      %run_scoped3A_225 = arith.constant 2 : i32
      "tpu.region"() ({
        %run_scoped3A_311 = tpu.sem_alloc : memref<!tpu.dma_semaphore, #tpu.memory_space<semaphore_mem>>
        %dma_start3A_312 = arith.constant 0 : i32
        %dma_start3A_313 = arith.constant 0 : i32
        %dma_start3A_314 = tpu.memref_slice %arg10[%run_scoped3A_225, %dma_start3A_312, %dma_start3A_313] : memref<8x128x32xf32, #tpu.memory_space<vmem>> -> memref<1x128x32xf32, #tpu.memory_space<vmem>>
        %dma_start3A_315 = tpu.memref_squeeze %dma_start3A_314 : memref<1x128x32xf32, #tpu.memory_space<vmem>> -> memref<128x32xf32, #tpu.memory_space<vmem>>
        %dma_start3A_316 = arith.constant 0 : i32
        %dma_start3A_317 = tpu.memref_slice %arg9[%add3A_224, %dma_start3A_316] : memref<160x128xi32, #tpu.memory_space<vmem>> -> memref<1x128xi32, #tpu.memory_space<vmem>>
        %dma_start3A_318 = tpu.memref_squeeze %dma_start3A_317 : memref<1x128xi32, #tpu.memory_space<vmem>> -> memref<128xi32, #tpu.memory_space<vmem>>
        %dma_start3A_319 = arith.constant 0 : i32
        %dma_start3A_320 = arith.constant 0 : i32
        %dma_start3A_321 = tpu.memref_slice %arg11[%dma_start3A_319, %dma_start3A_320] : memref<10112x32xf32, #tpu.memory_space<vmem_shared>> -> memref<10112x32xf32, #tpu.memory_space<vmem_shared>>
        tpu.enqueue_indirect_dma source(%dma_start3A_315 : memref<128x32xf32, #tpu.memory_space<vmem>>) target(%dma_start3A_321 : memref<10112x32xf32, #tpu.memory_space<vmem_shared>>) offsets(%dma_start3A_318 : memref<128xi32, #tpu.memory_space<vmem>>) semaphore(%run_scoped3A_311 : memref<!tpu.dma_semaphore, #tpu.memory_space<semaphore_mem>>) {add = true}
        %dma_wait3A_322 = arith.constant 0 : i32
        %dma_wait3A_323 = arith.constant 0 : i32
        %dma_wait3A_324 = tpu.memref_slice %arg10[%run_scoped3A_225, %dma_wait3A_322, %dma_wait3A_323] : memref<8x128x32xf32, #tpu.memory_space<vmem>> -> memref<1x128x32xf32, #tpu.memory_space<vmem>>
        %dma_wait3A_325 = tpu.memref_squeeze %dma_wait3A_324 : memref<1x128x32xf32, #tpu.memory_space<vmem>> -> memref<128x32xf32, #tpu.memory_space<vmem>>
        %dma_wait3A_326 = arith.constant 0 : i32
        %dma_wait3A_327 = tpu.memref_slice %arg9[%add3A_224, %dma_wait3A_326] : memref<160x128xi32, #tpu.memory_space<vmem>> -> memref<1x128xi32, #tpu.memory_space<vmem>>
        %dma_wait3A_328 = tpu.memref_squeeze %dma_wait3A_327 : memref<1x128xi32, #tpu.memory_space<vmem>> -> memref<128xi32, #tpu.memory_space<vmem>>
        %dma_wait3A_329 = arith.constant 0 : i32
        %dma_wait3A_330 = arith.constant 0 : i32
        %dma_wait3A_331 = tpu.memref_slice %arg11[%dma_wait3A_329, %dma_wait3A_330] : memref<10112x32xf32, #tpu.memory_space<vmem_shared>> -> memref<10112x32xf32, #tpu.memory_space<vmem_shared>>
        tpu.wait_indirect_dma semaphore(%run_scoped3A_311 : memref<!tpu.dma_semaphore, #tpu.memory_space<semaphore_mem>>) src(%dma_wait3A_325 : memref<128x32xf32, #tpu.memory_space<vmem>>) dst(%dma_wait3A_331 : memref<10112x32xf32, #tpu.memory_space<vmem_shared>>)
        tpu.yield
      }) : () -> ()
      %dma_wait3A_226 = arith.constant 3 : i32
      %dma_wait3A_227 = arith.constant 3 : i32
      %dma_wait3A_228 = arith.constant 0 : i32
      %dma_wait3A_229 = arith.constant 0 : i32
      %dma_wait3A_230 = tpu.memref_slice %arg10[%dma_wait3A_226, %dma_wait3A_228, %dma_wait3A_229] : memref<8x128x32xf32, #tpu.memory_space<vmem>> -> memref<1x128x32xf32, #tpu.memory_space<vmem>>
      %dma_wait3A_231 = tpu.memref_squeeze %dma_wait3A_230 : memref<1x128x32xf32, #tpu.memory_space<vmem>> -> memref<128x32xf32, #tpu.memory_space<vmem>>
      %dma_wait3A_232 = arith.constant 0 : i32
      %dma_wait3A_233 = tpu.memref_slice %arg8[%add3A_97, %dma_wait3A_232] : memref<160x128xi32, #tpu.memory_space<vmem>> -> memref<1x128xi32, #tpu.memory_space<vmem>>
      %dma_wait3A_234 = tpu.memref_squeeze %dma_wait3A_233 : memref<1x128xi32, #tpu.memory_space<vmem>> -> memref<128xi32, #tpu.memory_space<vmem>>
      %dma_wait3A_235 = arith.constant 0 : i32
      %dma_wait3A_236 = arith.constant 0 : i32
      %dma_wait3A_237 = tpu.memref_slice %arg12[%dma_wait3A_235, %dma_wait3A_236] : memref<10112x32xf32, #tpu.memory_space<vmem_shared>> -> memref<10112x32xf32, #tpu.memory_space<vmem_shared>>
      %dma_wait3A_238 = tpu.memref_slice %arg13[%dma_wait3A_227] : memref<8x!tpu.dma_semaphore, #tpu.memory_space<semaphore_mem>> -> memref<1x!tpu.dma_semaphore, #tpu.memory_space<semaphore_mem>>
      %dma_wait3A_239 = tpu.memref_squeeze %dma_wait3A_238 : memref<1x!tpu.dma_semaphore, #tpu.memory_space<semaphore_mem>> -> memref<!tpu.dma_semaphore, #tpu.memory_space<semaphore_mem>>
      tpu.wait_indirect_dma semaphore(%dma_wait3A_239 : memref<!tpu.dma_semaphore, #tpu.memory_space<semaphore_mem>>) src(%dma_wait3A_237 : memref<10112x32xf32, #tpu.memory_space<vmem_shared>>) dst(%dma_wait3A_231 : memref<128x32xf32, #tpu.memory_space<vmem>>)
      %add3A_240 = arith.constant 3 : i32
      %add3A_241 = arith.addi %add3A_48, %add3A_240 : i32
      %run_scoped3A_242 = arith.constant 3 : i32
      "tpu.region"() ({
        %run_scoped3A_311 = tpu.sem_alloc : memref<!tpu.dma_semaphore, #tpu.memory_space<semaphore_mem>>
        %dma_start3A_312 = arith.constant 0 : i32
        %dma_start3A_313 = arith.constant 0 : i32
        %dma_start3A_314 = tpu.memref_slice %arg10[%run_scoped3A_242, %dma_start3A_312, %dma_start3A_313] : memref<8x128x32xf32, #tpu.memory_space<vmem>> -> memref<1x128x32xf32, #tpu.memory_space<vmem>>
        %dma_start3A_315 = tpu.memref_squeeze %dma_start3A_314 : memref<1x128x32xf32, #tpu.memory_space<vmem>> -> memref<128x32xf32, #tpu.memory_space<vmem>>
        %dma_start3A_316 = arith.constant 0 : i32
        %dma_start3A_317 = tpu.memref_slice %arg9[%add3A_241, %dma_start3A_316] : memref<160x128xi32, #tpu.memory_space<vmem>> -> memref<1x128xi32, #tpu.memory_space<vmem>>
        %dma_start3A_318 = tpu.memref_squeeze %dma_start3A_317 : memref<1x128xi32, #tpu.memory_space<vmem>> -> memref<128xi32, #tpu.memory_space<vmem>>
        %dma_start3A_319 = arith.constant 0 : i32
        %dma_start3A_320 = arith.constant 0 : i32
        %dma_start3A_321 = tpu.memref_slice %arg11[%dma_start3A_319, %dma_start3A_320] : memref<10112x32xf32, #tpu.memory_space<vmem_shared>> -> memref<10112x32xf32, #tpu.memory_space<vmem_shared>>
        tpu.enqueue_indirect_dma source(%dma_start3A_315 : memref<128x32xf32, #tpu.memory_space<vmem>>) target(%dma_start3A_321 : memref<10112x32xf32, #tpu.memory_space<vmem_shared>>) offsets(%dma_start3A_318 : memref<128xi32, #tpu.memory_space<vmem>>) semaphore(%run_scoped3A_311 : memref<!tpu.dma_semaphore, #tpu.memory_space<semaphore_mem>>) {add = true}
        %dma_wait3A_322 = arith.constant 0 : i32
        %dma_wait3A_323 = arith.constant 0 : i32
        %dma_wait3A_324 = tpu.memref_slice %arg10[%run_scoped3A_242, %dma_wait3A_322, %dma_wait3A_323] : memref<8x128x32xf32, #tpu.memory_space<vmem>> -> memref<1x128x32xf32, #tpu.memory_space<vmem>>
        %dma_wait3A_325 = tpu.memref_squeeze %dma_wait3A_324 : memref<1x128x32xf32, #tpu.memory_space<vmem>> -> memref<128x32xf32, #tpu.memory_space<vmem>>
        %dma_wait3A_326 = arith.constant 0 : i32
        %dma_wait3A_327 = tpu.memref_slice %arg9[%add3A_241, %dma_wait3A_326] : memref<160x128xi32, #tpu.memory_space<vmem>> -> memref<1x128xi32, #tpu.memory_space<vmem>>
        %dma_wait3A_328 = tpu.memref_squeeze %dma_wait3A_327 : memref<1x128xi32, #tpu.memory_space<vmem>> -> memref<128xi32, #tpu.memory_space<vmem>>
        %dma_wait3A_329 = arith.constant 0 : i32
        %dma_wait3A_330 = arith.constant 0 : i32
        %dma_wait3A_331 = tpu.memref_slice %arg11[%dma_wait3A_329, %dma_wait3A_330] : memref<10112x32xf32, #tpu.memory_space<vmem_shared>> -> memref<10112x32xf32, #tpu.memory_space<vmem_shared>>
        tpu.wait_indirect_dma semaphore(%run_scoped3A_311 : memref<!tpu.dma_semaphore, #tpu.memory_space<semaphore_mem>>) src(%dma_wait3A_325 : memref<128x32xf32, #tpu.memory_space<vmem>>) dst(%dma_wait3A_331 : memref<10112x32xf32, #tpu.memory_space<vmem_shared>>)
        tpu.yield
      }) : () -> ()
      %dma_wait3A_243 = arith.constant 4 : i32
      %dma_wait3A_244 = arith.constant 4 : i32
      %dma_wait3A_245 = arith.constant 0 : i32
      %dma_wait3A_246 = arith.constant 0 : i32
      %dma_wait3A_247 = tpu.memref_slice %arg10[%dma_wait3A_243, %dma_wait3A_245, %dma_wait3A_246] : memref<8x128x32xf32, #tpu.memory_space<vmem>> -> memref<1x128x32xf32, #tpu.memory_space<vmem>>
      %dma_wait3A_248 = tpu.memref_squeeze %dma_wait3A_247 : memref<1x128x32xf32, #tpu.memory_space<vmem>> -> memref<128x32xf32, #tpu.memory_space<vmem>>
      %dma_wait3A_249 = arith.constant 0 : i32
      %dma_wait3A_250 = tpu.memref_slice %arg8[%add3A_113, %dma_wait3A_249] : memref<160x128xi32, #tpu.memory_space<vmem>> -> memref<1x128xi32, #tpu.memory_space<vmem>>
      %dma_wait3A_251 = tpu.memref_squeeze %dma_wait3A_250 : memref<1x128xi32, #tpu.memory_space<vmem>> -> memref<128xi32, #tpu.memory_space<vmem>>
      %dma_wait3A_252 = arith.constant 0 : i32
      %dma_wait3A_253 = arith.constant 0 : i32
      %dma_wait3A_254 = tpu.memref_slice %arg12[%dma_wait3A_252, %dma_wait3A_253] : memref<10112x32xf32, #tpu.memory_space<vmem_shared>> -> memref<10112x32xf32, #tpu.memory_space<vmem_shared>>
      %dma_wait3A_255 = tpu.memref_slice %arg13[%dma_wait3A_244] : memref<8x!tpu.dma_semaphore, #tpu.memory_space<semaphore_mem>> -> memref<1x!tpu.dma_semaphore, #tpu.memory_space<semaphore_mem>>
      %dma_wait3A_256 = tpu.memref_squeeze %dma_wait3A_255 : memref<1x!tpu.dma_semaphore, #tpu.memory_space<semaphore_mem>> -> memref<!tpu.dma_semaphore, #tpu.memory_space<semaphore_mem>>
      tpu.wait_indirect_dma semaphore(%dma_wait3A_256 : memref<!tpu.dma_semaphore, #tpu.memory_space<semaphore_mem>>) src(%dma_wait3A_254 : memref<10112x32xf32, #tpu.memory_space<vmem_shared>>) dst(%dma_wait3A_248 : memref<128x32xf32, #tpu.memory_space<vmem>>)
      %add3A_257 = arith.constant 4 : i32
      %add3A_258 = arith.addi %add3A_48, %add3A_257 : i32
      %run_scoped3A_259 = arith.constant 4 : i32
      "tpu.region"() ({
        %run_scoped3A_311 = tpu.sem_alloc : memref<!tpu.dma_semaphore, #tpu.memory_space<semaphore_mem>>
        %dma_start3A_312 = arith.constant 0 : i32
        %dma_start3A_313 = arith.constant 0 : i32
        %dma_start3A_314 = tpu.memref_slice %arg10[%run_scoped3A_259, %dma_start3A_312, %dma_start3A_313] : memref<8x128x32xf32, #tpu.memory_space<vmem>> -> memref<1x128x32xf32, #tpu.memory_space<vmem>>
        %dma_start3A_315 = tpu.memref_squeeze %dma_start3A_314 : memref<1x128x32xf32, #tpu.memory_space<vmem>> -> memref<128x32xf32, #tpu.memory_space<vmem>>
        %dma_start3A_316 = arith.constant 0 : i32
        %dma_start3A_317 = tpu.memref_slice %arg9[%add3A_258, %dma_start3A_316] : memref<160x128xi32, #tpu.memory_space<vmem>> -> memref<1x128xi32, #tpu.memory_space<vmem>>
        %dma_start3A_318 = tpu.memref_squeeze %dma_start3A_317 : memref<1x128xi32, #tpu.memory_space<vmem>> -> memref<128xi32, #tpu.memory_space<vmem>>
        %dma_start3A_319 = arith.constant 0 : i32
        %dma_start3A_320 = arith.constant 0 : i32
        %dma_start3A_321 = tpu.memref_slice %arg11[%dma_start3A_319, %dma_start3A_320] : memref<10112x32xf32, #tpu.memory_space<vmem_shared>> -> memref<10112x32xf32, #tpu.memory_space<vmem_shared>>
        tpu.enqueue_indirect_dma source(%dma_start3A_315 : memref<128x32xf32, #tpu.memory_space<vmem>>) target(%dma_start3A_321 : memref<10112x32xf32, #tpu.memory_space<vmem_shared>>) offsets(%dma_start3A_318 : memref<128xi32, #tpu.memory_space<vmem>>) semaphore(%run_scoped3A_311 : memref<!tpu.dma_semaphore, #tpu.memory_space<semaphore_mem>>) {add = true}
        %dma_wait3A_322 = arith.constant 0 : i32
        %dma_wait3A_323 = arith.constant 0 : i32
        %dma_wait3A_324 = tpu.memref_slice %arg10[%run_scoped3A_259, %dma_wait3A_322, %dma_wait3A_323] : memref<8x128x32xf32, #tpu.memory_space<vmem>> -> memref<1x128x32xf32, #tpu.memory_space<vmem>>
        %dma_wait3A_325 = tpu.memref_squeeze %dma_wait3A_324 : memref<1x128x32xf32, #tpu.memory_space<vmem>> -> memref<128x32xf32, #tpu.memory_space<vmem>>
        %dma_wait3A_326 = arith.constant 0 : i32
        %dma_wait3A_327 = tpu.memref_slice %arg9[%add3A_258, %dma_wait3A_326] : memref<160x128xi32, #tpu.memory_space<vmem>> -> memref<1x128xi32, #tpu.memory_space<vmem>>
        %dma_wait3A_328 = tpu.memref_squeeze %dma_wait3A_327 : memref<1x128xi32, #tpu.memory_space<vmem>> -> memref<128xi32, #tpu.memory_space<vmem>>
        %dma_wait3A_329 = arith.constant 0 : i32
        %dma_wait3A_330 = arith.constant 0 : i32
        %dma_wait3A_331 = tpu.memref_slice %arg11[%dma_wait3A_329, %dma_wait3A_330] : memref<10112x32xf32, #tpu.memory_space<vmem_shared>> -> memref<10112x32xf32, #tpu.memory_space<vmem_shared>>
        tpu.wait_indirect_dma semaphore(%run_scoped3A_311 : memref<!tpu.dma_semaphore, #tpu.memory_space<semaphore_mem>>) src(%dma_wait3A_325 : memref<128x32xf32, #tpu.memory_space<vmem>>) dst(%dma_wait3A_331 : memref<10112x32xf32, #tpu.memory_space<vmem_shared>>)
        tpu.yield
      }) : () -> ()
      %dma_wait3A_260 = arith.constant 5 : i32
      %dma_wait3A_261 = arith.constant 5 : i32
      %dma_wait3A_262 = arith.constant 0 : i32
      %dma_wait3A_263 = arith.constant 0 : i32
      %dma_wait3A_264 = tpu.memref_slice %arg10[%dma_wait3A_260, %dma_wait3A_262, %dma_wait3A_263] : memref<8x128x32xf32, #tpu.memory_space<vmem>> -> memref<1x128x32xf32, #tpu.memory_space<vmem>>
      %dma_wait3A_265 = tpu.memref_squeeze %dma_wait3A_264 : memref<1x128x32xf32, #tpu.memory_space<vmem>> -> memref<128x32xf32, #tpu.memory_space<vmem>>
      %dma_wait3A_266 = arith.constant 0 : i32
      %dma_wait3A_267 = tpu.memref_slice %arg8[%add3A_129, %dma_wait3A_266] : memref<160x128xi32, #tpu.memory_space<vmem>> -> memref<1x128xi32, #tpu.memory_space<vmem>>
      %dma_wait3A_268 = tpu.memref_squeeze %dma_wait3A_267 : memref<1x128xi32, #tpu.memory_space<vmem>> -> memref<128xi32, #tpu.memory_space<vmem>>
      %dma_wait3A_269 = arith.constant 0 : i32
      %dma_wait3A_270 = arith.constant 0 : i32
      %dma_wait3A_271 = tpu.memref_slice %arg12[%dma_wait3A_269, %dma_wait3A_270] : memref<10112x32xf32, #tpu.memory_space<vmem_shared>> -> memref<10112x32xf32, #tpu.memory_space<vmem_shared>>
      %dma_wait3A_272 = tpu.memref_slice %arg13[%dma_wait3A_261] : memref<8x!tpu.dma_semaphore, #tpu.memory_space<semaphore_mem>> -> memref<1x!tpu.dma_semaphore, #tpu.memory_space<semaphore_mem>>
      %dma_wait3A_273 = tpu.memref_squeeze %dma_wait3A_272 : memref<1x!tpu.dma_semaphore, #tpu.memory_space<semaphore_mem>> -> memref<!tpu.dma_semaphore, #tpu.memory_space<semaphore_mem>>
      tpu.wait_indirect_dma semaphore(%dma_wait3A_273 : memref<!tpu.dma_semaphore, #tpu.memory_space<semaphore_mem>>) src(%dma_wait3A_271 : memref<10112x32xf32, #tpu.memory_space<vmem_shared>>) dst(%dma_wait3A_265 : memref<128x32xf32, #tpu.memory_space<vmem>>)
      %add3A_274 = arith.constant 5 : i32
      %add3A_275 = arith.addi %add3A_48, %add3A_274 : i32
      %run_scoped3A_276 = arith.constant 5 : i32
      "tpu.region"() ({
        %run_scoped3A_311 = tpu.sem_alloc : memref<!tpu.dma_semaphore, #tpu.memory_space<semaphore_mem>>
        %dma_start3A_312 = arith.constant 0 : i32
        %dma_start3A_313 = arith.constant 0 : i32
        %dma_start3A_314 = tpu.memref_slice %arg10[%run_scoped3A_276, %dma_start3A_312, %dma_start3A_313] : memref<8x128x32xf32, #tpu.memory_space<vmem>> -> memref<1x128x32xf32, #tpu.memory_space<vmem>>
        %dma_start3A_315 = tpu.memref_squeeze %dma_start3A_314 : memref<1x128x32xf32, #tpu.memory_space<vmem>> -> memref<128x32xf32, #tpu.memory_space<vmem>>
        %dma_start3A_316 = arith.constant 0 : i32
        %dma_start3A_317 = tpu.memref_slice %arg9[%add3A_275, %dma_start3A_316] : memref<160x128xi32, #tpu.memory_space<vmem>> -> memref<1x128xi32, #tpu.memory_space<vmem>>
        %dma_start3A_318 = tpu.memref_squeeze %dma_start3A_317 : memref<1x128xi32, #tpu.memory_space<vmem>> -> memref<128xi32, #tpu.memory_space<vmem>>
        %dma_start3A_319 = arith.constant 0 : i32
        %dma_start3A_320 = arith.constant 0 : i32
        %dma_start3A_321 = tpu.memref_slice %arg11[%dma_start3A_319, %dma_start3A_320] : memref<10112x32xf32, #tpu.memory_space<vmem_shared>> -> memref<10112x32xf32, #tpu.memory_space<vmem_shared>>
        tpu.enqueue_indirect_dma source(%dma_start3A_315 : memref<128x32xf32, #tpu.memory_space<vmem>>) target(%dma_start3A_321 : memref<10112x32xf32, #tpu.memory_space<vmem_shared>>) offsets(%dma_start3A_318 : memref<128xi32, #tpu.memory_space<vmem>>) semaphore(%run_scoped3A_311 : memref<!tpu.dma_semaphore, #tpu.memory_space<semaphore_mem>>) {add = true}
        %dma_wait3A_322 = arith.constant 0 : i32
        %dma_wait3A_323 = arith.constant 0 : i32
        %dma_wait3A_324 = tpu.memref_slice %arg10[%run_scoped3A_276, %dma_wait3A_322, %dma_wait3A_323] : memref<8x128x32xf32, #tpu.memory_space<vmem>> -> memref<1x128x32xf32, #tpu.memory_space<vmem>>
        %dma_wait3A_325 = tpu.memref_squeeze %dma_wait3A_324 : memref<1x128x32xf32, #tpu.memory_space<vmem>> -> memref<128x32xf32, #tpu.memory_space<vmem>>
        %dma_wait3A_326 = arith.constant 0 : i32
        %dma_wait3A_327 = tpu.memref_slice %arg9[%add3A_275, %dma_wait3A_326] : memref<160x128xi32, #tpu.memory_space<vmem>> -> memref<1x128xi32, #tpu.memory_space<vmem>>
        %dma_wait3A_328 = tpu.memref_squeeze %dma_wait3A_327 : memref<1x128xi32, #tpu.memory_space<vmem>> -> memref<128xi32, #tpu.memory_space<vmem>>
        %dma_wait3A_329 = arith.constant 0 : i32
        %dma_wait3A_330 = arith.constant 0 : i32
        %dma_wait3A_331 = tpu.memref_slice %arg11[%dma_wait3A_329, %dma_wait3A_330] : memref<10112x32xf32, #tpu.memory_space<vmem_shared>> -> memref<10112x32xf32, #tpu.memory_space<vmem_shared>>
        tpu.wait_indirect_dma semaphore(%run_scoped3A_311 : memref<!tpu.dma_semaphore, #tpu.memory_space<semaphore_mem>>) src(%dma_wait3A_325 : memref<128x32xf32, #tpu.memory_space<vmem>>) dst(%dma_wait3A_331 : memref<10112x32xf32, #tpu.memory_space<vmem_shared>>)
        tpu.yield
      }) : () -> ()
      %dma_wait3A_277 = arith.constant 6 : i32
      %dma_wait3A_278 = arith.constant 6 : i32
      %dma_wait3A_279 = arith.constant 0 : i32
      %dma_wait3A_280 = arith.constant 0 : i32
      %dma_wait3A_281 = tpu.memref_slice %arg10[%dma_wait3A_277, %dma_wait3A_279, %dma_wait3A_280] : memref<8x128x32xf32, #tpu.memory_space<vmem>> -> memref<1x128x32xf32, #tpu.memory_space<vmem>>
      %dma_wait3A_282 = tpu.memref_squeeze %dma_wait3A_281 : memref<1x128x32xf32, #tpu.memory_space<vmem>> -> memref<128x32xf32, #tpu.memory_space<vmem>>
      %dma_wait3A_283 = arith.constant 0 : i32
      %dma_wait3A_284 = tpu.memref_slice %arg8[%add3A_145, %dma_wait3A_283] : memref<160x128xi32, #tpu.memory_space<vmem>> -> memref<1x128xi32, #tpu.memory_space<vmem>>
      %dma_wait3A_285 = tpu.memref_squeeze %dma_wait3A_284 : memref<1x128xi32, #tpu.memory_space<vmem>> -> memref<128xi32, #tpu.memory_space<vmem>>
      %dma_wait3A_286 = arith.constant 0 : i32
      %dma_wait3A_287 = arith.constant 0 : i32
      %dma_wait3A_288 = tpu.memref_slice %arg12[%dma_wait3A_286, %dma_wait3A_287] : memref<10112x32xf32, #tpu.memory_space<vmem_shared>> -> memref<10112x32xf32, #tpu.memory_space<vmem_shared>>
      %dma_wait3A_289 = tpu.memref_slice %arg13[%dma_wait3A_278] : memref<8x!tpu.dma_semaphore, #tpu.memory_space<semaphore_mem>> -> memref<1x!tpu.dma_semaphore, #tpu.memory_space<semaphore_mem>>
      %dma_wait3A_290 = tpu.memref_squeeze %dma_wait3A_289 : memref<1x!tpu.dma_semaphore, #tpu.memory_space<semaphore_mem>> -> memref<!tpu.dma_semaphore, #tpu.memory_space<semaphore_mem>>
      tpu.wait_indirect_dma semaphore(%dma_wait3A_290 : memref<!tpu.dma_semaphore, #tpu.memory_space<semaphore_mem>>) src(%dma_wait3A_288 : memref<10112x32xf32, #tpu.memory_space<vmem_shared>>) dst(%dma_wait3A_282 : memref<128x32xf32, #tpu.memory_space<vmem>>)
      %add3A_291 = arith.constant 6 : i32
      %add3A_292 = arith.addi %add3A_48, %add3A_291 : i32
      %run_scoped3A_293 = arith.constant 6 : i32
      "tpu.region"() ({
        %run_scoped3A_311 = tpu.sem_alloc : memref<!tpu.dma_semaphore, #tpu.memory_space<semaphore_mem>>
        %dma_start3A_312 = arith.constant 0 : i32
        %dma_start3A_313 = arith.constant 0 : i32
        %dma_start3A_314 = tpu.memref_slice %arg10[%run_scoped3A_293, %dma_start3A_312, %dma_start3A_313] : memref<8x128x32xf32, #tpu.memory_space<vmem>> -> memref<1x128x32xf32, #tpu.memory_space<vmem>>
        %dma_start3A_315 = tpu.memref_squeeze %dma_start3A_314 : memref<1x128x32xf32, #tpu.memory_space<vmem>> -> memref<128x32xf32, #tpu.memory_space<vmem>>
        %dma_start3A_316 = arith.constant 0 : i32
        %dma_start3A_317 = tpu.memref_slice %arg9[%add3A_292, %dma_start3A_316] : memref<160x128xi32, #tpu.memory_space<vmem>> -> memref<1x128xi32, #tpu.memory_space<vmem>>
        %dma_start3A_318 = tpu.memref_squeeze %dma_start3A_317 : memref<1x128xi32, #tpu.memory_space<vmem>> -> memref<128xi32, #tpu.memory_space<vmem>>
        %dma_start3A_319 = arith.constant 0 : i32
        %dma_start3A_320 = arith.constant 0 : i32
        %dma_start3A_321 = tpu.memref_slice %arg11[%dma_start3A_319, %dma_start3A_320] : memref<10112x32xf32, #tpu.memory_space<vmem_shared>> -> memref<10112x32xf32, #tpu.memory_space<vmem_shared>>
        tpu.enqueue_indirect_dma source(%dma_start3A_315 : memref<128x32xf32, #tpu.memory_space<vmem>>) target(%dma_start3A_321 : memref<10112x32xf32, #tpu.memory_space<vmem_shared>>) offsets(%dma_start3A_318 : memref<128xi32, #tpu.memory_space<vmem>>) semaphore(%run_scoped3A_311 : memref<!tpu.dma_semaphore, #tpu.memory_space<semaphore_mem>>) {add = true}
        %dma_wait3A_322 = arith.constant 0 : i32
        %dma_wait3A_323 = arith.constant 0 : i32
        %dma_wait3A_324 = tpu.memref_slice %arg10[%run_scoped3A_293, %dma_wait3A_322, %dma_wait3A_323] : memref<8x128x32xf32, #tpu.memory_space<vmem>> -> memref<1x128x32xf32, #tpu.memory_space<vmem>>
        %dma_wait3A_325 = tpu.memref_squeeze %dma_wait3A_324 : memref<1x128x32xf32, #tpu.memory_space<vmem>> -> memref<128x32xf32, #tpu.memory_space<vmem>>
        %dma_wait3A_326 = arith.constant 0 : i32
        %dma_wait3A_327 = tpu.memref_slice %arg9[%add3A_292, %dma_wait3A_326] : memref<160x128xi32, #tpu.memory_space<vmem>> -> memref<1x128xi32, #tpu.memory_space<vmem>>
        %dma_wait3A_328 = tpu.memref_squeeze %dma_wait3A_327 : memref<1x128xi32, #tpu.memory_space<vmem>> -> memref<128xi32, #tpu.memory_space<vmem>>
        %dma_wait3A_329 = arith.constant 0 : i32
        %dma_wait3A_330 = arith.constant 0 : i32
        %dma_wait3A_331 = tpu.memref_slice %arg11[%dma_wait3A_329, %dma_wait3A_330] : memref<10112x32xf32, #tpu.memory_space<vmem_shared>> -> memref<10112x32xf32, #tpu.memory_space<vmem_shared>>
        tpu.wait_indirect_dma semaphore(%run_scoped3A_311 : memref<!tpu.dma_semaphore, #tpu.memory_space<semaphore_mem>>) src(%dma_wait3A_325 : memref<128x32xf32, #tpu.memory_space<vmem>>) dst(%dma_wait3A_331 : memref<10112x32xf32, #tpu.memory_space<vmem_shared>>)
        tpu.yield
      }) : () -> ()
      %dma_wait3A_294 = arith.constant 7 : i32
      %dma_wait3A_295 = arith.constant 7 : i32
      %dma_wait3A_296 = arith.constant 0 : i32
      %dma_wait3A_297 = arith.constant 0 : i32
      %dma_wait3A_298 = tpu.memref_slice %arg10[%dma_wait3A_294, %dma_wait3A_296, %dma_wait3A_297] : memref<8x128x32xf32, #tpu.memory_space<vmem>> -> memref<1x128x32xf32, #tpu.memory_space<vmem>>
      %dma_wait3A_299 = tpu.memref_squeeze %dma_wait3A_298 : memref<1x128x32xf32, #tpu.memory_space<vmem>> -> memref<128x32xf32, #tpu.memory_space<vmem>>
      %dma_wait3A_300 = arith.constant 0 : i32
      %dma_wait3A_301 = tpu.memref_slice %arg8[%add3A_161, %dma_wait3A_300] : memref<160x128xi32, #tpu.memory_space<vmem>> -> memref<1x128xi32, #tpu.memory_space<vmem>>
      %dma_wait3A_302 = tpu.memref_squeeze %dma_wait3A_301 : memref<1x128xi32, #tpu.memory_space<vmem>> -> memref<128xi32, #tpu.memory_space<vmem>>
      %dma_wait3A_303 = arith.constant 0 : i32
      %dma_wait3A_304 = arith.constant 0 : i32
      %dma_wait3A_305 = tpu.memref_slice %arg12[%dma_wait3A_303, %dma_wait3A_304] : memref<10112x32xf32, #tpu.memory_space<vmem_shared>> -> memref<10112x32xf32, #tpu.memory_space<vmem_shared>>
      %dma_wait3A_306 = tpu.memref_slice %arg13[%dma_wait3A_295] : memref<8x!tpu.dma_semaphore, #tpu.memory_space<semaphore_mem>> -> memref<1x!tpu.dma_semaphore, #tpu.memory_space<semaphore_mem>>
      %dma_wait3A_307 = tpu.memref_squeeze %dma_wait3A_306 : memref<1x!tpu.dma_semaphore, #tpu.memory_space<semaphore_mem>> -> memref<!tpu.dma_semaphore, #tpu.memory_space<semaphore_mem>>
      tpu.wait_indirect_dma semaphore(%dma_wait3A_307 : memref<!tpu.dma_semaphore, #tpu.memory_space<semaphore_mem>>) src(%dma_wait3A_305 : memref<10112x32xf32, #tpu.memory_space<vmem_shared>>) dst(%dma_wait3A_299 : memref<128x32xf32, #tpu.memory_space<vmem>>)
      %add3A_308 = arith.constant 7 : i32
      %add3A_309 = arith.addi %add3A_48, %add3A_308 : i32
      %run_scoped3A_310 = arith.constant 7 : i32
      "tpu.region"() ({
        %run_scoped3A_311 = tpu.sem_alloc : memref<!tpu.dma_semaphore, #tpu.memory_space<semaphore_mem>>
        %dma_start3A_312 = arith.constant 0 : i32
        %dma_start3A_313 = arith.constant 0 : i32
        %dma_start3A_314 = tpu.memref_slice %arg10[%run_scoped3A_310, %dma_start3A_312, %dma_start3A_313] : memref<8x128x32xf32, #tpu.memory_space<vmem>> -> memref<1x128x32xf32, #tpu.memory_space<vmem>>
        %dma_start3A_315 = tpu.memref_squeeze %dma_start3A_314 : memref<1x128x32xf32, #tpu.memory_space<vmem>> -> memref<128x32xf32, #tpu.memory_space<vmem>>
        %dma_start3A_316 = arith.constant 0 : i32
        %dma_start3A_317 = tpu.memref_slice %arg9[%add3A_309, %dma_start3A_316] : memref<160x128xi32, #tpu.memory_space<vmem>> -> memref<1x128xi32, #tpu.memory_space<vmem>>
        %dma_start3A_318 = tpu.memref_squeeze %dma_start3A_317 : memref<1x128xi32, #tpu.memory_space<vmem>> -> memref<128xi32, #tpu.memory_space<vmem>>
        %dma_start3A_319 = arith.constant 0 : i32
        %dma_start3A_320 = arith.constant 0 : i32
        %dma_start3A_321 = tpu.memref_slice %arg11[%dma_start3A_319, %dma_start3A_320] : memref<10112x32xf32, #tpu.memory_space<vmem_shared>> -> memref<10112x32xf32, #tpu.memory_space<vmem_shared>>
        tpu.enqueue_indirect_dma source(%dma_start3A_315 : memref<128x32xf32, #tpu.memory_space<vmem>>) target(%dma_start3A_321 : memref<10112x32xf32, #tpu.memory_space<vmem_shared>>) offsets(%dma_start3A_318 : memref<128xi32, #tpu.memory_space<vmem>>) semaphore(%run_scoped3A_311 : memref<!tpu.dma_semaphore, #tpu.memory_space<semaphore_mem>>) {add = true}
        %dma_wait3A_322 = arith.constant 0 : i32
        %dma_wait3A_323 = arith.constant 0 : i32
        %dma_wait3A_324 = tpu.memref_slice %arg10[%run_scoped3A_310, %dma_wait3A_322, %dma_wait3A_323] : memref<8x128x32xf32, #tpu.memory_space<vmem>> -> memref<1x128x32xf32, #tpu.memory_space<vmem>>
        %dma_wait3A_325 = tpu.memref_squeeze %dma_wait3A_324 : memref<1x128x32xf32, #tpu.memory_space<vmem>> -> memref<128x32xf32, #tpu.memory_space<vmem>>
        %dma_wait3A_326 = arith.constant 0 : i32
        %dma_wait3A_327 = tpu.memref_slice %arg9[%add3A_309, %dma_wait3A_326] : memref<160x128xi32, #tpu.memory_space<vmem>> -> memref<1x128xi32, #tpu.memory_space<vmem>>
        %dma_wait3A_328 = tpu.memref_squeeze %dma_wait3A_327 : memref<1x128xi32, #tpu.memory_space<vmem>> -> memref<128xi32, #tpu.memory_space<vmem>>
        %dma_wait3A_329 = arith.constant 0 : i32
        %dma_wait3A_330 = arith.constant 0 : i32
        %dma_wait3A_331 = tpu.memref_slice %arg11[%dma_wait3A_329, %dma_wait3A_330] : memref<10112x32xf32, #tpu.memory_space<vmem_shared>> -> memref<10112x32xf32, #tpu.memory_space<vmem_shared>>
        tpu.wait_indirect_dma semaphore(%run_scoped3A_311 : memref<!tpu.dma_semaphore, #tpu.memory_space<semaphore_mem>>) src(%dma_wait3A_325 : memref<128x32xf32, #tpu.memory_space<vmem>>) dst(%dma_wait3A_331 : memref<10112x32xf32, #tpu.memory_space<vmem_shared>>)
        tpu.yield
      }) : () -> ()
    }
    %scan3A_30 = arith.constant 20 : i32
    %barrier3A_31 = arith.constant 0 : index
    tpu.barrier barrier_id(%barrier3A_31)
    %mul3A_32 = arith.constant 632 : i32
    %mul3A_33 = arith.muli %arg1, %mul3A_32 : i32
    %eq3A_34 = arith.constant 0 : i32
    %eq3A_35 = arith.cmpi eq, %arg0, %eq3A_34 : i32
    %convert_element_type3A_36 = arith.extui %eq3A_35 : i1 to i32
    %cond3A_37 = arith.constant 0 : i32
    %cond3A_38 = arith.cmpi ne, %convert_element_type3A_36, %cond3A_37 : i32
    scf.if %cond3A_38 {
      %lt3A = arith.constant 15 : i32
      %lt3A_44 = arith.cmpi slt, %arg1, %lt3A : i32
      %convert_element_type3A_45 = arith.extui %lt3A_44 : i1 to i32
      %cond3A_46 = arith.constant 0 : i32
      %cond3A_47 = arith.cmpi ne, %convert_element_type3A_45, %cond3A_46 : i32
      scf.if %cond3A_47 {
        "tpu.region"() ({
          %run_scoped3A_53 = tpu.sem_alloc : memref<!tpu.dma_semaphore, #tpu.memory_space<semaphore_mem>>
          %dma_start3A = arith.constant 0 : i32
          %dma_start3A_54 = tpu.memref_slice %arg6[%mul3A_33, %dma_start3A] : memref<10000x32xf32, #tpu.memory_space<hbm>> -> memref<632x32xf32, #tpu.memory_space<hbm>>
          %dma_start3A_55 = arith.constant 0 : i32
          %dma_start3A_56 = tpu.memref_slice %arg11[%mul3A_33, %dma_start3A_55] : memref<10112x32xf32, #tpu.memory_space<vmem_shared>> -> memref<632x32xf32, #tpu.memory_space<vmem_shared>>
          tpu.enqueue_dma source(%dma_start3A_56 : memref<632x32xf32, #tpu.memory_space<vmem_shared>>) target(%dma_start3A_54 : memref<632x32xf32, #tpu.memory_space<hbm>>) target_semaphore(%run_scoped3A_53 : memref<!tpu.dma_semaphore, #tpu.memory_space<semaphore_mem>>)
          %dma_wait3A = arith.constant 0 : i32
          %dma_wait3A_57 = tpu.memref_slice %arg6[%mul3A_33, %dma_wait3A] : memref<10000x32xf32, #tpu.memory_space<hbm>> -> memref<632x32xf32, #tpu.memory_space<hbm>>
          %dma_wait3A_58 = arith.constant 0 : i32
          %dma_wait3A_59 = tpu.memref_slice %arg11[%mul3A_33, %dma_wait3A_58] : memref<10112x32xf32, #tpu.memory_space<vmem_shared>> -> memref<632x32xf32, #tpu.memory_space<vmem_shared>>
          tpu.wait_dma2 semaphore(%run_scoped3A_53 : memref<!tpu.dma_semaphore, #tpu.memory_space<semaphore_mem>>) src(%dma_wait3A_59 : memref<632x32xf32, #tpu.memory_space<vmem_shared>>) dst(%dma_wait3A_57 : memref<632x32xf32, #tpu.memory_space<hbm>>)
          tpu.yield
        }) : () -> ()
      } else {
      }
      %eq3A_48 = arith.constant 15 : i32
      %eq3A_49 = arith.cmpi eq, %arg1, %eq3A_48 : i32
      %convert_element_type3A_50 = arith.extui %eq3A_49 : i1 to i32
      %cond3A_51 = arith.constant 0 : i32
      %cond3A_52 = arith.cmpi ne, %convert_element_type3A_50, %cond3A_51 : i32
      scf.if %cond3A_52 {
        "tpu.region"() ({
          %run_scoped3A_53 = tpu.sem_alloc : memref<!tpu.dma_semaphore, #tpu.memory_space<semaphore_mem>>
          %dma_start3A = arith.constant 0 : i32
          %dma_start3A_54 = tpu.memref_slice %arg6[%mul3A_33, %dma_start3A] : memref<10000x32xf32, #tpu.memory_space<hbm>> -> memref<520x32xf32, #tpu.memory_space<hbm>>
          %dma_start3A_55 = arith.constant 0 : i32
          %dma_start3A_56 = tpu.memref_slice %arg11[%mul3A_33, %dma_start3A_55] : memref<10112x32xf32, #tpu.memory_space<vmem_shared>> -> memref<520x32xf32, #tpu.memory_space<vmem_shared>>
          tpu.enqueue_dma source(%dma_start3A_56 : memref<520x32xf32, #tpu.memory_space<vmem_shared>>) target(%dma_start3A_54 : memref<520x32xf32, #tpu.memory_space<hbm>>) target_semaphore(%run_scoped3A_53 : memref<!tpu.dma_semaphore, #tpu.memory_space<semaphore_mem>>)
          %dma_wait3A = arith.constant 0 : i32
          %dma_wait3A_57 = tpu.memref_slice %arg6[%mul3A_33, %dma_wait3A] : memref<10000x32xf32, #tpu.memory_space<hbm>> -> memref<520x32xf32, #tpu.memory_space<hbm>>
          %dma_wait3A_58 = arith.constant 0 : i32
          %dma_wait3A_59 = tpu.memref_slice %arg11[%mul3A_33, %dma_wait3A_58] : memref<10112x32xf32, #tpu.memory_space<vmem_shared>> -> memref<520x32xf32, #tpu.memory_space<vmem_shared>>
          tpu.wait_dma2 semaphore(%run_scoped3A_53 : memref<!tpu.dma_semaphore, #tpu.memory_space<semaphore_mem>>) src(%dma_wait3A_59 : memref<520x32xf32, #tpu.memory_space<vmem_shared>>) dst(%dma_wait3A_57 : memref<520x32xf32, #tpu.memory_space<hbm>>)
          tpu.yield
        }) : () -> ()
      } else {
      }
    } else {
    }
    %eq3A_39 = arith.constant 1 : i32
    %eq3A_40 = arith.cmpi eq, %arg0, %eq3A_39 : i32
    %convert_element_type3A_41 = arith.extui %eq3A_40 : i1 to i32
    %cond3A_42 = arith.constant 0 : i32
    %cond3A_43 = arith.cmpi ne, %convert_element_type3A_41, %cond3A_42 : i32
    scf.if %cond3A_43 {
      %lt3A = arith.constant 15 : i32
      %lt3A_44 = arith.cmpi slt, %arg1, %lt3A : i32
      %convert_element_type3A_45 = arith.extui %lt3A_44 : i1 to i32
      %cond3A_46 = arith.constant 0 : i32
      %cond3A_47 = arith.cmpi ne, %convert_element_type3A_45, %cond3A_46 : i32
      scf.if %cond3A_47 {
        "tpu.region"() ({
          %run_scoped3A_53 = tpu.sem_alloc : memref<!tpu.dma_semaphore, #tpu.memory_space<semaphore_mem>>
          %dma_start3A = arith.constant 0 : i32
          %dma_start3A_54 = tpu.memref_slice %arg7[%mul3A_33, %dma_start3A] : memref<10000x32xf32, #tpu.memory_space<hbm>> -> memref<632x32xf32, #tpu.memory_space<hbm>>
          %dma_start3A_55 = arith.constant 0 : i32
          %dma_start3A_56 = tpu.memref_slice %arg11[%mul3A_33, %dma_start3A_55] : memref<10112x32xf32, #tpu.memory_space<vmem_shared>> -> memref<632x32xf32, #tpu.memory_space<vmem_shared>>
          tpu.enqueue_dma source(%dma_start3A_56 : memref<632x32xf32, #tpu.memory_space<vmem_shared>>) target(%dma_start3A_54 : memref<632x32xf32, #tpu.memory_space<hbm>>) target_semaphore(%run_scoped3A_53 : memref<!tpu.dma_semaphore, #tpu.memory_space<semaphore_mem>>)
          %dma_wait3A = arith.constant 0 : i32
          %dma_wait3A_57 = tpu.memref_slice %arg7[%mul3A_33, %dma_wait3A] : memref<10000x32xf32, #tpu.memory_space<hbm>> -> memref<632x32xf32, #tpu.memory_space<hbm>>
          %dma_wait3A_58 = arith.constant 0 : i32
          %dma_wait3A_59 = tpu.memref_slice %arg11[%mul3A_33, %dma_wait3A_58] : memref<10112x32xf32, #tpu.memory_space<vmem_shared>> -> memref<632x32xf32, #tpu.memory_space<vmem_shared>>
          tpu.wait_dma2 semaphore(%run_scoped3A_53 : memref<!tpu.dma_semaphore, #tpu.memory_space<semaphore_mem>>) src(%dma_wait3A_59 : memref<632x32xf32, #tpu.memory_space<vmem_shared>>) dst(%dma_wait3A_57 : memref<632x32xf32, #tpu.memory_space<hbm>>)
          tpu.yield
        }) : () -> ()
      } else {
      }
      %eq3A_48 = arith.constant 15 : i32
      %eq3A_49 = arith.cmpi eq, %arg1, %eq3A_48 : i32
      %convert_element_type3A_50 = arith.extui %eq3A_49 : i1 to i32
      %cond3A_51 = arith.constant 0 : i32
      %cond3A_52 = arith.cmpi ne, %convert_element_type3A_50, %cond3A_51 : i32
      scf.if %cond3A_52 {
        "tpu.region"() ({
          %run_scoped3A_53 = tpu.sem_alloc : memref<!tpu.dma_semaphore, #tpu.memory_space<semaphore_mem>>
          %dma_start3A = arith.constant 0 : i32
          %dma_start3A_54 = tpu.memref_slice %arg7[%mul3A_33, %dma_start3A] : memref<10000x32xf32, #tpu.memory_space<hbm>> -> memref<520x32xf32, #tpu.memory_space<hbm>>
          %dma_start3A_55 = arith.constant 0 : i32
          %dma_start3A_56 = tpu.memref_slice %arg11[%mul3A_33, %dma_start3A_55] : memref<10112x32xf32, #tpu.memory_space<vmem_shared>> -> memref<520x32xf32, #tpu.memory_space<vmem_shared>>
          tpu.enqueue_dma source(%dma_start3A_56 : memref<520x32xf32, #tpu.memory_space<vmem_shared>>) target(%dma_start3A_54 : memref<520x32xf32, #tpu.memory_space<hbm>>) target_semaphore(%run_scoped3A_53 : memref<!tpu.dma_semaphore, #tpu.memory_space<semaphore_mem>>)
          %dma_wait3A = arith.constant 0 : i32
          %dma_wait3A_57 = tpu.memref_slice %arg7[%mul3A_33, %dma_wait3A] : memref<10000x32xf32, #tpu.memory_space<hbm>> -> memref<520x32xf32, #tpu.memory_space<hbm>>
          %dma_wait3A_58 = arith.constant 0 : i32
          %dma_wait3A_59 = tpu.memref_slice %arg11[%mul3A_33, %dma_wait3A_58] : memref<10112x32xf32, #tpu.memory_space<vmem_shared>> -> memref<520x32xf32, #tpu.memory_space<vmem_shared>>
          tpu.wait_dma2 semaphore(%run_scoped3A_53 : memref<!tpu.dma_semaphore, #tpu.memory_space<semaphore_mem>>) src(%dma_wait3A_59 : memref<520x32xf32, #tpu.memory_space<vmem_shared>>) dst(%dma_wait3A_57 : memref<520x32xf32, #tpu.memory_space<hbm>>)
          tpu.yield
        }) : () -> ()
      } else {
      }
    } else {
    }
    return
  }
}

#map = affine_map<(d0, d1) -> (0, 0)>
#map1 = affine_map<(d0, d1) -> (0, 0, 0)>
module attributes {stable_mosaic.version = 14 : i64} {
  func.func @agg(%arg0: i32, %arg1: i32, %arg2: memref<10000x32xf32, #tpu.memory_space<hbm>>, %arg3: memref<10000x32xf32, #tpu.memory_space<hbm>>, %arg4: memref<16x160x128xi32, #tpu.memory_space<hbm>>, %arg5: memref<16x160x128xi32, #tpu.memory_space<hbm>>, %arg6: memref<10000x32xf32, #tpu.memory_space<hbm>>, %arg7: memref<10000x32xf32, #tpu.memory_space<hbm>>, %arg8: memref<160x128xi32, #tpu.memory_space<vmem>>, %arg9: memref<160x128xi32, #tpu.memory_space<vmem>>, %arg10: memref<8x128x32xf32, #tpu.memory_space<vmem>>, %arg11: memref<10112x32xf32, #tpu.memory_space<vmem_shared>>, %arg12: memref<10112x32xf32, #tpu.memory_space<vmem_shared>>, %arg13: memref<8x!tpu.dma_semaphore, #tpu.memory_space<semaphore_mem>>, %arg14: memref<8x!tpu.dma_semaphore, #tpu.memory_space<semaphore_mem>>) attributes {dimension_semantics = [#tpu.dimension_semantics<core_parallel>, #tpu.dimension_semantics<subcore_parallel>], iteration_bounds = array<i64: 2, 16>, scalar_prefetch = 0 : i64, scratch_operands = 7 : i64, tpu.core_type = #tpu.core_type<sc_vector_subcore>, window_params = [{transform_indices = #map}, {transform_indices = #map}, {transform_indices = #map1}, {transform_indices = #map1}, {transform_indices = #map}, {transform_indices = #map}]} {
    %mul3A = arith.constant 632 : i32
    %mul3A_0 = arith.muli %arg1, %mul3A : i32
    %eq3A = arith.constant 0 : i32
    %eq3A_1 = arith.cmpi eq, %arg0, %eq3A : i32
    %convert_element_type3A = arith.extui %eq3A_1 : i1 to i32
    %cond3A = arith.constant 0 : i32
    %cond3A_2 = arith.cmpi ne, %convert_element_type3A, %cond3A : i32
    scf.if %cond3A_2 {
      %lt3A = arith.constant 15 : i32
      %lt3A_44 = arith.cmpi slt, %arg1, %lt3A : i32
      %convert_element_type3A_45 = arith.extui %lt3A_44 : i1 to i32
      %cond3A_46 = arith.constant 0 : i32
      %cond3A_47 = arith.cmpi ne, %convert_element_type3A_45, %cond3A_46 : i32
      scf.if %cond3A_47 {
        "tpu.region"() ({
          %run_scoped3A_53 = tpu.sem_alloc : memref<!tpu.dma_semaphore, #tpu.memory_space<semaphore_mem>>
          %dma_start3A = arith.constant 0 : i32
          %dma_start3A_54 = tpu.memref_slice %arg12[%mul3A_0, %dma_start3A] : memref<10112x32xf32, #tpu.memory_space<vmem_shared>> -> memref<632x32xf32, #tpu.memory_space<vmem_shared>>
          %dma_start3A_55 = arith.constant 0 : i32
          %dma_start3A_56 = tpu.memref_slice %arg2[%mul3A_0, %dma_start3A_55] : memref<10000x32xf32, #tpu.memory_space<hbm>> -> memref<632x32xf32, #tpu.memory_space<hbm>>
          tpu.enqueue_dma source(%dma_start3A_56 : memref<632x32xf32, #tpu.memory_space<hbm>>) target(%dma_start3A_54 : memref<632x32xf32, #tpu.memory_space<vmem_shared>>) target_semaphore(%run_scoped3A_53 : memref<!tpu.dma_semaphore, #tpu.memory_space<semaphore_mem>>)
          %dma_wait3A = arith.constant 0 : i32
          %dma_wait3A_57 = tpu.memref_slice %arg12[%mul3A_0, %dma_wait3A] : memref<10112x32xf32, #tpu.memory_space<vmem_shared>> -> memref<632x32xf32, #tpu.memory_space<vmem_shared>>
          %dma_wait3A_58 = arith.constant 0 : i32
          %dma_wait3A_59 = tpu.memref_slice %arg2[%mul3A_0, %dma_wait3A_58] : memref<10000x32xf32, #tpu.memory_space<hbm>> -> memref<632x32xf32, #tpu.memory_space<hbm>>
          tpu.wait_dma2 semaphore(%run_scoped3A_53 : memref<!tpu.dma_semaphore, #tpu.memory_space<semaphore_mem>>) src(%dma_wait3A_59 : memref<632x32xf32, #tpu.memory_space<hbm>>) dst(%dma_wait3A_57 : memref<632x32xf32, #tpu.memory_space<vmem_shared>>)
          tpu.yield
        }) : () -> ()
      } else {
      }
      %eq3A_48 = arith.constant 15 : i32
      %eq3A_49 = arith.cmpi eq, %arg1, %eq3A_48 : i32
      %convert_element_type3A_50 = arith.extui %eq3A_49 : i1 to i32
      %cond3A_51 = arith.constant 0 : i32
      %cond3A_52 = arith.cmpi ne, %convert_element_type3A_50, %cond3A_51 : i32
      scf.if %cond3A_52 {
        "tpu.region"() ({
          %run_scoped3A_53 = tpu.sem_alloc : memref<!tpu.dma_semaphore, #tpu.memory_space<semaphore_mem>>
          %dma_start3A = arith.constant 0 : i32
          %dma_start3A_54 = tpu.memref_slice %arg12[%mul3A_0, %dma_start3A] : memref<10112x32xf32, #tpu.memory_space<vmem_shared>> -> memref<520x32xf32, #tpu.memory_space<vmem_shared>>
          %dma_start3A_55 = arith.constant 0 : i32
          %dma_start3A_56 = tpu.memref_slice %arg2[%mul3A_0, %dma_start3A_55] : memref<10000x32xf32, #tpu.memory_space<hbm>> -> memref<520x32xf32, #tpu.memory_space<hbm>>
          tpu.enqueue_dma source(%dma_start3A_56 : memref<520x32xf32, #tpu.memory_space<hbm>>) target(%dma_start3A_54 : memref<520x32xf32, #tpu.memory_space<vmem_shared>>) target_semaphore(%run_scoped3A_53 : memref<!tpu.dma_semaphore, #tpu.memory_space<semaphore_mem>>)
          %dma_wait3A = arith.constant 0 : i32
          %dma_wait3A_57 = tpu.memref_slice %arg12[%mul3A_0, %dma_wait3A] : memref<10112x32xf32, #tpu.memory_space<vmem_shared>> -> memref<520x32xf32, #tpu.memory_space<vmem_shared>>
          %dma_wait3A_58 = arith.constant 0 : i32
          %dma_wait3A_59 = tpu.memref_slice %arg2[%mul3A_0, %dma_wait3A_58] : memref<10000x32xf32, #tpu.memory_space<hbm>> -> memref<520x32xf32, #tpu.memory_space<hbm>>
          tpu.wait_dma2 semaphore(%run_scoped3A_53 : memref<!tpu.dma_semaphore, #tpu.memory_space<semaphore_mem>>) src(%dma_wait3A_59 : memref<520x32xf32, #tpu.memory_space<hbm>>) dst(%dma_wait3A_57 : memref<520x32xf32, #tpu.memory_space<vmem_shared>>)
          tpu.yield
        }) : () -> ()
      } else {
      }
    } else {
    }
    %eq3A_3 = arith.constant 1 : i32
    %eq3A_4 = arith.cmpi eq, %arg0, %eq3A_3 : i32
    %convert_element_type3A_5 = arith.extui %eq3A_4 : i1 to i32
    %cond3A_6 = arith.constant 0 : i32
    %cond3A_7 = arith.cmpi ne, %convert_element_type3A_5, %cond3A_6 : i32
    scf.if %cond3A_7 {
      %lt3A = arith.constant 15 : i32
      %lt3A_44 = arith.cmpi slt, %arg1, %lt3A : i32
      %convert_element_type3A_45 = arith.extui %lt3A_44 : i1 to i32
      %cond3A_46 = arith.constant 0 : i32
      %cond3A_47 = arith.cmpi ne, %convert_element_type3A_45, %cond3A_46 : i32
      scf.if %cond3A_47 {
        "tpu.region"() ({
          %run_scoped3A_53 = tpu.sem_alloc : memref<!tpu.dma_semaphore, #tpu.memory_space<semaphore_mem>>
          %dma_start3A = arith.constant 0 : i32
          %dma_start3A_54 = tpu.memref_slice %arg12[%mul3A_0, %dma_start3A] : memref<10112x32xf32, #tpu.memory_space<vmem_shared>> -> memref<632x32xf32, #tpu.memory_space<vmem_shared>>
          %dma_start3A_55 = arith.constant 0 : i32
          %dma_start3A_56 = tpu.memref_slice %arg3[%mul3A_0, %dma_start3A_55] : memref<10000x32xf32, #tpu.memory_space<hbm>> -> memref<632x32xf32, #tpu.memory_space<hbm>>
          tpu.enqueue_dma source(%dma_start3A_56 : memref<632x32xf32, #tpu.memory_space<hbm>>) target(%dma_start3A_54 : memref<632x32xf32, #tpu.memory_space<vmem_shared>>) target_semaphore(%run_scoped3A_53 : memref<!tpu.dma_semaphore, #tpu.memory_space<semaphore_mem>>)
          %dma_wait3A = arith.constant 0 : i32
          %dma_wait3A_57 = tpu.memref_slice %arg12[%mul3A_0, %dma_wait3A] : memref<10112x32xf32, #tpu.memory_space<vmem_shared>> -> memref<632x32xf32, #tpu.memory_space<vmem_shared>>
          %dma_wait3A_58 = arith.constant 0 : i32
          %dma_wait3A_59 = tpu.memref_slice %arg3[%mul3A_0, %dma_wait3A_58] : memref<10000x32xf32, #tpu.memory_space<hbm>> -> memref<632x32xf32, #tpu.memory_space<hbm>>
          tpu.wait_dma2 semaphore(%run_scoped3A_53 : memref<!tpu.dma_semaphore, #tpu.memory_space<semaphore_mem>>) src(%dma_wait3A_59 : memref<632x32xf32, #tpu.memory_space<hbm>>) dst(%dma_wait3A_57 : memref<632x32xf32, #tpu.memory_space<vmem_shared>>)
          tpu.yield
        }) : () -> ()
      } else {
      }
      %eq3A_48 = arith.constant 15 : i32
      %eq3A_49 = arith.cmpi eq, %arg1, %eq3A_48 : i32
      %convert_element_type3A_50 = arith.extui %eq3A_49 : i1 to i32
      %cond3A_51 = arith.constant 0 : i32
      %cond3A_52 = arith.cmpi ne, %convert_element_type3A_50, %cond3A_51 : i32
      scf.if %cond3A_52 {
        "tpu.region"() ({
          %run_scoped3A_53 = tpu.sem_alloc : memref<!tpu.dma_semaphore, #tpu.memory_space<semaphore_mem>>
          %dma_start3A = arith.constant 0 : i32
          %dma_start3A_54 = tpu.memref_slice %arg12[%mul3A_0, %dma_start3A] : memref<10112x32xf32, #tpu.memory_space<vmem_shared>> -> memref<520x32xf32, #tpu.memory_space<vmem_shared>>
          %dma_start3A_55 = arith.constant 0 : i32
          %dma_start3A_56 = tpu.memref_slice %arg3[%mul3A_0, %dma_start3A_55] : memref<10000x32xf32, #tpu.memory_space<hbm>> -> memref<520x32xf32, #tpu.memory_space<hbm>>
          tpu.enqueue_dma source(%dma_start3A_56 : memref<520x32xf32, #tpu.memory_space<hbm>>) target(%dma_start3A_54 : memref<520x32xf32, #tpu.memory_space<vmem_shared>>) target_semaphore(%run_scoped3A_53 : memref<!tpu.dma_semaphore, #tpu.memory_space<semaphore_mem>>)
          %dma_wait3A = arith.constant 0 : i32
          %dma_wait3A_57 = tpu.memref_slice %arg12[%mul3A_0, %dma_wait3A] : memref<10112x32xf32, #tpu.memory_space<vmem_shared>> -> memref<520x32xf32, #tpu.memory_space<vmem_shared>>
          %dma_wait3A_58 = arith.constant 0 : i32
          %dma_wait3A_59 = tpu.memref_slice %arg3[%mul3A_0, %dma_wait3A_58] : memref<10000x32xf32, #tpu.memory_space<hbm>> -> memref<520x32xf32, #tpu.memory_space<hbm>>
          tpu.wait_dma2 semaphore(%run_scoped3A_53 : memref<!tpu.dma_semaphore, #tpu.memory_space<semaphore_mem>>) src(%dma_wait3A_59 : memref<520x32xf32, #tpu.memory_space<hbm>>) dst(%dma_wait3A_57 : memref<520x32xf32, #tpu.memory_space<vmem_shared>>)
          tpu.yield
        }) : () -> ()
      } else {
      }
    } else {
    }
    "tpu.region"() ({
      %run_scoped3A_44 = tpu.sem_alloc : memref<!tpu.dma_semaphore, #tpu.memory_space<semaphore_mem>>
      %dma_start3A = arith.constant 0 : i32
      %dma_start3A_45 = arith.constant 0 : i32
      %dma_start3A_46 = tpu.memref_slice %arg4[%arg1, %dma_start3A, %dma_start3A_45] : memref<16x160x128xi32, #tpu.memory_space<hbm>> -> memref<1x160x128xi32, #tpu.memory_space<hbm>>
      %dma_start3A_47 = tpu.memref_squeeze %dma_start3A_46 : memref<1x160x128xi32, #tpu.memory_space<hbm>> -> memref<160x128xi32, #tpu.memory_space<hbm>>
      %dma_start3A_48 = arith.constant 0 : i32
      %dma_start3A_49 = arith.constant 0 : i32
      %dma_start3A_50 = tpu.memref_slice %arg4[%arg1, %dma_start3A_48, %dma_start3A_49] : memref<16x160x128xi32, #tpu.memory_space<hbm>> -> memref<1x160x128xi32, #tpu.memory_space<hbm>>
      %dma_start3A_51 = tpu.memref_squeeze %dma_start3A_50 : memref<1x160x128xi32, #tpu.memory_space<hbm>> -> memref<160x128xi32, #tpu.memory_space<hbm>>
      tpu.enqueue_dma source(%dma_start3A_51 : memref<160x128xi32, #tpu.memory_space<hbm>>) target(%arg8 : memref<160x128xi32, #tpu.memory_space<vmem>>) target_semaphore(%run_scoped3A_44 : memref<!tpu.dma_semaphore, #tpu.memory_space<semaphore_mem>>)
      %dma_wait3A = arith.constant 0 : i32
      %dma_wait3A_52 = arith.constant 0 : i32
      %dma_wait3A_53 = tpu.memref_slice %arg4[%arg1, %dma_wait3A, %dma_wait3A_52] : memref<16x160x128xi32, #tpu.memory_space<hbm>> -> memref<1x160x128xi32, #tpu.memory_space<hbm>>
      %dma_wait3A_54 = tpu.memref_squeeze %dma_wait3A_53 : memref<1x160x128xi32, #tpu.memory_space<hbm>> -> memref<160x128xi32, #tpu.memory_space<hbm>>
      %dma_wait3A_55 = arith.constant 0 : i32
      %dma_wait3A_56 = arith.constant 0 : i32
      %dma_wait3A_57 = tpu.memref_slice %arg4[%arg1, %dma_wait3A_55, %dma_wait3A_56] : memref<16x160x128xi32, #tpu.memory_space<hbm>> -> memref<1x160x128xi32, #tpu.memory_space<hbm>>
      %dma_wait3A_58 = tpu.memref_squeeze %dma_wait3A_57 : memref<1x160x128xi32, #tpu.memory_space<hbm>> -> memref<160x128xi32, #tpu.memory_space<hbm>>
      tpu.wait_dma2 semaphore(%run_scoped3A_44 : memref<!tpu.dma_semaphore, #tpu.memory_space<semaphore_mem>>) src(%dma_wait3A_58 : memref<160x128xi32, #tpu.memory_space<hbm>>) dst(%arg8 : memref<160x128xi32, #tpu.memory_space<vmem>>)
      tpu.yield
    }) : () -> ()
    "tpu.region"() ({
      %run_scoped3A_44 = tpu.sem_alloc : memref<!tpu.dma_semaphore, #tpu.memory_space<semaphore_mem>>
      %dma_start3A = arith.constant 0 : i32
      %dma_start3A_45 = arith.constant 0 : i32
      %dma_start3A_46 = tpu.memref_slice %arg5[%arg1, %dma_start3A, %dma_start3A_45] : memref<16x160x128xi32, #tpu.memory_space<hbm>> -> memref<1x160x128xi32, #tpu.memory_space<hbm>>
      %dma_start3A_47 = tpu.memref_squeeze %dma_start3A_46 : memref<1x160x128xi32, #tpu.memory_space<hbm>> -> memref<160x128xi32, #tpu.memory_space<hbm>>
      %dma_start3A_48 = arith.constant 0 : i32
      %dma_start3A_49 = arith.constant 0 : i32
      %dma_start3A_50 = tpu.memref_slice %arg5[%arg1, %dma_start3A_48, %dma_start3A_49] : memref<16x160x128xi32, #tpu.memory_space<hbm>> -> memref<1x160x128xi32, #tpu.memory_space<hbm>>
      %dma_start3A_51 = tpu.memref_squeeze %dma_start3A_50 : memref<1x160x128xi32, #tpu.memory_space<hbm>> -> memref<160x128xi32, #tpu.memory_space<hbm>>
      tpu.enqueue_dma source(%dma_start3A_51 : memref<160x128xi32, #tpu.memory_space<hbm>>) target(%arg9 : memref<160x128xi32, #tpu.memory_space<vmem>>) target_semaphore(%run_scoped3A_44 : memref<!tpu.dma_semaphore, #tpu.memory_space<semaphore_mem>>)
      %dma_wait3A = arith.constant 0 : i32
      %dma_wait3A_52 = arith.constant 0 : i32
      %dma_wait3A_53 = tpu.memref_slice %arg5[%arg1, %dma_wait3A, %dma_wait3A_52] : memref<16x160x128xi32, #tpu.memory_space<hbm>> -> memref<1x160x128xi32, #tpu.memory_space<hbm>>
      %dma_wait3A_54 = tpu.memref_squeeze %dma_wait3A_53 : memref<1x160x128xi32, #tpu.memory_space<hbm>> -> memref<160x128xi32, #tpu.memory_space<hbm>>
      %dma_wait3A_55 = arith.constant 0 : i32
      %dma_wait3A_56 = arith.constant 0 : i32
      %dma_wait3A_57 = tpu.memref_slice %arg5[%arg1, %dma_wait3A_55, %dma_wait3A_56] : memref<16x160x128xi32, #tpu.memory_space<hbm>> -> memref<1x160x128xi32, #tpu.memory_space<hbm>>
      %dma_wait3A_58 = tpu.memref_squeeze %dma_wait3A_57 : memref<1x160x128xi32, #tpu.memory_space<hbm>> -> memref<160x128xi32, #tpu.memory_space<hbm>>
      tpu.wait_dma2 semaphore(%run_scoped3A_44 : memref<!tpu.dma_semaphore, #tpu.memory_space<semaphore_mem>>) src(%dma_wait3A_58 : memref<160x128xi32, #tpu.memory_space<hbm>>) dst(%arg9 : memref<160x128xi32, #tpu.memory_space<vmem>>)
      tpu.yield
    }) : () -> ()
    %scan3A = arith.constant 0 : i32
    %scan3A_8 = arith.constant 0 : i32
    %scan3A_9 = arith.constant 128 : i32
    %scan3A_10 = arith.addi %scan3A_8, %scan3A_9 : i32
    %scan3A_11 = arith.constant 1 : i32
    scf.for %scan3A_44 = %scan3A_8 to %scan3A_10 step %scan3A_11  : i32 {
      %mul3A_45 = arith.constant 1 : i32
      %mul3A_46 = arith.muli %scan3A_44, %mul3A_45 : i32
      %add3A_47 = arith.constant 0 : i32
      %add3A_48 = arith.addi %add3A_47, %mul3A_46 : i32
      %scan3A_49 = arith.constant 0 : i32
      %scan3A_50 = arith.constant 2 : i32
      %scan3A_51 = arith.addi %scan3A_49, %scan3A_50 : i32
      %scan3A_52 = arith.constant 1 : i32
      scf.for %scan3A_54 = %scan3A_49 to %scan3A_51 step %scan3A_52  : i32 {
        %mul3A_55 = arith.constant 1 : i32
        %mul3A_56 = arith.muli %scan3A_54, %mul3A_55 : i32
        %add3A_57 = arith.constant 0 : i32
        %add3A_58 = arith.addi %add3A_57, %mul3A_56 : i32
        %broadcast_in_dim3A = arith.constant 0.000000e+00 : f32
        %broadcast_in_dim3A_59 = vector.broadcast %broadcast_in_dim3A : f32 to vector<16xf32>
        %mul3A_60 = arith.constant 16 : i32
        %mul3A_61 = arith.muli %add3A_58, %mul3A_60 : i32
        %swap3A = arith.constant 0 : i32
        %swap3A_62 = arith.constant 0 : i32
        %swap3A_63 = tpu.memref_slice %arg10[%scan3A, %swap3A, %swap3A_62] : memref<8x128x32xf32, #tpu.memory_space<vmem>> -> memref<1x128x32xf32, #tpu.memory_space<vmem>>
        %swap3A_64 = tpu.memref_squeeze %swap3A_63 : memref<1x128x32xf32, #tpu.memory_space<vmem>> -> memref<128x32xf32, #tpu.memory_space<vmem>>
        %swap3A_65 = arith.index_cast %add3A_48 : i32 to index
        %swap3A_66 = arith.index_cast %mul3A_61 : i32 to index
        %swap3A_67 = tpu.vector_load %swap3A_64[%swap3A_65, %swap3A_66] {strides = array<i32>} : memref<128x32xf32, #tpu.memory_space<vmem>>, vector<1x16xf32>,
        %swap3A_68 = vector.shape_cast %swap3A_67 : vector<1x16xf32> to vector<16xf32>
        %swap3A_69 = vector.shape_cast %broadcast_in_dim3A_59 : vector<16xf32> to vector<1x16xf32>
        tpu.vector_store %swap3A_64[%swap3A_65, %swap3A_66], %swap3A_69 {strides = array<i32>} : memref<128x32xf32, #tpu.memory_space<vmem>>, vector<1x16xf32>,
      }
      %scan3A_53 = arith.constant 2 : i32
    }
    %scan3A_12 = arith.constant 128 : i32
    %add3A = arith.constant 0 : i32
    %add3A_13 = arith.addi %mul3A_0, %add3A : i32
    %run_scoped3A = arith.constant 0 : i32
    "tpu.region"() ({
      %run_scoped3A_44 = tpu.sem_alloc : memref<!tpu.dma_semaphore, #tpu.memory_space<semaphore_mem>>
      %dma_start3A = arith.constant 0 : i32
      %dma_start3A_45 = arith.constant 0 : i32
      %dma_start3A_46 = tpu.memref_slice %arg10[%run_scoped3A, %dma_start3A, %dma_start3A_45] : memref<8x128x32xf32, #tpu.memory_space<vmem>> -> memref<1x128x32xf32, #tpu.memory_space<vmem>>
      %dma_start3A_47 = tpu.memref_squeeze %dma_start3A_46 : memref<1x128x32xf32, #tpu.memory_space<vmem>> -> memref<128x32xf32, #tpu.memory_space<vmem>>
      %dma_start3A_48 = arith.constant 0 : i32
      %dma_start3A_49 = arith.constant 0 : i32
      %dma_start3A_50 = tpu.memref_slice %dma_start3A_47[%dma_start3A_48, %dma_start3A_49] : memref<128x32xf32, #tpu.memory_space<vmem>> -> memref<128x32xf32, #tpu.memory_space<vmem>>
      %dma_start3A_51 = arith.constant 0 : i32
      %dma_start3A_52 = tpu.memref_slice %arg11[%add3A_13, %dma_start3A_51] : memref<10112x32xf32, #tpu.memory_space<vmem_shared>> -> memref<128x32xf32, #tpu.memory_space<vmem_shared>>
      %dma_start3A_53 = arith.constant 0 : i32
      %dma_start3A_54 = tpu.memref_slice %arg11[%add3A_13, %dma_start3A_53] : memref<10112x32xf32, #tpu.memory_space<vmem_shared>> -> memref<128x32xf32, #tpu.memory_space<vmem_shared>>
      %dma_start3A_55 = arith.constant 0 : i32
      %dma_start3A_56 = arith.constant 0 : i32
      %dma_start3A_57 = tpu.memref_slice %arg10[%run_scoped3A, %dma_start3A_55, %dma_start3A_56] : memref<8x128x32xf32, #tpu.memory_space<vmem>> -> memref<1x128x32xf32, #tpu.memory_space<vmem>>
      %dma_start3A_58 = tpu.memref_squeeze %dma_start3A_57 : memref<1x128x32xf32, #tpu.memory_space<vmem>> -> memref<128x32xf32, #tpu.memory_space<vmem>>
      %dma_start3A_59 = arith.constant 0 : i32
      %dma_start3A_60 = arith.constant 0 : i32
      %dma_start3A_61 = tpu.memref_slice %dma_start3A_58[%dma_start3A_59, %dma_start3A_60] : memref<128x32xf32, #tpu.memory_space<vmem>> -> memref<128x32xf32, #tpu.memory_space<vmem>>
      tpu.enqueue_dma source(%dma_start3A_61 : memref<128x32xf32, #tpu.memory_space<vmem>>) target(%dma_start3A_54 : memref<128x32xf32, #tpu.memory_space<vmem_shared>>) target_semaphore(%run_scoped3A_44 : memref<!tpu.dma_semaphore, #tpu.memory_space<semaphore_mem>>)
      %dma_wait3A = arith.constant 0 : i32
      %dma_wait3A_62 = arith.constant 0 : i32
      %dma_wait3A_63 = tpu.memref_slice %arg10[%run_scoped3A, %dma_wait3A, %dma_wait3A_62] : memref<8x128x32xf32, #tpu.memory_space<vmem>> -> memref<1x128x32xf32, #tpu.memory_space<vmem>>
      %dma_wait3A_64 = tpu.memref_squeeze %dma_wait3A_63 : memref<1x128x32xf32, #tpu.memory_space<vmem>> -> memref<128x32xf32, #tpu.memory_space<vmem>>
      %dma_wait3A_65 = arith.constant 0 : i32
      %dma_wait3A_66 = arith.constant 0 : i32
      %dma_wait3A_67 = tpu.memref_slice %dma_wait3A_64[%dma_wait3A_65, %dma_wait3A_66] : memref<128x32xf32, #tpu.memory_space<vmem>> -> memref<128x32xf32, #tpu.memory_space<vmem>>
      %dma_wait3A_68 = arith.constant 0 : i32
      %dma_wait3A_69 = tpu.memref_slice %arg11[%add3A_13, %dma_wait3A_68] : memref<10112x32xf32, #tpu.memory_space<vmem_shared>> -> memref<128x32xf32, #tpu.memory_space<vmem_shared>>
      %dma_wait3A_70 = arith.constant 0 : i32
      %dma_wait3A_71 = tpu.memref_slice %arg11[%add3A_13, %dma_wait3A_70] : memref<10112x32xf32, #tpu.memory_space<vmem_shared>> -> memref<128x32xf32, #tpu.memory_space<vmem_shared>>
      %dma_wait3A_72 = arith.constant 0 : i32
      %dma_wait3A_73 = arith.constant 0 : i32
      %dma_wait3A_74 = tpu.memref_slice %arg10[%run_scoped3A, %dma_wait3A_72, %dma_wait3A_73] : memref<8x128x32xf32, #tpu.memory_space<vmem>> -> memref<1x128x32xf32, #tpu.memory_space<vmem>>
      %dma_wait3A_75 = tpu.memref_squeeze %dma_wait3A_74 : memref<1x128x32xf32, #tpu.memory_space<vmem>> -> memref<128x32xf32, #tpu.memory_space<vmem>>
      %dma_wait3A_76 = arith.constant 0 : i32
      %dma_wait3A_77 = arith.constant 0 : i32
      %dma_wait3A_78 = tpu.memref_slice %dma_wait3A_75[%dma_wait3A_76, %dma_wait3A_77] : memref<128x32xf32, #tpu.memory_space<vmem>> -> memref<128x32xf32, #tpu.memory_space<vmem>>
      tpu.wait_dma2 semaphore(%run_scoped3A_44 : memref<!tpu.dma_semaphore, #tpu.memory_space<semaphore_mem>>) src(%dma_wait3A_78 : memref<128x32xf32, #tpu.memory_space<vmem>>) dst(%dma_wait3A_71 : memref<128x32xf32, #tpu.memory_space<vmem_shared>>)
      tpu.yield
    }) : () -> ()
    %add3A_14 = arith.constant 128 : i32
    %add3A_15 = arith.addi %mul3A_0, %add3A_14 : i32
    %run_scoped3A_16 = arith.constant 0 : i32
    "tpu.region"() ({
      %run_scoped3A_44 = tpu.sem_alloc : memref<!tpu.dma_semaphore, #tpu.memory_space<semaphore_mem>>
      %dma_start3A = arith.constant 0 : i32
      %dma_start3A_45 = arith.constant 0 : i32
      %dma_start3A_46 = tpu.memref_slice %arg10[%run_scoped3A_16, %dma_start3A, %dma_start3A_45] : memref<8x128x32xf32, #tpu.memory_space<vmem>> -> memref<1x128x32xf32, #tpu.memory_space<vmem>>
      %dma_start3A_47 = tpu.memref_squeeze %dma_start3A_46 : memref<1x128x32xf32, #tpu.memory_space<vmem>> -> memref<128x32xf32, #tpu.memory_space<vmem>>
      %dma_start3A_48 = arith.constant 0 : i32
      %dma_start3A_49 = arith.constant 0 : i32
      %dma_start3A_50 = tpu.memref_slice %dma_start3A_47[%dma_start3A_48, %dma_start3A_49] : memref<128x32xf32, #tpu.memory_space<vmem>> -> memref<128x32xf32, #tpu.memory_space<vmem>>
      %dma_start3A_51 = arith.constant 0 : i32
      %dma_start3A_52 = tpu.memref_slice %arg11[%add3A_15, %dma_start3A_51] : memref<10112x32xf32, #tpu.memory_space<vmem_shared>> -> memref<128x32xf32, #tpu.memory_space<vmem_shared>>
      %dma_start3A_53 = arith.constant 0 : i32
      %dma_start3A_54 = tpu.memref_slice %arg11[%add3A_15, %dma_start3A_53] : memref<10112x32xf32, #tpu.memory_space<vmem_shared>> -> memref<128x32xf32, #tpu.memory_space<vmem_shared>>
      %dma_start3A_55 = arith.constant 0 : i32
      %dma_start3A_56 = arith.constant 0 : i32
      %dma_start3A_57 = tpu.memref_slice %arg10[%run_scoped3A_16, %dma_start3A_55, %dma_start3A_56] : memref<8x128x32xf32, #tpu.memory_space<vmem>> -> memref<1x128x32xf32, #tpu.memory_space<vmem>>
      %dma_start3A_58 = tpu.memref_squeeze %dma_start3A_57 : memref<1x128x32xf32, #tpu.memory_space<vmem>> -> memref<128x32xf32, #tpu.memory_space<vmem>>
      %dma_start3A_59 = arith.constant 0 : i32
      %dma_start3A_60 = arith.constant 0 : i32
      %dma_start3A_61 = tpu.memref_slice %dma_start3A_58[%dma_start3A_59, %dma_start3A_60] : memref<128x32xf32, #tpu.memory_space<vmem>> -> memref<128x32xf32, #tpu.memory_space<vmem>>
      tpu.enqueue_dma source(%dma_start3A_61 : memref<128x32xf32, #tpu.memory_space<vmem>>) target(%dma_start3A_54 : memref<128x32xf32, #tpu.memory_space<vmem_shared>>) target_semaphore(%run_scoped3A_44 : memref<!tpu.dma_semaphore, #tpu.memory_space<semaphore_mem>>)
      %dma_wait3A = arith.constant 0 : i32
      %dma_wait3A_62 = arith.constant 0 : i32
      %dma_wait3A_63 = tpu.memref_slice %arg10[%run_scoped3A_16, %dma_wait3A, %dma_wait3A_62] : memref<8x128x32xf32, #tpu.memory_space<vmem>> -> memref<1x128x32xf32, #tpu.memory_space<vmem>>
      %dma_wait3A_64 = tpu.memref_squeeze %dma_wait3A_63 : memref<1x128x32xf32, #tpu.memory_space<vmem>> -> memref<128x32xf32, #tpu.memory_space<vmem>>
      %dma_wait3A_65 = arith.constant 0 : i32
      %dma_wait3A_66 = arith.constant 0 : i32
      %dma_wait3A_67 = tpu.memref_slice %dma_wait3A_64[%dma_wait3A_65, %dma_wait3A_66] : memref<128x32xf32, #tpu.memory_space<vmem>> -> memref<128x32xf32, #tpu.memory_space<vmem>>
      %dma_wait3A_68 = arith.constant 0 : i32
      %dma_wait3A_69 = tpu.memref_slice %arg11[%add3A_15, %dma_wait3A_68] : memref<10112x32xf32, #tpu.memory_space<vmem_shared>> -> memref<128x32xf32, #tpu.memory_space<vmem_shared>>
      %dma_wait3A_70 = arith.constant 0 : i32
      %dma_wait3A_71 = tpu.memref_slice %arg11[%add3A_15, %dma_wait3A_70] : memref<10112x32xf32, #tpu.memory_space<vmem_shared>> -> memref<128x32xf32, #tpu.memory_space<vmem_shared>>
      %dma_wait3A_72 = arith.constant 0 : i32
      %dma_wait3A_73 = arith.constant 0 : i32
      %dma_wait3A_74 = tpu.memref_slice %arg10[%run_scoped3A_16, %dma_wait3A_72, %dma_wait3A_73] : memref<8x128x32xf32, #tpu.memory_space<vmem>> -> memref<1x128x32xf32, #tpu.memory_space<vmem>>
      %dma_wait3A_75 = tpu.memref_squeeze %dma_wait3A_74 : memref<1x128x32xf32, #tpu.memory_space<vmem>> -> memref<128x32xf32, #tpu.memory_space<vmem>>
      %dma_wait3A_76 = arith.constant 0 : i32
      %dma_wait3A_77 = arith.constant 0 : i32
      %dma_wait3A_78 = tpu.memref_slice %dma_wait3A_75[%dma_wait3A_76, %dma_wait3A_77] : memref<128x32xf32, #tpu.memory_space<vmem>> -> memref<128x32xf32, #tpu.memory_space<vmem>>
      tpu.wait_dma2 semaphore(%run_scoped3A_44 : memref<!tpu.dma_semaphore, #tpu.memory_space<semaphore_mem>>) src(%dma_wait3A_78 : memref<128x32xf32, #tpu.memory_space<vmem>>) dst(%dma_wait3A_71 : memref<128x32xf32, #tpu.memory_space<vmem_shared>>)
      tpu.yield
    }) : () -> ()
    %add3A_17 = arith.constant 256 : i32
    %add3A_18 = arith.addi %mul3A_0, %add3A_17 : i32
    %run_scoped3A_19 = arith.constant 0 : i32
    "tpu.region"() ({
      %run_scoped3A_44 = tpu.sem_alloc : memref<!tpu.dma_semaphore, #tpu.memory_space<semaphore_mem>>
      %dma_start3A = arith.constant 0 : i32
      %dma_start3A_45 = arith.constant 0 : i32
      %dma_start3A_46 = tpu.memref_slice %arg10[%run_scoped3A_19, %dma_start3A, %dma_start3A_45] : memref<8x128x32xf32, #tpu.memory_space<vmem>> -> memref<1x128x32xf32, #tpu.memory_space<vmem>>
      %dma_start3A_47 = tpu.memref_squeeze %dma_start3A_46 : memref<1x128x32xf32, #tpu.memory_space<vmem>> -> memref<128x32xf32, #tpu.memory_space<vmem>>
      %dma_start3A_48 = arith.constant 0 : i32
      %dma_start3A_49 = arith.constant 0 : i32
      %dma_start3A_50 = tpu.memref_slice %dma_start3A_47[%dma_start3A_48, %dma_start3A_49] : memref<128x32xf32, #tpu.memory_space<vmem>> -> memref<128x32xf32, #tpu.memory_space<vmem>>
      %dma_start3A_51 = arith.constant 0 : i32
      %dma_start3A_52 = tpu.memref_slice %arg11[%add3A_18, %dma_start3A_51] : memref<10112x32xf32, #tpu.memory_space<vmem_shared>> -> memref<128x32xf32, #tpu.memory_space<vmem_shared>>
      %dma_start3A_53 = arith.constant 0 : i32
      %dma_start3A_54 = tpu.memref_slice %arg11[%add3A_18, %dma_start3A_53] : memref<10112x32xf32, #tpu.memory_space<vmem_shared>> -> memref<128x32xf32, #tpu.memory_space<vmem_shared>>
      %dma_start3A_55 = arith.constant 0 : i32
      %dma_start3A_56 = arith.constant 0 : i32
      %dma_start3A_57 = tpu.memref_slice %arg10[%run_scoped3A_19, %dma_start3A_55, %dma_start3A_56] : memref<8x128x32xf32, #tpu.memory_space<vmem>> -> memref<1x128x32xf32, #tpu.memory_space<vmem>>
      %dma_start3A_58 = tpu.memref_squeeze %dma_start3A_57 : memref<1x128x32xf32, #tpu.memory_space<vmem>> -> memref<128x32xf32, #tpu.memory_space<vmem>>
      %dma_start3A_59 = arith.constant 0 : i32
      %dma_start3A_60 = arith.constant 0 : i32
      %dma_start3A_61 = tpu.memref_slice %dma_start3A_58[%dma_start3A_59, %dma_start3A_60] : memref<128x32xf32, #tpu.memory_space<vmem>> -> memref<128x32xf32, #tpu.memory_space<vmem>>
      tpu.enqueue_dma source(%dma_start3A_61 : memref<128x32xf32, #tpu.memory_space<vmem>>) target(%dma_start3A_54 : memref<128x32xf32, #tpu.memory_space<vmem_shared>>) target_semaphore(%run_scoped3A_44 : memref<!tpu.dma_semaphore, #tpu.memory_space<semaphore_mem>>)
      %dma_wait3A = arith.constant 0 : i32
      %dma_wait3A_62 = arith.constant 0 : i32
      %dma_wait3A_63 = tpu.memref_slice %arg10[%run_scoped3A_19, %dma_wait3A, %dma_wait3A_62] : memref<8x128x32xf32, #tpu.memory_space<vmem>> -> memref<1x128x32xf32, #tpu.memory_space<vmem>>
      %dma_wait3A_64 = tpu.memref_squeeze %dma_wait3A_63 : memref<1x128x32xf32, #tpu.memory_space<vmem>> -> memref<128x32xf32, #tpu.memory_space<vmem>>
      %dma_wait3A_65 = arith.constant 0 : i32
      %dma_wait3A_66 = arith.constant 0 : i32
      %dma_wait3A_67 = tpu.memref_slice %dma_wait3A_64[%dma_wait3A_65, %dma_wait3A_66] : memref<128x32xf32, #tpu.memory_space<vmem>> -> memref<128x32xf32, #tpu.memory_space<vmem>>
      %dma_wait3A_68 = arith.constant 0 : i32
      %dma_wait3A_69 = tpu.memref_slice %arg11[%add3A_18, %dma_wait3A_68] : memref<10112x32xf32, #tpu.memory_space<vmem_shared>> -> memref<128x32xf32, #tpu.memory_space<vmem_shared>>
      %dma_wait3A_70 = arith.constant 0 : i32
      %dma_wait3A_71 = tpu.memref_slice %arg11[%add3A_18, %dma_wait3A_70] : memref<10112x32xf32, #tpu.memory_space<vmem_shared>> -> memref<128x32xf32, #tpu.memory_space<vmem_shared>>
      %dma_wait3A_72 = arith.constant 0 : i32
      %dma_wait3A_73 = arith.constant 0 : i32
      %dma_wait3A_74 = tpu.memref_slice %arg10[%run_scoped3A_19, %dma_wait3A_72, %dma_wait3A_73] : memref<8x128x32xf32, #tpu.memory_space<vmem>> -> memref<1x128x32xf32, #tpu.memory_space<vmem>>
      %dma_wait3A_75 = tpu.memref_squeeze %dma_wait3A_74 : memref<1x128x32xf32, #tpu.memory_space<vmem>> -> memref<128x32xf32, #tpu.memory_space<vmem>>
      %dma_wait3A_76 = arith.constant 0 : i32
      %dma_wait3A_77 = arith.constant 0 : i32
      %dma_wait3A_78 = tpu.memref_slice %dma_wait3A_75[%dma_wait3A_76, %dma_wait3A_77] : memref<128x32xf32, #tpu.memory_space<vmem>> -> memref<128x32xf32, #tpu.memory_space<vmem>>
      tpu.wait_dma2 semaphore(%run_scoped3A_44 : memref<!tpu.dma_semaphore, #tpu.memory_space<semaphore_mem>>) src(%dma_wait3A_78 : memref<128x32xf32, #tpu.memory_space<vmem>>) dst(%dma_wait3A_71 : memref<128x32xf32, #tpu.memory_space<vmem_shared>>)
      tpu.yield
    }) : () -> ()
    %add3A_20 = arith.constant 384 : i32
    %add3A_21 = arith.addi %mul3A_0, %add3A_20 : i32
    %run_scoped3A_22 = arith.constant 0 : i32
    "tpu.region"() ({
      %run_scoped3A_44 = tpu.sem_alloc : memref<!tpu.dma_semaphore, #tpu.memory_space<semaphore_mem>>
      %dma_start3A = arith.constant 0 : i32
      %dma_start3A_45 = arith.constant 0 : i32
      %dma_start3A_46 = tpu.memref_slice %arg10[%run_scoped3A_22, %dma_start3A, %dma_start3A_45] : memref<8x128x32xf32, #tpu.memory_space<vmem>> -> memref<1x128x32xf32, #tpu.memory_space<vmem>>
      %dma_start3A_47 = tpu.memref_squeeze %dma_start3A_46 : memref<1x128x32xf32, #tpu.memory_space<vmem>> -> memref<128x32xf32, #tpu.memory_space<vmem>>
      %dma_start3A_48 = arith.constant 0 : i32
      %dma_start3A_49 = arith.constant 0 : i32
      %dma_start3A_50 = tpu.memref_slice %dma_start3A_47[%dma_start3A_48, %dma_start3A_49] : memref<128x32xf32, #tpu.memory_space<vmem>> -> memref<128x32xf32, #tpu.memory_space<vmem>>
      %dma_start3A_51 = arith.constant 0 : i32
      %dma_start3A_52 = tpu.memref_slice %arg11[%add3A_21, %dma_start3A_51] : memref<10112x32xf32, #tpu.memory_space<vmem_shared>> -> memref<128x32xf32, #tpu.memory_space<vmem_shared>>
      %dma_start3A_53 = arith.constant 0 : i32
      %dma_start3A_54 = tpu.memref_slice %arg11[%add3A_21, %dma_start3A_53] : memref<10112x32xf32, #tpu.memory_space<vmem_shared>> -> memref<128x32xf32, #tpu.memory_space<vmem_shared>>
      %dma_start3A_55 = arith.constant 0 : i32
      %dma_start3A_56 = arith.constant 0 : i32
      %dma_start3A_57 = tpu.memref_slice %arg10[%run_scoped3A_22, %dma_start3A_55, %dma_start3A_56] : memref<8x128x32xf32, #tpu.memory_space<vmem>> -> memref<1x128x32xf32, #tpu.memory_space<vmem>>
      %dma_start3A_58 = tpu.memref_squeeze %dma_start3A_57 : memref<1x128x32xf32, #tpu.memory_space<vmem>> -> memref<128x32xf32, #tpu.memory_space<vmem>>
      %dma_start3A_59 = arith.constant 0 : i32
      %dma_start3A_60 = arith.constant 0 : i32
      %dma_start3A_61 = tpu.memref_slice %dma_start3A_58[%dma_start3A_59, %dma_start3A_60] : memref<128x32xf32, #tpu.memory_space<vmem>> -> memref<128x32xf32, #tpu.memory_space<vmem>>
      tpu.enqueue_dma source(%dma_start3A_61 : memref<128x32xf32, #tpu.memory_space<vmem>>) target(%dma_start3A_54 : memref<128x32xf32, #tpu.memory_space<vmem_shared>>) target_semaphore(%run_scoped3A_44 : memref<!tpu.dma_semaphore, #tpu.memory_space<semaphore_mem>>)
      %dma_wait3A = arith.constant 0 : i32
      %dma_wait3A_62 = arith.constant 0 : i32
      %dma_wait3A_63 = tpu.memref_slice %arg10[%run_scoped3A_22, %dma_wait3A, %dma_wait3A_62] : memref<8x128x32xf32, #tpu.memory_space<vmem>> -> memref<1x128x32xf32, #tpu.memory_space<vmem>>
      %dma_wait3A_64 = tpu.memref_squeeze %dma_wait3A_63 : memref<1x128x32xf32, #tpu.memory_space<vmem>> -> memref<128x32xf32, #tpu.memory_space<vmem>>
      %dma_wait3A_65 = arith.constant 0 : i32
      %dma_wait3A_66 = arith.constant 0 : i32
      %dma_wait3A_67 = tpu.memref_slice %dma_wait3A_64[%dma_wait3A_65, %dma_wait3A_66] : memref<128x32xf32, #tpu.memory_space<vmem>> -> memref<128x32xf32, #tpu.memory_space<vmem>>
      %dma_wait3A_68 = arith.constant 0 : i32
      %dma_wait3A_69 = tpu.memref_slice %arg11[%add3A_21, %dma_wait3A_68] : memref<10112x32xf32, #tpu.memory_space<vmem_shared>> -> memref<128x32xf32, #tpu.memory_space<vmem_shared>>
      %dma_wait3A_70 = arith.constant 0 : i32
      %dma_wait3A_71 = tpu.memref_slice %arg11[%add3A_21, %dma_wait3A_70] : memref<10112x32xf32, #tpu.memory_space<vmem_shared>> -> memref<128x32xf32, #tpu.memory_space<vmem_shared>>
      %dma_wait3A_72 = arith.constant 0 : i32
      %dma_wait3A_73 = arith.constant 0 : i32
      %dma_wait3A_74 = tpu.memref_slice %arg10[%run_scoped3A_22, %dma_wait3A_72, %dma_wait3A_73] : memref<8x128x32xf32, #tpu.memory_space<vmem>> -> memref<1x128x32xf32, #tpu.memory_space<vmem>>
      %dma_wait3A_75 = tpu.memref_squeeze %dma_wait3A_74 : memref<1x128x32xf32, #tpu.memory_space<vmem>> -> memref<128x32xf32, #tpu.memory_space<vmem>>
      %dma_wait3A_76 = arith.constant 0 : i32
      %dma_wait3A_77 = arith.constant 0 : i32
      %dma_wait3A_78 = tpu.memref_slice %dma_wait3A_75[%dma_wait3A_76, %dma_wait3A_77] : memref<128x32xf32, #tpu.memory_space<vmem>> -> memref<128x32xf32, #tpu.memory_space<vmem>>
      tpu.wait_dma2 semaphore(%run_scoped3A_44 : memref<!tpu.dma_semaphore, #tpu.memory_space<semaphore_mem>>) src(%dma_wait3A_78 : memref<128x32xf32, #tpu.memory_space<vmem>>) dst(%dma_wait3A_71 : memref<128x32xf32, #tpu.memory_space<vmem_shared>>)
      tpu.yield
    }) : () -> ()
    %add3A_23 = arith.constant 512 : i32
    %add3A_24 = arith.addi %mul3A_0, %add3A_23 : i32
    %run_scoped3A_25 = arith.constant 0 : i32
    "tpu.region"() ({
      %run_scoped3A_44 = tpu.sem_alloc : memref<!tpu.dma_semaphore, #tpu.memory_space<semaphore_mem>>
      %dma_start3A = arith.constant 0 : i32
      %dma_start3A_45 = arith.constant 0 : i32
      %dma_start3A_46 = tpu.memref_slice %arg10[%run_scoped3A_25, %dma_start3A, %dma_start3A_45] : memref<8x128x32xf32, #tpu.memory_space<vmem>> -> memref<1x128x32xf32, #tpu.memory_space<vmem>>
      %dma_start3A_47 = tpu.memref_squeeze %dma_start3A_46 : memref<1x128x32xf32, #tpu.memory_space<vmem>> -> memref<128x32xf32, #tpu.memory_space<vmem>>
      %dma_start3A_48 = arith.constant 0 : i32
      %dma_start3A_49 = arith.constant 0 : i32
      %dma_start3A_50 = tpu.memref_slice %dma_start3A_47[%dma_start3A_48, %dma_start3A_49] : memref<128x32xf32, #tpu.memory_space<vmem>> -> memref<120x32xf32, #tpu.memory_space<vmem>>
      %dma_start3A_51 = arith.constant 0 : i32
      %dma_start3A_52 = tpu.memref_slice %arg11[%add3A_24, %dma_start3A_51] : memref<10112x32xf32, #tpu.memory_space<vmem_shared>> -> memref<120x32xf32, #tpu.memory_space<vmem_shared>>
      %dma_start3A_53 = arith.constant 0 : i32
      %dma_start3A_54 = tpu.memref_slice %arg11[%add3A_24, %dma_start3A_53] : memref<10112x32xf32, #tpu.memory_space<vmem_shared>> -> memref<120x32xf32, #tpu.memory_space<vmem_shared>>
      %dma_start3A_55 = arith.constant 0 : i32
      %dma_start3A_56 = arith.constant 0 : i32
      %dma_start3A_57 = tpu.memref_slice %arg10[%run_scoped3A_25, %dma_start3A_55, %dma_start3A_56] : memref<8x128x32xf32, #tpu.memory_space<vmem>> -> memref<1x128x32xf32, #tpu.memory_space<vmem>>
      %dma_start3A_58 = tpu.memref_squeeze %dma_start3A_57 : memref<1x128x32xf32, #tpu.memory_space<vmem>> -> memref<128x32xf32, #tpu.memory_space<vmem>>
      %dma_start3A_59 = arith.constant 0 : i32
      %dma_start3A_60 = arith.constant 0 : i32
      %dma_start3A_61 = tpu.memref_slice %dma_start3A_58[%dma_start3A_59, %dma_start3A_60] : memref<128x32xf32, #tpu.memory_space<vmem>> -> memref<120x32xf32, #tpu.memory_space<vmem>>
      tpu.enqueue_dma source(%dma_start3A_61 : memref<120x32xf32, #tpu.memory_space<vmem>>) target(%dma_start3A_54 : memref<120x32xf32, #tpu.memory_space<vmem_shared>>) target_semaphore(%run_scoped3A_44 : memref<!tpu.dma_semaphore, #tpu.memory_space<semaphore_mem>>)
      %dma_wait3A = arith.constant 0 : i32
      %dma_wait3A_62 = arith.constant 0 : i32
      %dma_wait3A_63 = tpu.memref_slice %arg10[%run_scoped3A_25, %dma_wait3A, %dma_wait3A_62] : memref<8x128x32xf32, #tpu.memory_space<vmem>> -> memref<1x128x32xf32, #tpu.memory_space<vmem>>
      %dma_wait3A_64 = tpu.memref_squeeze %dma_wait3A_63 : memref<1x128x32xf32, #tpu.memory_space<vmem>> -> memref<128x32xf32, #tpu.memory_space<vmem>>
      %dma_wait3A_65 = arith.constant 0 : i32
      %dma_wait3A_66 = arith.constant 0 : i32
      %dma_wait3A_67 = tpu.memref_slice %dma_wait3A_64[%dma_wait3A_65, %dma_wait3A_66] : memref<128x32xf32, #tpu.memory_space<vmem>> -> memref<120x32xf32, #tpu.memory_space<vmem>>
      %dma_wait3A_68 = arith.constant 0 : i32
      %dma_wait3A_69 = tpu.memref_slice %arg11[%add3A_24, %dma_wait3A_68] : memref<10112x32xf32, #tpu.memory_space<vmem_shared>> -> memref<120x32xf32, #tpu.memory_space<vmem_shared>>
      %dma_wait3A_70 = arith.constant 0 : i32
      %dma_wait3A_71 = tpu.memref_slice %arg11[%add3A_24, %dma_wait3A_70] : memref<10112x32xf32, #tpu.memory_space<vmem_shared>> -> memref<120x32xf32, #tpu.memory_space<vmem_shared>>
      %dma_wait3A_72 = arith.constant 0 : i32
      %dma_wait3A_73 = arith.constant 0 : i32
      %dma_wait3A_74 = tpu.memref_slice %arg10[%run_scoped3A_25, %dma_wait3A_72, %dma_wait3A_73] : memref<8x128x32xf32, #tpu.memory_space<vmem>> -> memref<1x128x32xf32, #tpu.memory_space<vmem>>
      %dma_wait3A_75 = tpu.memref_squeeze %dma_wait3A_74 : memref<1x128x32xf32, #tpu.memory_space<vmem>> -> memref<128x32xf32, #tpu.memory_space<vmem>>
      %dma_wait3A_76 = arith.constant 0 : i32
      %dma_wait3A_77 = arith.constant 0 : i32
      %dma_wait3A_78 = tpu.memref_slice %dma_wait3A_75[%dma_wait3A_76, %dma_wait3A_77] : memref<128x32xf32, #tpu.memory_space<vmem>> -> memref<120x32xf32, #tpu.memory_space<vmem>>
      tpu.wait_dma2 semaphore(%run_scoped3A_44 : memref<!tpu.dma_semaphore, #tpu.memory_space<semaphore_mem>>) src(%dma_wait3A_78 : memref<120x32xf32, #tpu.memory_space<vmem>>) dst(%dma_wait3A_71 : memref<120x32xf32, #tpu.memory_space<vmem_shared>>)
      tpu.yield
    }) : () -> ()
    %barrier3A = arith.constant 0 : index
    tpu.barrier barrier_id(%barrier3A)
    %scan3A_26 = arith.constant 0 : i32
    %scan3A_27 = arith.constant 20 : i32
    %scan3A_28 = arith.addi %scan3A_26, %scan3A_27 : i32
    %scan3A_29 = arith.constant 1 : i32
    scf.for %scan3A_44 = %scan3A_26 to %scan3A_28 step %scan3A_29  : i32 {
      %mul3A_45 = arith.constant 8 : i32
      %mul3A_46 = arith.muli %scan3A_44, %mul3A_45 : i32
      %add3A_47 = arith.constant 0 : i32
      %add3A_48 = arith.addi %add3A_47, %mul3A_46 : i32
      %add3A_49 = arith.constant 0 : i32
      %add3A_50 = arith.addi %add3A_48, %add3A_49 : i32
      %dma_start3A = arith.constant 0 : i32
      %dma_start3A_51 = arith.constant 0 : i32
      %dma_start3A_52 = arith.constant 0 : i32
      %dma_start3A_53 = arith.constant 0 : i32
      %dma_start3A_54 = tpu.memref_slice %arg10[%dma_start3A, %dma_start3A_52, %dma_start3A_53] : memref<8x128x32xf32, #tpu.memory_space<vmem>> -> memref<1x128x32xf32, #tpu.memory_space<vmem>>
      %dma_start3A_55 = tpu.memref_squeeze %dma_start3A_54 : memref<1x128x32xf32, #tpu.memory_space<vmem>> -> memref<128x32xf32, #tpu.memory_space<vmem>>
      %dma_start3A_56 = arith.constant 0 : i32
      %dma_start3A_57 = tpu.memref_slice %arg8[%add3A_50, %dma_start3A_56] : memref<160x128xi32, #tpu.memory_space<vmem>> -> memref<1x128xi32, #tpu.memory_space<vmem>>
      %dma_start3A_58 = tpu.memref_squeeze %dma_start3A_57 : memref<1x128xi32, #tpu.memory_space<vmem>> -> memref<128xi32, #tpu.memory_space<vmem>>
      %dma_start3A_59 = arith.constant 0 : i32
      %dma_start3A_60 = arith.constant 0 : i32
      %dma_start3A_61 = tpu.memref_slice %arg12[%dma_start3A_59, %dma_start3A_60] : memref<10112x32xf32, #tpu.memory_space<vmem_shared>> -> memref<10112x32xf32, #tpu.memory_space<vmem_shared>>
      %dma_start3A_62 = tpu.memref_slice %arg13[%dma_start3A_51] : memref<8x!tpu.dma_semaphore, #tpu.memory_space<semaphore_mem>> -> memref<1x!tpu.dma_semaphore, #tpu.memory_space<semaphore_mem>>
      %dma_start3A_63 = tpu.memref_squeeze %dma_start3A_62 : memref<1x!tpu.dma_semaphore, #tpu.memory_space<semaphore_mem>> -> memref<!tpu.dma_semaphore, #tpu.memory_space<semaphore_mem>>
      tpu.enqueue_indirect_dma source(%dma_start3A_61 : memref<10112x32xf32, #tpu.memory_space<vmem_shared>>) target(%dma_start3A_55 : memref<128x32xf32, #tpu.memory_space<vmem>>) offsets(%dma_start3A_58 : memref<128xi32, #tpu.memory_space<vmem>>) semaphore(%dma_start3A_63 : memref<!tpu.dma_semaphore, #tpu.memory_space<semaphore_mem>>)
      %add3A_64 = arith.constant 1 : i32
      %add3A_65 = arith.addi %add3A_48, %add3A_64 : i32
      %dma_start3A_66 = arith.constant 1 : i32
      %dma_start3A_67 = arith.constant 1 : i32
      %dma_start3A_68 = arith.constant 0 : i32
      %dma_start3A_69 = arith.constant 0 : i32
      %dma_start3A_70 = tpu.memref_slice %arg10[%dma_start3A_66, %dma_start3A_68, %dma_start3A_69] : memref<8x128x32xf32, #tpu.memory_space<vmem>> -> memref<1x128x32xf32, #tpu.memory_space<vmem>>
      %dma_start3A_71 = tpu.memref_squeeze %dma_start3A_70 : memref<1x128x32xf32, #tpu.memory_space<vmem>> -> memref<128x32xf32, #tpu.memory_space<vmem>>
      %dma_start3A_72 = arith.constant 0 : i32
      %dma_start3A_73 = tpu.memref_slice %arg8[%add3A_65, %dma_start3A_72] : memref<160x128xi32, #tpu.memory_space<vmem>> -> memref<1x128xi32, #tpu.memory_space<vmem>>
      %dma_start3A_74 = tpu.memref_squeeze %dma_start3A_73 : memref<1x128xi32, #tpu.memory_space<vmem>> -> memref<128xi32, #tpu.memory_space<vmem>>
      %dma_start3A_75 = arith.constant 0 : i32
      %dma_start3A_76 = arith.constant 0 : i32
      %dma_start3A_77 = tpu.memref_slice %arg12[%dma_start3A_75, %dma_start3A_76] : memref<10112x32xf32, #tpu.memory_space<vmem_shared>> -> memref<10112x32xf32, #tpu.memory_space<vmem_shared>>
      %dma_start3A_78 = tpu.memref_slice %arg13[%dma_start3A_67] : memref<8x!tpu.dma_semaphore, #tpu.memory_space<semaphore_mem>> -> memref<1x!tpu.dma_semaphore, #tpu.memory_space<semaphore_mem>>
      %dma_start3A_79 = tpu.memref_squeeze %dma_start3A_78 : memref<1x!tpu.dma_semaphore, #tpu.memory_space<semaphore_mem>> -> memref<!tpu.dma_semaphore, #tpu.memory_space<semaphore_mem>>
      tpu.enqueue_indirect_dma source(%dma_start3A_77 : memref<10112x32xf32, #tpu.memory_space<vmem_shared>>) target(%dma_start3A_71 : memref<128x32xf32, #tpu.memory_space<vmem>>) offsets(%dma_start3A_74 : memref<128xi32, #tpu.memory_space<vmem>>) semaphore(%dma_start3A_79 : memref<!tpu.dma_semaphore, #tpu.memory_space<semaphore_mem>>)
      %add3A_80 = arith.constant 2 : i32
      %add3A_81 = arith.addi %add3A_48, %add3A_80 : i32
      %dma_start3A_82 = arith.constant 2 : i32
      %dma_start3A_83 = arith.constant 2 : i32
      %dma_start3A_84 = arith.constant 0 : i32
      %dma_start3A_85 = arith.constant 0 : i32
      %dma_start3A_86 = tpu.memref_slice %arg10[%dma_start3A_82, %dma_start3A_84, %dma_start3A_85] : memref<8x128x32xf32, #tpu.memory_space<vmem>> -> memref<1x128x32xf32, #tpu.memory_space<vmem>>
      %dma_start3A_87 = tpu.memref_squeeze %dma_start3A_86 : memref<1x128x32xf32, #tpu.memory_space<vmem>> -> memref<128x32xf32, #tpu.memory_space<vmem>>
      %dma_start3A_88 = arith.constant 0 : i32
      %dma_start3A_89 = tpu.memref_slice %arg8[%add3A_81, %dma_start3A_88] : memref<160x128xi32, #tpu.memory_space<vmem>> -> memref<1x128xi32, #tpu.memory_space<vmem>>
      %dma_start3A_90 = tpu.memref_squeeze %dma_start3A_89 : memref<1x128xi32, #tpu.memory_space<vmem>> -> memref<128xi32, #tpu.memory_space<vmem>>
      %dma_start3A_91 = arith.constant 0 : i32
      %dma_start3A_92 = arith.constant 0 : i32
      %dma_start3A_93 = tpu.memref_slice %arg12[%dma_start3A_91, %dma_start3A_92] : memref<10112x32xf32, #tpu.memory_space<vmem_shared>> -> memref<10112x32xf32, #tpu.memory_space<vmem_shared>>
      %dma_start3A_94 = tpu.memref_slice %arg13[%dma_start3A_83] : memref<8x!tpu.dma_semaphore, #tpu.memory_space<semaphore_mem>> -> memref<1x!tpu.dma_semaphore, #tpu.memory_space<semaphore_mem>>
      %dma_start3A_95 = tpu.memref_squeeze %dma_start3A_94 : memref<1x!tpu.dma_semaphore, #tpu.memory_space<semaphore_mem>> -> memref<!tpu.dma_semaphore, #tpu.memory_space<semaphore_mem>>
      tpu.enqueue_indirect_dma source(%dma_start3A_93 : memref<10112x32xf32, #tpu.memory_space<vmem_shared>>) target(%dma_start3A_87 : memref<128x32xf32, #tpu.memory_space<vmem>>) offsets(%dma_start3A_90 : memref<128xi32, #tpu.memory_space<vmem>>) semaphore(%dma_start3A_95 : memref<!tpu.dma_semaphore, #tpu.memory_space<semaphore_mem>>)
      %add3A_96 = arith.constant 3 : i32
      %add3A_97 = arith.addi %add3A_48, %add3A_96 : i32
      %dma_start3A_98 = arith.constant 3 : i32
      %dma_start3A_99 = arith.constant 3 : i32
      %dma_start3A_100 = arith.constant 0 : i32
      %dma_start3A_101 = arith.constant 0 : i32
      %dma_start3A_102 = tpu.memref_slice %arg10[%dma_start3A_98, %dma_start3A_100, %dma_start3A_101] : memref<8x128x32xf32, #tpu.memory_space<vmem>> -> memref<1x128x32xf32, #tpu.memory_space<vmem>>
      %dma_start3A_103 = tpu.memref_squeeze %dma_start3A_102 : memref<1x128x32xf32, #tpu.memory_space<vmem>> -> memref<128x32xf32, #tpu.memory_space<vmem>>
      %dma_start3A_104 = arith.constant 0 : i32
      %dma_start3A_105 = tpu.memref_slice %arg8[%add3A_97, %dma_start3A_104] : memref<160x128xi32, #tpu.memory_space<vmem>> -> memref<1x128xi32, #tpu.memory_space<vmem>>
      %dma_start3A_106 = tpu.memref_squeeze %dma_start3A_105 : memref<1x128xi32, #tpu.memory_space<vmem>> -> memref<128xi32, #tpu.memory_space<vmem>>
      %dma_start3A_107 = arith.constant 0 : i32
      %dma_start3A_108 = arith.constant 0 : i32
      %dma_start3A_109 = tpu.memref_slice %arg12[%dma_start3A_107, %dma_start3A_108] : memref<10112x32xf32, #tpu.memory_space<vmem_shared>> -> memref<10112x32xf32, #tpu.memory_space<vmem_shared>>
      %dma_start3A_110 = tpu.memref_slice %arg13[%dma_start3A_99] : memref<8x!tpu.dma_semaphore, #tpu.memory_space<semaphore_mem>> -> memref<1x!tpu.dma_semaphore, #tpu.memory_space<semaphore_mem>>
      %dma_start3A_111 = tpu.memref_squeeze %dma_start3A_110 : memref<1x!tpu.dma_semaphore, #tpu.memory_space<semaphore_mem>> -> memref<!tpu.dma_semaphore, #tpu.memory_space<semaphore_mem>>
      tpu.enqueue_indirect_dma source(%dma_start3A_109 : memref<10112x32xf32, #tpu.memory_space<vmem_shared>>) target(%dma_start3A_103 : memref<128x32xf32, #tpu.memory_space<vmem>>) offsets(%dma_start3A_106 : memref<128xi32, #tpu.memory_space<vmem>>) semaphore(%dma_start3A_111 : memref<!tpu.dma_semaphore, #tpu.memory_space<semaphore_mem>>)
      %add3A_112 = arith.constant 4 : i32
      %add3A_113 = arith.addi %add3A_48, %add3A_112 : i32
      %dma_start3A_114 = arith.constant 4 : i32
      %dma_start3A_115 = arith.constant 4 : i32
      %dma_start3A_116 = arith.constant 0 : i32
      %dma_start3A_117 = arith.constant 0 : i32
      %dma_start3A_118 = tpu.memref_slice %arg10[%dma_start3A_114, %dma_start3A_116, %dma_start3A_117] : memref<8x128x32xf32, #tpu.memory_space<vmem>> -> memref<1x128x32xf32, #tpu.memory_space<vmem>>
      %dma_start3A_119 = tpu.memref_squeeze %dma_start3A_118 : memref<1x128x32xf32, #tpu.memory_space<vmem>> -> memref<128x32xf32, #tpu.memory_space<vmem>>
      %dma_start3A_120 = arith.constant 0 : i32
      %dma_start3A_121 = tpu.memref_slice %arg8[%add3A_113, %dma_start3A_120] : memref<160x128xi32, #tpu.memory_space<vmem>> -> memref<1x128xi32, #tpu.memory_space<vmem>>
      %dma_start3A_122 = tpu.memref_squeeze %dma_start3A_121 : memref<1x128xi32, #tpu.memory_space<vmem>> -> memref<128xi32, #tpu.memory_space<vmem>>
      %dma_start3A_123 = arith.constant 0 : i32
      %dma_start3A_124 = arith.constant 0 : i32
      %dma_start3A_125 = tpu.memref_slice %arg12[%dma_start3A_123, %dma_start3A_124] : memref<10112x32xf32, #tpu.memory_space<vmem_shared>> -> memref<10112x32xf32, #tpu.memory_space<vmem_shared>>
      %dma_start3A_126 = tpu.memref_slice %arg13[%dma_start3A_115] : memref<8x!tpu.dma_semaphore, #tpu.memory_space<semaphore_mem>> -> memref<1x!tpu.dma_semaphore, #tpu.memory_space<semaphore_mem>>
      %dma_start3A_127 = tpu.memref_squeeze %dma_start3A_126 : memref<1x!tpu.dma_semaphore, #tpu.memory_space<semaphore_mem>> -> memref<!tpu.dma_semaphore, #tpu.memory_space<semaphore_mem>>
      tpu.enqueue_indirect_dma source(%dma_start3A_125 : memref<10112x32xf32, #tpu.memory_space<vmem_shared>>) target(%dma_start3A_119 : memref<128x32xf32, #tpu.memory_space<vmem>>) offsets(%dma_start3A_122 : memref<128xi32, #tpu.memory_space<vmem>>) semaphore(%dma_start3A_127 : memref<!tpu.dma_semaphore, #tpu.memory_space<semaphore_mem>>)
      %add3A_128 = arith.constant 5 : i32
      %add3A_129 = arith.addi %add3A_48, %add3A_128 : i32
      %dma_start3A_130 = arith.constant 5 : i32
      %dma_start3A_131 = arith.constant 5 : i32
      %dma_start3A_132 = arith.constant 0 : i32
      %dma_start3A_133 = arith.constant 0 : i32
      %dma_start3A_134 = tpu.memref_slice %arg10[%dma_start3A_130, %dma_start3A_132, %dma_start3A_133] : memref<8x128x32xf32, #tpu.memory_space<vmem>> -> memref<1x128x32xf32, #tpu.memory_space<vmem>>
      %dma_start3A_135 = tpu.memref_squeeze %dma_start3A_134 : memref<1x128x32xf32, #tpu.memory_space<vmem>> -> memref<128x32xf32, #tpu.memory_space<vmem>>
      %dma_start3A_136 = arith.constant 0 : i32
      %dma_start3A_137 = tpu.memref_slice %arg8[%add3A_129, %dma_start3A_136] : memref<160x128xi32, #tpu.memory_space<vmem>> -> memref<1x128xi32, #tpu.memory_space<vmem>>
      %dma_start3A_138 = tpu.memref_squeeze %dma_start3A_137 : memref<1x128xi32, #tpu.memory_space<vmem>> -> memref<128xi32, #tpu.memory_space<vmem>>
      %dma_start3A_139 = arith.constant 0 : i32
      %dma_start3A_140 = arith.constant 0 : i32
      %dma_start3A_141 = tpu.memref_slice %arg12[%dma_start3A_139, %dma_start3A_140] : memref<10112x32xf32, #tpu.memory_space<vmem_shared>> -> memref<10112x32xf32, #tpu.memory_space<vmem_shared>>
      %dma_start3A_142 = tpu.memref_slice %arg13[%dma_start3A_131] : memref<8x!tpu.dma_semaphore, #tpu.memory_space<semaphore_mem>> -> memref<1x!tpu.dma_semaphore, #tpu.memory_space<semaphore_mem>>
      %dma_start3A_143 = tpu.memref_squeeze %dma_start3A_142 : memref<1x!tpu.dma_semaphore, #tpu.memory_space<semaphore_mem>> -> memref<!tpu.dma_semaphore, #tpu.memory_space<semaphore_mem>>
      tpu.enqueue_indirect_dma source(%dma_start3A_141 : memref<10112x32xf32, #tpu.memory_space<vmem_shared>>) target(%dma_start3A_135 : memref<128x32xf32, #tpu.memory_space<vmem>>) offsets(%dma_start3A_138 : memref<128xi32, #tpu.memory_space<vmem>>) semaphore(%dma_start3A_143 : memref<!tpu.dma_semaphore, #tpu.memory_space<semaphore_mem>>)
      %add3A_144 = arith.constant 6 : i32
      %add3A_145 = arith.addi %add3A_48, %add3A_144 : i32
      %dma_start3A_146 = arith.constant 6 : i32
      %dma_start3A_147 = arith.constant 6 : i32
      %dma_start3A_148 = arith.constant 0 : i32
      %dma_start3A_149 = arith.constant 0 : i32
      %dma_start3A_150 = tpu.memref_slice %arg10[%dma_start3A_146, %dma_start3A_148, %dma_start3A_149] : memref<8x128x32xf32, #tpu.memory_space<vmem>> -> memref<1x128x32xf32, #tpu.memory_space<vmem>>
      %dma_start3A_151 = tpu.memref_squeeze %dma_start3A_150 : memref<1x128x32xf32, #tpu.memory_space<vmem>> -> memref<128x32xf32, #tpu.memory_space<vmem>>
      %dma_start3A_152 = arith.constant 0 : i32
      %dma_start3A_153 = tpu.memref_slice %arg8[%add3A_145, %dma_start3A_152] : memref<160x128xi32, #tpu.memory_space<vmem>> -> memref<1x128xi32, #tpu.memory_space<vmem>>
      %dma_start3A_154 = tpu.memref_squeeze %dma_start3A_153 : memref<1x128xi32, #tpu.memory_space<vmem>> -> memref<128xi32, #tpu.memory_space<vmem>>
      %dma_start3A_155 = arith.constant 0 : i32
      %dma_start3A_156 = arith.constant 0 : i32
      %dma_start3A_157 = tpu.memref_slice %arg12[%dma_start3A_155, %dma_start3A_156] : memref<10112x32xf32, #tpu.memory_space<vmem_shared>> -> memref<10112x32xf32, #tpu.memory_space<vmem_shared>>
      %dma_start3A_158 = tpu.memref_slice %arg13[%dma_start3A_147] : memref<8x!tpu.dma_semaphore, #tpu.memory_space<semaphore_mem>> -> memref<1x!tpu.dma_semaphore, #tpu.memory_space<semaphore_mem>>
      %dma_start3A_159 = tpu.memref_squeeze %dma_start3A_158 : memref<1x!tpu.dma_semaphore, #tpu.memory_space<semaphore_mem>> -> memref<!tpu.dma_semaphore, #tpu.memory_space<semaphore_mem>>
      tpu.enqueue_indirect_dma source(%dma_start3A_157 : memref<10112x32xf32, #tpu.memory_space<vmem_shared>>) target(%dma_start3A_151 : memref<128x32xf32, #tpu.memory_space<vmem>>) offsets(%dma_start3A_154 : memref<128xi32, #tpu.memory_space<vmem>>) semaphore(%dma_start3A_159 : memref<!tpu.dma_semaphore, #tpu.memory_space<semaphore_mem>>)
      %add3A_160 = arith.constant 7 : i32
      %add3A_161 = arith.addi %add3A_48, %add3A_160 : i32
      %dma_start3A_162 = arith.constant 7 : i32
      %dma_start3A_163 = arith.constant 7 : i32
      %dma_start3A_164 = arith.constant 0 : i32
      %dma_start3A_165 = arith.constant 0 : i32
      %dma_start3A_166 = tpu.memref_slice %arg10[%dma_start3A_162, %dma_start3A_164, %dma_start3A_165] : memref<8x128x32xf32, #tpu.memory_space<vmem>> -> memref<1x128x32xf32, #tpu.memory_space<vmem>>
      %dma_start3A_167 = tpu.memref_squeeze %dma_start3A_166 : memref<1x128x32xf32, #tpu.memory_space<vmem>> -> memref<128x32xf32, #tpu.memory_space<vmem>>
      %dma_start3A_168 = arith.constant 0 : i32
      %dma_start3A_169 = tpu.memref_slice %arg8[%add3A_161, %dma_start3A_168] : memref<160x128xi32, #tpu.memory_space<vmem>> -> memref<1x128xi32, #tpu.memory_space<vmem>>
      %dma_start3A_170 = tpu.memref_squeeze %dma_start3A_169 : memref<1x128xi32, #tpu.memory_space<vmem>> -> memref<128xi32, #tpu.memory_space<vmem>>
      %dma_start3A_171 = arith.constant 0 : i32
      %dma_start3A_172 = arith.constant 0 : i32
      %dma_start3A_173 = tpu.memref_slice %arg12[%dma_start3A_171, %dma_start3A_172] : memref<10112x32xf32, #tpu.memory_space<vmem_shared>> -> memref<10112x32xf32, #tpu.memory_space<vmem_shared>>
      %dma_start3A_174 = tpu.memref_slice %arg13[%dma_start3A_163] : memref<8x!tpu.dma_semaphore, #tpu.memory_space<semaphore_mem>> -> memref<1x!tpu.dma_semaphore, #tpu.memory_space<semaphore_mem>>
      %dma_start3A_175 = tpu.memref_squeeze %dma_start3A_174 : memref<1x!tpu.dma_semaphore, #tpu.memory_space<semaphore_mem>> -> memref<!tpu.dma_semaphore, #tpu.memory_space<semaphore_mem>>
      tpu.enqueue_indirect_dma source(%dma_start3A_173 : memref<10112x32xf32, #tpu.memory_space<vmem_shared>>) target(%dma_start3A_167 : memref<128x32xf32, #tpu.memory_space<vmem>>) offsets(%dma_start3A_170 : memref<128xi32, #tpu.memory_space<vmem>>) semaphore(%dma_start3A_175 : memref<!tpu.dma_semaphore, #tpu.memory_space<semaphore_mem>>)
      %dma_wait3A = arith.constant 0 : i32
      %dma_wait3A_176 = arith.constant 0 : i32
      %dma_wait3A_177 = arith.constant 0 : i32
      %dma_wait3A_178 = arith.constant 0 : i32
      %dma_wait3A_179 = tpu.memref_slice %arg10[%dma_wait3A, %dma_wait3A_177, %dma_wait3A_178] : memref<8x128x32xf32, #tpu.memory_space<vmem>> -> memref<1x128x32xf32, #tpu.memory_space<vmem>>
      %dma_wait3A_180 = tpu.memref_squeeze %dma_wait3A_179 : memref<1x128x32xf32, #tpu.memory_space<vmem>> -> memref<128x32xf32, #tpu.memory_space<vmem>>
      %dma_wait3A_181 = arith.constant 0 : i32
      %dma_wait3A_182 = tpu.memref_slice %arg8[%add3A_50, %dma_wait3A_181] : memref<160x128xi32, #tpu.memory_space<vmem>> -> memref<1x128xi32, #tpu.memory_space<vmem>>
      %dma_wait3A_183 = tpu.memref_squeeze %dma_wait3A_182 : memref<1x128xi32, #tpu.memory_space<vmem>> -> memref<128xi32, #tpu.memory_space<vmem>>
      %dma_wait3A_184 = arith.constant 0 : i32
      %dma_wait3A_185 = arith.constant 0 : i32
      %dma_wait3A_186 = tpu.memref_slice %arg12[%dma_wait3A_184, %dma_wait3A_185] : memref<10112x32xf32, #tpu.memory_space<vmem_shared>> -> memref<10112x32xf32, #tpu.memory_space<vmem_shared>>
      %dma_wait3A_187 = tpu.memref_slice %arg13[%dma_wait3A_176] : memref<8x!tpu.dma_semaphore, #tpu.memory_space<semaphore_mem>> -> memref<1x!tpu.dma_semaphore, #tpu.memory_space<semaphore_mem>>
      %dma_wait3A_188 = tpu.memref_squeeze %dma_wait3A_187 : memref<1x!tpu.dma_semaphore, #tpu.memory_space<semaphore_mem>> -> memref<!tpu.dma_semaphore, #tpu.memory_space<semaphore_mem>>
      tpu.wait_indirect_dma semaphore(%dma_wait3A_188 : memref<!tpu.dma_semaphore, #tpu.memory_space<semaphore_mem>>) src(%dma_wait3A_186 : memref<10112x32xf32, #tpu.memory_space<vmem_shared>>) dst(%dma_wait3A_180 : memref<128x32xf32, #tpu.memory_space<vmem>>)
      %add3A_189 = arith.constant 0 : i32
      %add3A_190 = arith.addi %add3A_48, %add3A_189 : i32
      %run_scoped3A_191 = arith.constant 0 : i32
      "tpu.region"() ({
        %run_scoped3A_311 = tpu.sem_alloc : memref<!tpu.dma_semaphore, #tpu.memory_space<semaphore_mem>>
        %dma_start3A_312 = arith.constant 0 : i32
        %dma_start3A_313 = arith.constant 0 : i32
        %dma_start3A_314 = tpu.memref_slice %arg10[%run_scoped3A_191, %dma_start3A_312, %dma_start3A_313] : memref<8x128x32xf32, #tpu.memory_space<vmem>> -> memref<1x128x32xf32, #tpu.memory_space<vmem>>
        %dma_start3A_315 = tpu.memref_squeeze %dma_start3A_314 : memref<1x128x32xf32, #tpu.memory_space<vmem>> -> memref<128x32xf32, #tpu.memory_space<vmem>>
        %dma_start3A_316 = arith.constant 0 : i32
        %dma_start3A_317 = tpu.memref_slice %arg9[%add3A_190, %dma_start3A_316] : memref<160x128xi32, #tpu.memory_space<vmem>> -> memref<1x128xi32, #tpu.memory_space<vmem>>
        %dma_start3A_318 = tpu.memref_squeeze %dma_start3A_317 : memref<1x128xi32, #tpu.memory_space<vmem>> -> memref<128xi32, #tpu.memory_space<vmem>>
        %dma_start3A_319 = arith.constant 0 : i32
        %dma_start3A_320 = arith.constant 0 : i32
        %dma_start3A_321 = tpu.memref_slice %arg11[%dma_start3A_319, %dma_start3A_320] : memref<10112x32xf32, #tpu.memory_space<vmem_shared>> -> memref<10112x32xf32, #tpu.memory_space<vmem_shared>>
        tpu.enqueue_indirect_dma source(%dma_start3A_315 : memref<128x32xf32, #tpu.memory_space<vmem>>) target(%dma_start3A_321 : memref<10112x32xf32, #tpu.memory_space<vmem_shared>>) offsets(%dma_start3A_318 : memref<128xi32, #tpu.memory_space<vmem>>) semaphore(%run_scoped3A_311 : memref<!tpu.dma_semaphore, #tpu.memory_space<semaphore_mem>>) {add = true}
        %dma_wait3A_322 = arith.constant 0 : i32
        %dma_wait3A_323 = arith.constant 0 : i32
        %dma_wait3A_324 = tpu.memref_slice %arg10[%run_scoped3A_191, %dma_wait3A_322, %dma_wait3A_323] : memref<8x128x32xf32, #tpu.memory_space<vmem>> -> memref<1x128x32xf32, #tpu.memory_space<vmem>>
        %dma_wait3A_325 = tpu.memref_squeeze %dma_wait3A_324 : memref<1x128x32xf32, #tpu.memory_space<vmem>> -> memref<128x32xf32, #tpu.memory_space<vmem>>
        %dma_wait3A_326 = arith.constant 0 : i32
        %dma_wait3A_327 = tpu.memref_slice %arg9[%add3A_190, %dma_wait3A_326] : memref<160x128xi32, #tpu.memory_space<vmem>> -> memref<1x128xi32, #tpu.memory_space<vmem>>
        %dma_wait3A_328 = tpu.memref_squeeze %dma_wait3A_327 : memref<1x128xi32, #tpu.memory_space<vmem>> -> memref<128xi32, #tpu.memory_space<vmem>>
        %dma_wait3A_329 = arith.constant 0 : i32
        %dma_wait3A_330 = arith.constant 0 : i32
        %dma_wait3A_331 = tpu.memref_slice %arg11[%dma_wait3A_329, %dma_wait3A_330] : memref<10112x32xf32, #tpu.memory_space<vmem_shared>> -> memref<10112x32xf32, #tpu.memory_space<vmem_shared>>
        tpu.wait_indirect_dma semaphore(%run_scoped3A_311 : memref<!tpu.dma_semaphore, #tpu.memory_space<semaphore_mem>>) src(%dma_wait3A_325 : memref<128x32xf32, #tpu.memory_space<vmem>>) dst(%dma_wait3A_331 : memref<10112x32xf32, #tpu.memory_space<vmem_shared>>)
        tpu.yield
      }) : () -> ()
      %dma_wait3A_192 = arith.constant 1 : i32
      %dma_wait3A_193 = arith.constant 1 : i32
      %dma_wait3A_194 = arith.constant 0 : i32
      %dma_wait3A_195 = arith.constant 0 : i32
      %dma_wait3A_196 = tpu.memref_slice %arg10[%dma_wait3A_192, %dma_wait3A_194, %dma_wait3A_195] : memref<8x128x32xf32, #tpu.memory_space<vmem>> -> memref<1x128x32xf32, #tpu.memory_space<vmem>>
      %dma_wait3A_197 = tpu.memref_squeeze %dma_wait3A_196 : memref<1x128x32xf32, #tpu.memory_space<vmem>> -> memref<128x32xf32, #tpu.memory_space<vmem>>
      %dma_wait3A_198 = arith.constant 0 : i32
      %dma_wait3A_199 = tpu.memref_slice %arg8[%add3A_65, %dma_wait3A_198] : memref<160x128xi32, #tpu.memory_space<vmem>> -> memref<1x128xi32, #tpu.memory_space<vmem>>
      %dma_wait3A_200 = tpu.memref_squeeze %dma_wait3A_199 : memref<1x128xi32, #tpu.memory_space<vmem>> -> memref<128xi32, #tpu.memory_space<vmem>>
      %dma_wait3A_201 = arith.constant 0 : i32
      %dma_wait3A_202 = arith.constant 0 : i32
      %dma_wait3A_203 = tpu.memref_slice %arg12[%dma_wait3A_201, %dma_wait3A_202] : memref<10112x32xf32, #tpu.memory_space<vmem_shared>> -> memref<10112x32xf32, #tpu.memory_space<vmem_shared>>
      %dma_wait3A_204 = tpu.memref_slice %arg13[%dma_wait3A_193] : memref<8x!tpu.dma_semaphore, #tpu.memory_space<semaphore_mem>> -> memref<1x!tpu.dma_semaphore, #tpu.memory_space<semaphore_mem>>
      %dma_wait3A_205 = tpu.memref_squeeze %dma_wait3A_204 : memref<1x!tpu.dma_semaphore, #tpu.memory_space<semaphore_mem>> -> memref<!tpu.dma_semaphore, #tpu.memory_space<semaphore_mem>>
      tpu.wait_indirect_dma semaphore(%dma_wait3A_205 : memref<!tpu.dma_semaphore, #tpu.memory_space<semaphore_mem>>) src(%dma_wait3A_203 : memref<10112x32xf32, #tpu.memory_space<vmem_shared>>) dst(%dma_wait3A_197 : memref<128x32xf32, #tpu.memory_space<vmem>>)
      %add3A_206 = arith.constant 1 : i32
      %add3A_207 = arith.addi %add3A_48, %add3A_206 : i32
      %run_scoped3A_208 = arith.constant 1 : i32
      "tpu.region"() ({
        %run_scoped3A_311 = tpu.sem_alloc : memref<!tpu.dma_semaphore, #tpu.memory_space<semaphore_mem>>
        %dma_start3A_312 = arith.constant 0 : i32
        %dma_start3A_313 = arith.constant 0 : i32
        %dma_start3A_314 = tpu.memref_slice %arg10[%run_scoped3A_208, %dma_start3A_312, %dma_start3A_313] : memref<8x128x32xf32, #tpu.memory_space<vmem>> -> memref<1x128x32xf32, #tpu.memory_space<vmem>>
        %dma_start3A_315 = tpu.memref_squeeze %dma_start3A_314 : memref<1x128x32xf32, #tpu.memory_space<vmem>> -> memref<128x32xf32, #tpu.memory_space<vmem>>
        %dma_start3A_316 = arith.constant 0 : i32
        %dma_start3A_317 = tpu.memref_slice %arg9[%add3A_207, %dma_start3A_316] : memref<160x128xi32, #tpu.memory_space<vmem>> -> memref<1x128xi32, #tpu.memory_space<vmem>>
        %dma_start3A_318 = tpu.memref_squeeze %dma_start3A_317 : memref<1x128xi32, #tpu.memory_space<vmem>> -> memref<128xi32, #tpu.memory_space<vmem>>
        %dma_start3A_319 = arith.constant 0 : i32
        %dma_start3A_320 = arith.constant 0 : i32
        %dma_start3A_321 = tpu.memref_slice %arg11[%dma_start3A_319, %dma_start3A_320] : memref<10112x32xf32, #tpu.memory_space<vmem_shared>> -> memref<10112x32xf32, #tpu.memory_space<vmem_shared>>
        tpu.enqueue_indirect_dma source(%dma_start3A_315 : memref<128x32xf32, #tpu.memory_space<vmem>>) target(%dma_start3A_321 : memref<10112x32xf32, #tpu.memory_space<vmem_shared>>) offsets(%dma_start3A_318 : memref<128xi32, #tpu.memory_space<vmem>>) semaphore(%run_scoped3A_311 : memref<!tpu.dma_semaphore, #tpu.memory_space<semaphore_mem>>) {add = true}
        %dma_wait3A_322 = arith.constant 0 : i32
        %dma_wait3A_323 = arith.constant 0 : i32
        %dma_wait3A_324 = tpu.memref_slice %arg10[%run_scoped3A_208, %dma_wait3A_322, %dma_wait3A_323] : memref<8x128x32xf32, #tpu.memory_space<vmem>> -> memref<1x128x32xf32, #tpu.memory_space<vmem>>
        %dma_wait3A_325 = tpu.memref_squeeze %dma_wait3A_324 : memref<1x128x32xf32, #tpu.memory_space<vmem>> -> memref<128x32xf32, #tpu.memory_space<vmem>>
        %dma_wait3A_326 = arith.constant 0 : i32
        %dma_wait3A_327 = tpu.memref_slice %arg9[%add3A_207, %dma_wait3A_326] : memref<160x128xi32, #tpu.memory_space<vmem>> -> memref<1x128xi32, #tpu.memory_space<vmem>>
        %dma_wait3A_328 = tpu.memref_squeeze %dma_wait3A_327 : memref<1x128xi32, #tpu.memory_space<vmem>> -> memref<128xi32, #tpu.memory_space<vmem>>
        %dma_wait3A_329 = arith.constant 0 : i32
        %dma_wait3A_330 = arith.constant 0 : i32
        %dma_wait3A_331 = tpu.memref_slice %arg11[%dma_wait3A_329, %dma_wait3A_330] : memref<10112x32xf32, #tpu.memory_space<vmem_shared>> -> memref<10112x32xf32, #tpu.memory_space<vmem_shared>>
        tpu.wait_indirect_dma semaphore(%run_scoped3A_311 : memref<!tpu.dma_semaphore, #tpu.memory_space<semaphore_mem>>) src(%dma_wait3A_325 : memref<128x32xf32, #tpu.memory_space<vmem>>) dst(%dma_wait3A_331 : memref<10112x32xf32, #tpu.memory_space<vmem_shared>>)
        tpu.yield
      }) : () -> ()
      %dma_wait3A_209 = arith.constant 2 : i32
      %dma_wait3A_210 = arith.constant 2 : i32
      %dma_wait3A_211 = arith.constant 0 : i32
      %dma_wait3A_212 = arith.constant 0 : i32
      %dma_wait3A_213 = tpu.memref_slice %arg10[%dma_wait3A_209, %dma_wait3A_211, %dma_wait3A_212] : memref<8x128x32xf32, #tpu.memory_space<vmem>> -> memref<1x128x32xf32, #tpu.memory_space<vmem>>
      %dma_wait3A_214 = tpu.memref_squeeze %dma_wait3A_213 : memref<1x128x32xf32, #tpu.memory_space<vmem>> -> memref<128x32xf32, #tpu.memory_space<vmem>>
      %dma_wait3A_215 = arith.constant 0 : i32
      %dma_wait3A_216 = tpu.memref_slice %arg8[%add3A_81, %dma_wait3A_215] : memref<160x128xi32, #tpu.memory_space<vmem>> -> memref<1x128xi32, #tpu.memory_space<vmem>>
      %dma_wait3A_217 = tpu.memref_squeeze %dma_wait3A_216 : memref<1x128xi32, #tpu.memory_space<vmem>> -> memref<128xi32, #tpu.memory_space<vmem>>
      %dma_wait3A_218 = arith.constant 0 : i32
      %dma_wait3A_219 = arith.constant 0 : i32
      %dma_wait3A_220 = tpu.memref_slice %arg12[%dma_wait3A_218, %dma_wait3A_219] : memref<10112x32xf32, #tpu.memory_space<vmem_shared>> -> memref<10112x32xf32, #tpu.memory_space<vmem_shared>>
      %dma_wait3A_221 = tpu.memref_slice %arg13[%dma_wait3A_210] : memref<8x!tpu.dma_semaphore, #tpu.memory_space<semaphore_mem>> -> memref<1x!tpu.dma_semaphore, #tpu.memory_space<semaphore_mem>>
      %dma_wait3A_222 = tpu.memref_squeeze %dma_wait3A_221 : memref<1x!tpu.dma_semaphore, #tpu.memory_space<semaphore_mem>> -> memref<!tpu.dma_semaphore, #tpu.memory_space<semaphore_mem>>
      tpu.wait_indirect_dma semaphore(%dma_wait3A_222 : memref<!tpu.dma_semaphore, #tpu.memory_space<semaphore_mem>>) src(%dma_wait3A_220 : memref<10112x32xf32, #tpu.memory_space<vmem_shared>>) dst(%dma_wait3A_214 : memref<128x32xf32, #tpu.memory_space<vmem>>)
      %add3A_223 = arith.constant 2 : i32
      %add3A_224 = arith.addi %add3A_48, %add3A_223 : i32
      %run_scoped3A_225 = arith.constant 2 : i32
      "tpu.region"() ({
        %run_scoped3A_311 = tpu.sem_alloc : memref<!tpu.dma_semaphore, #tpu.memory_space<semaphore_mem>>
        %dma_start3A_312 = arith.constant 0 : i32
        %dma_start3A_313 = arith.constant 0 : i32
        %dma_start3A_314 = tpu.memref_slice %arg10[%run_scoped3A_225, %dma_start3A_312, %dma_start3A_313] : memref<8x128x32xf32, #tpu.memory_space<vmem>> -> memref<1x128x32xf32, #tpu.memory_space<vmem>>
        %dma_start3A_315 = tpu.memref_squeeze %dma_start3A_314 : memref<1x128x32xf32, #tpu.memory_space<vmem>> -> memref<128x32xf32, #tpu.memory_space<vmem>>
        %dma_start3A_316 = arith.constant 0 : i32
        %dma_start3A_317 = tpu.memref_slice %arg9[%add3A_224, %dma_start3A_316] : memref<160x128xi32, #tpu.memory_space<vmem>> -> memref<1x128xi32, #tpu.memory_space<vmem>>
        %dma_start3A_318 = tpu.memref_squeeze %dma_start3A_317 : memref<1x128xi32, #tpu.memory_space<vmem>> -> memref<128xi32, #tpu.memory_space<vmem>>
        %dma_start3A_319 = arith.constant 0 : i32
        %dma_start3A_320 = arith.constant 0 : i32
        %dma_start3A_321 = tpu.memref_slice %arg11[%dma_start3A_319, %dma_start3A_320] : memref<10112x32xf32, #tpu.memory_space<vmem_shared>> -> memref<10112x32xf32, #tpu.memory_space<vmem_shared>>
        tpu.enqueue_indirect_dma source(%dma_start3A_315 : memref<128x32xf32, #tpu.memory_space<vmem>>) target(%dma_start3A_321 : memref<10112x32xf32, #tpu.memory_space<vmem_shared>>) offsets(%dma_start3A_318 : memref<128xi32, #tpu.memory_space<vmem>>) semaphore(%run_scoped3A_311 : memref<!tpu.dma_semaphore, #tpu.memory_space<semaphore_mem>>) {add = true}
        %dma_wait3A_322 = arith.constant 0 : i32
        %dma_wait3A_323 = arith.constant 0 : i32
        %dma_wait3A_324 = tpu.memref_slice %arg10[%run_scoped3A_225, %dma_wait3A_322, %dma_wait3A_323] : memref<8x128x32xf32, #tpu.memory_space<vmem>> -> memref<1x128x32xf32, #tpu.memory_space<vmem>>
        %dma_wait3A_325 = tpu.memref_squeeze %dma_wait3A_324 : memref<1x128x32xf32, #tpu.memory_space<vmem>> -> memref<128x32xf32, #tpu.memory_space<vmem>>
        %dma_wait3A_326 = arith.constant 0 : i32
        %dma_wait3A_327 = tpu.memref_slice %arg9[%add3A_224, %dma_wait3A_326] : memref<160x128xi32, #tpu.memory_space<vmem>> -> memref<1x128xi32, #tpu.memory_space<vmem>>
        %dma_wait3A_328 = tpu.memref_squeeze %dma_wait3A_327 : memref<1x128xi32, #tpu.memory_space<vmem>> -> memref<128xi32, #tpu.memory_space<vmem>>
        %dma_wait3A_329 = arith.constant 0 : i32
        %dma_wait3A_330 = arith.constant 0 : i32
        %dma_wait3A_331 = tpu.memref_slice %arg11[%dma_wait3A_329, %dma_wait3A_330] : memref<10112x32xf32, #tpu.memory_space<vmem_shared>> -> memref<10112x32xf32, #tpu.memory_space<vmem_shared>>
        tpu.wait_indirect_dma semaphore(%run_scoped3A_311 : memref<!tpu.dma_semaphore, #tpu.memory_space<semaphore_mem>>) src(%dma_wait3A_325 : memref<128x32xf32, #tpu.memory_space<vmem>>) dst(%dma_wait3A_331 : memref<10112x32xf32, #tpu.memory_space<vmem_shared>>)
        tpu.yield
      }) : () -> ()
      %dma_wait3A_226 = arith.constant 3 : i32
      %dma_wait3A_227 = arith.constant 3 : i32
      %dma_wait3A_228 = arith.constant 0 : i32
      %dma_wait3A_229 = arith.constant 0 : i32
      %dma_wait3A_230 = tpu.memref_slice %arg10[%dma_wait3A_226, %dma_wait3A_228, %dma_wait3A_229] : memref<8x128x32xf32, #tpu.memory_space<vmem>> -> memref<1x128x32xf32, #tpu.memory_space<vmem>>
      %dma_wait3A_231 = tpu.memref_squeeze %dma_wait3A_230 : memref<1x128x32xf32, #tpu.memory_space<vmem>> -> memref<128x32xf32, #tpu.memory_space<vmem>>
      %dma_wait3A_232 = arith.constant 0 : i32
      %dma_wait3A_233 = tpu.memref_slice %arg8[%add3A_97, %dma_wait3A_232] : memref<160x128xi32, #tpu.memory_space<vmem>> -> memref<1x128xi32, #tpu.memory_space<vmem>>
      %dma_wait3A_234 = tpu.memref_squeeze %dma_wait3A_233 : memref<1x128xi32, #tpu.memory_space<vmem>> -> memref<128xi32, #tpu.memory_space<vmem>>
      %dma_wait3A_235 = arith.constant 0 : i32
      %dma_wait3A_236 = arith.constant 0 : i32
      %dma_wait3A_237 = tpu.memref_slice %arg12[%dma_wait3A_235, %dma_wait3A_236] : memref<10112x32xf32, #tpu.memory_space<vmem_shared>> -> memref<10112x32xf32, #tpu.memory_space<vmem_shared>>
      %dma_wait3A_238 = tpu.memref_slice %arg13[%dma_wait3A_227] : memref<8x!tpu.dma_semaphore, #tpu.memory_space<semaphore_mem>> -> memref<1x!tpu.dma_semaphore, #tpu.memory_space<semaphore_mem>>
      %dma_wait3A_239 = tpu.memref_squeeze %dma_wait3A_238 : memref<1x!tpu.dma_semaphore, #tpu.memory_space<semaphore_mem>> -> memref<!tpu.dma_semaphore, #tpu.memory_space<semaphore_mem>>
      tpu.wait_indirect_dma semaphore(%dma_wait3A_239 : memref<!tpu.dma_semaphore, #tpu.memory_space<semaphore_mem>>) src(%dma_wait3A_237 : memref<10112x32xf32, #tpu.memory_space<vmem_shared>>) dst(%dma_wait3A_231 : memref<128x32xf32, #tpu.memory_space<vmem>>)
      %add3A_240 = arith.constant 3 : i32
      %add3A_241 = arith.addi %add3A_48, %add3A_240 : i32
      %run_scoped3A_242 = arith.constant 3 : i32
      "tpu.region"() ({
        %run_scoped3A_311 = tpu.sem_alloc : memref<!tpu.dma_semaphore, #tpu.memory_space<semaphore_mem>>
        %dma_start3A_312 = arith.constant 0 : i32
        %dma_start3A_313 = arith.constant 0 : i32
        %dma_start3A_314 = tpu.memref_slice %arg10[%run_scoped3A_242, %dma_start3A_312, %dma_start3A_313] : memref<8x128x32xf32, #tpu.memory_space<vmem>> -> memref<1x128x32xf32, #tpu.memory_space<vmem>>
        %dma_start3A_315 = tpu.memref_squeeze %dma_start3A_314 : memref<1x128x32xf32, #tpu.memory_space<vmem>> -> memref<128x32xf32, #tpu.memory_space<vmem>>
        %dma_start3A_316 = arith.constant 0 : i32
        %dma_start3A_317 = tpu.memref_slice %arg9[%add3A_241, %dma_start3A_316] : memref<160x128xi32, #tpu.memory_space<vmem>> -> memref<1x128xi32, #tpu.memory_space<vmem>>
        %dma_start3A_318 = tpu.memref_squeeze %dma_start3A_317 : memref<1x128xi32, #tpu.memory_space<vmem>> -> memref<128xi32, #tpu.memory_space<vmem>>
        %dma_start3A_319 = arith.constant 0 : i32
        %dma_start3A_320 = arith.constant 0 : i32
        %dma_start3A_321 = tpu.memref_slice %arg11[%dma_start3A_319, %dma_start3A_320] : memref<10112x32xf32, #tpu.memory_space<vmem_shared>> -> memref<10112x32xf32, #tpu.memory_space<vmem_shared>>
        tpu.enqueue_indirect_dma source(%dma_start3A_315 : memref<128x32xf32, #tpu.memory_space<vmem>>) target(%dma_start3A_321 : memref<10112x32xf32, #tpu.memory_space<vmem_shared>>) offsets(%dma_start3A_318 : memref<128xi32, #tpu.memory_space<vmem>>) semaphore(%run_scoped3A_311 : memref<!tpu.dma_semaphore, #tpu.memory_space<semaphore_mem>>) {add = true}
        %dma_wait3A_322 = arith.constant 0 : i32
        %dma_wait3A_323 = arith.constant 0 : i32
        %dma_wait3A_324 = tpu.memref_slice %arg10[%run_scoped3A_242, %dma_wait3A_322, %dma_wait3A_323] : memref<8x128x32xf32, #tpu.memory_space<vmem>> -> memref<1x128x32xf32, #tpu.memory_space<vmem>>
        %dma_wait3A_325 = tpu.memref_squeeze %dma_wait3A_324 : memref<1x128x32xf32, #tpu.memory_space<vmem>> -> memref<128x32xf32, #tpu.memory_space<vmem>>
        %dma_wait3A_326 = arith.constant 0 : i32
        %dma_wait3A_327 = tpu.memref_slice %arg9[%add3A_241, %dma_wait3A_326] : memref<160x128xi32, #tpu.memory_space<vmem>> -> memref<1x128xi32, #tpu.memory_space<vmem>>
        %dma_wait3A_328 = tpu.memref_squeeze %dma_wait3A_327 : memref<1x128xi32, #tpu.memory_space<vmem>> -> memref<128xi32, #tpu.memory_space<vmem>>
        %dma_wait3A_329 = arith.constant 0 : i32
        %dma_wait3A_330 = arith.constant 0 : i32
        %dma_wait3A_331 = tpu.memref_slice %arg11[%dma_wait3A_329, %dma_wait3A_330] : memref<10112x32xf32, #tpu.memory_space<vmem_shared>> -> memref<10112x32xf32, #tpu.memory_space<vmem_shared>>
        tpu.wait_indirect_dma semaphore(%run_scoped3A_311 : memref<!tpu.dma_semaphore, #tpu.memory_space<semaphore_mem>>) src(%dma_wait3A_325 : memref<128x32xf32, #tpu.memory_space<vmem>>) dst(%dma_wait3A_331 : memref<10112x32xf32, #tpu.memory_space<vmem_shared>>)
        tpu.yield
      }) : () -> ()
      %dma_wait3A_243 = arith.constant 4 : i32
      %dma_wait3A_244 = arith.constant 4 : i32
      %dma_wait3A_245 = arith.constant 0 : i32
      %dma_wait3A_246 = arith.constant 0 : i32
      %dma_wait3A_247 = tpu.memref_slice %arg10[%dma_wait3A_243, %dma_wait3A_245, %dma_wait3A_246] : memref<8x128x32xf32, #tpu.memory_space<vmem>> -> memref<1x128x32xf32, #tpu.memory_space<vmem>>
      %dma_wait3A_248 = tpu.memref_squeeze %dma_wait3A_247 : memref<1x128x32xf32, #tpu.memory_space<vmem>> -> memref<128x32xf32, #tpu.memory_space<vmem>>
      %dma_wait3A_249 = arith.constant 0 : i32
      %dma_wait3A_250 = tpu.memref_slice %arg8[%add3A_113, %dma_wait3A_249] : memref<160x128xi32, #tpu.memory_space<vmem>> -> memref<1x128xi32, #tpu.memory_space<vmem>>
      %dma_wait3A_251 = tpu.memref_squeeze %dma_wait3A_250 : memref<1x128xi32, #tpu.memory_space<vmem>> -> memref<128xi32, #tpu.memory_space<vmem>>
      %dma_wait3A_252 = arith.constant 0 : i32
      %dma_wait3A_253 = arith.constant 0 : i32
      %dma_wait3A_254 = tpu.memref_slice %arg12[%dma_wait3A_252, %dma_wait3A_253] : memref<10112x32xf32, #tpu.memory_space<vmem_shared>> -> memref<10112x32xf32, #tpu.memory_space<vmem_shared>>
      %dma_wait3A_255 = tpu.memref_slice %arg13[%dma_wait3A_244] : memref<8x!tpu.dma_semaphore, #tpu.memory_space<semaphore_mem>> -> memref<1x!tpu.dma_semaphore, #tpu.memory_space<semaphore_mem>>
      %dma_wait3A_256 = tpu.memref_squeeze %dma_wait3A_255 : memref<1x!tpu.dma_semaphore, #tpu.memory_space<semaphore_mem>> -> memref<!tpu.dma_semaphore, #tpu.memory_space<semaphore_mem>>
      tpu.wait_indirect_dma semaphore(%dma_wait3A_256 : memref<!tpu.dma_semaphore, #tpu.memory_space<semaphore_mem>>) src(%dma_wait3A_254 : memref<10112x32xf32, #tpu.memory_space<vmem_shared>>) dst(%dma_wait3A_248 : memref<128x32xf32, #tpu.memory_space<vmem>>)
      %add3A_257 = arith.constant 4 : i32
      %add3A_258 = arith.addi %add3A_48, %add3A_257 : i32
      %run_scoped3A_259 = arith.constant 4 : i32
      "tpu.region"() ({
        %run_scoped3A_311 = tpu.sem_alloc : memref<!tpu.dma_semaphore, #tpu.memory_space<semaphore_mem>>
        %dma_start3A_312 = arith.constant 0 : i32
        %dma_start3A_313 = arith.constant 0 : i32
        %dma_start3A_314 = tpu.memref_slice %arg10[%run_scoped3A_259, %dma_start3A_312, %dma_start3A_313] : memref<8x128x32xf32, #tpu.memory_space<vmem>> -> memref<1x128x32xf32, #tpu.memory_space<vmem>>
        %dma_start3A_315 = tpu.memref_squeeze %dma_start3A_314 : memref<1x128x32xf32, #tpu.memory_space<vmem>> -> memref<128x32xf32, #tpu.memory_space<vmem>>
        %dma_start3A_316 = arith.constant 0 : i32
        %dma_start3A_317 = tpu.memref_slice %arg9[%add3A_258, %dma_start3A_316] : memref<160x128xi32, #tpu.memory_space<vmem>> -> memref<1x128xi32, #tpu.memory_space<vmem>>
        %dma_start3A_318 = tpu.memref_squeeze %dma_start3A_317 : memref<1x128xi32, #tpu.memory_space<vmem>> -> memref<128xi32, #tpu.memory_space<vmem>>
        %dma_start3A_319 = arith.constant 0 : i32
        %dma_start3A_320 = arith.constant 0 : i32
        %dma_start3A_321 = tpu.memref_slice %arg11[%dma_start3A_319, %dma_start3A_320] : memref<10112x32xf32, #tpu.memory_space<vmem_shared>> -> memref<10112x32xf32, #tpu.memory_space<vmem_shared>>
        tpu.enqueue_indirect_dma source(%dma_start3A_315 : memref<128x32xf32, #tpu.memory_space<vmem>>) target(%dma_start3A_321 : memref<10112x32xf32, #tpu.memory_space<vmem_shared>>) offsets(%dma_start3A_318 : memref<128xi32, #tpu.memory_space<vmem>>) semaphore(%run_scoped3A_311 : memref<!tpu.dma_semaphore, #tpu.memory_space<semaphore_mem>>) {add = true}
        %dma_wait3A_322 = arith.constant 0 : i32
        %dma_wait3A_323 = arith.constant 0 : i32
        %dma_wait3A_324 = tpu.memref_slice %arg10[%run_scoped3A_259, %dma_wait3A_322, %dma_wait3A_323] : memref<8x128x32xf32, #tpu.memory_space<vmem>> -> memref<1x128x32xf32, #tpu.memory_space<vmem>>
        %dma_wait3A_325 = tpu.memref_squeeze %dma_wait3A_324 : memref<1x128x32xf32, #tpu.memory_space<vmem>> -> memref<128x32xf32, #tpu.memory_space<vmem>>
        %dma_wait3A_326 = arith.constant 0 : i32
        %dma_wait3A_327 = tpu.memref_slice %arg9[%add3A_258, %dma_wait3A_326] : memref<160x128xi32, #tpu.memory_space<vmem>> -> memref<1x128xi32, #tpu.memory_space<vmem>>
        %dma_wait3A_328 = tpu.memref_squeeze %dma_wait3A_327 : memref<1x128xi32, #tpu.memory_space<vmem>> -> memref<128xi32, #tpu.memory_space<vmem>>
        %dma_wait3A_329 = arith.constant 0 : i32
        %dma_wait3A_330 = arith.constant 0 : i32
        %dma_wait3A_331 = tpu.memref_slice %arg11[%dma_wait3A_329, %dma_wait3A_330] : memref<10112x32xf32, #tpu.memory_space<vmem_shared>> -> memref<10112x32xf32, #tpu.memory_space<vmem_shared>>
        tpu.wait_indirect_dma semaphore(%run_scoped3A_311 : memref<!tpu.dma_semaphore, #tpu.memory_space<semaphore_mem>>) src(%dma_wait3A_325 : memref<128x32xf32, #tpu.memory_space<vmem>>) dst(%dma_wait3A_331 : memref<10112x32xf32, #tpu.memory_space<vmem_shared>>)
        tpu.yield
      }) : () -> ()
      %dma_wait3A_260 = arith.constant 5 : i32
      %dma_wait3A_261 = arith.constant 5 : i32
      %dma_wait3A_262 = arith.constant 0 : i32
      %dma_wait3A_263 = arith.constant 0 : i32
      %dma_wait3A_264 = tpu.memref_slice %arg10[%dma_wait3A_260, %dma_wait3A_262, %dma_wait3A_263] : memref<8x128x32xf32, #tpu.memory_space<vmem>> -> memref<1x128x32xf32, #tpu.memory_space<vmem>>
      %dma_wait3A_265 = tpu.memref_squeeze %dma_wait3A_264 : memref<1x128x32xf32, #tpu.memory_space<vmem>> -> memref<128x32xf32, #tpu.memory_space<vmem>>
      %dma_wait3A_266 = arith.constant 0 : i32
      %dma_wait3A_267 = tpu.memref_slice %arg8[%add3A_129, %dma_wait3A_266] : memref<160x128xi32, #tpu.memory_space<vmem>> -> memref<1x128xi32, #tpu.memory_space<vmem>>
      %dma_wait3A_268 = tpu.memref_squeeze %dma_wait3A_267 : memref<1x128xi32, #tpu.memory_space<vmem>> -> memref<128xi32, #tpu.memory_space<vmem>>
      %dma_wait3A_269 = arith.constant 0 : i32
      %dma_wait3A_270 = arith.constant 0 : i32
      %dma_wait3A_271 = tpu.memref_slice %arg12[%dma_wait3A_269, %dma_wait3A_270] : memref<10112x32xf32, #tpu.memory_space<vmem_shared>> -> memref<10112x32xf32, #tpu.memory_space<vmem_shared>>
      %dma_wait3A_272 = tpu.memref_slice %arg13[%dma_wait3A_261] : memref<8x!tpu.dma_semaphore, #tpu.memory_space<semaphore_mem>> -> memref<1x!tpu.dma_semaphore, #tpu.memory_space<semaphore_mem>>
      %dma_wait3A_273 = tpu.memref_squeeze %dma_wait3A_272 : memref<1x!tpu.dma_semaphore, #tpu.memory_space<semaphore_mem>> -> memref<!tpu.dma_semaphore, #tpu.memory_space<semaphore_mem>>
      tpu.wait_indirect_dma semaphore(%dma_wait3A_273 : memref<!tpu.dma_semaphore, #tpu.memory_space<semaphore_mem>>) src(%dma_wait3A_271 : memref<10112x32xf32, #tpu.memory_space<vmem_shared>>) dst(%dma_wait3A_265 : memref<128x32xf32, #tpu.memory_space<vmem>>)
      %add3A_274 = arith.constant 5 : i32
      %add3A_275 = arith.addi %add3A_48, %add3A_274 : i32
      %run_scoped3A_276 = arith.constant 5 : i32
      "tpu.region"() ({
        %run_scoped3A_311 = tpu.sem_alloc : memref<!tpu.dma_semaphore, #tpu.memory_space<semaphore_mem>>
        %dma_start3A_312 = arith.constant 0 : i32
        %dma_start3A_313 = arith.constant 0 : i32
        %dma_start3A_314 = tpu.memref_slice %arg10[%run_scoped3A_276, %dma_start3A_312, %dma_start3A_313] : memref<8x128x32xf32, #tpu.memory_space<vmem>> -> memref<1x128x32xf32, #tpu.memory_space<vmem>>
        %dma_start3A_315 = tpu.memref_squeeze %dma_start3A_314 : memref<1x128x32xf32, #tpu.memory_space<vmem>> -> memref<128x32xf32, #tpu.memory_space<vmem>>
        %dma_start3A_316 = arith.constant 0 : i32
        %dma_start3A_317 = tpu.memref_slice %arg9[%add3A_275, %dma_start3A_316] : memref<160x128xi32, #tpu.memory_space<vmem>> -> memref<1x128xi32, #tpu.memory_space<vmem>>
        %dma_start3A_318 = tpu.memref_squeeze %dma_start3A_317 : memref<1x128xi32, #tpu.memory_space<vmem>> -> memref<128xi32, #tpu.memory_space<vmem>>
        %dma_start3A_319 = arith.constant 0 : i32
        %dma_start3A_320 = arith.constant 0 : i32
        %dma_start3A_321 = tpu.memref_slice %arg11[%dma_start3A_319, %dma_start3A_320] : memref<10112x32xf32, #tpu.memory_space<vmem_shared>> -> memref<10112x32xf32, #tpu.memory_space<vmem_shared>>
        tpu.enqueue_indirect_dma source(%dma_start3A_315 : memref<128x32xf32, #tpu.memory_space<vmem>>) target(%dma_start3A_321 : memref<10112x32xf32, #tpu.memory_space<vmem_shared>>) offsets(%dma_start3A_318 : memref<128xi32, #tpu.memory_space<vmem>>) semaphore(%run_scoped3A_311 : memref<!tpu.dma_semaphore, #tpu.memory_space<semaphore_mem>>) {add = true}
        %dma_wait3A_322 = arith.constant 0 : i32
        %dma_wait3A_323 = arith.constant 0 : i32
        %dma_wait3A_324 = tpu.memref_slice %arg10[%run_scoped3A_276, %dma_wait3A_322, %dma_wait3A_323] : memref<8x128x32xf32, #tpu.memory_space<vmem>> -> memref<1x128x32xf32, #tpu.memory_space<vmem>>
        %dma_wait3A_325 = tpu.memref_squeeze %dma_wait3A_324 : memref<1x128x32xf32, #tpu.memory_space<vmem>> -> memref<128x32xf32, #tpu.memory_space<vmem>>
        %dma_wait3A_326 = arith.constant 0 : i32
        %dma_wait3A_327 = tpu.memref_slice %arg9[%add3A_275, %dma_wait3A_326] : memref<160x128xi32, #tpu.memory_space<vmem>> -> memref<1x128xi32, #tpu.memory_space<vmem>>
        %dma_wait3A_328 = tpu.memref_squeeze %dma_wait3A_327 : memref<1x128xi32, #tpu.memory_space<vmem>> -> memref<128xi32, #tpu.memory_space<vmem>>
        %dma_wait3A_329 = arith.constant 0 : i32
        %dma_wait3A_330 = arith.constant 0 : i32
        %dma_wait3A_331 = tpu.memref_slice %arg11[%dma_wait3A_329, %dma_wait3A_330] : memref<10112x32xf32, #tpu.memory_space<vmem_shared>> -> memref<10112x32xf32, #tpu.memory_space<vmem_shared>>
        tpu.wait_indirect_dma semaphore(%run_scoped3A_311 : memref<!tpu.dma_semaphore, #tpu.memory_space<semaphore_mem>>) src(%dma_wait3A_325 : memref<128x32xf32, #tpu.memory_space<vmem>>) dst(%dma_wait3A_331 : memref<10112x32xf32, #tpu.memory_space<vmem_shared>>)
        tpu.yield
      }) : () -> ()
      %dma_wait3A_277 = arith.constant 6 : i32
      %dma_wait3A_278 = arith.constant 6 : i32
      %dma_wait3A_279 = arith.constant 0 : i32
      %dma_wait3A_280 = arith.constant 0 : i32
      %dma_wait3A_281 = tpu.memref_slice %arg10[%dma_wait3A_277, %dma_wait3A_279, %dma_wait3A_280] : memref<8x128x32xf32, #tpu.memory_space<vmem>> -> memref<1x128x32xf32, #tpu.memory_space<vmem>>
      %dma_wait3A_282 = tpu.memref_squeeze %dma_wait3A_281 : memref<1x128x32xf32, #tpu.memory_space<vmem>> -> memref<128x32xf32, #tpu.memory_space<vmem>>
      %dma_wait3A_283 = arith.constant 0 : i32
      %dma_wait3A_284 = tpu.memref_slice %arg8[%add3A_145, %dma_wait3A_283] : memref<160x128xi32, #tpu.memory_space<vmem>> -> memref<1x128xi32, #tpu.memory_space<vmem>>
      %dma_wait3A_285 = tpu.memref_squeeze %dma_wait3A_284 : memref<1x128xi32, #tpu.memory_space<vmem>> -> memref<128xi32, #tpu.memory_space<vmem>>
      %dma_wait3A_286 = arith.constant 0 : i32
      %dma_wait3A_287 = arith.constant 0 : i32
      %dma_wait3A_288 = tpu.memref_slice %arg12[%dma_wait3A_286, %dma_wait3A_287] : memref<10112x32xf32, #tpu.memory_space<vmem_shared>> -> memref<10112x32xf32, #tpu.memory_space<vmem_shared>>
      %dma_wait3A_289 = tpu.memref_slice %arg13[%dma_wait3A_278] : memref<8x!tpu.dma_semaphore, #tpu.memory_space<semaphore_mem>> -> memref<1x!tpu.dma_semaphore, #tpu.memory_space<semaphore_mem>>
      %dma_wait3A_290 = tpu.memref_squeeze %dma_wait3A_289 : memref<1x!tpu.dma_semaphore, #tpu.memory_space<semaphore_mem>> -> memref<!tpu.dma_semaphore, #tpu.memory_space<semaphore_mem>>
      tpu.wait_indirect_dma semaphore(%dma_wait3A_290 : memref<!tpu.dma_semaphore, #tpu.memory_space<semaphore_mem>>) src(%dma_wait3A_288 : memref<10112x32xf32, #tpu.memory_space<vmem_shared>>) dst(%dma_wait3A_282 : memref<128x32xf32, #tpu.memory_space<vmem>>)
      %add3A_291 = arith.constant 6 : i32
      %add3A_292 = arith.addi %add3A_48, %add3A_291 : i32
      %run_scoped3A_293 = arith.constant 6 : i32
      "tpu.region"() ({
        %run_scoped3A_311 = tpu.sem_alloc : memref<!tpu.dma_semaphore, #tpu.memory_space<semaphore_mem>>
        %dma_start3A_312 = arith.constant 0 : i32
        %dma_start3A_313 = arith.constant 0 : i32
        %dma_start3A_314 = tpu.memref_slice %arg10[%run_scoped3A_293, %dma_start3A_312, %dma_start3A_313] : memref<8x128x32xf32, #tpu.memory_space<vmem>> -> memref<1x128x32xf32, #tpu.memory_space<vmem>>
        %dma_start3A_315 = tpu.memref_squeeze %dma_start3A_314 : memref<1x128x32xf32, #tpu.memory_space<vmem>> -> memref<128x32xf32, #tpu.memory_space<vmem>>
        %dma_start3A_316 = arith.constant 0 : i32
        %dma_start3A_317 = tpu.memref_slice %arg9[%add3A_292, %dma_start3A_316] : memref<160x128xi32, #tpu.memory_space<vmem>> -> memref<1x128xi32, #tpu.memory_space<vmem>>
        %dma_start3A_318 = tpu.memref_squeeze %dma_start3A_317 : memref<1x128xi32, #tpu.memory_space<vmem>> -> memref<128xi32, #tpu.memory_space<vmem>>
        %dma_start3A_319 = arith.constant 0 : i32
        %dma_start3A_320 = arith.constant 0 : i32
        %dma_start3A_321 = tpu.memref_slice %arg11[%dma_start3A_319, %dma_start3A_320] : memref<10112x32xf32, #tpu.memory_space<vmem_shared>> -> memref<10112x32xf32, #tpu.memory_space<vmem_shared>>
        tpu.enqueue_indirect_dma source(%dma_start3A_315 : memref<128x32xf32, #tpu.memory_space<vmem>>) target(%dma_start3A_321 : memref<10112x32xf32, #tpu.memory_space<vmem_shared>>) offsets(%dma_start3A_318 : memref<128xi32, #tpu.memory_space<vmem>>) semaphore(%run_scoped3A_311 : memref<!tpu.dma_semaphore, #tpu.memory_space<semaphore_mem>>) {add = true}
        %dma_wait3A_322 = arith.constant 0 : i32
        %dma_wait3A_323 = arith.constant 0 : i32
        %dma_wait3A_324 = tpu.memref_slice %arg10[%run_scoped3A_293, %dma_wait3A_322, %dma_wait3A_323] : memref<8x128x32xf32, #tpu.memory_space<vmem>> -> memref<1x128x32xf32, #tpu.memory_space<vmem>>
        %dma_wait3A_325 = tpu.memref_squeeze %dma_wait3A_324 : memref<1x128x32xf32, #tpu.memory_space<vmem>> -> memref<128x32xf32, #tpu.memory_space<vmem>>
        %dma_wait3A_326 = arith.constant 0 : i32
        %dma_wait3A_327 = tpu.memref_slice %arg9[%add3A_292, %dma_wait3A_326] : memref<160x128xi32, #tpu.memory_space<vmem>> -> memref<1x128xi32, #tpu.memory_space<vmem>>
        %dma_wait3A_328 = tpu.memref_squeeze %dma_wait3A_327 : memref<1x128xi32, #tpu.memory_space<vmem>> -> memref<128xi32, #tpu.memory_space<vmem>>
        %dma_wait3A_329 = arith.constant 0 : i32
        %dma_wait3A_330 = arith.constant 0 : i32
        %dma_wait3A_331 = tpu.memref_slice %arg11[%dma_wait3A_329, %dma_wait3A_330] : memref<10112x32xf32, #tpu.memory_space<vmem_shared>> -> memref<10112x32xf32, #tpu.memory_space<vmem_shared>>
        tpu.wait_indirect_dma semaphore(%run_scoped3A_311 : memref<!tpu.dma_semaphore, #tpu.memory_space<semaphore_mem>>) src(%dma_wait3A_325 : memref<128x32xf32, #tpu.memory_space<vmem>>) dst(%dma_wait3A_331 : memref<10112x32xf32, #tpu.memory_space<vmem_shared>>)
        tpu.yield
      }) : () -> ()
      %dma_wait3A_294 = arith.constant 7 : i32
      %dma_wait3A_295 = arith.constant 7 : i32
      %dma_wait3A_296 = arith.constant 0 : i32
      %dma_wait3A_297 = arith.constant 0 : i32
      %dma_wait3A_298 = tpu.memref_slice %arg10[%dma_wait3A_294, %dma_wait3A_296, %dma_wait3A_297] : memref<8x128x32xf32, #tpu.memory_space<vmem>> -> memref<1x128x32xf32, #tpu.memory_space<vmem>>
      %dma_wait3A_299 = tpu.memref_squeeze %dma_wait3A_298 : memref<1x128x32xf32, #tpu.memory_space<vmem>> -> memref<128x32xf32, #tpu.memory_space<vmem>>
      %dma_wait3A_300 = arith.constant 0 : i32
      %dma_wait3A_301 = tpu.memref_slice %arg8[%add3A_161, %dma_wait3A_300] : memref<160x128xi32, #tpu.memory_space<vmem>> -> memref<1x128xi32, #tpu.memory_space<vmem>>
      %dma_wait3A_302 = tpu.memref_squeeze %dma_wait3A_301 : memref<1x128xi32, #tpu.memory_space<vmem>> -> memref<128xi32, #tpu.memory_space<vmem>>
      %dma_wait3A_303 = arith.constant 0 : i32
      %dma_wait3A_304 = arith.constant 0 : i32
      %dma_wait3A_305 = tpu.memref_slice %arg12[%dma_wait3A_303, %dma_wait3A_304] : memref<10112x32xf32, #tpu.memory_space<vmem_shared>> -> memref<10112x32xf32, #tpu.memory_space<vmem_shared>>
      %dma_wait3A_306 = tpu.memref_slice %arg13[%dma_wait3A_295] : memref<8x!tpu.dma_semaphore, #tpu.memory_space<semaphore_mem>> -> memref<1x!tpu.dma_semaphore, #tpu.memory_space<semaphore_mem>>
      %dma_wait3A_307 = tpu.memref_squeeze %dma_wait3A_306 : memref<1x!tpu.dma_semaphore, #tpu.memory_space<semaphore_mem>> -> memref<!tpu.dma_semaphore, #tpu.memory_space<semaphore_mem>>
      tpu.wait_indirect_dma semaphore(%dma_wait3A_307 : memref<!tpu.dma_semaphore, #tpu.memory_space<semaphore_mem>>) src(%dma_wait3A_305 : memref<10112x32xf32, #tpu.memory_space<vmem_shared>>) dst(%dma_wait3A_299 : memref<128x32xf32, #tpu.memory_space<vmem>>)
      %add3A_308 = arith.constant 7 : i32
      %add3A_309 = arith.addi %add3A_48, %add3A_308 : i32
      %run_scoped3A_310 = arith.constant 7 : i32
      "tpu.region"() ({
        %run_scoped3A_311 = tpu.sem_alloc : memref<!tpu.dma_semaphore, #tpu.memory_space<semaphore_mem>>
        %dma_start3A_312 = arith.constant 0 : i32
        %dma_start3A_313 = arith.constant 0 : i32
        %dma_start3A_314 = tpu.memref_slice %arg10[%run_scoped3A_310, %dma_start3A_312, %dma_start3A_313] : memref<8x128x32xf32, #tpu.memory_space<vmem>> -> memref<1x128x32xf32, #tpu.memory_space<vmem>>
        %dma_start3A_315 = tpu.memref_squeeze %dma_start3A_314 : memref<1x128x32xf32, #tpu.memory_space<vmem>> -> memref<128x32xf32, #tpu.memory_space<vmem>>
        %dma_start3A_316 = arith.constant 0 : i32
        %dma_start3A_317 = tpu.memref_slice %arg9[%add3A_309, %dma_start3A_316] : memref<160x128xi32, #tpu.memory_space<vmem>> -> memref<1x128xi32, #tpu.memory_space<vmem>>
        %dma_start3A_318 = tpu.memref_squeeze %dma_start3A_317 : memref<1x128xi32, #tpu.memory_space<vmem>> -> memref<128xi32, #tpu.memory_space<vmem>>
        %dma_start3A_319 = arith.constant 0 : i32
        %dma_start3A_320 = arith.constant 0 : i32
        %dma_start3A_321 = tpu.memref_slice %arg11[%dma_start3A_319, %dma_start3A_320] : memref<10112x32xf32, #tpu.memory_space<vmem_shared>> -> memref<10112x32xf32, #tpu.memory_space<vmem_shared>>
        tpu.enqueue_indirect_dma source(%dma_start3A_315 : memref<128x32xf32, #tpu.memory_space<vmem>>) target(%dma_start3A_321 : memref<10112x32xf32, #tpu.memory_space<vmem_shared>>) offsets(%dma_start3A_318 : memref<128xi32, #tpu.memory_space<vmem>>) semaphore(%run_scoped3A_311 : memref<!tpu.dma_semaphore, #tpu.memory_space<semaphore_mem>>) {add = true}
        %dma_wait3A_322 = arith.constant 0 : i32
        %dma_wait3A_323 = arith.constant 0 : i32
        %dma_wait3A_324 = tpu.memref_slice %arg10[%run_scoped3A_310, %dma_wait3A_322, %dma_wait3A_323] : memref<8x128x32xf32, #tpu.memory_space<vmem>> -> memref<1x128x32xf32, #tpu.memory_space<vmem>>
        %dma_wait3A_325 = tpu.memref_squeeze %dma_wait3A_324 : memref<1x128x32xf32, #tpu.memory_space<vmem>> -> memref<128x32xf32, #tpu.memory_space<vmem>>
        %dma_wait3A_326 = arith.constant 0 : i32
        %dma_wait3A_327 = tpu.memref_slice %arg9[%add3A_309, %dma_wait3A_326] : memref<160x128xi32, #tpu.memory_space<vmem>> -> memref<1x128xi32, #tpu.memory_space<vmem>>
        %dma_wait3A_328 = tpu.memref_squeeze %dma_wait3A_327 : memref<1x128xi32, #tpu.memory_space<vmem>> -> memref<128xi32, #tpu.memory_space<vmem>>
        %dma_wait3A_329 = arith.constant 0 : i32
        %dma_wait3A_330 = arith.constant 0 : i32
        %dma_wait3A_331 = tpu.memref_slice %arg11[%dma_wait3A_329, %dma_wait3A_330] : memref<10112x32xf32, #tpu.memory_space<vmem_shared>> -> memref<10112x32xf32, #tpu.memory_space<vmem_shared>>
        tpu.wait_indirect_dma semaphore(%run_scoped3A_311 : memref<!tpu.dma_semaphore, #tpu.memory_space<semaphore_mem>>) src(%dma_wait3A_325 : memref<128x32xf32, #tpu.memory_space<vmem>>) dst(%dma_wait3A_331 : memref<10112x32xf32, #tpu.memory_space<vmem_shared>>)
        tpu.yield
      }) : () -> ()
    }
    %scan3A_30 = arith.constant 20 : i32
    %barrier3A_31 = arith.constant 0 : index
    tpu.barrier barrier_id(%barrier3A_31)
    %mul3A_32 = arith.constant 632 : i32
    %mul3A_33 = arith.muli %arg1, %mul3A_32 : i32
    %eq3A_34 = arith.constant 0 : i32
    %eq3A_35 = arith.cmpi eq, %arg0, %eq3A_34 : i32
    %convert_element_type3A_36 = arith.extui %eq3A_35 : i1 to i32
    %cond3A_37 = arith.constant 0 : i32
    %cond3A_38 = arith.cmpi ne, %convert_element_type3A_36, %cond3A_37 : i32
    scf.if %cond3A_38 {
      %lt3A = arith.constant 15 : i32
      %lt3A_44 = arith.cmpi slt, %arg1, %lt3A : i32
      %convert_element_type3A_45 = arith.extui %lt3A_44 : i1 to i32
      %cond3A_46 = arith.constant 0 : i32
      %cond3A_47 = arith.cmpi ne, %convert_element_type3A_45, %cond3A_46 : i32
      scf.if %cond3A_47 {
        "tpu.region"() ({
          %run_scoped3A_53 = tpu.sem_alloc : memref<!tpu.dma_semaphore, #tpu.memory_space<semaphore_mem>>
          %dma_start3A = arith.constant 0 : i32
          %dma_start3A_54 = tpu.memref_slice %arg6[%mul3A_33, %dma_start3A] : memref<10000x32xf32, #tpu.memory_space<hbm>> -> memref<632x32xf32, #tpu.memory_space<hbm>>
          %dma_start3A_55 = arith.constant 0 : i32
          %dma_start3A_56 = tpu.memref_slice %arg11[%mul3A_33, %dma_start3A_55] : memref<10112x32xf32, #tpu.memory_space<vmem_shared>> -> memref<632x32xf32, #tpu.memory_space<vmem_shared>>
          tpu.enqueue_dma source(%dma_start3A_56 : memref<632x32xf32, #tpu.memory_space<vmem_shared>>) target(%dma_start3A_54 : memref<632x32xf32, #tpu.memory_space<hbm>>) target_semaphore(%run_scoped3A_53 : memref<!tpu.dma_semaphore, #tpu.memory_space<semaphore_mem>>)
          %dma_wait3A = arith.constant 0 : i32
          %dma_wait3A_57 = tpu.memref_slice %arg6[%mul3A_33, %dma_wait3A] : memref<10000x32xf32, #tpu.memory_space<hbm>> -> memref<632x32xf32, #tpu.memory_space<hbm>>
          %dma_wait3A_58 = arith.constant 0 : i32
          %dma_wait3A_59 = tpu.memref_slice %arg11[%mul3A_33, %dma_wait3A_58] : memref<10112x32xf32, #tpu.memory_space<vmem_shared>> -> memref<632x32xf32, #tpu.memory_space<vmem_shared>>
          tpu.wait_dma2 semaphore(%run_scoped3A_53 : memref<!tpu.dma_semaphore, #tpu.memory_space<semaphore_mem>>) src(%dma_wait3A_59 : memref<632x32xf32, #tpu.memory_space<vmem_shared>>) dst(%dma_wait3A_57 : memref<632x32xf32, #tpu.memory_space<hbm>>)
          tpu.yield
        }) : () -> ()
      } else {
      }
      %eq3A_48 = arith.constant 15 : i32
      %eq3A_49 = arith.cmpi eq, %arg1, %eq3A_48 : i32
      %convert_element_type3A_50 = arith.extui %eq3A_49 : i1 to i32
      %cond3A_51 = arith.constant 0 : i32
      %cond3A_52 = arith.cmpi ne, %convert_element_type3A_50, %cond3A_51 : i32
      scf.if %cond3A_52 {
        "tpu.region"() ({
          %run_scoped3A_53 = tpu.sem_alloc : memref<!tpu.dma_semaphore, #tpu.memory_space<semaphore_mem>>
          %dma_start3A = arith.constant 0 : i32
          %dma_start3A_54 = tpu.memref_slice %arg6[%mul3A_33, %dma_start3A] : memref<10000x32xf32, #tpu.memory_space<hbm>> -> memref<520x32xf32, #tpu.memory_space<hbm>>
          %dma_start3A_55 = arith.constant 0 : i32
          %dma_start3A_56 = tpu.memref_slice %arg11[%mul3A_33, %dma_start3A_55] : memref<10112x32xf32, #tpu.memory_space<vmem_shared>> -> memref<520x32xf32, #tpu.memory_space<vmem_shared>>
          tpu.enqueue_dma source(%dma_start3A_56 : memref<520x32xf32, #tpu.memory_space<vmem_shared>>) target(%dma_start3A_54 : memref<520x32xf32, #tpu.memory_space<hbm>>) target_semaphore(%run_scoped3A_53 : memref<!tpu.dma_semaphore, #tpu.memory_space<semaphore_mem>>)
          %dma_wait3A = arith.constant 0 : i32
          %dma_wait3A_57 = tpu.memref_slice %arg6[%mul3A_33, %dma_wait3A] : memref<10000x32xf32, #tpu.memory_space<hbm>> -> memref<520x32xf32, #tpu.memory_space<hbm>>
          %dma_wait3A_58 = arith.constant 0 : i32
          %dma_wait3A_59 = tpu.memref_slice %arg11[%mul3A_33, %dma_wait3A_58] : memref<10112x32xf32, #tpu.memory_space<vmem_shared>> -> memref<520x32xf32, #tpu.memory_space<vmem_shared>>
          tpu.wait_dma2 semaphore(%run_scoped3A_53 : memref<!tpu.dma_semaphore, #tpu.memory_space<semaphore_mem>>) src(%dma_wait3A_59 : memref<520x32xf32, #tpu.memory_space<vmem_shared>>) dst(%dma_wait3A_57 : memref<520x32xf32, #tpu.memory_space<hbm>>)
          tpu.yield
        }) : () -> ()
      } else {
      }
    } else {
    }
    %eq3A_39 = arith.constant 1 : i32
    %eq3A_40 = arith.cmpi eq, %arg0, %eq3A_39 : i32
    %convert_element_type3A_41 = arith.extui %eq3A_40 : i1 to i32
    %cond3A_42 = arith.constant 0 : i32
    %cond3A_43 = arith.cmpi ne, %convert_element_type3A_41, %cond3A_42 : i32
    scf.if %cond3A_43 {
      %lt3A = arith.constant 15 : i32
      %lt3A_44 = arith.cmpi slt, %arg1, %lt3A : i32
      %convert_element_type3A_45 = arith.extui %lt3A_44 : i1 to i32
      %cond3A_46 = arith.constant 0 : i32
      %cond3A_47 = arith.cmpi ne, %convert_element_type3A_45, %cond3A_46 : i32
      scf.if %cond3A_47 {
        "tpu.region"() ({
          %run_scoped3A_53 = tpu.sem_alloc : memref<!tpu.dma_semaphore, #tpu.memory_space<semaphore_mem>>
          %dma_start3A = arith.constant 0 : i32
          %dma_start3A_54 = tpu.memref_slice %arg7[%mul3A_33, %dma_start3A] : memref<10000x32xf32, #tpu.memory_space<hbm>> -> memref<632x32xf32, #tpu.memory_space<hbm>>
          %dma_start3A_55 = arith.constant 0 : i32
          %dma_start3A_56 = tpu.memref_slice %arg11[%mul3A_33, %dma_start3A_55] : memref<10112x32xf32, #tpu.memory_space<vmem_shared>> -> memref<632x32xf32, #tpu.memory_space<vmem_shared>>
          tpu.enqueue_dma source(%dma_start3A_56 : memref<632x32xf32, #tpu.memory_space<vmem_shared>>) target(%dma_start3A_54 : memref<632x32xf32, #tpu.memory_space<hbm>>) target_semaphore(%run_scoped3A_53 : memref<!tpu.dma_semaphore, #tpu.memory_space<semaphore_mem>>)
          %dma_wait3A = arith.constant 0 : i32
          %dma_wait3A_57 = tpu.memref_slice %arg7[%mul3A_33, %dma_wait3A] : memref<10000x32xf32, #tpu.memory_space<hbm>> -> memref<632x32xf32, #tpu.memory_space<hbm>>
          %dma_wait3A_58 = arith.constant 0 : i32
          %dma_wait3A_59 = tpu.memref_slice %arg11[%mul3A_33, %dma_wait3A_58] : memref<10112x32xf32, #tpu.memory_space<vmem_shared>> -> memref<632x32xf32, #tpu.memory_space<vmem_shared>>
          tpu.wait_dma2 semaphore(%run_scoped3A_53 : memref<!tpu.dma_semaphore, #tpu.memory_space<semaphore_mem>>) src(%dma_wait3A_59 : memref<632x32xf32, #tpu.memory_space<vmem_shared>>) dst(%dma_wait3A_57 : memref<632x32xf32, #tpu.memory_space<hbm>>)
          tpu.yield
        }) : () -> ()
      } else {
      }
      %eq3A_48 = arith.constant 15 : i32
      %eq3A_49 = arith.cmpi eq, %arg1, %eq3A_48 : i32
      %convert_element_type3A_50 = arith.extui %eq3A_49 : i1 to i32
      %cond3A_51 = arith.constant 0 : i32
      %cond3A_52 = arith.cmpi ne, %convert_element_type3A_50, %cond3A_51 : i32
      scf.if %cond3A_52 {
        "tpu.region"() ({
          %run_scoped3A_53 = tpu.sem_alloc : memref<!tpu.dma_semaphore, #tpu.memory_space<semaphore_mem>>
          %dma_start3A = arith.constant 0 : i32
          %dma_start3A_54 = tpu.memref_slice %arg7[%mul3A_33, %dma_start3A] : memref<10000x32xf32, #tpu.memory_space<hbm>> -> memref<520x32xf32, #tpu.memory_space<hbm>>
          %dma_start3A_55 = arith.constant 0 : i32
          %dma_start3A_56 = tpu.memref_slice %arg11[%mul3A_33, %dma_start3A_55] : memref<10112x32xf32, #tpu.memory_space<vmem_shared>> -> memref<520x32xf32, #tpu.memory_space<vmem_shared>>
          tpu.enqueue_dma source(%dma_start3A_56 : memref<520x32xf32, #tpu.memory_space<vmem_shared>>) target(%dma_start3A_54 : memref<520x32xf32, #tpu.memory_space<hbm>>) target_semaphore(%run_scoped3A_53 : memref<!tpu.dma_semaphore, #tpu.memory_space<semaphore_mem>>)
          %dma_wait3A = arith.constant 0 : i32
          %dma_wait3A_57 = tpu.memref_slice %arg7[%mul3A_33, %dma_wait3A] : memref<10000x32xf32, #tpu.memory_space<hbm>> -> memref<520x32xf32, #tpu.memory_space<hbm>>
          %dma_wait3A_58 = arith.constant 0 : i32
          %dma_wait3A_59 = tpu.memref_slice %arg11[%mul3A_33, %dma_wait3A_58] : memref<10112x32xf32, #tpu.memory_space<vmem_shared>> -> memref<520x32xf32, #tpu.memory_space<vmem_shared>>
          tpu.wait_dma2 semaphore(%run_scoped3A_53 : memref<!tpu.dma_semaphore, #tpu.memory_space<semaphore_mem>>) src(%dma_wait3A_59 : memref<520x32xf32, #tpu.memory_space<vmem_shared>>) dst(%dma_wait3A_57 : memref<520x32xf32, #tpu.memory_space<hbm>>)
          tpu.yield
        }) : () -> ()
      } else {
      }
    } else {
    }
    return
  }
}

module attributes {stable_mosaic.version = 14 : i64} {
  func.func @body(%arg0: i32, %arg1: memref<2000x32xf32, #tpu.memory_space<vmem>>, %arg2: memref<2000x32xf32, #tpu.memory_space<vmem>>, %arg3: memref<2000x32xf32, #tpu.memory_space<vmem>>, %arg4: memref<2000x32xf32, #tpu.memory_space<vmem>>, %arg5: memref<2000x128xf32, #tpu.memory_space<vmem>>, %arg6: memref<2000x16xf32, #tpu.memory_space<vmem>>, %arg7: memref<2000x16xf32, #tpu.memory_space<vmem>>, %arg8: memref<128x64xf32, #tpu.memory_space<vmem>>, %arg9: memref<128x64xf32, #tpu.memory_space<vmem>>, %arg10: memref<1x64xf32, #tpu.memory_space<vmem>>, %arg11: memref<2000x64xf32, #tpu.memory_space<vmem>>) attributes {dimension_semantics = [#tpu.dimension_semantics<arbitrary>], iteration_bounds = array<i64: 5>, scalar_prefetch = 0 : i64, scratch_operands = 0 : i64, tpu.core_type = #tpu.core_type<tc>, window_params = [{transform_indices = @transform_0, window_bounds = array<i64: 2000, 32>}, {transform_indices = @transform_1, window_bounds = array<i64: 2000, 32>}, {transform_indices = @transform_2, window_bounds = array<i64: 2000, 32>}, {transform_indices = @transform_3, window_bounds = array<i64: 2000, 32>}, {transform_indices = @transform_4, window_bounds = array<i64: 2000, 128>}, {transform_indices = @transform_5, window_bounds = array<i64: 2000, 16>}, {transform_indices = @transform_6, window_bounds = array<i64: 2000, 16>}, {pipeline_mode = #tpu.pipeline_mode<synchronous>, transform_indices = @transform_7, window_bounds = array<i64: 128, 64>}, {pipeline_mode = #tpu.pipeline_mode<synchronous>, transform_indices = @transform_8, window_bounds = array<i64: 128, 64>}, {pipeline_mode = #tpu.pipeline_mode<synchronous>, transform_indices = @transform_9, window_bounds = array<i64: 1, 64>}, {transform_indices = @transform_10, window_bounds = array<i64: 2000, 64>}]} {
    %get3A = arith.constant 0 : index
    %get3A_0 = arith.constant 0 : index
    %get3A_1 = vector.load %arg6[%get3A, %get3A_0] : memref<2000x16xf32, #tpu.memory_space<vmem>>, vector<2000x1xf32>
    %get3A_2 = arith.constant 0 : index
    %get3A_3 = arith.constant 0 : index
    %get3A_4 = vector.load %arg7[%get3A_2, %get3A_3] : memref<2000x16xf32, #tpu.memory_space<vmem>>, vector<2000x1xf32>
    %add3A = arith.addf %get3A_1, %get3A_4 : vector<2000x1xf32>
    %max3A = arith.constant 1.000000e+00 : f32
    %max3A_5 = vector.broadcast %max3A : f32 to vector<2000x1xf32>
    %max3A_6 = arith.maximumf %add3A, %max3A_5 : vector<2000x1xf32>
    %get3A_7 = arith.constant 0 : index
    %get3A_8 = arith.constant 0 : index
    %get3A_9 = vector.load %arg1[%get3A_7, %get3A_8] : memref<2000x32xf32, #tpu.memory_space<vmem>>, vector<2000x32xf32>
    %get3A_10 = arith.constant 0 : index
    %get3A_11 = arith.constant 0 : index
    %get3A_12 = vector.load %arg2[%get3A_10, %get3A_11] : memref<2000x32xf32, #tpu.memory_space<vmem>>, vector<2000x32xf32>
    %get3A_13 = arith.constant 0 : index
    %get3A_14 = arith.constant 0 : index
    %get3A_15 = vector.load %arg3[%get3A_13, %get3A_14] : memref<2000x32xf32, #tpu.memory_space<vmem>>, vector<2000x32xf32>
    %get3A_16 = arith.constant 0 : index
    %get3A_17 = arith.constant 0 : index
    %get3A_18 = vector.load %arg4[%get3A_16, %get3A_17] : memref<2000x32xf32, #tpu.memory_space<vmem>>, vector<2000x32xf32>
    %concatenate3A = tpu.concatenate %get3A_9, %get3A_12, %get3A_15, %get3A_18 in 1 : vector<2000x32xf32>, vector<2000x32xf32>, vector<2000x32xf32>, vector<2000x32xf32> -> vector<2000x128xf32>
    %div3A = vector.broadcast %max3A_6 : vector<2000x1xf32> to vector<2000x128xf32>
    %div3A_19 = arith.divf %concatenate3A, %div3A : vector<2000x128xf32>
    %get3A_20 = arith.constant 0 : index
    %get3A_21 = arith.constant 0 : index
    %get3A_22 = vector.load %arg8[%get3A_20, %get3A_21] : memref<128x64xf32, #tpu.memory_space<vmem>>, vector<128x64xf32>
    %dot_general3A = arith.constant dense<0.000000e+00> : vector<2000x64xf32>
    %dot_general3A_23 = tpu.matmul %div3A_19, %get3A_22, %dot_general3A {dimension_numbers = #tpu.dot_dimension_numbers<[1], [0], [0], [1], [0, 0, 1, 1], [], []>, transpose_lhs_hint = false} : vector<2000x128xf32>, vector<128x64xf32>, vector<2000x64xf32> -> vector<2000x64xf32>
    %get3A_24 = arith.constant 0 : index
    %get3A_25 = arith.constant 0 : index
    %get3A_26 = vector.load %arg10[%get3A_24, %get3A_25] : memref<1x64xf32, #tpu.memory_space<vmem>>, vector<1x64xf32>
    %add3A_27 = vector.broadcast %get3A_26 : vector<1x64xf32> to vector<2000x64xf32>
    %add3A_28 = arith.addf %dot_general3A_23, %add3A_27 : vector<2000x64xf32>
    %get3A_29 = arith.constant 0 : index
    %get3A_30 = arith.constant 0 : index
    %get3A_31 = vector.load %arg5[%get3A_29, %get3A_30] : memref<2000x128xf32, #tpu.memory_space<vmem>>, vector<2000x128xf32>
    %get3A_32 = arith.constant 0 : index
    %get3A_33 = arith.constant 0 : index
    %get3A_34 = vector.load %arg9[%get3A_32, %get3A_33] : memref<128x64xf32, #tpu.memory_space<vmem>>, vector<128x64xf32>
    %dot_general3A_35 = arith.constant dense<0.000000e+00> : vector<2000x64xf32>
    %dot_general3A_36 = tpu.matmul %get3A_31, %get3A_34, %dot_general3A_35 {dimension_numbers = #tpu.dot_dimension_numbers<[1], [0], [0], [1], [0, 0, 1, 1], [], []>, transpose_lhs_hint = false} : vector<2000x128xf32>, vector<128x64xf32>, vector<2000x64xf32> -> vector<2000x64xf32>
    %add3A_37 = arith.addf %add3A_28, %dot_general3A_36 : vector<2000x64xf32>
    %max3A_38 = arith.constant 0.000000e+00 : f32
    %max3A_39 = vector.broadcast %max3A_38 : f32 to vector<2000x64xf32>
    %max3A_40 = arith.maximumf %add3A_37, %max3A_39 : vector<2000x64xf32>
    %swap3A = arith.constant 0 : index
    %swap3A_41 = arith.constant 0 : index
    %swap3A_42 = vector.load %arg11[%swap3A, %swap3A_41] : memref<2000x64xf32, #tpu.memory_space<vmem>>, vector<2000x64xf32>
    tpu.vector_store %arg11[%swap3A, %swap3A_41], %max3A_40 {strides = array<i32>} : memref<2000x64xf32, #tpu.memory_space<vmem>>, vector<2000x64xf32>,
    return
  }
  func.func @transform_0(%arg0: i32) -> (i32, i32) {
    %c0_i32 = arith.constant 0 : i32
    %c0_i32_0 = arith.constant 0 : i32
    return %arg0, %c0_i32 : i32, i32
  }
  func.func @transform_1(%arg0: i32) -> (i32, i32) {
    %c0_i32 = arith.constant 0 : i32
    %c0_i32_0 = arith.constant 0 : i32
    return %arg0, %c0_i32 : i32, i32
  }
  func.func @transform_2(%arg0: i32) -> (i32, i32) {
    %c0_i32 = arith.constant 0 : i32
    %c0_i32_0 = arith.constant 0 : i32
    return %arg0, %c0_i32 : i32, i32
  }
  func.func @transform_3(%arg0: i32) -> (i32, i32) {
    %c0_i32 = arith.constant 0 : i32
    %c0_i32_0 = arith.constant 0 : i32
    return %arg0, %c0_i32 : i32, i32
  }
  func.func @transform_4(%arg0: i32) -> (i32, i32) {
    %c0_i32 = arith.constant 0 : i32
    %c0_i32_0 = arith.constant 0 : i32
    return %arg0, %c0_i32 : i32, i32
  }
  func.func @transform_5(%arg0: i32) -> (i32, i32) {
    %c0_i32 = arith.constant 0 : i32
    %c0_i32_0 = arith.constant 0 : i32
    return %arg0, %c0_i32 : i32, i32
  }
  func.func @transform_6(%arg0: i32) -> (i32, i32) {
    %c0_i32 = arith.constant 0 : i32
    %c0_i32_0 = arith.constant 0 : i32
    return %arg0, %c0_i32 : i32, i32
  }
  func.func @transform_7(%arg0: i32) -> (i32, i32) {
    %c0_i32 = arith.constant 0 : i32
    %c0_i32_0 = arith.constant 0 : i32
    %c0_i32_1 = arith.constant 0 : i32
    return %c0_i32, %c0_i32_0 : i32, i32
  }
  func.func @transform_8(%arg0: i32) -> (i32, i32) {
    %c0_i32 = arith.constant 0 : i32
    %c0_i32_0 = arith.constant 0 : i32
    %c0_i32_1 = arith.constant 0 : i32
    return %c0_i32, %c0_i32_0 : i32, i32
  }
  func.func @transform_9(%arg0: i32) -> (i32, i32) {
    %c0_i32 = arith.constant 0 : i32
    %c0_i32_0 = arith.constant 0 : i32
    %c0_i32_1 = arith.constant 0 : i32
    return %c0_i32, %c0_i32_0 : i32, i32
  }
  func.func @transform_10(%arg0: i32) -> (i32, i32) {
    %c0_i32 = arith.constant 0 : i32
    %c0_i32_0 = arith.constant 0 : i32
    return %arg0, %c0_i32 : i32, i32
  }
}

module attributes {stable_mosaic.version = 14 : i64} {
  func.func @body(%arg0: i32, %arg1: memref<2000x32xf32, #tpu.memory_space<vmem>>, %arg2: memref<2000x32xf32, #tpu.memory_space<vmem>>, %arg3: memref<2000x64xf32, #tpu.memory_space<vmem>>, %arg4: memref<2000x16xf32, #tpu.memory_space<vmem>>, %arg5: memref<2000x16xf32, #tpu.memory_space<vmem>>, %arg6: memref<64x32xf32, #tpu.memory_space<vmem>>, %arg7: memref<64x32xf32, #tpu.memory_space<vmem>>, %arg8: memref<1x32xf32, #tpu.memory_space<vmem>>, %arg9: memref<32x1xf32, #tpu.memory_space<vmem>>, %arg10: memref<1x1xf32, #tpu.memory_space<vmem>>, %arg11: memref<2000x1xf32, #tpu.memory_space<vmem>>) attributes {dimension_semantics = [#tpu.dimension_semantics<arbitrary>], iteration_bounds = array<i64: 5>, scalar_prefetch = 0 : i64, scratch_operands = 0 : i64, tpu.core_type = #tpu.core_type<tc>, window_params = [{transform_indices = @transform_0, window_bounds = array<i64: 2000, 32>}, {transform_indices = @transform_1, window_bounds = array<i64: 2000, 32>}, {transform_indices = @transform_2, window_bounds = array<i64: 2000, 64>}, {transform_indices = @transform_3, window_bounds = array<i64: 2000, 16>}, {transform_indices = @transform_4, window_bounds = array<i64: 2000, 16>}, {pipeline_mode = #tpu.pipeline_mode<synchronous>, transform_indices = @transform_5, window_bounds = array<i64: 64, 32>}, {pipeline_mode = #tpu.pipeline_mode<synchronous>, transform_indices = @transform_6, window_bounds = array<i64: 64, 32>}, {pipeline_mode = #tpu.pipeline_mode<synchronous>, transform_indices = @transform_7, window_bounds = array<i64: 1, 32>}, {pipeline_mode = #tpu.pipeline_mode<synchronous>, transform_indices = @transform_8, window_bounds = array<i64: 32, 1>}, {pipeline_mode = #tpu.pipeline_mode<synchronous>, transform_indices = @transform_9, window_bounds = array<i64: 1, 1>}, {transform_indices = @transform_10, window_bounds = array<i64: 2000, 1>}]} {
    %get3A = arith.constant 0 : index
    %get3A_0 = arith.constant 0 : index
    %get3A_1 = vector.load %arg4[%get3A, %get3A_0] : memref<2000x16xf32, #tpu.memory_space<vmem>>, vector<2000x1xf32>
    %get3A_2 = arith.constant 0 : index
    %get3A_3 = arith.constant 0 : index
    %get3A_4 = vector.load %arg5[%get3A_2, %get3A_3] : memref<2000x16xf32, #tpu.memory_space<vmem>>, vector<2000x1xf32>
    %add3A = arith.addf %get3A_1, %get3A_4 : vector<2000x1xf32>
    %max3A = arith.constant 1.000000e+00 : f32
    %max3A_5 = vector.broadcast %max3A : f32 to vector<2000x1xf32>
    %max3A_6 = arith.maximumf %add3A, %max3A_5 : vector<2000x1xf32>
    %get3A_7 = arith.constant 0 : index
    %get3A_8 = arith.constant 0 : index
    %get3A_9 = vector.load %arg1[%get3A_7, %get3A_8] : memref<2000x32xf32, #tpu.memory_space<vmem>>, vector<2000x32xf32>
    %get3A_10 = arith.constant 0 : index
    %get3A_11 = arith.constant 0 : index
    %get3A_12 = vector.load %arg2[%get3A_10, %get3A_11] : memref<2000x32xf32, #tpu.memory_space<vmem>>, vector<2000x32xf32>
    %concatenate3A = tpu.concatenate %get3A_9, %get3A_12 in 1 : vector<2000x32xf32>, vector<2000x32xf32> -> vector<2000x64xf32>
    %div3A = vector.broadcast %max3A_6 : vector<2000x1xf32> to vector<2000x64xf32>
    %div3A_13 = arith.divf %concatenate3A, %div3A : vector<2000x64xf32>
    %get3A_14 = arith.constant 0 : index
    %get3A_15 = arith.constant 0 : index
    %get3A_16 = vector.load %arg6[%get3A_14, %get3A_15] : memref<64x32xf32, #tpu.memory_space<vmem>>, vector<64x32xf32>
    %dot_general3A = arith.constant dense<0.000000e+00> : vector<2000x32xf32>
    %dot_general3A_17 = tpu.matmul %div3A_13, %get3A_16, %dot_general3A {dimension_numbers = #tpu.dot_dimension_numbers<[1], [0], [0], [1], [0, 0, 1, 1], [], []>, transpose_lhs_hint = false} : vector<2000x64xf32>, vector<64x32xf32>, vector<2000x32xf32> -> vector<2000x32xf32>
    %get3A_18 = arith.constant 0 : index
    %get3A_19 = arith.constant 0 : index
    %get3A_20 = vector.load %arg8[%get3A_18, %get3A_19] : memref<1x32xf32, #tpu.memory_space<vmem>>, vector<1x32xf32>
    %add3A_21 = vector.broadcast %get3A_20 : vector<1x32xf32> to vector<2000x32xf32>
    %add3A_22 = arith.addf %dot_general3A_17, %add3A_21 : vector<2000x32xf32>
    %get3A_23 = arith.constant 0 : index
    %get3A_24 = arith.constant 0 : index
    %get3A_25 = vector.load %arg3[%get3A_23, %get3A_24] : memref<2000x64xf32, #tpu.memory_space<vmem>>, vector<2000x64xf32>
    %get3A_26 = arith.constant 0 : index
    %get3A_27 = arith.constant 0 : index
    %get3A_28 = vector.load %arg7[%get3A_26, %get3A_27] : memref<64x32xf32, #tpu.memory_space<vmem>>, vector<64x32xf32>
    %dot_general3A_29 = arith.constant dense<0.000000e+00> : vector<2000x32xf32>
    %dot_general3A_30 = tpu.matmul %get3A_25, %get3A_28, %dot_general3A_29 {dimension_numbers = #tpu.dot_dimension_numbers<[1], [0], [0], [1], [0, 0, 1, 1], [], []>, transpose_lhs_hint = false} : vector<2000x64xf32>, vector<64x32xf32>, vector<2000x32xf32> -> vector<2000x32xf32>
    %add3A_31 = arith.addf %add3A_22, %dot_general3A_30 : vector<2000x32xf32>
    %max3A_32 = arith.constant 0.000000e+00 : f32
    %max3A_33 = vector.broadcast %max3A_32 : f32 to vector<2000x32xf32>
    %max3A_34 = arith.maximumf %add3A_31, %max3A_33 : vector<2000x32xf32>
    %get3A_35 = arith.constant 0 : index
    %get3A_36 = arith.constant 0 : index
    %get3A_37 = vector.load %arg9[%get3A_35, %get3A_36] : memref<32x1xf32, #tpu.memory_space<vmem>>, vector<32x1xf32>
    %dot_general3A_38 = arith.constant dense<0.000000e+00> : vector<2000x1xf32>
    %dot_general3A_39 = tpu.matmul %max3A_34, %get3A_37, %dot_general3A_38 {dimension_numbers = #tpu.dot_dimension_numbers<[1], [0], [0], [1], [0, 0, 1, 1], [], []>, transpose_lhs_hint = false} : vector<2000x32xf32>, vector<32x1xf32>, vector<2000x1xf32> -> vector<2000x1xf32>
    %get3A_40 = arith.constant 0 : index
    %get3A_41 = arith.constant 0 : index
    %get3A_42 = vector.load %arg10[%get3A_40, %get3A_41] : memref<1x1xf32, #tpu.memory_space<vmem>>, vector<1x1xf32>
    %add3A_43 = vector.broadcast %get3A_42 : vector<1x1xf32> to vector<2000x1xf32>
    %add3A_44 = arith.addf %dot_general3A_39, %add3A_43 : vector<2000x1xf32>
    %swap3A = arith.constant 0 : index
    %swap3A_45 = arith.constant 0 : index
    %swap3A_46 = vector.load %arg11[%swap3A, %swap3A_45] : memref<2000x1xf32, #tpu.memory_space<vmem>>, vector<2000x1xf32>
    tpu.vector_store %arg11[%swap3A, %swap3A_45], %add3A_44 {strides = array<i32>} : memref<2000x1xf32, #tpu.memory_space<vmem>>, vector<2000x1xf32>,
    return
  }
  func.func @transform_0(%arg0: i32) -> (i32, i32) {
    %c0_i32 = arith.constant 0 : i32
    %c0_i32_0 = arith.constant 0 : i32
    return %arg0, %c0_i32 : i32, i32
  }
  func.func @transform_1(%arg0: i32) -> (i32, i32) {
    %c0_i32 = arith.constant 0 : i32
    %c0_i32_0 = arith.constant 0 : i32
    return %arg0, %c0_i32 : i32, i32
  }
  func.func @transform_2(%arg0: i32) -> (i32, i32) {
    %c0_i32 = arith.constant 0 : i32
    %c0_i32_0 = arith.constant 0 : i32
    return %arg0, %c0_i32 : i32, i32
  }
  func.func @transform_3(%arg0: i32) -> (i32, i32) {
    %c0_i32 = arith.constant 0 : i32
    %c0_i32_0 = arith.constant 0 : i32
    return %arg0, %c0_i32 : i32, i32
  }
  func.func @transform_4(%arg0: i32) -> (i32, i32) {
    %c0_i32 = arith.constant 0 : i32
    %c0_i32_0 = arith.constant 0 : i32
    return %arg0, %c0_i32 : i32, i32
  }
  func.func @transform_5(%arg0: i32) -> (i32, i32) {
    %c0_i32 = arith.constant 0 : i32
    %c0_i32_0 = arith.constant 0 : i32
    %c0_i32_1 = arith.constant 0 : i32
    return %c0_i32, %c0_i32_0 : i32, i32
  }
  func.func @transform_6(%arg0: i32) -> (i32, i32) {
    %c0_i32 = arith.constant 0 : i32
    %c0_i32_0 = arith.constant 0 : i32
    %c0_i32_1 = arith.constant 0 : i32
    return %c0_i32, %c0_i32_0 : i32, i32
  }
  func.func @transform_7(%arg0: i32) -> (i32, i32) {
    %c0_i32 = arith.constant 0 : i32
    %c0_i32_0 = arith.constant 0 : i32
    %c0_i32_1 = arith.constant 0 : i32
    return %c0_i32, %c0_i32_0 : i32, i32
  }
  func.func @transform_8(%arg0: i32) -> (i32, i32) {
    %c0_i32 = arith.constant 0 : i32
    %c0_i32_0 = arith.constant 0 : i32
    %c0_i32_1 = arith.constant 0 : i32
    return %c0_i32, %c0_i32_0 : i32, i32
  }
  func.func @transform_9(%arg0: i32) -> (i32, i32) {
    %c0_i32 = arith.constant 0 : i32
    %c0_i32_0 = arith.constant 0 : i32
    %c0_i32_1 = arith.constant 0 : i32
    return %c0_i32, %c0_i32_0 : i32, i32
  }
  func.func @transform_10(%arg0: i32) -> (i32, i32) {
    %c0_i32 = arith.constant 0 : i32
    %c0_i32_0 = arith.constant 0 : i32
    return %arg0, %c0_i32 : i32, i32
  }
}

</mosaic_0001>

<sc_bundles>
// kernel: kernel.11.cloned.1.call-start
scs
__scs_entry_jumppad:
0x0: {  	(pc) =	sbr.rel $0x88, $3  }
0x1: {  	(tag) =	ssettag $0x0;
	lr =	simm.s32 $0x1  }
0x2: {  	[smem:$0x3F97] =	sst lr;
	_ =	strace $0xD0000000  }
0x3: {  	_ = 	snop  }
0x4: {  	_ = 	snop  }
0x5: {  	_ = 	snop  }
0x6: {  	_ = 	snop  }
0x7: {  	_ = 	snop  }
__scs_overlays_trampoline_lowered:
0x8: {  	[smem:$0x3FA6] =	sst s0  }
0x9: {  	[smem:$0x3FA7] =	sst s1  }
0xa: {  	[smem:$0x3FA8] =	sst s2  }
0xb: {  	[smem:$0x3FA9] =	sst s3  }
0xc: {  	[smem:$0x3FAA] =	sst s4  }
0xd: {  	[smem:$0x3FAB] =	sst s5  }
0xe: {  	[smem:$0x3FAC] =	sst s6  }
0xf: {  	[smem:$0x3FAD] =	sst s7  }
0x10: {  	[smem:$0x3FAE] =	sst s8  }
0x11: {  	[smem:$0x3FAF] =	sst s9;
	s0 =	simm.s32 @!p0 $0x0  }
0x12: {  	s1 =	sld [smem:$0x3F95];
	s0 =	simm.s32 @p0 $0x1  }
0x13: {  	[smem:$0x3FB0] =	sst s0;
	s0 =	simm.s32 @!p1 $0x0  }
0x14: {  	s2 =	sld [smem:$0x3F94];
	s0 =	simm.s32 @p1 $0x1  }
0x15: {  	[smem:$0x3FB1] =	sst s0;
	s0 =	simm.s32 @!p2 $0x0  }
0x16: {  	s3 =	sld [smem:$0x3FDB];
	s0 =	simm.s32 @p2 $0x1  }
0x17: {  	s4 =	simm.s32 $0x1BF5;
	[smem:$0x3FB3] =	sst s0  }
0x18: {  	s0 =	sld [smem:$0x3F96];
	_ =	swait.ge [sflag:s4], $0x0  }
0x19: {  	s7 =	sld [smem:$0x3F97]  }
0x1a: {  	s8 =	sadd.s32 $0xFFFFE003, lr  }
0x1b: {  	s9 =	sadd.s32 $0xFFFFFEF7, lr;
	s5 =	simm.s32 $0xFFFFFFFF;
	p2 =	slt.u32 s8, $0xFFFFF086  }
0x1c: {  	p1 =	slt.u32 s9, $0xF7A;
	s5 =	simm.s32 @!p2 $0x0  }
0x1d: {  	s5 =	simm.s32 @p1 $0x1;
	p0 =	seq.s32 s7, s2  }
0x1e: {  	s7 =	smul.u32 @!p0 $0xF7A, s2;
	p2 =	seq.s32 @!p0 s5, $0x0  }
0x1f: {  	s9 =	smul.u32 $0xF7A, s1;
	s8 =	simm.s32 @!p0 $0x1BF5;
	p2 =	por !p2, p0  }
0x20: {  	[sflag:s8] =	ssyncset.s32 @!p0 $0xFFFFF086;
	s6 =	sadd.s32 @!p0 s3, s7;
	s7 =	simm.s32 @!p0 $0x108  }
0x21: {  	s3 =	sadd.s32 s3, s9;
	s6 =	sadd.s32 @!p0 $0x88, s6;
	s7 =	simm.s32 @p2 $0x1082  }
0x22: {  	[simem:s7], [sflag:s8] =	dma.local @!p0 [hbm:s6], $0xF7A  }
0x23: {  	s9 =	sor.u32 $0xD0000000, s2;
	s6 =	simm.s32 $0x108;
	_ =	swait.ge @!p0 [sflag:s8], $0x0  }
0x24: {  	s3 =	sadd.s32 $0x88, s3;
	s6 =	simm.s32 @!p1 $0x1082;
	[sflag:s4] =	ssyncset.s32 $0xFFFFF086  }
0x25: {  	[simem:s6], [sflag:s4] =	dma.local [hbm:s3], $0xF7A  }
0x26: {  	[smem:$0x3F97] =	sst s1;
	(tag) =	ssettag s2;
	_ =	strace s9  }
0x27: {  	s1 =	sld [smem:$0x3FA7]  }
0x28: {  	s2 =	sld [smem:$0x3FA8]  }
0x29: {  	s4 =	sld [smem:$0x3FAA]  }
0x2a: {  	p0 =	seq.s32 s5, $0x0;
	s5 =	sld [smem:$0x3FAB]  }
0x2b: {  	s6 =	sld [smem:$0x3FAC]  }
0x2c: {  	s7 =	sld [smem:$0x3FAD]  }
0x2d: {  	s3 =	simm.s32 $0x108;
	s8 =	sld [smem:$0x3FAE]  }
0x2e: {  	s3 =	simm.s32 @!p0 $0x1082;
	s9 =	sld [smem:$0x3FAF]  }
0x2f: {  	lr =	sadd.s32 s0, s3;
	s0 =	sld [smem:$0x3FA6]  }
0x30: {  	s3 =	sld [smem:$0x3FA9]  }
0x31: {  	[smem:$0x3FB2] =	sst s10  }
0x32: {  	s10 =	sld [smem:$0x3FB0];
	_ =	sdelay $0x3  }
0x33: {  	p0 =	seq.s32 s10, $0x1;
	s10 =	sld [smem:$0x3FB2];
	_ =	sdelay $0x3  }
0x34: {  	[smem:$0x3FB2] =	sst s10  }
0x35: {  	s10 =	sld [smem:$0x3FB1];
	_ =	sdelay $0x3  }
0x36: {  	p1 =	seq.s32 s10, $0x1;
	s10 =	sld [smem:$0x3FB2];
	_ =	sdelay $0x3  }
0x37: {  	[smem:$0x3FB2] =	sst s10  }
0x38: {  	s10 =	sld [smem:$0x3FB3]  }
0x39: {  	_ = 	snop;
	(pc) =	sbr.ind lr, $3  }
0x3a: {  	_ = 	snop  }
0x3b: {  	_ = 	snop  }
0x3c: {  	p2 =	seq.s32 s10, $0x1;
	s10 =	sld [smem:$0x3FB2]  }
0x3d: {  	_ =	shalt  }
0x3e: {  	_ =	shalt  }
0x3f: {  	_ =	shalt  }
0x40: {  	_ =	shalt  }
0x41: {  	_ =	shalt  }
0x42: {  	_ =	shalt  }
0x43: {  	_ =	shalt  }
0x44: {  	_ =	shalt  }
0x45: {  	_ =	shalt  }
0x46: {  	_ =	shalt  }
0x47: {  	_ =	shalt  }
0x48: {  	_ =	shalt  }
0x49: {  	_ =	shalt  }
0x4a: {  	_ =	shalt  }
0x4b: {  	_ =	shalt  }
0x4c: {  	_ =	shalt  }
0x4d: {  	_ =	shalt  }
0x4e: {  	_ =	shalt  }
0x4f: {  	_ =	shalt  }
0x50: {  	_ =	shalt  }
0x51: {  	_ =	shalt  }
0x52: {  	_ =	shalt  }
0x53: {  	_ =	shalt  }
0x54: {  	_ =	shalt  }
0x55: {  	_ =	shalt  }
0x56: {  	_ =	shalt  }
0x57: {  	_ =	shalt  }
0x58: {  	_ =	shalt  }
0x59: {  	_ =	shalt  }
0x5a: {  	_ =	shalt  }
0x5b: {  	_ =	shalt  }
0x5c: {  	_ =	shalt  }
0x5d: {  	_ =	shalt  }
0x5e: {  	_ =	shalt  }
0x5f: {  	_ =	shalt  }
0x60: {  	_ =	shalt  }
0x61: {  	_ =	shalt  }
0x62: {  	_ =	shalt  }
0x63: {  	_ =	shalt  }
0x64: {  	_ =	shalt  }
0x65: {  	_ =	shalt  }
0x66: {  	_ =	shalt  }
0x67: {  	_ =	shalt  }
0x68: {  	_ =	shalt  }
0x69: {  	_ =	shalt  }
0x6a: {  	_ =	shalt  }
0x6b: {  	_ =	shalt  }
0x6c: {  	_ =	shalt  }
0x6d: {  	_ =	shalt  }
0x6e: {  	_ =	shalt  }
0x6f: {  	_ =	shalt  }
0x70: {  	_ =	shalt  }
0x71: {  	_ =	shalt  }
0x72: {  	_ =	shalt  }
0x73: {  	_ =	shalt  }
0x74: {  	_ =	shalt  }
0x75: {  	_ =	shalt  }
0x76: {  	_ =	shalt  }
0x77: {  	_ =	shalt  }
0x78: {  	_ =	shalt  }
0x79: {  	_ =	shalt  }
0x7a: {  	_ =	shalt  }
0x7b: {  	_ =	shalt  }
0x7c: {  	_ =	shalt  }
0x7d: {  	_ =	shalt  }
0x7e: {  	_ =	shalt  }
0x7f: {  	_ =	shalt  }
0x80: {  	_ =	shalt  }
0x81: {  	_ =	shalt  }
0x82: {  	_ =	shalt  }
0x83: {  	_ =	shalt  }
0x84: {  	_ =	shalt  }
0x85: {  	_ =	shalt  }
0x86: {  	_ =	shalt  }
0x87: {  	_ =	shalt  }
.Lfunc_end0:
.L_simem_size_0:
called_computation.1_lowered:
.L_overlay_start_0:
0x88: {  	s2 =	sld [smem:$0x3FD9]  }
0x89: {  	s3 =	sld [smem:$0x3FFE];
	_ =	sdelay $0x1  }
0x8a: {  	s1 =	srdreg.scid  }
0x8b: {  	s0 =	sand.u32 $0x1, s1  }
0x8c: {  	s17 =	sshll.u32 s0, $0xA;
	s2 =	sadd.s32 s3, s2  }
0x8d: {  	s2 =	sadd.s32 s2, s17  }
0x8e: {  	[smem:$0x3FBE] =	sst s2  }
0x8f: {  	_ = 	snop  }
0x90: {  	(tm) =	ssettm $0x1  }
0x91: {  	s18 =	sld [smem:$0x3FFB];
	_ =	sdelay $0x3  }
0x92: {  	_ =	strace s18  }
0x93: {  	s2 =	sld [smem:$0x3FFC];
	_ =	sdelay $0x3  }
0x94: {  	_ =	strace s2  }
0x95: {  	s2 =	sld [smem:$0x3FFD];
	_ =	sdelay $0x3  }
0x96: {  	_ =	strace s2  }
0x97: {  	_ =	strace $0x8FFFFFFF  }
0x98: {  	s19 =	sld [smem:$0x3FDB];
	_ =	sdelay $0x1  }
0x99: {  	s20 =	simm.s32 $_scs_section_size  }
0x9a: {  	s4 =	simm.s32 $_size__tile_overlayer_lowered;
	s5 =	simm.s32 $_tile_overlayer_lowered  }
0x9b: {  	s6 =	simm.s32 $0x1BFF;
	s21 =	sshll.u32 s5, $0x1;
	s3 =	sadd.s32 s20, s19  }
0x9c: {  	s22 =	simm.s32 $0x0;
	s4 =	sshll.u32 s4, $0x1;
	s5 =	sadd.s32 s21, s3  }
0x9d: {  	[timem:s22], [sflag:s6] =	dma.local [hbm:s5], s4  }
0x9e: {  	_ =	swait.ge [sflag:s6], s4  }
0x9f: {  	s4 =	ssub.s32 $0x0, s4;
	[sflag:s6] =	ssyncset.done $0x0  }
0xa0: {  	[sflag:s6] =	ssyncadd.s32 s4;
	_ =	sdelay $0x1  }
0xa1: {  	s23 =	simm.s32 $0x1B8B  }
0xa2: {  	_ =	swait.ge [sflag:s23], $0x1  }
0xa3: {  	[sflag:s23] =	ssyncset.done $0x0  }
0xa4: {  	[sflag:s23] =	ssyncadd.s32 $0xFFFFFFFF  }
0xa5: {  	s4 =	sld [smem:$0x0]  }
0xa6: {  	s5 =	sand.u32 $0xFFFFFFFE, s1  }
0xa7: {  	p0 =	sne.s32 s1, s5  }
0xa8: {  	s5 =	sshll.u32 @p0 s5, $0xE  }
0xa9: {  	s5 =	sadd.s32 @p0 $0x11B8D, s5;
	s6 =	sshll.u32 @p0 s4, $0x11  }
0xaa: {  	s5 =	sor.u32 @p0 s6, s5  }
0xab: {  	[sflag:s5] =	ssyncadd.remote.s32 @p0 $0x1;
	_ =	sdelay $0x1  }
0xac: {  	s5 =	simm.s32 @p0 $0x1B8D  }
0xad: {  	_ =	swait.eq @p0 [sflag:s5], $0x1  }
0xae: {  	[sflag:s5] =	ssyncadd.s32 @p0 $0xFFFFFFFF  }
0xaf: {  	s6 =	sshll.u32 @!p0 s1, $0xE  }
0xb0: {  	s6 =	sor.u32 @!p0 $0x4000, s6;
	s5 =	simm.s32 @!p0 $0x1B8D  }
0xb1: {  	s4 =	sshll.u32 @!p0 s4, $0x11;
	s6 =	sadd.s32 @!p0 $0x11B8D, s6;
	_ =	swait.eq @!p0 [sflag:s5], $0x1  }
0xb2: {  	s4 =	sor.u32 @!p0 s4, s6;
	[sflag:s5] =	ssyncadd.s32 @!p0 $0xFFFFFFFF  }
0xb3: {  	s25 =	simm.s32 $0x1B8E;
	s24 =	sld [smem:$0x3FFE];
	[sflag:s4] =	ssyncadd.remote.s32 @!p0 $0x1  }
0xb4: {  	s26 =	simm.s32 $execute0_lowered;
	[smem:$0x3FD2] =	sst s25  }
0xb5: {  	s5 =	sshll.u32 s26, $0x1;
	_ =	strace $0x80000049;
	[dreg:$0x1] =	wrdreg $0xFFFFFFFF  }
0xb6: {  	s28 =	simm.s32 $_size_execute0_lowered;
	s3 =	sadd.s32 s3, s5;
	[dreg:$0x0] =	wrdreg $0x0  }
0xb7: {  	s5 =	sshll.u32 s28, $0x1;
	[dreg:$0x2] =	wrdreg s3  }
0xb8: {  	[dreg:$0x3] =	wrdreg s5  }
0xb9: {  	[dreg:$0x4] =	wrdreg $0xC0  }
0xba: {  	_ =	task [dreg:s22], $0x5FFFF  }
0xbb: {  	[dreg:$0x1] =	wrdreg $0xFFFFFFFF  }
0xbc: {  	[dreg:$0x0] =	wrdreg $0x60  }
0xbd: {  	[dreg:$0x2] =	wrdreg s24  }
0xbe: {  	[dreg:$0x3] =	wrdreg $0x16F000  }
0xbf: {  	[dreg:$0x4] =	wrdreg $0x120000  }
0xc0: {  	[dreg:$0x5] =	wrdreg $0xA  }
0xc1: {  	_ =	task.clear_ibuf [dreg:s22], $0x6FFFF;
	_ =	strace $0x90000049  }
0xc2: {  	s29 =	simm.s32 $0xA;
	_ =	strace $0x8000004B  }
0xc3: {  	_ =	swait.ge [sflag:s29], $0x1  }
0xc4: {  	[sflag:s29] =	ssyncadd.s32 $0xFFFFFFFF  }
0xc5: {  	_ =	strace $0x9000004B  }
0xc6: {  	_ =	sfence  }
0xc7: {  	s30 =	sld [smem:$0x0];
	_ =	sdelay $0x2  }
0xc8: {  	s31 =	sshll.u32 s1, $0xD;
	s1 =	sshrl.u32 s1, $0x2  }
0xc9: {  	s4 =	sand.u32 $0x4000, s31;
	s1 =	sadd.s32 s1, s30  }
0xca: {  	s0 =	sor.u32 s4, s0;
	s1 =	sshll.u32 s1, $0x11  }
0xcb: {  	s0 =	sor.u32 s1, s0  }
0xcc: {  	s0 =	sadd.s32 $0x8F2B, s0  }
0xcd: {  	[sflag:s0] =	ssyncadd.remote.s32 $0x1  }
0xce: {  	_ =	sfence.sel $0xFFFF  }
0xcf: {  	[dreg:$0x0] =	wrdreg $0xFFFFFFFF;
	(pc) =	sbr.abs _section_cstart, $3  }
0xd0: {  	[dreg:$0x1] =	wrdreg $0xFFFFFFFF  }
0xd1: {  	_ =	task.clear_ibuf [dreg:s22], $0x2FFFF;
	_ =	strace $0x9FFFFFFF  }
0xd2: {  	(tm) =	ssettm $0x7FFFFFFF  }
0xd3: {  	_ =	shalt  }
tec
execute0_lowered:
.L_overlay_start_1:
0x0: {  	(tag) =	ssettag $0x1  }
0x1: {  	s0 =	rddreg [dreg:$0x0]  }
0x2: {  	s2 =	rddreg [dreg:$0x1]  }
0x3: {  	s3 =	rddreg [dreg:$0x2]  }
0x4: {  	s10 =	stileid.u32;
	s5 =	simm.s32 $0x0;
	s4 =	srdreg.scid  }
0x5: {  	s28 =	simm.s32 $0x80;
	s29 =	simm.s32 $0xB000;
	s30 =	simm.s32 $0xC000  }
0x6: {  	s31 =	simm.s32 $0xD000;
	s14 =	simm.s32 $0x6;
	s1 =	smul.u32 $0xA00, s10  }
0x7: {  	[smem:$0x7FF] =	sst s5;
	s6 =	smul.u32 $0x4F00, s10;
	s12 =	sadd.s32 $0x48020, s0  }
0x8: {  	s17 =	sadd.s32 $0x51E20, s0;
	_ =	strace $0x8000004A;
	[dreg:$0x5] =	wrdreg s12  }
0x9: {  	s4 =	sand.u32 $0x1, s4;
	s24 =	sadd.s32 $0x5BC20, s0;
	[dreg:$0x7] =	wrdreg s17  }
0xa: {  	s9 =	smul.u32 $0x13C00, s10;
	s15 =	ssub.s32 $0x2, s4;
	[dreg:$0xf] =	wrdreg s24  }
0xb: {  	p3 =	sne.s32 s4, $0x0;
	s24 =	simm.s32 $0x9;
	s4 =	simm.s32 $0x10000  }
0xc: {  	s12 =	simm.s32 $0x5;
	s17 =	simm.s32 $0x0;
	s1 =	sadd.s32 s1, s0  }
0xd: {  	s7 =	sshrl.u32 s6, $0x3;
	s8 =	sshrl.u32 s15, $0x1;
	s5 =	sadd.s32 s6, s2  }
0xe: {  	s9 =	sshrl.u32 s9, $0x2;
	s13 =	sadd.s32 s6, s3;
	p1 =	seq.s32 @p3 s10, $0xF  }
0xf: {  	p4 =	seq.s32 @!p3 s10, $0xF;
	s6 =	simm.s32 $0x11000;
	s18 =	sadd.s32 $0x21000, s1  }
0x10: {  	s10 =	simm.s32 $0x3;
	s1 =	sadd.s32 $0x17000, s1;
	[dreg:$0x8] =	wrdreg s18  }
0x11: {  	s7 =	sadd.s32 s7, s0;
	s0 =	sadd.s32 $0x65A20, s0;
	[dreg:$0x9] =	wrdreg s1  }
0x12: {  	s8 =	ssub.s32 s15, s8;
	s11 =	sadd.s32 $0x3EC00, s7;
	[dreg:$0x11] =	wrdreg s0  }
0x13: {  	s9 =	sadd.s32 s9, s3;
	s16 =	sadd.s32 $0x48A00, s7;
	[dreg:$0x4] =	wrdreg s11  }
0x14: {  	p0 =	por !p1, !p3;
	s19 =	sadd.s32 $0x1000, s9;
	[dreg:$0x6] =	wrdreg s16  }
0x15: {  	p1 =	por p1, !p3;
	s20 =	sadd.s32 $0x2000, s9;
	[dreg:$0xa] =	wrdreg s19  }
0x16: {  	p2 =	por !p4, p3;
	s21 =	sadd.s32 $0x3000, s9;
	[dreg:$0xb] =	wrdreg s20  }
0x17: {  	p3 =	por p4, p3;
	s22 =	sadd.s32 $0x4000, s9;
	[dreg:$0xc] =	wrdreg s21  }
0x18: {  	s15 =	simm.s32 $0x7;
	s23 =	sadd.s32 $0x52800, s7;
	[dreg:$0xd] =	wrdreg s22  }
0x19: {  	s25 =	sadd.s32 $0x5C600, s7;
	s26 =	smax.u32 s8, $0x1;
	[dreg:$0xe] =	wrdreg s23  }
0x1a: {  	s0 =	simm.s32 $0xE000;
	s8 =	simm.s32 $0x1;
	[dreg:$0x10] =	wrdreg s25  }
0x1b: {  	s9 =	simm.s32 $0x2;
	s11 =	sadd.s32 $0x4A100, s2;
	[dreg:$0x12] =	wrdreg s26  }
0x1c: {  	s26 =	simm.s32 $0xA000;
	s25 =	simm.s32 $0xF000;
	s16 =	simm.s32 $0x8  }
0x1d: {  	v0 =	vimm.f32 $0.0e+00;
	s22 =	smov.u32 s11;
	s23 =	sshrl.u32 @!p0 s11, $0x3;
	s11 =	simm.s32 $0x4  }
.LBB2_1:
0x1e: {  	s1 =	simm.s32 @!p0 $0x1FC9;
	s7 =	rddreg [dreg:$0x5]  }
0x1f: {  	[spmem:s23], [sflag:s1] =	dma.local @!p0 [hbm:s7], $0x820  }
0x20: {  	s19 =	stileid.u32;
	s1 =	simm.s32 @!p0 $0x9  }
0x21: {  	s7 =	sshll.u32 @!p1 s19, $0x6;
	_ =	swait.ge @!p0 [sflag:s1], $0x820  }
0x22: {  	s18 =	sor.u32 @!p1 $0x1C09, s7;
	[sflag:s1] =	ssyncset.done @!p0 $0x0  }
0x23: {  	s7 =	rddreg [dreg:$0x4];
	[sflag:s1] =	ssyncadd.s32 @!p0 $0xFFFFF7E0;
	s1 =	sshrl.u32 @!p1 s5, $0x3  }
0x24: {  	[spmem:s1], [sflag:s18] =	dma.local @!p1 [hbm:s7], $0x9E0  }
0x25: {  	s1 =	simm.s32 @!p1 $0x9  }
0x26: {  	_ =	swait.ge @!p1 [sflag:s1], $0x9E0  }
0x27: {  	s7 =	simm.s32 @!p2 $0x1FC9;
	[sflag:s1] =	ssyncset.done @!p1 $0x0  }
0x28: {  	s20 =	rddreg [dreg:$0x7];
	[sflag:s1] =	ssyncadd.s32 @!p1 $0xFFFFF620;
	s1 =	sshrl.u32 @!p2 s22, $0x3  }
0x29: {  	[spmem:s1], [sflag:s7] =	dma.local @!p2 [hbm:s20], $0x820  }
0x2a: {  	s1 =	simm.s32 @!p2 $0x9  }
0x2b: {  	s7 =	sshll.u32 @!p3 s19, $0x6;
	_ =	swait.ge @!p2 [sflag:s1], $0x820  }
0x2c: {  	s19 =	sor.u32 @!p3 $0x1C09, s7;
	[sflag:s1] =	ssyncset.done @!p2 $0x0  }
0x2d: {  	s7 =	rddreg [dreg:$0x6];
	[sflag:s1] =	ssyncadd.s32 @!p2 $0xFFFFF7E0;
	s1 =	sshrl.u32 @!p3 s5, $0x3  }
0x2e: {  	[spmem:s1], [sflag:s19] =	dma.local @!p3 [hbm:s7], $0x9E0  }
0x2f: {  	s1 =	simm.s32 @!p3 $0x9  }
0x30: {  	_ =	swait.ge @!p3 [sflag:s1], $0x9E0  }
0x31: {  	[sflag:s1] =	ssyncset.done @!p3 $0x0  }
0x32: {  	s21 =	rddreg [dreg:$0x8];
	[sflag:s1] =	ssyncadd.s32 @!p3 $0xFFFFF620;
	s1 =	simm.s32 $0x0  }
0x33: {  	[tilespmem:s1], [sflag:$0x9] =	stream.linear.gather [hbm4b:s21+s1], $0x5000, $0x38;
	[tilespmem:$0x1BE00] =	vst v63  }
0x34: {  	_ =	swait.ge [sflag:s24], $0x5000  }
0x35: {  	[sflag:s24] =	ssyncset.done $0x0  }
0x36: {  	s21 =	simm.s32 $0x5000;
	s20 =	rddreg [dreg:$0x9];
	[sflag:s24] =	ssyncadd.s32 $0xFFFFB000  }
0x37: {  	[tilespmem:s21], [sflag:$0x9] =	stream.linear.gather [hbm4b:s20+s1], $0x5000, $0x38;
	[tilespmem:$0x1BE00] =	vst v63  }
0x38: {  	_ =	swait.ge [sflag:s24], $0x5000  }
0x39: {  	[sflag:s24] =	ssyncset.done $0x0  }
0x3a: {  	s7 =	simm.s32 $0x0;
	s1 =	simm.s32 $0x80;
	[sflag:s24] =	ssyncadd.s32 $0xFFFFB000  }
.LBB2_2:
0x3b: {  	p4 =	sne.s32 s1, $0x3F80;
	[tilespmem:s7+$0xA000] =	vst v0;
	s20 =	smov.u32 s1;
	s1 =	sadd.s32 $0x80, s1  }
.Ltmp0:
0x3c: {  	[tilespmem:s7+$0xA010] =	vst v0;
	(pc) =	sbr.rel @p4 .LBB2_2-.Ltmp0, $2  }
0x3d: {  	_ =	sdelay $0x2  }
0x3e: {  	s7 =	sshra.s32 s20, $0x2  }
0x3f: {  	[tilespmem:s7+$0xA000] =	vst v0  }
0x40: {  	[tilespmem:s7+$0xA010] =	vst v0  }
0x41: {  	[spmem:s13] =	stream.linear.scatter [tilespmem:s26], [sflag:$0x9], $0x1000, $0x38;
	[tilespmem:$0x1BE00] =	vst v63  }
0x42: {  	_ =	swait.ge [sflag:s24], $0x1000  }
0x43: {  	[sflag:s24] =	ssyncset.done $0x0  }
0x44: {  	s1 =	rddreg [dreg:$0xa];
	[sflag:s24] =	ssyncadd.s32 $0xFFFFF000  }
0x45: {  	[spmem:s1] =	stream.linear.scatter [tilespmem:s26], [sflag:$0x9], $0x1000, $0x38;
	[tilespmem:$0x1BE00] =	vst v63  }
0x46: {  	_ =	swait.ge [sflag:s24], $0x1000  }
0x47: {  	[sflag:s24] =	ssyncset.done $0x0  }
0x48: {  	s21 =	rddreg [dreg:$0xb];
	[sflag:s24] =	ssyncadd.s32 $0xFFFFF000  }
0x49: {  	[spmem:s21] =	stream.linear.scatter [tilespmem:s26], [sflag:$0x9], $0x1000, $0x38;
	[tilespmem:$0x1BE00] =	vst v63  }
0x4a: {  	_ =	swait.ge [sflag:s24], $0x1000  }
0x4b: {  	[sflag:s24] =	ssyncset.done $0x0  }
0x4c: {  	s7 =	rddreg [dreg:$0xc];
	[sflag:s24] =	ssyncadd.s32 $0xFFFFF000  }
0x4d: {  	[spmem:s7] =	stream.linear.scatter [tilespmem:s26], [sflag:$0x9], $0x1000, $0x38;
	[tilespmem:$0x1BE00] =	vst v63  }
0x4e: {  	_ =	swait.ge [sflag:s24], $0x1000  }
0x4f: {  	[sflag:s24] =	ssyncset.done $0x0  }
0x50: {  	s20 =	rddreg [dreg:$0xd];
	[sflag:s24] =	ssyncadd.s32 $0xFFFFF000  }
0x51: {  	[spmem:s20] =	stream.linear.scatter [tilespmem:s26], [sflag:$0x9], $0xF00, $0x38;
	[tilespmem:$0x1BE00] =	vst v63  }
0x52: {  	_ =	swait.ge [sflag:s24], $0xF00  }
0x53: {  	[sflag:s24] =	ssyncset.done $0x0  }
0x54: {  	[sflag:s24] =	ssyncadd.s32 $0xFFFFF100  }
0x55: {  	s21 =	simm.s32 $0x0;
	[bflag:$0x0] =	sbarrier.arrive $0xFFFF  }
0x56: {  	[tilespmem:s26], [sflag:$0x1] =	stream.indirect.gather [spmem:s2], $0x20, s21, s28, $0xb8;
	[tilespmem:$0x1BE00] =	vst v63  }
0x57: {  	s7 =	simm.s32 $0x80  }
0x58: {  	[tilespmem:s29], [sflag:$0x2] =	stream.indirect.gather [spmem:s2], $0x20, s7, s28, $0xb8;
	[tilespmem:$0x1BE00] =	vst v63  }
0x59: {  	s20 =	simm.s32 $0x100  }
0x5a: {  	[tilespmem:s30], [sflag:$0x3] =	stream.indirect.gather [spmem:s2], $0x20, s20, s28, $0xb8;
	[tilespmem:$0x1BE00] =	vst v63  }
0x5b: {  	s21 =	simm.s32 $0x180  }
0x5c: {  	[tilespmem:s31], [sflag:$0x4] =	stream.indirect.gather [spmem:s2], $0x20, s21, s28, $0xb8;
	[tilespmem:$0x1BE00] =	vst v63  }
0x5d: {  	s7 =	simm.s32 $0x200  }
0x5e: {  	[tilespmem:s0], [sflag:$0x5] =	stream.indirect.gather [spmem:s2], $0x20, s7, s28, $0xb8;
	[tilespmem:$0x1BE00] =	vst v63  }
0x5f: {  	s20 =	simm.s32 $0x280  }
0x60: {  	[tilespmem:s25], [sflag:$0x6] =	stream.indirect.gather [spmem:s2], $0x20, s20, s28, $0xb8;
	[tilespmem:$0x1BE00] =	vst v63  }
0x61: {  	s21 =	simm.s32 $0x300  }
0x62: {  	[tilespmem:s4], [sflag:$0x7] =	stream.indirect.gather [spmem:s2], $0x20, s21, s28, $0xb8;
	[tilespmem:$0x1BE00] =	vst v63  }
0x63: {  	s7 =	simm.s32 $0x380  }
0x64: {  	[tilespmem:s6], [sflag:$0x8] =	stream.indirect.gather [spmem:s2], $0x20, s7, s28, $0xb8;
	[tilespmem:$0x1BE00] =	vst v63  }
0x65: {  	_ =	swait.ge [sflag:s8], $0x1000  }
0x66: {  	[sflag:s8] =	ssyncset.done $0x0  }
0x67: {  	s20 =	simm.s32 $0x5000;
	[sflag:s8] =	ssyncadd.s32 $0xFFFFF000  }
0x68: {  	[spmem:s3] =	stream.indirect.scatter.add.f32 [tilespmem:s26], [sflag:$0x9], $0x20, s20, s28, $0xb8;
	[tilespmem:$0x1BE00] =	vst v63  }
0x69: {  	_ =	swait.ge [sflag:s24], $0x1000  }
0x6a: {  	[sflag:s24] =	ssyncset.done $0x0  }
0x6b: {  	[sflag:s24] =	ssyncadd.s32 $0xFFFFF000  }
0x6c: {  	_ =	swait.ge [sflag:s9], $0x1000  }
0x6d: {  	[sflag:s9] =	ssyncset.done $0x0  }
0x6e: {  	s21 =	simm.s32 $0x5080;
	[sflag:s9] =	ssyncadd.s32 $0xFFFFF000  }
0x6f: {  	[spmem:s3] =	stream.indirect.scatter.add.f32 [tilespmem:s29], [sflag:$0x9], $0x20, s21, s28, $0xb8;
	[tilespmem:$0x1BE00] =	vst v63  }
0x70: {  	_ =	swait.ge [sflag:s24], $0x1000  }
0x71: {  	[sflag:s24] =	ssyncset.done $0x0  }
0x72: {  	[sflag:s24] =	ssyncadd.s32 $0xFFFFF000  }
0x73: {  	_ =	swait.ge [sflag:s10], $0x1000  }
0x74: {  	[sflag:s10] =	ssyncset.done $0x0  }
0x75: {  	s7 =	simm.s32 $0x5100;
	[sflag:s10] =	ssyncadd.s32 $0xFFFFF000  }
0x76: {  	[spmem:s3] =	stream.indirect.scatter.add.f32 [tilespmem:s30], [sflag:$0x9], $0x20, s7, s28, $0xb8;
	[tilespmem:$0x1BE00] =	vst v63  }
0x77: {  	_ =	swait.ge [sflag:s24], $0x1000  }
0x78: {  	[sflag:s24] =	ssyncset.done $0x0  }
0x79: {  	[sflag:s24] =	ssyncadd.s32 $0xFFFFF000  }
0x7a: {  	_ =	swait.ge [sflag:s11], $0x1000  }
0x7b: {  	[sflag:s11] =	ssyncset.done $0x0  }
0x7c: {  	s20 =	simm.s32 $0x5180;
	[sflag:s11] =	ssyncadd.s32 $0xFFFFF000  }
0x7d: {  	[spmem:s3] =	stream.indirect.scatter.add.f32 [tilespmem:s31], [sflag:$0x9], $0x20, s20, s28, $0xb8;
	[tilespmem:$0x1BE00] =	vst v63  }
0x7e: {  	_ =	swait.ge [sflag:s24], $0x1000  }
0x7f: {  	[sflag:s24] =	ssyncset.done $0x0  }
0x80: {  	[sflag:s24] =	ssyncadd.s32 $0xFFFFF000  }
0x81: {  	_ =	swait.ge [sflag:s12], $0x1000  }
0x82: {  	[sflag:s12] =	ssyncset.done $0x0  }
0x83: {  	s21 =	simm.s32 $0x5200;
	[sflag:s12] =	ssyncadd.s32 $0xFFFFF000  }
0x84: {  	[spmem:s3] =	stream.indirect.scatter.add.f32 [tilespmem:s0], [sflag:$0x9], $0x20, s21, s28, $0xb8;
	[tilespmem:$0x1BE00] =	vst v63  }
0x85: {  	_ =	swait.ge [sflag:s24], $0x1000  }
0x86: {  	[sflag:s24] =	ssyncset.done $0x0  }
0x87: {  	[sflag:s24] =	ssyncadd.s32 $0xFFFFF000  }
0x88: {  	_ =	swait.ge [sflag:s14], $0x1000  }
0x89: {  	[sflag:s14] =	ssyncset.done $0x0  }
0x8a: {  	s7 =	simm.s32 $0x5280;
	[sflag:s14] =	ssyncadd.s32 $0xFFFFF000  }
0x8b: {  	[spmem:s3] =	stream.indirect.scatter.add.f32 [tilespmem:s25], [sflag:$0x9], $0x20, s7, s28, $0xb8;
	[tilespmem:$0x1BE00] =	vst v63  }
0x8c: {  	_ =	swait.ge [sflag:s24], $0x1000  }
0x8d: {  	[sflag:s24] =	ssyncset.done $0x0  }
0x8e: {  	[sflag:s24] =	ssyncadd.s32 $0xFFFFF000  }
0x8f: {  	_ =	swait.ge [sflag:s15], $0x1000  }
0x90: {  	[sflag:s15] =	ssyncset.done $0x0  }
0x91: {  	s20 =	simm.s32 $0x5300;
	[sflag:s15] =	ssyncadd.s32 $0xFFFFF000  }
0x92: {  	[spmem:s3] =	stream.indirect.scatter.add.f32 [tilespmem:s4], [sflag:$0x9], $0x20, s20, s28, $0xb8;
	[tilespmem:$0x1BE00] =	vst v63  }
0x93: {  	_ =	swait.ge [sflag:s24], $0x1000  }
0x94: {  	[sflag:s24] =	ssyncset.done $0x0  }
0x95: {  	[sflag:s24] =	ssyncadd.s32 $0xFFFFF000  }
0x96: {  	_ =	swait.ge [sflag:s16], $0x1000  }
0x97: {  	[sflag:s16] =	ssyncset.done $0x0  }
0x98: {  	s21 =	simm.s32 $0x5380;
	[sflag:s16] =	ssyncadd.s32 $0xFFFFF000  }
0x99: {  	[spmem:s3] =	stream.indirect.scatter.add.f32 [tilespmem:s6], [sflag:$0x9], $0x20, s21, s28, $0xb8;
	[tilespmem:$0x1BE00] =	vst v63  }
0x9a: {  	_ =	swait.ge [sflag:s24], $0x1000  }
0x9b: {  	s1 =	simm.s32 $0x2000;
	s7 =	simm.s32 $0x1000;
	[sflag:s24] =	ssyncset.done $0x0  }
.LBB2_4:
0x9c: {  	s20 =	sshra.s32 s7, $0x2  }
0x9d: {  	[sflag:s24] =	ssyncadd.s32 $0xFFFFF000;
	s7 =	smov.u32 s1;
	s21 =	sadd.s32 $0x1000, s1  }
0x9e: {  	[tilespmem:s26], [sflag:$0x1] =	stream.indirect.gather [spmem:s2], $0x20, s20, s28, $0xb8;
	[tilespmem:$0x1BE00] =	vst v63  }
0x9f: {  	p4 =	sne.s32 s1, $0x13000;
	s1 =	sadd.s32 $0x80, s20  }
0xa0: {  	[tilespmem:s29], [sflag:$0x2] =	stream.indirect.gather [spmem:s2], $0x20, s1, s28, $0xb8;
	[tilespmem:$0x1BE00] =	vst v63  }
0xa1: {  	s1 =	sadd.s32 $0x100, s20  }
0xa2: {  	[tilespmem:s30], [sflag:$0x3] =	stream.indirect.gather [spmem:s2], $0x20, s1, s28, $0xb8;
	[tilespmem:$0x1BE00] =	vst v63  }
0xa3: {  	s1 =	sadd.s32 $0x180, s20  }
0xa4: {  	[tilespmem:s31], [sflag:$0x4] =	stream.indirect.gather [spmem:s2], $0x20, s1, s28, $0xb8;
	[tilespmem:$0x1BE00] =	vst v63  }
0xa5: {  	s1 =	sadd.s32 $0x200, s20  }
0xa6: {  	[tilespmem:s0], [sflag:$0x5] =	stream.indirect.gather [spmem:s2], $0x20, s1, s28, $0xb8;
	[tilespmem:$0x1BE00] =	vst v63  }
0xa7: {  	s1 =	sadd.s32 $0x280, s20  }
0xa8: {  	[tilespmem:s25], [sflag:$0x6] =	stream.indirect.gather [spmem:s2], $0x20, s1, s28, $0xb8;
	[tilespmem:$0x1BE00] =	vst v63  }
0xa9: {  	s1 =	sadd.s32 $0x300, s20  }
0xaa: {  	[tilespmem:s4], [sflag:$0x7] =	stream.indirect.gather [spmem:s2], $0x20, s1, s28, $0xb8;
	[tilespmem:$0x1BE00] =	vst v63  }
0xab: {  	s1 =	sadd.s32 $0x380, s20  }
0xac: {  	[tilespmem:s6], [sflag:$0x8] =	stream.indirect.gather [spmem:s2], $0x20, s1, s28, $0xb8;
	[tilespmem:$0x1BE00] =	vst v63  }
0xad: {  	_ =	swait.ge [sflag:s8], $0x1000  }
0xae: {  	[sflag:s8] =	ssyncset.done $0x0  }
0xaf: {  	s1 =	sadd.s32 $0x5000, s20;
	[sflag:s8] =	ssyncadd.s32 $0xFFFFF000  }
0xb0: {  	[spmem:s3] =	stream.indirect.scatter.add.f32 [tilespmem:s26], [sflag:$0x9], $0x20, s1, s28, $0xb8;
	[tilespmem:$0x1BE00] =	vst v63  }
0xb1: {  	_ =	swait.ge [sflag:s24], $0x1000  }
0xb2: {  	[sflag:s24] =	ssyncset.done $0x0  }
0xb3: {  	[sflag:s24] =	ssyncadd.s32 $0xFFFFF000  }
0xb4: {  	_ =	swait.ge [sflag:s9], $0x1000  }
0xb5: {  	[sflag:s9] =	ssyncset.done $0x0  }
0xb6: {  	s1 =	sadd.s32 $0x5080, s20;
	[sflag:s9] =	ssyncadd.s32 $0xFFFFF000  }
0xb7: {  	[spmem:s3] =	stream.indirect.scatter.add.f32 [tilespmem:s29], [sflag:$0x9], $0x20, s1, s28, $0xb8;
	[tilespmem:$0x1BE00] =	vst v63  }
0xb8: {  	_ =	swait.ge [sflag:s24], $0x1000  }
0xb9: {  	[sflag:s24] =	ssyncset.done $0x0  }
0xba: {  	[sflag:s24] =	ssyncadd.s32 $0xFFFFF000  }
0xbb: {  	_ =	swait.ge [sflag:s10], $0x1000  }
0xbc: {  	[sflag:s10] =	ssyncset.done $0x0  }
0xbd: {  	s1 =	sadd.s32 $0x5100, s20;
	[sflag:s10] =	ssyncadd.s32 $0xFFFFF000  }
0xbe: {  	[spmem:s3] =	stream.indirect.scatter.add.f32 [tilespmem:s30], [sflag:$0x9], $0x20, s1, s28, $0xb8;
	[tilespmem:$0x1BE00] =	vst v63  }
0xbf: {  	_ =	swait.ge [sflag:s24], $0x1000  }
0xc0: {  	[sflag:s24] =	ssyncset.done $0x0  }
0xc1: {  	[sflag:s24] =	ssyncadd.s32 $0xFFFFF000  }
0xc2: {  	_ =	swait.ge [sflag:s11], $0x1000  }
0xc3: {  	[sflag:s11] =	ssyncset.done $0x0  }
0xc4: {  	s1 =	sadd.s32 $0x5180, s20;
	[sflag:s11] =	ssyncadd.s32 $0xFFFFF000  }
0xc5: {  	[spmem:s3] =	stream.indirect.scatter.add.f32 [tilespmem:s31], [sflag:$0x9], $0x20, s1, s28, $0xb8;
	[tilespmem:$0x1BE00] =	vst v63  }
0xc6: {  	_ =	swait.ge [sflag:s24], $0x1000  }
0xc7: {  	[sflag:s24] =	ssyncset.done $0x0  }
0xc8: {  	[sflag:s24] =	ssyncadd.s32 $0xFFFFF000  }
0xc9: {  	_ =	swait.ge [sflag:s12], $0x1000  }
0xca: {  	[sflag:s12] =	ssyncset.done $0x0  }
0xcb: {  	s1 =	sadd.s32 $0x5200, s20;
	[sflag:s12] =	ssyncadd.s32 $0xFFFFF000  }
0xcc: {  	[spmem:s3] =	stream.indirect.scatter.add.f32 [tilespmem:s0], [sflag:$0x9], $0x20, s1, s28, $0xb8;
	[tilespmem:$0x1BE00] =	vst v63  }
0xcd: {  	_ =	swait.ge [sflag:s24], $0x1000  }
0xce: {  	[sflag:s24] =	ssyncset.done $0x0  }
0xcf: {  	[sflag:s24] =	ssyncadd.s32 $0xFFFFF000  }
0xd0: {  	_ =	swait.ge [sflag:s14], $0x1000  }
0xd1: {  	[sflag:s14] =	ssyncset.done $0x0  }
0xd2: {  	s1 =	sadd.s32 $0x5280, s20;
	[sflag:s14] =	ssyncadd.s32 $0xFFFFF000  }
0xd3: {  	[spmem:s3] =	stream.indirect.scatter.add.f32 [tilespmem:s25], [sflag:$0x9], $0x20, s1, s28, $0xb8;
	[tilespmem:$0x1BE00] =	vst v63  }
0xd4: {  	_ =	swait.ge [sflag:s24], $0x1000  }
0xd5: {  	[sflag:s24] =	ssyncset.done $0x0  }
0xd6: {  	[sflag:s24] =	ssyncadd.s32 $0xFFFFF000  }
0xd7: {  	_ =	swait.ge [sflag:s15], $0x1000  }
0xd8: {  	[sflag:s15] =	ssyncset.done $0x0  }
0xd9: {  	s1 =	sadd.s32 $0x5300, s20;
	[sflag:s15] =	ssyncadd.s32 $0xFFFFF000  }
0xda: {  	[spmem:s3] =	stream.indirect.scatter.add.f32 [tilespmem:s4], [sflag:$0x9], $0x20, s1, s28, $0xb8;
	[tilespmem:$0x1BE00] =	vst v63  }
0xdb: {  	_ =	swait.ge [sflag:s24], $0x1000  }
0xdc: {  	[sflag:s24] =	ssyncset.done $0x0  }
0xdd: {  	[sflag:s24] =	ssyncadd.s32 $0xFFFFF000  }
0xde: {  	_ =	swait.ge [sflag:s16], $0x1000  }
.Ltmp1:
0xdf: {  	[sflag:s16] =	ssyncset.done $0x0;
	(pc) =	sbr.rel @p4 .LBB2_4-.Ltmp1, $4  }
0xe0: {  	s1 =	sadd.s32 $0x5380, s20;
	[sflag:s16] =	ssyncadd.s32 $0xFFFFF000  }
0xe1: {  	[spmem:s3] =	stream.indirect.scatter.add.f32 [tilespmem:s6], [sflag:$0x9], $0x20, s1, s28, $0xb8;
	[tilespmem:$0x1BE00] =	vst v63  }
0xe2: {  	_ =	swait.ge [sflag:s24], $0x1000  }
0xe3: {  	s1 =	smov.u32 s21;
	[sflag:s24] =	ssyncset.done $0x0  }
0xe4: {  	s1 =	sshra.s32 s7, $0x2;
	[sflag:s24] =	ssyncadd.s32 $0xFFFFF000  }
0xe5: {  	[tilespmem:s26], [sflag:$0x1] =	stream.indirect.gather [spmem:s2], $0x20, s1, s28, $0xb8;
	[tilespmem:$0x1BE00] =	vst v63  }
0xe6: {  	s7 =	sadd.s32 $0x80, s1  }
0xe7: {  	[tilespmem:s29], [sflag:$0x2] =	stream.indirect.gather [spmem:s2], $0x20, s7, s28, $0xb8;
	[tilespmem:$0x1BE00] =	vst v63  }
0xe8: {  	s20 =	sadd.s32 $0x100, s1  }
0xe9: {  	[tilespmem:s30], [sflag:$0x3] =	stream.indirect.gather [spmem:s2], $0x20, s20, s28, $0xb8;
	[tilespmem:$0x1BE00] =	vst v63  }
0xea: {  	s21 =	sadd.s32 $0x180, s1  }
0xeb: {  	[tilespmem:s31], [sflag:$0x4] =	stream.indirect.gather [spmem:s2], $0x20, s21, s28, $0xb8;
	[tilespmem:$0x1BE00] =	vst v63  }
0xec: {  	s20 =	sadd.s32 $0x200, s1  }
0xed: {  	[tilespmem:s0], [sflag:$0x5] =	stream.indirect.gather [spmem:s2], $0x20, s20, s28, $0xb8;
	[tilespmem:$0x1BE00] =	vst v63  }
0xee: {  	s21 =	sadd.s32 $0x280, s1  }
0xef: {  	[tilespmem:s25], [sflag:$0x6] =	stream.indirect.gather [spmem:s2], $0x20, s21, s28, $0xb8;
	[tilespmem:$0x1BE00] =	vst v63  }
0xf0: {  	s20 =	sadd.s32 $0x300, s1  }
0xf1: {  	[tilespmem:s4], [sflag:$0x7] =	stream.indirect.gather [spmem:s2], $0x20, s20, s28, $0xb8;
	[tilespmem:$0x1BE00] =	vst v63  }
0xf2: {  	s21 =	sadd.s32 $0x380, s1  }
0xf3: {  	[tilespmem:s6], [sflag:$0x8] =	stream.indirect.gather [spmem:s2], $0x20, s21, s28, $0xb8;
	[tilespmem:$0x1BE00] =	vst v63  }
0xf4: {  	_ =	swait.ge [sflag:s8], $0x1000  }
0xf5: {  	[sflag:s8] =	ssyncset.done $0x0  }
0xf6: {  	s20 =	sadd.s32 $0x5000, s1;
	[sflag:s8] =	ssyncadd.s32 $0xFFFFF000  }
0xf7: {  	[spmem:s3] =	stream.indirect.scatter.add.f32 [tilespmem:s26], [sflag:$0x9], $0x20, s20, s28, $0xb8;
	[tilespmem:$0x1BE00] =	vst v63  }
0xf8: {  	_ =	swait.ge [sflag:s24], $0x1000  }
0xf9: {  	[sflag:s24] =	ssyncset.done $0x0  }
0xfa: {  	[sflag:s24] =	ssyncadd.s32 $0xFFFFF000  }
0xfb: {  	_ =	swait.ge [sflag:s9], $0x1000  }
0xfc: {  	[sflag:s9] =	ssyncset.done $0x0  }
0xfd: {  	s21 =	sadd.s32 $0x5080, s1;
	[sflag:s9] =	ssyncadd.s32 $0xFFFFF000  }
0xfe: {  	[spmem:s3] =	stream.indirect.scatter.add.f32 [tilespmem:s29], [sflag:$0x9], $0x20, s21, s28, $0xb8;
	[tilespmem:$0x1BE00] =	vst v63  }
0xff: {  	_ =	swait.ge [sflag:s24], $0x1000  }
0x100: {  	[sflag:s24] =	ssyncset.done $0x0  }
0x101: {  	[sflag:s24] =	ssyncadd.s32 $0xFFFFF000  }
0x102: {  	_ =	swait.ge [sflag:s10], $0x1000  }
0x103: {  	[sflag:s10] =	ssyncset.done $0x0  }
0x104: {  	s20 =	sadd.s32 $0x5100, s1;
	[sflag:s10] =	ssyncadd.s32 $0xFFFFF000  }
0x105: {  	[spmem:s3] =	stream.indirect.scatter.add.f32 [tilespmem:s30], [sflag:$0x9], $0x20, s20, s28, $0xb8;
	[tilespmem:$0x1BE00] =	vst v63  }
0x106: {  	_ =	swait.ge [sflag:s24], $0x1000  }
0x107: {  	[sflag:s24] =	ssyncset.done $0x0  }
0x108: {  	[sflag:s24] =	ssyncadd.s32 $0xFFFFF000  }
0x109: {  	_ =	swait.ge [sflag:s11], $0x1000  }
0x10a: {  	[sflag:s11] =	ssyncset.done $0x0  }
0x10b: {  	s21 =	sadd.s32 $0x5180, s1;
	[sflag:s11] =	ssyncadd.s32 $0xFFFFF000  }
0x10c: {  	[spmem:s3] =	stream.indirect.scatter.add.f32 [tilespmem:s31], [sflag:$0x9], $0x20, s21, s28, $0xb8;
	[tilespmem:$0x1BE00] =	vst v63  }
0x10d: {  	_ =	swait.ge [sflag:s24], $0x1000  }
0x10e: {  	[sflag:s24] =	ssyncset.done $0x0  }
0x10f: {  	[sflag:s24] =	ssyncadd.s32 $0xFFFFF000  }
0x110: {  	_ =	swait.ge [sflag:s12], $0x1000  }
0x111: {  	[sflag:s12] =	ssyncset.done $0x0  }
0x112: {  	s20 =	sadd.s32 $0x5200, s1;
	[sflag:s12] =	ssyncadd.s32 $0xFFFFF000  }
0x113: {  	[spmem:s3] =	stream.indirect.scatter.add.f32 [tilespmem:s0], [sflag:$0x9], $0x20, s20, s28, $0xb8;
	[tilespmem:$0x1BE00] =	vst v63  }
0x114: {  	_ =	swait.ge [sflag:s24], $0x1000  }
0x115: {  	[sflag:s24] =	ssyncset.done $0x0  }
0x116: {  	[sflag:s24] =	ssyncadd.s32 $0xFFFFF000  }
0x117: {  	_ =	swait.ge [sflag:s14], $0x1000  }
0x118: {  	[sflag:s14] =	ssyncset.done $0x0  }
0x119: {  	s21 =	sadd.s32 $0x5280, s1;
	[sflag:s14] =	ssyncadd.s32 $0xFFFFF000  }
0x11a: {  	[spmem:s3] =	stream.indirect.scatter.add.f32 [tilespmem:s25], [sflag:$0x9], $0x20, s21, s28, $0xb8;
	[tilespmem:$0x1BE00] =	vst v63  }
0x11b: {  	_ =	swait.ge [sflag:s24], $0x1000  }
0x11c: {  	[sflag:s24] =	ssyncset.done $0x0  }
0x11d: {  	[sflag:s24] =	ssyncadd.s32 $0xFFFFF000  }
0x11e: {  	_ =	swait.ge [sflag:s15], $0x1000  }
0x11f: {  	[sflag:s15] =	ssyncset.done $0x0  }
0x120: {  	s20 =	sadd.s32 $0x5300, s1;
	[sflag:s15] =	ssyncadd.s32 $0xFFFFF000  }
0x121: {  	[spmem:s3] =	stream.indirect.scatter.add.f32 [tilespmem:s4], [sflag:$0x9], $0x20, s20, s28, $0xb8;
	[tilespmem:$0x1BE00] =	vst v63  }
0x122: {  	_ =	swait.ge [sflag:s24], $0x1000  }
0x123: {  	[sflag:s24] =	ssyncset.done $0x0  }
0x124: {  	[sflag:s24] =	ssyncadd.s32 $0xFFFFF000  }
0x125: {  	_ =	swait.ge [sflag:s16], $0x1000  }
0x126: {  	[sflag:s16] =	ssyncset.done $0x0  }
0x127: {  	s1 =	sadd.s32 $0x5380, s1;
	[sflag:s16] =	ssyncadd.s32 $0xFFFFF000  }
0x128: {  	[spmem:s3] =	stream.indirect.scatter.add.f32 [tilespmem:s6], [sflag:$0x9], $0x20, s1, s28, $0xb8;
	[tilespmem:$0x1BE00] =	vst v63  }
0x129: {  	_ =	swait.ge [sflag:s24], $0x1000  }
0x12a: {  	[sflag:s24] =	ssyncset.done $0x0  }
0x12b: {  	[sflag:s24] =	ssyncadd.s32 $0xFFFFF000  }
0x12c: {  	[bflag:$0x0] =	sbarrier.arrive $0xFFFF  }
0x12d: {  	s7 =	simm.s32 @!p0 $0x1FC9;
	s1 =	sshrl.u32 @!p0 s13, $0x3;
	s20 =	rddreg [dreg:$0xf]  }
0x12e: {  	[hbm:s20], [sflag:s7] =	dma.local @!p0 [spmem:s1], $0x820  }
0x12f: {  	s1 =	simm.s32 @!p0 $0x9  }
0x130: {  	_ =	swait.ge @!p0 [sflag:s1], $0x820  }
0x131: {  	[sflag:s1] =	ssyncset.done @!p0 $0x0  }
0x132: {  	s7 =	rddreg [dreg:$0xe];
	[sflag:s1] =	ssyncadd.s32 @!p0 $0xFFFFF7E0;
	s1 =	sshrl.u32 @!p1 s13, $0x3  }
0x133: {  	[hbm:s7], [sflag:s18] =	dma.local @!p1 [spmem:s1], $0x9E0  }
0x134: {  	s1 =	simm.s32 @!p1 $0x9  }
0x135: {  	_ =	swait.ge @!p1 [sflag:s1], $0x9E0  }
0x136: {  	s7 =	simm.s32 @!p2 $0x1FC9;
	[sflag:s1] =	ssyncset.done @!p1 $0x0  }
0x137: {  	s18 =	rddreg [dreg:$0x11];
	[sflag:s1] =	ssyncadd.s32 @!p1 $0xFFFFF620;
	s1 =	sshrl.u32 @!p2 s13, $0x3  }
0x138: {  	[hbm:s18], [sflag:s7] =	dma.local @!p2 [spmem:s1], $0x820  }
0x139: {  	s1 =	simm.s32 @!p2 $0x9  }
0x13a: {  	_ =	swait.ge @!p2 [sflag:s1], $0x820  }
0x13b: {  	[sflag:s1] =	ssyncset.done @!p2 $0x0  }
0x13c: {  	s7 =	rddreg [dreg:$0x10];
	[sflag:s1] =	ssyncadd.s32 @!p2 $0xFFFFF7E0;
	s1 =	sshrl.u32 @!p3 s13, $0x3  }
0x13d: {  	[hbm:s7], [sflag:s19] =	dma.local @!p3 [spmem:s1], $0x9E0  }
0x13e: {  	s1 =	simm.s32 @!p3 $0x9  }
0x13f: {  	_ =	swait.ge @!p3 [sflag:s1], $0x9E0  }
0x140: {  	s17 =	sadd.s32 $0x1, s17;
	s21 =	rddreg [dreg:$0x12]  }
0x141: {  	p4 =	sne.s32 s17, s21  }
.Ltmp2:
0x142: {  	_ = 	snop;
	(pc) =	sbr.rel @p4 .LBB2_1-.Ltmp2, $3  }
0x143: {  	_ =	sdelay $0x1  }
0x144: {  	[sflag:s1] =	ssyncset.done @!p3 $0x0  }
0x145: {  	[sflag:s1] =	ssyncadd.s32 @!p3 $0xFFFFF620  }
0x146: {  	_ =	sfence.sel $0x180000  }
0x147: {  	[bflag:$0x0] =	sbarrier.arrive $0xFFFF  }
0x148: {  	_ =	strace $0x9000004A  }
0x149: {  	s0 =	stileid.u32;
	[bflag:$0x2] =	sbarrier.arrive $0xFFFF  }
0x14a: {  	p0 =	sne.s32 s0, $0x0;
	s0 =	rddreg [dreg:$0x3]  }
0x14b: {  	s0 =	sadd.s32 @!p0 $0x100000, s0  }
0x14c: {  	[sflag:s0] =	ssyncadd.tile.s32 @!p0 $0x1;
	_ =	shalt  }
.Lfunc_end2:
_tile_overlayer_lowered:
.L_overlay_start_2:
0x14d: {  	(tag) =	ssettag $0x2  }
0x14e: {  	s0 =	rddreg [dreg:$0x0];
	s2 =	stileid.u32  }
0x14f: {  	s1 =	rddreg [dreg:$0x1];
	p0 =	sne.s32 s2, $0x0  }
0x150: {  	s3 =	rddreg [dreg:$0x2];
	[bflag:$0x3] =	sbarrier.arrive $0xFFFF;
	s2 =	simm.s32 @!p0 $0x1C09  }
0x151: {  	[timem:s3], [sflag:s2] =	dma.local @!p0 [hbm:s0], s1  }
0x152: {  	s0 =	simm.s32 @!p0 $0x9  }
0x153: {  	_ =	swait.ge @!p0 [sflag:s0], s1  }
0x154: {  	s1 =	ssub.s32 @!p0 $0x0, s1;
	[sflag:s0] =	ssyncset.done @!p0 $0x0  }
0x155: {  	[sflag:s0] =	ssyncadd.s32 @!p0 s1  }
0x156: {  	[bflag:$0x3] =	sbarrier.arrive $0xFFFF  }
0x157: {  	_ =	shalt  }

// kernel: kernel.14.cloned.1.call-start
scs
__scs_entry_jumppad:
0x0: {  	(pc) =	sbr.rel $0x88, $3  }
0x1: {  	(tag) =	ssettag $0x0;
	lr =	simm.s32 $0x1  }
0x2: {  	[smem:$0x3F97] =	sst lr;
	_ =	strace $0xD0000000  }
0x3: {  	_ = 	snop  }
0x4: {  	_ = 	snop  }
0x5: {  	_ = 	snop  }
0x6: {  	_ = 	snop  }
0x7: {  	_ = 	snop  }
__scs_overlays_trampoline_lowered:
0x8: {  	[smem:$0x3FA6] =	sst s0  }
0x9: {  	[smem:$0x3FA7] =	sst s1  }
0xa: {  	[smem:$0x3FA8] =	sst s2  }
0xb: {  	[smem:$0x3FA9] =	sst s3  }
0xc: {  	[smem:$0x3FAA] =	sst s4  }
0xd: {  	[smem:$0x3FAB] =	sst s5  }
0xe: {  	[smem:$0x3FAC] =	sst s6  }
0xf: {  	[smem:$0x3FAD] =	sst s7  }
0x10: {  	[smem:$0x3FAE] =	sst s8  }
0x11: {  	[smem:$0x3FAF] =	sst s9;
	s0 =	simm.s32 @!p0 $0x0  }
0x12: {  	s1 =	sld [smem:$0x3F95];
	s0 =	simm.s32 @p0 $0x1  }
0x13: {  	[smem:$0x3FB0] =	sst s0;
	s0 =	simm.s32 @!p1 $0x0  }
0x14: {  	s2 =	sld [smem:$0x3F94];
	s0 =	simm.s32 @p1 $0x1  }
0x15: {  	[smem:$0x3FB1] =	sst s0;
	s0 =	simm.s32 @!p2 $0x0  }
0x16: {  	s3 =	sld [smem:$0x3FDB];
	s0 =	simm.s32 @p2 $0x1  }
0x17: {  	s4 =	simm.s32 $0x1BF5;
	[smem:$0x3FB3] =	sst s0  }
0x18: {  	s0 =	sld [smem:$0x3F96];
	_ =	swait.ge [sflag:s4], $0x0  }
0x19: {  	s7 =	sld [smem:$0x3F97]  }
0x1a: {  	s8 =	sadd.s32 $0xFFFFE003, lr  }
0x1b: {  	s9 =	sadd.s32 $0xFFFFFEF7, lr;
	s5 =	simm.s32 $0xFFFFFFFF;
	p2 =	slt.u32 s8, $0xFFFFF086  }
0x1c: {  	p1 =	slt.u32 s9, $0xF7A;
	s5 =	simm.s32 @!p2 $0x0  }
0x1d: {  	s5 =	simm.s32 @p1 $0x1;
	p0 =	seq.s32 s7, s2  }
0x1e: {  	s7 =	smul.u32 @!p0 $0xF7A, s2;
	p2 =	seq.s32 @!p0 s5, $0x0  }
0x1f: {  	s9 =	smul.u32 $0xF7A, s1;
	s8 =	simm.s32 @!p0 $0x1BF5;
	p2 =	por !p2, p0  }
0x20: {  	[sflag:s8] =	ssyncset.s32 @!p0 $0xFFFFF086;
	s6 =	sadd.s32 @!p0 s3, s7;
	s7 =	simm.s32 @!p0 $0x108  }
0x21: {  	s3 =	sadd.s32 s3, s9;
	s6 =	sadd.s32 @!p0 $0x88, s6;
	s7 =	simm.s32 @p2 $0x1082  }
0x22: {  	[simem:s7], [sflag:s8] =	dma.local @!p0 [hbm:s6], $0xF7A  }
0x23: {  	s9 =	sor.u32 $0xD0000000, s2;
	s6 =	simm.s32 $0x108;
	_ =	swait.ge @!p0 [sflag:s8], $0x0  }
0x24: {  	s3 =	sadd.s32 $0x88, s3;
	s6 =	simm.s32 @!p1 $0x1082;
	[sflag:s4] =	ssyncset.s32 $0xFFFFF086  }
0x25: {  	[simem:s6], [sflag:s4] =	dma.local [hbm:s3], $0xF7A  }
0x26: {  	[smem:$0x3F97] =	sst s1;
	(tag) =	ssettag s2;
	_ =	strace s9  }
0x27: {  	s1 =	sld [smem:$0x3FA7]  }
0x28: {  	s2 =	sld [smem:$0x3FA8]  }
0x29: {  	s4 =	sld [smem:$0x3FAA]  }
0x2a: {  	p0 =	seq.s32 s5, $0x0;
	s5 =	sld [smem:$0x3FAB]  }
0x2b: {  	s6 =	sld [smem:$0x3FAC]  }
0x2c: {  	s7 =	sld [smem:$0x3FAD]  }
0x2d: {  	s3 =	simm.s32 $0x108;
	s8 =	sld [smem:$0x3FAE]  }
0x2e: {  	s3 =	simm.s32 @!p0 $0x1082;
	s9 =	sld [smem:$0x3FAF]  }
0x2f: {  	lr =	sadd.s32 s0, s3;
	s0 =	sld [smem:$0x3FA6]  }
0x30: {  	s3 =	sld [smem:$0x3FA9]  }
0x31: {  	[smem:$0x3FB2] =	sst s10  }
0x32: {  	s10 =	sld [smem:$0x3FB0];
	_ =	sdelay $0x3  }
0x33: {  	p0 =	seq.s32 s10, $0x1;
	s10 =	sld [smem:$0x3FB2];
	_ =	sdelay $0x3  }
0x34: {  	[smem:$0x3FB2] =	sst s10  }
0x35: {  	s10 =	sld [smem:$0x3FB1];
	_ =	sdelay $0x3  }
0x36: {  	p1 =	seq.s32 s10, $0x1;
	s10 =	sld [smem:$0x3FB2];
	_ =	sdelay $0x3  }
0x37: {  	[smem:$0x3FB2] =	sst s10  }
0x38: {  	s10 =	sld [smem:$0x3FB3]  }
0x39: {  	_ = 	snop;
	(pc) =	sbr.ind lr, $3  }
0x3a: {  	_ = 	snop  }
0x3b: {  	_ = 	snop  }
0x3c: {  	p2 =	seq.s32 s10, $0x1;
	s10 =	sld [smem:$0x3FB2]  }
0x3d: {  	_ =	shalt  }
0x3e: {  	_ =	shalt  }
0x3f: {  	_ =	shalt  }
0x40: {  	_ =	shalt  }
0x41: {  	_ =	shalt  }
0x42: {  	_ =	shalt  }
0x43: {  	_ =	shalt  }
0x44: {  	_ =	shalt  }
0x45: {  	_ =	shalt  }
0x46: {  	_ =	shalt  }
0x47: {  	_ =	shalt  }
0x48: {  	_ =	shalt  }
0x49: {  	_ =	shalt  }
0x4a: {  	_ =	shalt  }
0x4b: {  	_ =	shalt  }
0x4c: {  	_ =	shalt  }
0x4d: {  	_ =	shalt  }
0x4e: {  	_ =	shalt  }
0x4f: {  	_ =	shalt  }
0x50: {  	_ =	shalt  }
0x51: {  	_ =	shalt  }
0x52: {  	_ =	shalt  }
0x53: {  	_ =	shalt  }
0x54: {  	_ =	shalt  }
0x55: {  	_ =	shalt  }
0x56: {  	_ =	shalt  }
0x57: {  	_ =	shalt  }
0x58: {  	_ =	shalt  }
0x59: {  	_ =	shalt  }
0x5a: {  	_ =	shalt  }
0x5b: {  	_ =	shalt  }
0x5c: {  	_ =	shalt  }
0x5d: {  	_ =	shalt  }
0x5e: {  	_ =	shalt  }
0x5f: {  	_ =	shalt  }
0x60: {  	_ =	shalt  }
0x61: {  	_ =	shalt  }
0x62: {  	_ =	shalt  }
0x63: {  	_ =	shalt  }
0x64: {  	_ =	shalt  }
0x65: {  	_ =	shalt  }
0x66: {  	_ =	shalt  }
0x67: {  	_ =	shalt  }
0x68: {  	_ =	shalt  }
0x69: {  	_ =	shalt  }
0x6a: {  	_ =	shalt  }
0x6b: {  	_ =	shalt  }
0x6c: {  	_ =	shalt  }
0x6d: {  	_ =	shalt  }
0x6e: {  	_ =	shalt  }
0x6f: {  	_ =	shalt  }
0x70: {  	_ =	shalt  }
0x71: {  	_ =	shalt  }
0x72: {  	_ =	shalt  }
0x73: {  	_ =	shalt  }
0x74: {  	_ =	shalt  }
0x75: {  	_ =	shalt  }
0x76: {  	_ =	shalt  }
0x77: {  	_ =	shalt  }
0x78: {  	_ =	shalt  }
0x79: {  	_ =	shalt  }
0x7a: {  	_ =	shalt  }
0x7b: {  	_ =	shalt  }
0x7c: {  	_ =	shalt  }
0x7d: {  	_ =	shalt  }
0x7e: {  	_ =	shalt  }
0x7f: {  	_ =	shalt  }
0x80: {  	_ =	shalt  }
0x81: {  	_ =	shalt  }
0x82: {  	_ =	shalt  }
0x83: {  	_ =	shalt  }
0x84: {  	_ =	shalt  }
0x85: {  	_ =	shalt  }
0x86: {  	_ =	shalt  }
0x87: {  	_ =	shalt  }
.Lfunc_end0:
.L_simem_size_0:
called_computation.2_lowered:
.L_overlay_start_0:
0x88: {  	s2 =	sld [smem:$0x3FD9]  }
0x89: {  	s3 =	sld [smem:$0x3FFE];
	_ =	sdelay $0x1  }
0x8a: {  	s1 =	srdreg.scid  }
0x8b: {  	s0 =	sand.u32 $0x1, s1  }
0x8c: {  	s16 =	sshll.u32 s0, $0xA;
	s2 =	sadd.s32 s3, s2  }
0x8d: {  	s2 =	sadd.s32 s2, s16  }
0x8e: {  	[smem:$0x3FBE] =	sst s2  }
0x8f: {  	_ = 	snop  }
0x90: {  	(tm) =	ssettm $0x1  }
0x91: {  	s17 =	sld [smem:$0x3FFB];
	_ =	sdelay $0x3  }
0x92: {  	_ =	strace s17  }
0x93: {  	s2 =	sld [smem:$0x3FFC];
	_ =	sdelay $0x3  }
0x94: {  	_ =	strace s2  }
0x95: {  	s2 =	sld [smem:$0x3FFD];
	_ =	sdelay $0x3  }
0x96: {  	_ =	strace s2  }
0x97: {  	_ =	strace $0x8FFFFFFF  }
0x98: {  	s18 =	sld [smem:$0x3FDB];
	_ =	sdelay $0x1  }
0x99: {  	s19 =	simm.s32 $_scs_section_size  }
0x9a: {  	s4 =	simm.s32 $_size__tile_overlayer_lowered;
	s5 =	simm.s32 $_tile_overlayer_lowered  }
0x9b: {  	s22 =	simm.s32 $0x1BFF;
	s21 =	sshll.u32 s5, $0x1;
	s2 =	sadd.s32 s19, s18  }
0x9c: {  	s6 =	simm.s32 $0x0;
	s20 =	sshll.u32 s4, $0x1;
	s4 =	sadd.s32 s21, s2  }
0x9d: {  	[timem:s6], [sflag:s22] =	dma.local [hbm:s4], s20  }
0x9e: {  	_ =	swait.ge [sflag:s22], s20  }
0x9f: {  	s3 =	ssub.s32 $0x0, s20;
	[sflag:s22] =	ssyncset.done $0x0  }
0xa0: {  	[sflag:s22] =	ssyncadd.s32 s3;
	_ =	sdelay $0x1  }
0xa1: {  	s23 =	simm.s32 $0x1B8B  }
0xa2: {  	_ =	swait.ge [sflag:s23], $0x1  }
0xa3: {  	[sflag:s23] =	ssyncset.done $0x0  }
0xa4: {  	s25 =	simm.s32 $0x1B8E;
	s24 =	sld [smem:$0x3FFE];
	[sflag:s23] =	ssyncadd.s32 $0xFFFFFFFF  }
0xa5: {  	s26 =	simm.s32 $execute0_lowered;
	[smem:$0x3FD2] =	sst s25  }
0xa6: {  	s4 =	sshll.u32 s26, $0x1;
	_ =	strace $0x80000046;
	[dreg:$0x1] =	wrdreg $0xFFFFFFFF  }
0xa7: {  	s28 =	simm.s32 $_size_execute0_lowered;
	s2 =	sadd.s32 s2, s4;
	[dreg:$0x0] =	wrdreg $0x0  }
0xa8: {  	s4 =	sshll.u32 s28, $0x1;
	[dreg:$0x2] =	wrdreg s2  }
0xa9: {  	[dreg:$0x3] =	wrdreg s4  }
0xaa: {  	[dreg:$0x4] =	wrdreg $0xC0  }
0xab: {  	_ =	task [dreg:s6], $0x5FFFF  }
0xac: {  	[dreg:$0x1] =	wrdreg $0xFFFFFFFF  }
0xad: {  	[dreg:$0x0] =	wrdreg $0x60  }
0xae: {  	[dreg:$0x2] =	wrdreg s24  }
0xaf: {  	[dreg:$0x3] =	wrdreg $0x16F000  }
0xb0: {  	[dreg:$0x4] =	wrdreg $0x120000  }
0xb1: {  	[dreg:$0x5] =	wrdreg $0xB  }
0xb2: {  	_ =	task.clear_ibuf [dreg:s6], $0x6FFFF;
	_ =	strace $0x90000046  }
0xb3: {  	s29 =	simm.s32 $0xB;
	_ =	strace $0x80000048  }
0xb4: {  	_ =	swait.ge [sflag:s29], $0x1  }
0xb5: {  	[sflag:s29] =	ssyncadd.s32 $0xFFFFFFFF  }
0xb6: {  	_ =	strace $0x90000048  }
0xb7: {  	_ =	sfence  }
0xb8: {  	s30 =	sld [smem:$0x0];
	_ =	sdelay $0x2  }
0xb9: {  	s31 =	sshll.u32 s1, $0xD;
	s1 =	sshrl.u32 s1, $0x2  }
0xba: {  	s3 =	sand.u32 $0x4000, s31;
	s1 =	sadd.s32 s1, s30  }
0xbb: {  	s0 =	sor.u32 s3, s0;
	s1 =	sshll.u32 s1, $0x11  }
0xbc: {  	s0 =	sor.u32 s1, s0  }
0xbd: {  	s0 =	sadd.s32 $0x8F2B, s0  }
0xbe: {  	[sflag:s0] =	ssyncadd.remote.s32 $0x1  }
0xbf: {  	_ =	sfence.sel $0xFFFF  }
0xc0: {  	[dreg:$0x0] =	wrdreg $0xFFFFFFFF;
	(pc) =	sbr.abs _section_cstart, $3  }
0xc1: {  	[dreg:$0x1] =	wrdreg $0xFFFFFFFF  }
0xc2: {  	_ =	task.clear_ibuf [dreg:s6], $0x2FFFF;
	_ =	strace $0x9FFFFFFF  }
0xc3: {  	(tm) =	ssettm $0x7FFFFFFF  }
tec
execute0_lowered:
.L_overlay_start_1:
0x0: {  	(tag) =	ssettag $0x1  }
0x1: {  	s0 =	rddreg [dreg:$0x0]  }
0x2: {  	s2 =	rddreg [dreg:$0x1]  }
0x3: {  	s3 =	rddreg [dreg:$0x2]  }
0x4: {  	s10 =	stileid.u32;
	s5 =	simm.s32 $0x0;
	s4 =	srdreg.scid  }
0x5: {  	s28 =	simm.s32 $0x80;
	s29 =	simm.s32 $0xB000;
	s30 =	simm.s32 $0xC000  }
0x6: {  	s31 =	simm.s32 $0xD000;
	s14 =	simm.s32 $0x6;
	s1 =	smul.u32 $0xA00, s10  }
0x7: {  	[smem:$0x7FF] =	sst s5;
	s6 =	smul.u32 $0x4F00, s10;
	s12 =	sadd.s32 $0xC820, s0  }
0x8: {  	s17 =	sadd.s32 $0x16620, s0;
	_ =	strace $0x80000047;
	[dreg:$0x5] =	wrdreg s12  }
0x9: {  	s4 =	sand.u32 $0x1, s4;
	s24 =	sadd.s32 $0x34420, s0;
	[dreg:$0x7] =	wrdreg s17  }
0xa: {  	s9 =	smul.u32 $0x13C00, s10;
	s15 =	ssub.s32 $0x2, s4;
	[dreg:$0xf] =	wrdreg s24  }
0xb: {  	p3 =	sne.s32 s4, $0x0;
	s24 =	simm.s32 $0x9;
	s4 =	simm.s32 $0x10000  }
0xc: {  	s12 =	simm.s32 $0x5;
	s17 =	simm.s32 $0x0;
	s1 =	sadd.s32 s1, s0  }
0xd: {  	s7 =	sshrl.u32 s6, $0x3;
	s8 =	sshrl.u32 s15, $0x1;
	s5 =	sadd.s32 s6, s2  }
0xe: {  	s9 =	sshrl.u32 s9, $0x2;
	s13 =	sadd.s32 s6, s3;
	p1 =	seq.s32 @p3 s10, $0xF  }
0xf: {  	p4 =	seq.s32 @!p3 s10, $0xF;
	s6 =	simm.s32 $0x11000;
	s18 =	sadd.s32 $0x21000, s1  }
0x10: {  	s10 =	simm.s32 $0x3;
	s1 =	sadd.s32 $0x17000, s1;
	[dreg:$0x8] =	wrdreg s18  }
0x11: {  	s7 =	sadd.s32 s7, s0;
	s0 =	sadd.s32 $0x3E220, s0;
	[dreg:$0x9] =	wrdreg s1  }
0x12: {  	s8 =	ssub.s32 s15, s8;
	s11 =	sadd.s32 $0x3400, s7;
	[dreg:$0x11] =	wrdreg s0  }
0x13: {  	s9 =	sadd.s32 s9, s3;
	s16 =	sadd.s32 $0xD200, s7;
	[dreg:$0x4] =	wrdreg s11  }
0x14: {  	p0 =	por !p1, !p3;
	s19 =	sadd.s32 $0x1000, s9;
	[dreg:$0x6] =	wrdreg s16  }
0x15: {  	p1 =	por p1, !p3;
	s20 =	sadd.s32 $0x2000, s9;
	[dreg:$0xa] =	wrdreg s19  }
0x16: {  	p2 =	por !p4, p3;
	s21 =	sadd.s32 $0x3000, s9;
	[dreg:$0xb] =	wrdreg s20  }
0x17: {  	p3 =	por p4, p3;
	s22 =	sadd.s32 $0x4000, s9;
	[dreg:$0xc] =	wrdreg s21  }
0x18: {  	s15 =	simm.s32 $0x7;
	s23 =	sadd.s32 $0x2B000, s7;
	[dreg:$0xd] =	wrdreg s22  }
0x19: {  	s25 =	sadd.s32 $0x34E00, s7;
	s26 =	smax.u32 s8, $0x1;
	[dreg:$0xe] =	wrdreg s23  }
0x1a: {  	s0 =	simm.s32 $0xE000;
	s8 =	simm.s32 $0x1;
	[dreg:$0x10] =	wrdreg s25  }
0x1b: {  	s9 =	simm.s32 $0x2;
	s11 =	sadd.s32 $0x4A100, s2;
	[dreg:$0x12] =	wrdreg s26  }
0x1c: {  	s26 =	simm.s32 $0xA000;
	s25 =	simm.s32 $0xF000;
	s16 =	simm.s32 $0x8  }
0x1d: {  	v0 =	vimm.f32 $0.0e+00;
	s22 =	smov.u32 s11;
	s23 =	sshrl.u32 @!p0 s11, $0x3;
	s11 =	simm.s32 $0x4  }
.LBB2_1:
0x1e: {  	s1 =	simm.s32 @!p0 $0x1FC9;
	s7 =	rddreg [dreg:$0x5]  }
0x1f: {  	[spmem:s23], [sflag:s1] =	dma.local @!p0 [hbm:s7], $0x820  }
0x20: {  	s19 =	stileid.u32;
	s1 =	simm.s32 @!p0 $0x9  }
0x21: {  	s7 =	sshll.u32 @!p1 s19, $0x6;
	_ =	swait.ge @!p0 [sflag:s1], $0x820  }
0x22: {  	s18 =	sor.u32 @!p1 $0x1C09, s7;
	[sflag:s1] =	ssyncset.done @!p0 $0x0  }
0x23: {  	s7 =	rddreg [dreg:$0x4];
	[sflag:s1] =	ssyncadd.s32 @!p0 $0xFFFFF7E0;
	s1 =	sshrl.u32 @!p1 s5, $0x3  }
0x24: {  	[spmem:s1], [sflag:s18] =	dma.local @!p1 [hbm:s7], $0x9E0  }
0x25: {  	s1 =	simm.s32 @!p1 $0x9  }
0x26: {  	_ =	swait.ge @!p1 [sflag:s1], $0x9E0  }
0x27: {  	s7 =	simm.s32 @!p2 $0x1FC9;
	[sflag:s1] =	ssyncset.done @!p1 $0x0  }
0x28: {  	s20 =	rddreg [dreg:$0x7];
	[sflag:s1] =	ssyncadd.s32 @!p1 $0xFFFFF620;
	s1 =	sshrl.u32 @!p2 s22, $0x3  }
0x29: {  	[spmem:s1], [sflag:s7] =	dma.local @!p2 [hbm:s20], $0x820  }
0x2a: {  	s1 =	simm.s32 @!p2 $0x9  }
0x2b: {  	s7 =	sshll.u32 @!p3 s19, $0x6;
	_ =	swait.ge @!p2 [sflag:s1], $0x820  }
0x2c: {  	s19 =	sor.u32 @!p3 $0x1C09, s7;
	[sflag:s1] =	ssyncset.done @!p2 $0x0  }
0x2d: {  	s7 =	rddreg [dreg:$0x6];
	[sflag:s1] =	ssyncadd.s32 @!p2 $0xFFFFF7E0;
	s1 =	sshrl.u32 @!p3 s5, $0x3  }
0x2e: {  	[spmem:s1], [sflag:s19] =	dma.local @!p3 [hbm:s7], $0x9E0  }
0x2f: {  	s1 =	simm.s32 @!p3 $0x9  }
0x30: {  	_ =	swait.ge @!p3 [sflag:s1], $0x9E0  }
0x31: {  	[sflag:s1] =	ssyncset.done @!p3 $0x0  }
0x32: {  	s21 =	rddreg [dreg:$0x8];
	[sflag:s1] =	ssyncadd.s32 @!p3 $0xFFFFF620;
	s1 =	simm.s32 $0x0  }
0x33: {  	[tilespmem:s1], [sflag:$0x9] =	stream.linear.gather [hbm4b:s21+s1], $0x5000, $0x38;
	[tilespmem:$0x1BE00] =	vst v63  }
0x34: {  	_ =	swait.ge [sflag:s24], $0x5000  }
0x35: {  	[sflag:s24] =	ssyncset.done $0x0  }
0x36: {  	s21 =	simm.s32 $0x5000;
	s20 =	rddreg [dreg:$0x9];
	[sflag:s24] =	ssyncadd.s32 $0xFFFFB000  }
0x37: {  	[tilespmem:s21], [sflag:$0x9] =	stream.linear.gather [hbm4b:s20+s1], $0x5000, $0x38;
	[tilespmem:$0x1BE00] =	vst v63  }
0x38: {  	_ =	swait.ge [sflag:s24], $0x5000  }
0x39: {  	[sflag:s24] =	ssyncset.done $0x0  }
0x3a: {  	s7 =	simm.s32 $0x0;
	s1 =	simm.s32 $0x80;
	[sflag:s24] =	ssyncadd.s32 $0xFFFFB000  }
.LBB2_2:
0x3b: {  	p4 =	sne.s32 s1, $0x3F80;
	[tilespmem:s7+$0xA000] =	vst v0;
	s20 =	smov.u32 s1;
	s1 =	sadd.s32 $0x80, s1  }
.Ltmp0:
0x3c: {  	[tilespmem:s7+$0xA010] =	vst v0;
	(pc) =	sbr.rel @p4 .LBB2_2-.Ltmp0, $2  }
0x3d: {  	_ =	sdelay $0x2  }
0x3e: {  	s7 =	sshra.s32 s20, $0x2  }
0x3f: {  	[tilespmem:s7+$0xA000] =	vst v0  }
0x40: {  	[tilespmem:s7+$0xA010] =	vst v0  }
0x41: {  	[spmem:s13] =	stream.linear.scatter [tilespmem:s26], [sflag:$0x9], $0x1000, $0x38;
	[tilespmem:$0x1BE00] =	vst v63  }
0x42: {  	_ =	swait.ge [sflag:s24], $0x1000  }
0x43: {  	[sflag:s24] =	ssyncset.done $0x0  }
0x44: {  	s1 =	rddreg [dreg:$0xa];
	[sflag:s24] =	ssyncadd.s32 $0xFFFFF000  }
0x45: {  	[spmem:s1] =	stream.linear.scatter [tilespmem:s26], [sflag:$0x9], $0x1000, $0x38;
	[tilespmem:$0x1BE00] =	vst v63  }
0x46: {  	_ =	swait.ge [sflag:s24], $0x1000  }
0x47: {  	[sflag:s24] =	ssyncset.done $0x0  }
0x48: {  	s21 =	rddreg [dreg:$0xb];
	[sflag:s24] =	ssyncadd.s32 $0xFFFFF000  }
0x49: {  	[spmem:s21] =	stream.linear.scatter [tilespmem:s26], [sflag:$0x9], $0x1000, $0x38;
	[tilespmem:$0x1BE00] =	vst v63  }
0x4a: {  	_ =	swait.ge [sflag:s24], $0x1000  }
0x4b: {  	[sflag:s24] =	ssyncset.done $0x0  }
0x4c: {  	s7 =	rddreg [dreg:$0xc];
	[sflag:s24] =	ssyncadd.s32 $0xFFFFF000  }
0x4d: {  	[spmem:s7] =	stream.linear.scatter [tilespmem:s26], [sflag:$0x9], $0x1000, $0x38;
	[tilespmem:$0x1BE00] =	vst v63  }
0x4e: {  	_ =	swait.ge [sflag:s24], $0x1000  }
0x4f: {  	[sflag:s24] =	ssyncset.done $0x0  }
0x50: {  	s20 =	rddreg [dreg:$0xd];
	[sflag:s24] =	ssyncadd.s32 $0xFFFFF000  }
0x51: {  	[spmem:s20] =	stream.linear.scatter [tilespmem:s26], [sflag:$0x9], $0xF00, $0x38;
	[tilespmem:$0x1BE00] =	vst v63  }
0x52: {  	_ =	swait.ge [sflag:s24], $0xF00  }
0x53: {  	[sflag:s24] =	ssyncset.done $0x0  }
0x54: {  	[sflag:s24] =	ssyncadd.s32 $0xFFFFF100  }
0x55: {  	s21 =	simm.s32 $0x0;
	[bflag:$0x0] =	sbarrier.arrive $0xFFFF  }
0x56: {  	[tilespmem:s26], [sflag:$0x1] =	stream.indirect.gather [spmem:s2], $0x20, s21, s28, $0xb8;
	[tilespmem:$0x1BE00] =	vst v63  }
0x57: {  	s7 =	simm.s32 $0x80  }
0x58: {  	[tilespmem:s29], [sflag:$0x2] =	stream.indirect.gather [spmem:s2], $0x20, s7, s28, $0xb8;
	[tilespmem:$0x1BE00] =	vst v63  }
0x59: {  	s20 =	simm.s32 $0x100  }
0x5a: {  	[tilespmem:s30], [sflag:$0x3] =	stream.indirect.gather [spmem:s2], $0x20, s20, s28, $0xb8;
	[tilespmem:$0x1BE00] =	vst v63  }
0x5b: {  	s21 =	simm.s32 $0x180  }
0x5c: {  	[tilespmem:s31], [sflag:$0x4] =	stream.indirect.gather [spmem:s2], $0x20, s21, s28, $0xb8;
	[tilespmem:$0x1BE00] =	vst v63  }
0x5d: {  	s7 =	simm.s32 $0x200  }
0x5e: {  	[tilespmem:s0], [sflag:$0x5] =	stream.indirect.gather [spmem:s2], $0x20, s7, s28, $0xb8;
	[tilespmem:$0x1BE00] =	vst v63  }
0x5f: {  	s20 =	simm.s32 $0x280  }
0x60: {  	[tilespmem:s25], [sflag:$0x6] =	stream.indirect.gather [spmem:s2], $0x20, s20, s28, $0xb8;
	[tilespmem:$0x1BE00] =	vst v63  }
0x61: {  	s21 =	simm.s32 $0x300  }
0x62: {  	[tilespmem:s4], [sflag:$0x7] =	stream.indirect.gather [spmem:s2], $0x20, s21, s28, $0xb8;
	[tilespmem:$0x1BE00] =	vst v63  }
0x63: {  	s7 =	simm.s32 $0x380  }
0x64: {  	[tilespmem:s6], [sflag:$0x8] =	stream.indirect.gather [spmem:s2], $0x20, s7, s28, $0xb8;
	[tilespmem:$0x1BE00] =	vst v63  }
0x65: {  	_ =	swait.ge [sflag:s8], $0x1000  }
0x66: {  	[sflag:s8] =	ssyncset.done $0x0  }
0x67: {  	s20 =	simm.s32 $0x5000;
	[sflag:s8] =	ssyncadd.s32 $0xFFFFF000  }
0x68: {  	[spmem:s3] =	stream.indirect.scatter.add.f32 [tilespmem:s26], [sflag:$0x9], $0x20, s20, s28, $0xb8;
	[tilespmem:$0x1BE00] =	vst v63  }
0x69: {  	_ =	swait.ge [sflag:s24], $0x1000  }
0x6a: {  	[sflag:s24] =	ssyncset.done $0x0  }
0x6b: {  	[sflag:s24] =	ssyncadd.s32 $0xFFFFF000  }
0x6c: {  	_ =	swait.ge [sflag:s9], $0x1000  }
0x6d: {  	[sflag:s9] =	ssyncset.done $0x0  }
0x6e: {  	s21 =	simm.s32 $0x5080;
	[sflag:s9] =	ssyncadd.s32 $0xFFFFF000  }
0x6f: {  	[spmem:s3] =	stream.indirect.scatter.add.f32 [tilespmem:s29], [sflag:$0x9], $0x20, s21, s28, $0xb8;
	[tilespmem:$0x1BE00] =	vst v63  }
0x70: {  	_ =	swait.ge [sflag:s24], $0x1000  }
0x71: {  	[sflag:s24] =	ssyncset.done $0x0  }
0x72: {  	[sflag:s24] =	ssyncadd.s32 $0xFFFFF000  }
0x73: {  	_ =	swait.ge [sflag:s10], $0x1000  }
0x74: {  	[sflag:s10] =	ssyncset.done $0x0  }
0x75: {  	s7 =	simm.s32 $0x5100;
	[sflag:s10] =	ssyncadd.s32 $0xFFFFF000  }
0x76: {  	[spmem:s3] =	stream.indirect.scatter.add.f32 [tilespmem:s30], [sflag:$0x9], $0x20, s7, s28, $0xb8;
	[tilespmem:$0x1BE00] =	vst v63  }
0x77: {  	_ =	swait.ge [sflag:s24], $0x1000  }
0x78: {  	[sflag:s24] =	ssyncset.done $0x0  }
0x79: {  	[sflag:s24] =	ssyncadd.s32 $0xFFFFF000  }
0x7a: {  	_ =	swait.ge [sflag:s11], $0x1000  }
0x7b: {  	[sflag:s11] =	ssyncset.done $0x0  }
0x7c: {  	s20 =	simm.s32 $0x5180;
	[sflag:s11] =	ssyncadd.s32 $0xFFFFF000  }
0x7d: {  	[spmem:s3] =	stream.indirect.scatter.add.f32 [tilespmem:s31], [sflag:$0x9], $0x20, s20, s28, $0xb8;
	[tilespmem:$0x1BE00] =	vst v63  }
0x7e: {  	_ =	swait.ge [sflag:s24], $0x1000  }
0x7f: {  	[sflag:s24] =	ssyncset.done $0x0  }
0x80: {  	[sflag:s24] =	ssyncadd.s32 $0xFFFFF000  }
0x81: {  	_ =	swait.ge [sflag:s12], $0x1000  }
0x82: {  	[sflag:s12] =	ssyncset.done $0x0  }
0x83: {  	s21 =	simm.s32 $0x5200;
	[sflag:s12] =	ssyncadd.s32 $0xFFFFF000  }
0x84: {  	[spmem:s3] =	stream.indirect.scatter.add.f32 [tilespmem:s0], [sflag:$0x9], $0x20, s21, s28, $0xb8;
	[tilespmem:$0x1BE00] =	vst v63  }
0x85: {  	_ =	swait.ge [sflag:s24], $0x1000  }
0x86: {  	[sflag:s24] =	ssyncset.done $0x0  }
0x87: {  	[sflag:s24] =	ssyncadd.s32 $0xFFFFF000  }
0x88: {  	_ =	swait.ge [sflag:s14], $0x1000  }
0x89: {  	[sflag:s14] =	ssyncset.done $0x0  }
0x8a: {  	s7 =	simm.s32 $0x5280;
	[sflag:s14] =	ssyncadd.s32 $0xFFFFF000  }
0x8b: {  	[spmem:s3] =	stream.indirect.scatter.add.f32 [tilespmem:s25], [sflag:$0x9], $0x20, s7, s28, $0xb8;
	[tilespmem:$0x1BE00] =	vst v63  }
0x8c: {  	_ =	swait.ge [sflag:s24], $0x1000  }
0x8d: {  	[sflag:s24] =	ssyncset.done $0x0  }
0x8e: {  	[sflag:s24] =	ssyncadd.s32 $0xFFFFF000  }
0x8f: {  	_ =	swait.ge [sflag:s15], $0x1000  }
0x90: {  	[sflag:s15] =	ssyncset.done $0x0  }
0x91: {  	s20 =	simm.s32 $0x5300;
	[sflag:s15] =	ssyncadd.s32 $0xFFFFF000  }
0x92: {  	[spmem:s3] =	stream.indirect.scatter.add.f32 [tilespmem:s4], [sflag:$0x9], $0x20, s20, s28, $0xb8;
	[tilespmem:$0x1BE00] =	vst v63  }
0x93: {  	_ =	swait.ge [sflag:s24], $0x1000  }
0x94: {  	[sflag:s24] =	ssyncset.done $0x0  }
0x95: {  	[sflag:s24] =	ssyncadd.s32 $0xFFFFF000  }
0x96: {  	_ =	swait.ge [sflag:s16], $0x1000  }
0x97: {  	[sflag:s16] =	ssyncset.done $0x0  }
0x98: {  	s21 =	simm.s32 $0x5380;
	[sflag:s16] =	ssyncadd.s32 $0xFFFFF000  }
0x99: {  	[spmem:s3] =	stream.indirect.scatter.add.f32 [tilespmem:s6], [sflag:$0x9], $0x20, s21, s28, $0xb8;
	[tilespmem:$0x1BE00] =	vst v63  }
0x9a: {  	_ =	swait.ge [sflag:s24], $0x1000  }
0x9b: {  	s1 =	simm.s32 $0x2000;
	s7 =	simm.s32 $0x1000;
	[sflag:s24] =	ssyncset.done $0x0  }
.LBB2_4:
0x9c: {  	s20 =	sshra.s32 s7, $0x2  }
0x9d: {  	[sflag:s24] =	ssyncadd.s32 $0xFFFFF000;
	s7 =	smov.u32 s1;
	s21 =	sadd.s32 $0x1000, s1  }
0x9e: {  	[tilespmem:s26], [sflag:$0x1] =	stream.indirect.gather [spmem:s2], $0x20, s20, s28, $0xb8;
	[tilespmem:$0x1BE00] =	vst v63  }
0x9f: {  	p4 =	sne.s32 s1, $0x13000;
	s1 =	sadd.s32 $0x80, s20  }
0xa0: {  	[tilespmem:s29], [sflag:$0x2] =	stream.indirect.gather [spmem:s2], $0x20, s1, s28, $0xb8;
	[tilespmem:$0x1BE00] =	vst v63  }
0xa1: {  	s1 =	sadd.s32 $0x100, s20  }
0xa2: {  	[tilespmem:s30], [sflag:$0x3] =	stream.indirect.gather [spmem:s2], $0x20, s1, s28, $0xb8;
	[tilespmem:$0x1BE00] =	vst v63  }
0xa3: {  	s1 =	sadd.s32 $0x180, s20  }
0xa4: {  	[tilespmem:s31], [sflag:$0x4] =	stream.indirect.gather [spmem:s2], $0x20, s1, s28, $0xb8;
	[tilespmem:$0x1BE00] =	vst v63  }
0xa5: {  	s1 =	sadd.s32 $0x200, s20  }
0xa6: {  	[tilespmem:s0], [sflag:$0x5] =	stream.indirect.gather [spmem:s2], $0x20, s1, s28, $0xb8;
	[tilespmem:$0x1BE00] =	vst v63  }
0xa7: {  	s1 =	sadd.s32 $0x280, s20  }
0xa8: {  	[tilespmem:s25], [sflag:$0x6] =	stream.indirect.gather [spmem:s2], $0x20, s1, s28, $0xb8;
	[tilespmem:$0x1BE00] =	vst v63  }
0xa9: {  	s1 =	sadd.s32 $0x300, s20  }
0xaa: {  	[tilespmem:s4], [sflag:$0x7] =	stream.indirect.gather [spmem:s2], $0x20, s1, s28, $0xb8;
	[tilespmem:$0x1BE00] =	vst v63  }
0xab: {  	s1 =	sadd.s32 $0x380, s20  }
0xac: {  	[tilespmem:s6], [sflag:$0x8] =	stream.indirect.gather [spmem:s2], $0x20, s1, s28, $0xb8;
	[tilespmem:$0x1BE00] =	vst v63  }
0xad: {  	_ =	swait.ge [sflag:s8], $0x1000  }
0xae: {  	[sflag:s8] =	ssyncset.done $0x0  }
0xaf: {  	s1 =	sadd.s32 $0x5000, s20;
	[sflag:s8] =	ssyncadd.s32 $0xFFFFF000  }
0xb0: {  	[spmem:s3] =	stream.indirect.scatter.add.f32 [tilespmem:s26], [sflag:$0x9], $0x20, s1, s28, $0xb8;
	[tilespmem:$0x1BE00] =	vst v63  }
0xb1: {  	_ =	swait.ge [sflag:s24], $0x1000  }
0xb2: {  	[sflag:s24] =	ssyncset.done $0x0  }
0xb3: {  	[sflag:s24] =	ssyncadd.s32 $0xFFFFF000  }
0xb4: {  	_ =	swait.ge [sflag:s9], $0x1000  }
0xb5: {  	[sflag:s9] =	ssyncset.done $0x0  }
0xb6: {  	s1 =	sadd.s32 $0x5080, s20;
	[sflag:s9] =	ssyncadd.s32 $0xFFFFF000  }
0xb7: {  	[spmem:s3] =	stream.indirect.scatter.add.f32 [tilespmem:s29], [sflag:$0x9], $0x20, s1, s28, $0xb8;
	[tilespmem:$0x1BE00] =	vst v63  }
0xb8: {  	_ =	swait.ge [sflag:s24], $0x1000  }
0xb9: {  	[sflag:s24] =	ssyncset.done $0x0  }
0xba: {  	[sflag:s24] =	ssyncadd.s32 $0xFFFFF000  }
0xbb: {  	_ =	swait.ge [sflag:s10], $0x1000  }
0xbc: {  	[sflag:s10] =	ssyncset.done $0x0  }
0xbd: {  	s1 =	sadd.s32 $0x5100, s20;
	[sflag:s10] =	ssyncadd.s32 $0xFFFFF000  }
0xbe: {  	[spmem:s3] =	stream.indirect.scatter.add.f32 [tilespmem:s30], [sflag:$0x9], $0x20, s1, s28, $0xb8;
	[tilespmem:$0x1BE00] =	vst v63  }
0xbf: {  	_ =	swait.ge [sflag:s24], $0x1000  }
0xc0: {  	[sflag:s24] =	ssyncset.done $0x0  }
0xc1: {  	[sflag:s24] =	ssyncadd.s32 $0xFFFFF000  }
0xc2: {  	_ =	swait.ge [sflag:s11], $0x1000  }
0xc3: {  	[sflag:s11] =	ssyncset.done $0x0  }
0xc4: {  	s1 =	sadd.s32 $0x5180, s20;
	[sflag:s11] =	ssyncadd.s32 $0xFFFFF000  }
0xc5: {  	[spmem:s3] =	stream.indirect.scatter.add.f32 [tilespmem:s31], [sflag:$0x9], $0x20, s1, s28, $0xb8;
	[tilespmem:$0x1BE00] =	vst v63  }
0xc6: {  	_ =	swait.ge [sflag:s24], $0x1000  }
0xc7: {  	[sflag:s24] =	ssyncset.done $0x0  }
0xc8: {  	[sflag:s24] =	ssyncadd.s32 $0xFFFFF000  }
0xc9: {  	_ =	swait.ge [sflag:s12], $0x1000  }
0xca: {  	[sflag:s12] =	ssyncset.done $0x0  }
0xcb: {  	s1 =	sadd.s32 $0x5200, s20;
	[sflag:s12] =	ssyncadd.s32 $0xFFFFF000  }
0xcc: {  	[spmem:s3] =	stream.indirect.scatter.add.f32 [tilespmem:s0], [sflag:$0x9], $0x20, s1, s28, $0xb8;
	[tilespmem:$0x1BE00] =	vst v63  }
0xcd: {  	_ =	swait.ge [sflag:s24], $0x1000  }
0xce: {  	[sflag:s24] =	ssyncset.done $0x0  }
0xcf: {  	[sflag:s24] =	ssyncadd.s32 $0xFFFFF000  }
0xd0: {  	_ =	swait.ge [sflag:s14], $0x1000  }
0xd1: {  	[sflag:s14] =	ssyncset.done $0x0  }
0xd2: {  	s1 =	sadd.s32 $0x5280, s20;
	[sflag:s14] =	ssyncadd.s32 $0xFFFFF000  }
0xd3: {  	[spmem:s3] =	stream.indirect.scatter.add.f32 [tilespmem:s25], [sflag:$0x9], $0x20, s1, s28, $0xb8;
	[tilespmem:$0x1BE00] =	vst v63  }
0xd4: {  	_ =	swait.ge [sflag:s24], $0x1000  }
0xd5: {  	[sflag:s24] =	ssyncset.done $0x0  }
0xd6: {  	[sflag:s24] =	ssyncadd.s32 $0xFFFFF000  }
0xd7: {  	_ =	swait.ge [sflag:s15], $0x1000  }
0xd8: {  	[sflag:s15] =	ssyncset.done $0x0  }
0xd9: {  	s1 =	sadd.s32 $0x5300, s20;
	[sflag:s15] =	ssyncadd.s32 $0xFFFFF000  }
0xda: {  	[spmem:s3] =	stream.indirect.scatter.add.f32 [tilespmem:s4], [sflag:$0x9], $0x20, s1, s28, $0xb8;
	[tilespmem:$0x1BE00] =	vst v63  }
0xdb: {  	_ =	swait.ge [sflag:s24], $0x1000  }
0xdc: {  	[sflag:s24] =	ssyncset.done $0x0  }
0xdd: {  	[sflag:s24] =	ssyncadd.s32 $0xFFFFF000  }
0xde: {  	_ =	swait.ge [sflag:s16], $0x1000  }
.Ltmp1:
0xdf: {  	[sflag:s16] =	ssyncset.done $0x0;
	(pc) =	sbr.rel @p4 .LBB2_4-.Ltmp1, $4  }
0xe0: {  	s1 =	sadd.s32 $0x5380, s20;
	[sflag:s16] =	ssyncadd.s32 $0xFFFFF000  }
0xe1: {  	[spmem:s3] =	stream.indirect.scatter.add.f32 [tilespmem:s6], [sflag:$0x9], $0x20, s1, s28, $0xb8;
	[tilespmem:$0x1BE00] =	vst v63  }
0xe2: {  	_ =	swait.ge [sflag:s24], $0x1000  }
0xe3: {  	s1 =	smov.u32 s21;
	[sflag:s24] =	ssyncset.done $0x0  }
0xe4: {  	s1 =	sshra.s32 s7, $0x2;
	[sflag:s24] =	ssyncadd.s32 $0xFFFFF000  }
0xe5: {  	[tilespmem:s26], [sflag:$0x1] =	stream.indirect.gather [spmem:s2], $0x20, s1, s28, $0xb8;
	[tilespmem:$0x1BE00] =	vst v63  }
0xe6: {  	s7 =	sadd.s32 $0x80, s1  }
0xe7: {  	[tilespmem:s29], [sflag:$0x2] =	stream.indirect.gather [spmem:s2], $0x20, s7, s28, $0xb8;
	[tilespmem:$0x1BE00] =	vst v63  }
0xe8: {  	s20 =	sadd.s32 $0x100, s1  }
0xe9: {  	[tilespmem:s30], [sflag:$0x3] =	stream.indirect.gather [spmem:s2], $0x20, s20, s28, $0xb8;
	[tilespmem:$0x1BE00] =	vst v63  }
0xea: {  	s21 =	sadd.s32 $0x180, s1  }
0xeb: {  	[tilespmem:s31], [sflag:$0x4] =	stream.indirect.gather [spmem:s2], $0x20, s21, s28, $0xb8;
	[tilespmem:$0x1BE00] =	vst v63  }
0xec: {  	s20 =	sadd.s32 $0x200, s1  }
0xed: {  	[tilespmem:s0], [sflag:$0x5] =	stream.indirect.gather [spmem:s2], $0x20, s20, s28, $0xb8;
	[tilespmem:$0x1BE00] =	vst v63  }
0xee: {  	s21 =	sadd.s32 $0x280, s1  }
0xef: {  	[tilespmem:s25], [sflag:$0x6] =	stream.indirect.gather [spmem:s2], $0x20, s21, s28, $0xb8;
	[tilespmem:$0x1BE00] =	vst v63  }
0xf0: {  	s20 =	sadd.s32 $0x300, s1  }
0xf1: {  	[tilespmem:s4], [sflag:$0x7] =	stream.indirect.gather [spmem:s2], $0x20, s20, s28, $0xb8;
	[tilespmem:$0x1BE00] =	vst v63  }
0xf2: {  	s21 =	sadd.s32 $0x380, s1  }
0xf3: {  	[tilespmem:s6], [sflag:$0x8] =	stream.indirect.gather [spmem:s2], $0x20, s21, s28, $0xb8;
	[tilespmem:$0x1BE00] =	vst v63  }
0xf4: {  	_ =	swait.ge [sflag:s8], $0x1000  }
0xf5: {  	[sflag:s8] =	ssyncset.done $0x0  }
0xf6: {  	s20 =	sadd.s32 $0x5000, s1;
	[sflag:s8] =	ssyncadd.s32 $0xFFFFF000  }
0xf7: {  	[spmem:s3] =	stream.indirect.scatter.add.f32 [tilespmem:s26], [sflag:$0x9], $0x20, s20, s28, $0xb8;
	[tilespmem:$0x1BE00] =	vst v63  }
0xf8: {  	_ =	swait.ge [sflag:s24], $0x1000  }
0xf9: {  	[sflag:s24] =	ssyncset.done $0x0  }
0xfa: {  	[sflag:s24] =	ssyncadd.s32 $0xFFFFF000  }
0xfb: {  	_ =	swait.ge [sflag:s9], $0x1000  }
0xfc: {  	[sflag:s9] =	ssyncset.done $0x0  }
0xfd: {  	s21 =	sadd.s32 $0x5080, s1;
	[sflag:s9] =	ssyncadd.s32 $0xFFFFF000  }
0xfe: {  	[spmem:s3] =	stream.indirect.scatter.add.f32 [tilespmem:s29], [sflag:$0x9], $0x20, s21, s28, $0xb8;
	[tilespmem:$0x1BE00] =	vst v63  }
0xff: {  	_ =	swait.ge [sflag:s24], $0x1000  }
0x100: {  	[sflag:s24] =	ssyncset.done $0x0  }
0x101: {  	[sflag:s24] =	ssyncadd.s32 $0xFFFFF000  }
0x102: {  	_ =	swait.ge [sflag:s10], $0x1000  }
0x103: {  	[sflag:s10] =	ssyncset.done $0x0  }
0x104: {  	s20 =	sadd.s32 $0x5100, s1;
	[sflag:s10] =	ssyncadd.s32 $0xFFFFF000  }
0x105: {  	[spmem:s3] =	stream.indirect.scatter.add.f32 [tilespmem:s30], [sflag:$0x9], $0x20, s20, s28, $0xb8;
	[tilespmem:$0x1BE00] =	vst v63  }
0x106: {  	_ =	swait.ge [sflag:s24], $0x1000  }
0x107: {  	[sflag:s24] =	ssyncset.done $0x0  }
0x108: {  	[sflag:s24] =	ssyncadd.s32 $0xFFFFF000  }
0x109: {  	_ =	swait.ge [sflag:s11], $0x1000  }
0x10a: {  	[sflag:s11] =	ssyncset.done $0x0  }
0x10b: {  	s21 =	sadd.s32 $0x5180, s1;
	[sflag:s11] =	ssyncadd.s32 $0xFFFFF000  }
0x10c: {  	[spmem:s3] =	stream.indirect.scatter.add.f32 [tilespmem:s31], [sflag:$0x9], $0x20, s21, s28, $0xb8;
	[tilespmem:$0x1BE00] =	vst v63  }
0x10d: {  	_ =	swait.ge [sflag:s24], $0x1000  }
0x10e: {  	[sflag:s24] =	ssyncset.done $0x0  }
0x10f: {  	[sflag:s24] =	ssyncadd.s32 $0xFFFFF000  }
0x110: {  	_ =	swait.ge [sflag:s12], $0x1000  }
0x111: {  	[sflag:s12] =	ssyncset.done $0x0  }
0x112: {  	s20 =	sadd.s32 $0x5200, s1;
	[sflag:s12] =	ssyncadd.s32 $0xFFFFF000  }
0x113: {  	[spmem:s3] =	stream.indirect.scatter.add.f32 [tilespmem:s0], [sflag:$0x9], $0x20, s20, s28, $0xb8;
	[tilespmem:$0x1BE00] =	vst v63  }
0x114: {  	_ =	swait.ge [sflag:s24], $0x1000  }
0x115: {  	[sflag:s24] =	ssyncset.done $0x0  }
0x116: {  	[sflag:s24] =	ssyncadd.s32 $0xFFFFF000  }
0x117: {  	_ =	swait.ge [sflag:s14], $0x1000  }
0x118: {  	[sflag:s14] =	ssyncset.done $0x0  }
0x119: {  	s21 =	sadd.s32 $0x5280, s1;
	[sflag:s14] =	ssyncadd.s32 $0xFFFFF000  }
0x11a: {  	[spmem:s3] =	stream.indirect.scatter.add.f32 [tilespmem:s25], [sflag:$0x9], $0x20, s21, s28, $0xb8;
	[tilespmem:$0x1BE00] =	vst v63  }
0x11b: {  	_ =	swait.ge [sflag:s24], $0x1000  }
0x11c: {  	[sflag:s24] =	ssyncset.done $0x0  }
0x11d: {  	[sflag:s24] =	ssyncadd.s32 $0xFFFFF000  }
0x11e: {  	_ =	swait.ge [sflag:s15], $0x1000  }
0x11f: {  	[sflag:s15] =	ssyncset.done $0x0  }
0x120: {  	s20 =	sadd.s32 $0x5300, s1;
	[sflag:s15] =	ssyncadd.s32 $0xFFFFF000  }
0x121: {  	[spmem:s3] =	stream.indirect.scatter.add.f32 [tilespmem:s4], [sflag:$0x9], $0x20, s20, s28, $0xb8;
	[tilespmem:$0x1BE00] =	vst v63  }
0x122: {  	_ =	swait.ge [sflag:s24], $0x1000  }
0x123: {  	[sflag:s24] =	ssyncset.done $0x0  }
0x124: {  	[sflag:s24] =	ssyncadd.s32 $0xFFFFF000  }
0x125: {  	_ =	swait.ge [sflag:s16], $0x1000  }
0x126: {  	[sflag:s16] =	ssyncset.done $0x0  }
0x127: {  	s1 =	sadd.s32 $0x5380, s1;
	[sflag:s16] =	ssyncadd.s32 $0xFFFFF000  }
0x128: {  	[spmem:s3] =	stream.indirect.scatter.add.f32 [tilespmem:s6], [sflag:$0x9], $0x20, s1, s28, $0xb8;
	[tilespmem:$0x1BE00] =	vst v63  }
0x129: {  	_ =	swait.ge [sflag:s24], $0x1000  }
0x12a: {  	[sflag:s24] =	ssyncset.done $0x0  }
0x12b: {  	[sflag:s24] =	ssyncadd.s32 $0xFFFFF000  }
0x12c: {  	[bflag:$0x0] =	sbarrier.arrive $0xFFFF  }
0x12d: {  	s7 =	simm.s32 @!p0 $0x1FC9;
	s1 =	sshrl.u32 @!p0 s13, $0x3;
	s20 =	rddreg [dreg:$0xf]  }
0x12e: {  	[hbm:s20], [sflag:s7] =	dma.local @!p0 [spmem:s1], $0x820  }
0x12f: {  	s1 =	simm.s32 @!p0 $0x9  }
0x130: {  	_ =	swait.ge @!p0 [sflag:s1], $0x820  }
0x131: {  	[sflag:s1] =	ssyncset.done @!p0 $0x0  }
0x132: {  	s7 =	rddreg [dreg:$0xe];
	[sflag:s1] =	ssyncadd.s32 @!p0 $0xFFFFF7E0;
	s1 =	sshrl.u32 @!p1 s13, $0x3  }
0x133: {  	[hbm:s7], [sflag:s18] =	dma.local @!p1 [spmem:s1], $0x9E0  }
0x134: {  	s1 =	simm.s32 @!p1 $0x9  }
0x135: {  	_ =	swait.ge @!p1 [sflag:s1], $0x9E0  }
0x136: {  	s7 =	simm.s32 @!p2 $0x1FC9;
	[sflag:s1] =	ssyncset.done @!p1 $0x0  }
0x137: {  	s18 =	rddreg [dreg:$0x11];
	[sflag:s1] =	ssyncadd.s32 @!p1 $0xFFFFF620;
	s1 =	sshrl.u32 @!p2 s13, $0x3  }
0x138: {  	[hbm:s18], [sflag:s7] =	dma.local @!p2 [spmem:s1], $0x820  }
0x139: {  	s1 =	simm.s32 @!p2 $0x9  }
0x13a: {  	_ =	swait.ge @!p2 [sflag:s1], $0x820  }
0x13b: {  	[sflag:s1] =	ssyncset.done @!p2 $0x0  }
0x13c: {  	s7 =	rddreg [dreg:$0x10];
	[sflag:s1] =	ssyncadd.s32 @!p2 $0xFFFFF7E0;
	s1 =	sshrl.u32 @!p3 s13, $0x3  }
0x13d: {  	[hbm:s7], [sflag:s19] =	dma.local @!p3 [spmem:s1], $0x9E0  }
0x13e: {  	s1 =	simm.s32 @!p3 $0x9  }
0x13f: {  	_ =	swait.ge @!p3 [sflag:s1], $0x9E0  }
0x140: {  	s17 =	sadd.s32 $0x1, s17;
	s21 =	rddreg [dreg:$0x12]  }
0x141: {  	p4 =	sne.s32 s17, s21  }
.Ltmp2:
0x142: {  	_ = 	snop;
	(pc) =	sbr.rel @p4 .LBB2_1-.Ltmp2, $3  }
0x143: {  	_ =	sdelay $0x1  }
0x144: {  	[sflag:s1] =	ssyncset.done @!p3 $0x0  }
0x145: {  	[sflag:s1] =	ssyncadd.s32 @!p3 $0xFFFFF620  }
0x146: {  	_ =	sfence.sel $0x180000  }
0x147: {  	[bflag:$0x0] =	sbarrier.arrive $0xFFFF  }
0x148: {  	_ =	strace $0x90000047  }
0x149: {  	s0 =	stileid.u32;
	[bflag:$0x2] =	sbarrier.arrive $0xFFFF  }
0x14a: {  	p0 =	sne.s32 s0, $0x0;
	s0 =	rddreg [dreg:$0x3]  }
0x14b: {  	s0 =	sadd.s32 @!p0 $0x100000, s0  }
0x14c: {  	[sflag:s0] =	ssyncadd.tile.s32 @!p0 $0x1;
	_ =	shalt  }
.Lfunc_end2:
_tile_overlayer_lowered:
.L_overlay_start_2:
0x14d: {  	(tag) =	ssettag $0x2  }
0x14e: {  	s0 =	rddreg [dreg:$0x0];
	s2 =	stileid.u32  }
0x14f: {  	s1 =	rddreg [dreg:$0x1];
	p0 =	sne.s32 s2, $0x0  }
0x150: {  	s3 =	rddreg [dreg:$0x2];
	[bflag:$0x3] =	sbarrier.arrive $0xFFFF;
	s2 =	simm.s32 @!p0 $0x1C09  }
0x151: {  	[timem:s3], [sflag:s2] =	dma.local @!p0 [hbm:s0], s1  }
0x152: {  	s0 =	simm.s32 @!p0 $0x9  }
0x153: {  	_ =	swait.ge @!p0 [sflag:s0], s1  }
0x154: {  	s1 =	ssub.s32 @!p0 $0x0, s1;
	[sflag:s0] =	ssyncset.done @!p0 $0x0  }
0x155: {  	[sflag:s0] =	ssyncadd.s32 @!p0 s1  }
0x156: {  	[bflag:$0x3] =	sbarrier.arrive $0xFFFF  }
0x157: {  	_ =	shalt  }

// kernel: kernel.17.cloned.1.call-start
scs
__scs_entry_jumppad:
0x0: {  	(pc) =	sbr.rel $0x88, $3  }
0x1: {  	(tag) =	ssettag $0x0;
	lr =	simm.s32 $0x1  }
0x2: {  	[smem:$0x3F97] =	sst lr;
	_ =	strace $0xD0000000  }
0x3: {  	_ = 	snop  }
0x4: {  	_ = 	snop  }
0x5: {  	_ = 	snop  }
0x6: {  	_ = 	snop  }
0x7: {  	_ = 	snop  }
__scs_overlays_trampoline_lowered:
0x8: {  	[smem:$0x3FA6] =	sst s0  }
0x9: {  	[smem:$0x3FA7] =	sst s1  }
0xa: {  	[smem:$0x3FA8] =	sst s2  }
0xb: {  	[smem:$0x3FA9] =	sst s3  }
0xc: {  	[smem:$0x3FAA] =	sst s4  }
0xd: {  	[smem:$0x3FAB] =	sst s5  }
0xe: {  	[smem:$0x3FAC] =	sst s6  }
0xf: {  	[smem:$0x3FAD] =	sst s7  }
0x10: {  	[smem:$0x3FAE] =	sst s8  }
0x11: {  	[smem:$0x3FAF] =	sst s9;
	s0 =	simm.s32 @!p0 $0x0  }
0x12: {  	s1 =	sld [smem:$0x3F95];
	s0 =	simm.s32 @p0 $0x1  }
0x13: {  	[smem:$0x3FB0] =	sst s0;
	s0 =	simm.s32 @!p1 $0x0  }
0x14: {  	s2 =	sld [smem:$0x3F94];
	s0 =	simm.s32 @p1 $0x1  }
0x15: {  	[smem:$0x3FB1] =	sst s0;
	s0 =	simm.s32 @!p2 $0x0  }
0x16: {  	s3 =	sld [smem:$0x3FDB];
	s0 =	simm.s32 @p2 $0x1  }
0x17: {  	s4 =	simm.s32 $0x1BF5;
	[smem:$0x3FB3] =	sst s0  }
0x18: {  	s0 =	sld [smem:$0x3F96];
	_ =	swait.ge [sflag:s4], $0x0  }
0x19: {  	s7 =	sld [smem:$0x3F97]  }
0x1a: {  	s8 =	sadd.s32 $0xFFFFE003, lr  }
0x1b: {  	s9 =	sadd.s32 $0xFFFFFEF7, lr;
	s5 =	simm.s32 $0xFFFFFFFF;
	p2 =	slt.u32 s8, $0xFFFFF086  }
0x1c: {  	p1 =	slt.u32 s9, $0xF7A;
	s5 =	simm.s32 @!p2 $0x0  }
0x1d: {  	s5 =	simm.s32 @p1 $0x1;
	p0 =	seq.s32 s7, s2  }
0x1e: {  	s7 =	smul.u32 @!p0 $0xF7A, s2;
	p2 =	seq.s32 @!p0 s5, $0x0  }
0x1f: {  	s9 =	smul.u32 $0xF7A, s1;
	s8 =	simm.s32 @!p0 $0x1BF5;
	p2 =	por !p2, p0  }
0x20: {  	[sflag:s8] =	ssyncset.s32 @!p0 $0xFFFFF086;
	s6 =	sadd.s32 @!p0 s3, s7;
	s7 =	simm.s32 @!p0 $0x108  }
0x21: {  	s3 =	sadd.s32 s3, s9;
	s6 =	sadd.s32 @!p0 $0x88, s6;
	s7 =	simm.s32 @p2 $0x1082  }
0x22: {  	[simem:s7], [sflag:s8] =	dma.local @!p0 [hbm:s6], $0xF7A  }
0x23: {  	s9 =	sor.u32 $0xD0000000, s2;
	s6 =	simm.s32 $0x108;
	_ =	swait.ge @!p0 [sflag:s8], $0x0  }
0x24: {  	s3 =	sadd.s32 $0x88, s3;
	s6 =	simm.s32 @!p1 $0x1082;
	[sflag:s4] =	ssyncset.s32 $0xFFFFF086  }
0x25: {  	[simem:s6], [sflag:s4] =	dma.local [hbm:s3], $0xF7A  }
0x26: {  	[smem:$0x3F97] =	sst s1;
	(tag) =	ssettag s2;
	_ =	strace s9  }
0x27: {  	s1 =	sld [smem:$0x3FA7]  }
0x28: {  	s2 =	sld [smem:$0x3FA8]  }
0x29: {  	s4 =	sld [smem:$0x3FAA]  }
0x2a: {  	p0 =	seq.s32 s5, $0x0;
	s5 =	sld [smem:$0x3FAB]  }
0x2b: {  	s6 =	sld [smem:$0x3FAC]  }
0x2c: {  	s7 =	sld [smem:$0x3FAD]  }
0x2d: {  	s3 =	simm.s32 $0x108;
	s8 =	sld [smem:$0x3FAE]  }
0x2e: {  	s3 =	simm.s32 @!p0 $0x1082;
	s9 =	sld [smem:$0x3FAF]  }
0x2f: {  	lr =	sadd.s32 s0, s3;
	s0 =	sld [smem:$0x3FA6]  }
0x30: {  	s3 =	sld [smem:$0x3FA9]  }
0x31: {  	[smem:$0x3FB2] =	sst s10  }
0x32: {  	s10 =	sld [smem:$0x3FB0];
	_ =	sdelay $0x3  }
0x33: {  	p0 =	seq.s32 s10, $0x1;
	s10 =	sld [smem:$0x3FB2];
	_ =	sdelay $0x3  }
0x34: {  	[smem:$0x3FB2] =	sst s10  }
0x35: {  	s10 =	sld [smem:$0x3FB1];
	_ =	sdelay $0x3  }
0x36: {  	p1 =	seq.s32 s10, $0x1;
	s10 =	sld [smem:$0x3FB2];
	_ =	sdelay $0x3  }
0x37: {  	[smem:$0x3FB2] =	sst s10  }
0x38: {  	s10 =	sld [smem:$0x3FB3]  }
0x39: {  	_ = 	snop;
	(pc) =	sbr.ind lr, $3  }
0x3a: {  	_ = 	snop  }
0x3b: {  	_ = 	snop  }
0x3c: {  	p2 =	seq.s32 s10, $0x1;
	s10 =	sld [smem:$0x3FB2]  }
0x3d: {  	_ =	shalt  }
0x3e: {  	_ =	shalt  }
0x3f: {  	_ =	shalt  }
0x40: {  	_ =	shalt  }
0x41: {  	_ =	shalt  }
0x42: {  	_ =	shalt  }
0x43: {  	_ =	shalt  }
0x44: {  	_ =	shalt  }
0x45: {  	_ =	shalt  }
0x46: {  	_ =	shalt  }
0x47: {  	_ =	shalt  }
0x48: {  	_ =	shalt  }
0x49: {  	_ =	shalt  }
0x4a: {  	_ =	shalt  }
0x4b: {  	_ =	shalt  }
0x4c: {  	_ =	shalt  }
0x4d: {  	_ =	shalt  }
0x4e: {  	_ =	shalt  }
0x4f: {  	_ =	shalt  }
0x50: {  	_ =	shalt  }
0x51: {  	_ =	shalt  }
0x52: {  	_ =	shalt  }
0x53: {  	_ =	shalt  }
0x54: {  	_ =	shalt  }
0x55: {  	_ =	shalt  }
0x56: {  	_ =	shalt  }
0x57: {  	_ =	shalt  }
0x58: {  	_ =	shalt  }
0x59: {  	_ =	shalt  }
0x5a: {  	_ =	shalt  }
0x5b: {  	_ =	shalt  }
0x5c: {  	_ =	shalt  }
0x5d: {  	_ =	shalt  }
0x5e: {  	_ =	shalt  }
0x5f: {  	_ =	shalt  }
0x60: {  	_ =	shalt  }
0x61: {  	_ =	shalt  }
0x62: {  	_ =	shalt  }
0x63: {  	_ =	shalt  }
0x64: {  	_ =	shalt  }
0x65: {  	_ =	shalt  }
0x66: {  	_ =	shalt  }
0x67: {  	_ =	shalt  }
0x68: {  	_ =	shalt  }
0x69: {  	_ =	shalt  }
0x6a: {  	_ =	shalt  }
0x6b: {  	_ =	shalt  }
0x6c: {  	_ =	shalt  }
0x6d: {  	_ =	shalt  }
0x6e: {  	_ =	shalt  }
0x6f: {  	_ =	shalt  }
0x70: {  	_ =	shalt  }
0x71: {  	_ =	shalt  }
0x72: {  	_ =	shalt  }
0x73: {  	_ =	shalt  }
0x74: {  	_ =	shalt  }
0x75: {  	_ =	shalt  }
0x76: {  	_ =	shalt  }
0x77: {  	_ =	shalt  }
0x78: {  	_ =	shalt  }
0x79: {  	_ =	shalt  }
0x7a: {  	_ =	shalt  }
0x7b: {  	_ =	shalt  }
0x7c: {  	_ =	shalt  }
0x7d: {  	_ =	shalt  }
0x7e: {  	_ =	shalt  }
0x7f: {  	_ =	shalt  }
0x80: {  	_ =	shalt  }
0x81: {  	_ =	shalt  }
0x82: {  	_ =	shalt  }
0x83: {  	_ =	shalt  }
0x84: {  	_ =	shalt  }
0x85: {  	_ =	shalt  }
0x86: {  	_ =	shalt  }
0x87: {  	_ =	shalt  }
.Lfunc_end0:
.L_simem_size_0:
called_computation.3_lowered:
.L_overlay_start_0:
0x88: {  	s2 =	sld [smem:$0x3FD9]  }
0x89: {  	s3 =	sld [smem:$0x3FFE];
	_ =	sdelay $0x1  }
0x8a: {  	s1 =	srdreg.scid  }
0x8b: {  	s0 =	sand.u32 $0x1, s1  }
0x8c: {  	s16 =	sshll.u32 s0, $0xA;
	s2 =	sadd.s32 s3, s2  }
0x8d: {  	s2 =	sadd.s32 s2, s16  }
0x8e: {  	[smem:$0x3FBE] =	sst s2  }
0x8f: {  	_ = 	snop  }
0x90: {  	(tm) =	ssettm $0x1  }
0x91: {  	s17 =	sld [smem:$0x3FFB];
	_ =	sdelay $0x3  }
0x92: {  	_ =	strace s17  }
0x93: {  	s2 =	sld [smem:$0x3FFC];
	_ =	sdelay $0x3  }
0x94: {  	_ =	strace s2  }
0x95: {  	s2 =	sld [smem:$0x3FFD];
	_ =	sdelay $0x3  }
0x96: {  	_ =	strace s2  }
0x97: {  	_ =	strace $0x8FFFFFFF  }
0x98: {  	s18 =	sld [smem:$0x3FDB];
	_ =	sdelay $0x1  }
0x99: {  	s19 =	simm.s32 $_scs_section_size  }
0x9a: {  	s4 =	simm.s32 $_size__tile_overlayer_lowered;
	s5 =	simm.s32 $_tile_overlayer_lowered  }
0x9b: {  	s22 =	simm.s32 $0x1BFF;
	s21 =	sshll.u32 s5, $0x1;
	s2 =	sadd.s32 s19, s18  }
0x9c: {  	s6 =	simm.s32 $0x0;
	s20 =	sshll.u32 s4, $0x1;
	s4 =	sadd.s32 s21, s2  }
0x9d: {  	[timem:s6], [sflag:s22] =	dma.local [hbm:s4], s20  }
0x9e: {  	_ =	swait.ge [sflag:s22], s20  }
0x9f: {  	s3 =	ssub.s32 $0x0, s20;
	[sflag:s22] =	ssyncset.done $0x0  }
0xa0: {  	[sflag:s22] =	ssyncadd.s32 s3;
	_ =	sdelay $0x1  }
0xa1: {  	s23 =	simm.s32 $0x1B8B  }
0xa2: {  	_ =	swait.ge [sflag:s23], $0x1  }
0xa3: {  	[sflag:s23] =	ssyncset.done $0x0  }
0xa4: {  	s25 =	simm.s32 $0x1B8E;
	s24 =	sld [smem:$0x3FFE];
	[sflag:s23] =	ssyncadd.s32 $0xFFFFFFFF  }
0xa5: {  	s26 =	simm.s32 $execute0_lowered;
	[smem:$0x3FD2] =	sst s25  }
0xa6: {  	s4 =	sshll.u32 s26, $0x1;
	_ =	strace $0x8000004F;
	[dreg:$0x1] =	wrdreg $0xFFFFFFFF  }
0xa7: {  	s28 =	simm.s32 $_size_execute0_lowered;
	s2 =	sadd.s32 s2, s4;
	[dreg:$0x0] =	wrdreg $0x0  }
0xa8: {  	s4 =	sshll.u32 s28, $0x1;
	[dreg:$0x2] =	wrdreg s2  }
0xa9: {  	[dreg:$0x3] =	wrdreg s4  }
0xaa: {  	[dreg:$0x4] =	wrdreg $0xC0  }
0xab: {  	_ =	task [dreg:s6], $0x5FFFF  }
0xac: {  	[dreg:$0x1] =	wrdreg $0xFFFFFFFF  }
0xad: {  	[dreg:$0x0] =	wrdreg $0x60  }
0xae: {  	[dreg:$0x2] =	wrdreg s24  }
0xaf: {  	[dreg:$0x3] =	wrdreg $0x16F000  }
0xb0: {  	[dreg:$0x4] =	wrdreg $0x120000  }
0xb1: {  	[dreg:$0x5] =	wrdreg $0x9  }
0xb2: {  	_ =	task.clear_ibuf [dreg:s6], $0x6FFFF;
	_ =	strace $0x9000004F  }
0xb3: {  	s29 =	simm.s32 $0x9;
	_ =	strace $0x80000051  }
0xb4: {  	_ =	swait.ge [sflag:s29], $0x1  }
0xb5: {  	[sflag:s29] =	ssyncadd.s32 $0xFFFFFFFF  }
0xb6: {  	_ =	strace $0x90000051  }
0xb7: {  	_ =	sfence  }
0xb8: {  	s30 =	sld [smem:$0x0];
	_ =	sdelay $0x2  }
0xb9: {  	s31 =	sshll.u32 s1, $0xD;
	s1 =	sshrl.u32 s1, $0x2  }
0xba: {  	s3 =	sand.u32 $0x4000, s31;
	s1 =	sadd.s32 s1, s30  }
0xbb: {  	s0 =	sor.u32 s3, s0;
	s1 =	sshll.u32 s1, $0x11  }
0xbc: {  	s0 =	sor.u32 s1, s0  }
0xbd: {  	s0 =	sadd.s32 $0x8F2B, s0  }
0xbe: {  	[sflag:s0] =	ssyncadd.remote.s32 $0x1  }
0xbf: {  	_ =	sfence.sel $0xFFFF  }
0xc0: {  	[dreg:$0x0] =	wrdreg $0xFFFFFFFF;
	(pc) =	sbr.abs _section_cstart, $3  }
0xc1: {  	[dreg:$0x1] =	wrdreg $0xFFFFFFFF  }
0xc2: {  	_ =	task.clear_ibuf [dreg:s6], $0x2FFFF;
	_ =	strace $0x9FFFFFFF  }
0xc3: {  	(tm) =	ssettm $0x7FFFFFFF  }
tec
execute0_lowered:
.L_overlay_start_1:
0x0: {  	(tag) =	ssettag $0x1  }
0x1: {  	s0 =	rddreg [dreg:$0x0]  }
0x2: {  	s2 =	rddreg [dreg:$0x1]  }
0x3: {  	s3 =	rddreg [dreg:$0x2]  }
0x4: {  	s10 =	stileid.u32;
	s5 =	simm.s32 $0x0;
	s4 =	srdreg.scid  }
0x5: {  	s28 =	simm.s32 $0x80;
	s29 =	simm.s32 $0xB000;
	s30 =	simm.s32 $0xC000  }
0x6: {  	s31 =	simm.s32 $0xD000;
	s14 =	simm.s32 $0x6;
	s1 =	smul.u32 $0xA00, s10  }
0x7: {  	[smem:$0x7FF] =	sst s5;
	s6 =	smul.u32 $0x4F00, s10;
	s12 =	sadd.s32 $0xC820, s0  }
0x8: {  	s17 =	sadd.s32 $0x16620, s0;
	_ =	strace $0x80000050;
	[dreg:$0x5] =	wrdreg s12  }
0x9: {  	s4 =	sand.u32 $0x1, s4;
	s24 =	sadd.s32 $0x5B620, s0;
	[dreg:$0x7] =	wrdreg s17  }
0xa: {  	s9 =	smul.u32 $0x13C00, s10;
	s15 =	ssub.s32 $0x2, s4;
	[dreg:$0xf] =	wrdreg s24  }
0xb: {  	p3 =	sne.s32 s4, $0x0;
	s24 =	simm.s32 $0x9;
	s4 =	simm.s32 $0x10000  }
0xc: {  	s12 =	simm.s32 $0x5;
	s17 =	simm.s32 $0x0;
	s1 =	sadd.s32 s1, s0  }
0xd: {  	s7 =	sshrl.u32 s6, $0x3;
	s8 =	sshrl.u32 s15, $0x1;
	s5 =	sadd.s32 s6, s2  }
0xe: {  	s9 =	sshrl.u32 s9, $0x2;
	s13 =	sadd.s32 s6, s3;
	p1 =	seq.s32 @p3 s10, $0xF  }
0xf: {  	p4 =	seq.s32 @!p3 s10, $0xF;
	s6 =	simm.s32 $0x11000;
	s18 =	sadd.s32 $0x21000, s1  }
0x10: {  	s10 =	simm.s32 $0x3;
	s1 =	sadd.s32 $0x17000, s1;
	[dreg:$0x8] =	wrdreg s18  }
0x11: {  	s7 =	sadd.s32 s7, s0;
	s0 =	sadd.s32 $0x65420, s0;
	[dreg:$0x9] =	wrdreg s1  }
0x12: {  	s8 =	ssub.s32 s15, s8;
	s11 =	sadd.s32 $0x3400, s7;
	[dreg:$0x11] =	wrdreg s0  }
0x13: {  	s9 =	sadd.s32 s9, s3;
	s16 =	sadd.s32 $0xD200, s7;
	[dreg:$0x4] =	wrdreg s11  }
0x14: {  	p0 =	por !p1, !p3;
	s19 =	sadd.s32 $0x1000, s9;
	[dreg:$0x6] =	wrdreg s16  }
0x15: {  	p1 =	por p1, !p3;
	s20 =	sadd.s32 $0x2000, s9;
	[dreg:$0xa] =	wrdreg s19  }
0x16: {  	p2 =	por !p4, p3;
	s21 =	sadd.s32 $0x3000, s9;
	[dreg:$0xb] =	wrdreg s20  }
0x17: {  	p3 =	por p4, p3;
	s22 =	sadd.s32 $0x4000, s9;
	[dreg:$0xc] =	wrdreg s21  }
0x18: {  	s15 =	simm.s32 $0x7;
	s23 =	sadd.s32 $0x52200, s7;
	[dreg:$0xd] =	wrdreg s22  }
0x19: {  	s25 =	sadd.s32 $0x5C000, s7;
	s26 =	smax.u32 s8, $0x1;
	[dreg:$0xe] =	wrdreg s23  }
0x1a: {  	s0 =	simm.s32 $0xE000;
	s8 =	simm.s32 $0x1;
	[dreg:$0x10] =	wrdreg s25  }
0x1b: {  	s9 =	simm.s32 $0x2;
	s11 =	sadd.s32 $0x4A100, s2;
	[dreg:$0x12] =	wrdreg s26  }
0x1c: {  	s26 =	simm.s32 $0xA000;
	s25 =	simm.s32 $0xF000;
	s16 =	simm.s32 $0x8  }
0x1d: {  	v0 =	vimm.f32 $0.0e+00;
	s22 =	smov.u32 s11;
	s23 =	sshrl.u32 @!p0 s11, $0x3;
	s11 =	simm.s32 $0x4  }
.LBB2_1:
0x1e: {  	s1 =	simm.s32 @!p0 $0x1FC9;
	s7 =	rddreg [dreg:$0x5]  }
0x1f: {  	[spmem:s23], [sflag:s1] =	dma.local @!p0 [hbm:s7], $0x820  }
0x20: {  	s19 =	stileid.u32;
	s1 =	simm.s32 @!p0 $0x9  }
0x21: {  	s7 =	sshll.u32 @!p1 s19, $0x6;
	_ =	swait.ge @!p0 [sflag:s1], $0x820  }
0x22: {  	s18 =	sor.u32 @!p1 $0x1C09, s7;
	[sflag:s1] =	ssyncset.done @!p0 $0x0  }
0x23: {  	s7 =	rddreg [dreg:$0x4];
	[sflag:s1] =	ssyncadd.s32 @!p0 $0xFFFFF7E0;
	s1 =	sshrl.u32 @!p1 s5, $0x3  }
0x24: {  	[spmem:s1], [sflag:s18] =	dma.local @!p1 [hbm:s7], $0x9E0  }
0x25: {  	s1 =	simm.s32 @!p1 $0x9  }
0x26: {  	_ =	swait.ge @!p1 [sflag:s1], $0x9E0  }
0x27: {  	s7 =	simm.s32 @!p2 $0x1FC9;
	[sflag:s1] =	ssyncset.done @!p1 $0x0  }
0x28: {  	s20 =	rddreg [dreg:$0x7];
	[sflag:s1] =	ssyncadd.s32 @!p1 $0xFFFFF620;
	s1 =	sshrl.u32 @!p2 s22, $0x3  }
0x29: {  	[spmem:s1], [sflag:s7] =	dma.local @!p2 [hbm:s20], $0x820  }
0x2a: {  	s1 =	simm.s32 @!p2 $0x9  }
0x2b: {  	s7 =	sshll.u32 @!p3 s19, $0x6;
	_ =	swait.ge @!p2 [sflag:s1], $0x820  }
0x2c: {  	s19 =	sor.u32 @!p3 $0x1C09, s7;
	[sflag:s1] =	ssyncset.done @!p2 $0x0  }
0x2d: {  	s7 =	rddreg [dreg:$0x6];
	[sflag:s1] =	ssyncadd.s32 @!p2 $0xFFFFF7E0;
	s1 =	sshrl.u32 @!p3 s5, $0x3  }
0x2e: {  	[spmem:s1], [sflag:s19] =	dma.local @!p3 [hbm:s7], $0x9E0  }
0x2f: {  	s1 =	simm.s32 @!p3 $0x9  }
0x30: {  	_ =	swait.ge @!p3 [sflag:s1], $0x9E0  }
0x31: {  	[sflag:s1] =	ssyncset.done @!p3 $0x0  }
0x32: {  	s21 =	rddreg [dreg:$0x8];
	[sflag:s1] =	ssyncadd.s32 @!p3 $0xFFFFF620;
	s1 =	simm.s32 $0x0  }
0x33: {  	[tilespmem:s1], [sflag:$0x9] =	stream.linear.gather [hbm4b:s21+s1], $0x5000, $0x38;
	[tilespmem:$0x1BE00] =	vst v63  }
0x34: {  	_ =	swait.ge [sflag:s24], $0x5000  }
0x35: {  	[sflag:s24] =	ssyncset.done $0x0  }
0x36: {  	s21 =	simm.s32 $0x5000;
	s20 =	rddreg [dreg:$0x9];
	[sflag:s24] =	ssyncadd.s32 $0xFFFFB000  }
0x37: {  	[tilespmem:s21], [sflag:$0x9] =	stream.linear.gather [hbm4b:s20+s1], $0x5000, $0x38;
	[tilespmem:$0x1BE00] =	vst v63  }
0x38: {  	_ =	swait.ge [sflag:s24], $0x5000  }
0x39: {  	[sflag:s24] =	ssyncset.done $0x0  }
0x3a: {  	s7 =	simm.s32 $0x0;
	s1 =	simm.s32 $0x80;
	[sflag:s24] =	ssyncadd.s32 $0xFFFFB000  }
.LBB2_2:
0x3b: {  	p4 =	sne.s32 s1, $0x3F80;
	[tilespmem:s7+$0xA000] =	vst v0;
	s20 =	smov.u32 s1;
	s1 =	sadd.s32 $0x80, s1  }
.Ltmp0:
0x3c: {  	[tilespmem:s7+$0xA010] =	vst v0;
	(pc) =	sbr.rel @p4 .LBB2_2-.Ltmp0, $2  }
0x3d: {  	_ =	sdelay $0x2  }
0x3e: {  	s7 =	sshra.s32 s20, $0x2  }
0x3f: {  	[tilespmem:s7+$0xA000] =	vst v0  }
0x40: {  	[tilespmem:s7+$0xA010] =	vst v0  }
0x41: {  	[spmem:s13] =	stream.linear.scatter [tilespmem:s26], [sflag:$0x9], $0x1000, $0x38;
	[tilespmem:$0x1BE00] =	vst v63  }
0x42: {  	_ =	swait.ge [sflag:s24], $0x1000  }
0x43: {  	[sflag:s24] =	ssyncset.done $0x0  }
0x44: {  	s1 =	rddreg [dreg:$0xa];
	[sflag:s24] =	ssyncadd.s32 $0xFFFFF000  }
0x45: {  	[spmem:s1] =	stream.linear.scatter [tilespmem:s26], [sflag:$0x9], $0x1000, $0x38;
	[tilespmem:$0x1BE00] =	vst v63  }
0x46: {  	_ =	swait.ge [sflag:s24], $0x1000  }
0x47: {  	[sflag:s24] =	ssyncset.done $0x0  }
0x48: {  	s21 =	rddreg [dreg:$0xb];
	[sflag:s24] =	ssyncadd.s32 $0xFFFFF000  }
0x49: {  	[spmem:s21] =	stream.linear.scatter [tilespmem:s26], [sflag:$0x9], $0x1000, $0x38;
	[tilespmem:$0x1BE00] =	vst v63  }
0x4a: {  	_ =	swait.ge [sflag:s24], $0x1000  }
0x4b: {  	[sflag:s24] =	ssyncset.done $0x0  }
0x4c: {  	s7 =	rddreg [dreg:$0xc];
	[sflag:s24] =	ssyncadd.s32 $0xFFFFF000  }
0x4d: {  	[spmem:s7] =	stream.linear.scatter [tilespmem:s26], [sflag:$0x9], $0x1000, $0x38;
	[tilespmem:$0x1BE00] =	vst v63  }
0x4e: {  	_ =	swait.ge [sflag:s24], $0x1000  }
0x4f: {  	[sflag:s24] =	ssyncset.done $0x0  }
0x50: {  	s20 =	rddreg [dreg:$0xd];
	[sflag:s24] =	ssyncadd.s32 $0xFFFFF000  }
0x51: {  	[spmem:s20] =	stream.linear.scatter [tilespmem:s26], [sflag:$0x9], $0xF00, $0x38;
	[tilespmem:$0x1BE00] =	vst v63  }
0x52: {  	_ =	swait.ge [sflag:s24], $0xF00  }
0x53: {  	[sflag:s24] =	ssyncset.done $0x0  }
0x54: {  	[sflag:s24] =	ssyncadd.s32 $0xFFFFF100  }
0x55: {  	s21 =	simm.s32 $0x0;
	[bflag:$0x0] =	sbarrier.arrive $0xFFFF  }
0x56: {  	[tilespmem:s26], [sflag:$0x1] =	stream.indirect.gather [spmem:s2], $0x20, s21, s28, $0xb8;
	[tilespmem:$0x1BE00] =	vst v63  }
0x57: {  	s7 =	simm.s32 $0x80  }
0x58: {  	[tilespmem:s29], [sflag:$0x2] =	stream.indirect.gather [spmem:s2], $0x20, s7, s28, $0xb8;
	[tilespmem:$0x1BE00] =	vst v63  }
0x59: {  	s20 =	simm.s32 $0x100  }
0x5a: {  	[tilespmem:s30], [sflag:$0x3] =	stream.indirect.gather [spmem:s2], $0x20, s20, s28, $0xb8;
	[tilespmem:$0x1BE00] =	vst v63  }
0x5b: {  	s21 =	simm.s32 $0x180  }
0x5c: {  	[tilespmem:s31], [sflag:$0x4] =	stream.indirect.gather [spmem:s2], $0x20, s21, s28, $0xb8;
	[tilespmem:$0x1BE00] =	vst v63  }
0x5d: {  	s7 =	simm.s32 $0x200  }
0x5e: {  	[tilespmem:s0], [sflag:$0x5] =	stream.indirect.gather [spmem:s2], $0x20, s7, s28, $0xb8;
	[tilespmem:$0x1BE00] =	vst v63  }
0x5f: {  	s20 =	simm.s32 $0x280  }
0x60: {  	[tilespmem:s25], [sflag:$0x6] =	stream.indirect.gather [spmem:s2], $0x20, s20, s28, $0xb8;
	[tilespmem:$0x1BE00] =	vst v63  }
0x61: {  	s21 =	simm.s32 $0x300  }
0x62: {  	[tilespmem:s4], [sflag:$0x7] =	stream.indirect.gather [spmem:s2], $0x20, s21, s28, $0xb8;
	[tilespmem:$0x1BE00] =	vst v63  }
0x63: {  	s7 =	simm.s32 $0x380  }
0x64: {  	[tilespmem:s6], [sflag:$0x8] =	stream.indirect.gather [spmem:s2], $0x20, s7, s28, $0xb8;
	[tilespmem:$0x1BE00] =	vst v63  }
0x65: {  	_ =	swait.ge [sflag:s8], $0x1000  }
0x66: {  	[sflag:s8] =	ssyncset.done $0x0  }
0x67: {  	s20 =	simm.s32 $0x5000;
	[sflag:s8] =	ssyncadd.s32 $0xFFFFF000  }
0x68: {  	[spmem:s3] =	stream.indirect.scatter.add.f32 [tilespmem:s26], [sflag:$0x9], $0x20, s20, s28, $0xb8;
	[tilespmem:$0x1BE00] =	vst v63  }
0x69: {  	_ =	swait.ge [sflag:s24], $0x1000  }
0x6a: {  	[sflag:s24] =	ssyncset.done $0x0  }
0x6b: {  	[sflag:s24] =	ssyncadd.s32 $0xFFFFF000  }
0x6c: {  	_ =	swait.ge [sflag:s9], $0x1000  }
0x6d: {  	[sflag:s9] =	ssyncset.done $0x0  }
0x6e: {  	s21 =	simm.s32 $0x5080;
	[sflag:s9] =	ssyncadd.s32 $0xFFFFF000  }
0x6f: {  	[spmem:s3] =	stream.indirect.scatter.add.f32 [tilespmem:s29], [sflag:$0x9], $0x20, s21, s28, $0xb8;
	[tilespmem:$0x1BE00] =	vst v63  }
0x70: {  	_ =	swait.ge [sflag:s24], $0x1000  }
0x71: {  	[sflag:s24] =	ssyncset.done $0x0  }
0x72: {  	[sflag:s24] =	ssyncadd.s32 $0xFFFFF000  }
0x73: {  	_ =	swait.ge [sflag:s10], $0x1000  }
0x74: {  	[sflag:s10] =	ssyncset.done $0x0  }
0x75: {  	s7 =	simm.s32 $0x5100;
	[sflag:s10] =	ssyncadd.s32 $0xFFFFF000  }
0x76: {  	[spmem:s3] =	stream.indirect.scatter.add.f32 [tilespmem:s30], [sflag:$0x9], $0x20, s7, s28, $0xb8;
	[tilespmem:$0x1BE00] =	vst v63  }
0x77: {  	_ =	swait.ge [sflag:s24], $0x1000  }
0x78: {  	[sflag:s24] =	ssyncset.done $0x0  }
0x79: {  	[sflag:s24] =	ssyncadd.s32 $0xFFFFF000  }
0x7a: {  	_ =	swait.ge [sflag:s11], $0x1000  }
0x7b: {  	[sflag:s11] =	ssyncset.done $0x0  }
0x7c: {  	s20 =	simm.s32 $0x5180;
	[sflag:s11] =	ssyncadd.s32 $0xFFFFF000  }
0x7d: {  	[spmem:s3] =	stream.indirect.scatter.add.f32 [tilespmem:s31], [sflag:$0x9], $0x20, s20, s28, $0xb8;
	[tilespmem:$0x1BE00] =	vst v63  }
0x7e: {  	_ =	swait.ge [sflag:s24], $0x1000  }
0x7f: {  	[sflag:s24] =	ssyncset.done $0x0  }
0x80: {  	[sflag:s24] =	ssyncadd.s32 $0xFFFFF000  }
0x81: {  	_ =	swait.ge [sflag:s12], $0x1000  }
0x82: {  	[sflag:s12] =	ssyncset.done $0x0  }
0x83: {  	s21 =	simm.s32 $0x5200;
	[sflag:s12] =	ssyncadd.s32 $0xFFFFF000  }
0x84: {  	[spmem:s3] =	stream.indirect.scatter.add.f32 [tilespmem:s0], [sflag:$0x9], $0x20, s21, s28, $0xb8;
	[tilespmem:$0x1BE00] =	vst v63  }
0x85: {  	_ =	swait.ge [sflag:s24], $0x1000  }
0x86: {  	[sflag:s24] =	ssyncset.done $0x0  }
0x87: {  	[sflag:s24] =	ssyncadd.s32 $0xFFFFF000  }
0x88: {  	_ =	swait.ge [sflag:s14], $0x1000  }
0x89: {  	[sflag:s14] =	ssyncset.done $0x0  }
0x8a: {  	s7 =	simm.s32 $0x5280;
	[sflag:s14] =	ssyncadd.s32 $0xFFFFF000  }
0x8b: {  	[spmem:s3] =	stream.indirect.scatter.add.f32 [tilespmem:s25], [sflag:$0x9], $0x20, s7, s28, $0xb8;
	[tilespmem:$0x1BE00] =	vst v63  }
0x8c: {  	_ =	swait.ge [sflag:s24], $0x1000  }
0x8d: {  	[sflag:s24] =	ssyncset.done $0x0  }
0x8e: {  	[sflag:s24] =	ssyncadd.s32 $0xFFFFF000  }
0x8f: {  	_ =	swait.ge [sflag:s15], $0x1000  }
0x90: {  	[sflag:s15] =	ssyncset.done $0x0  }
0x91: {  	s20 =	simm.s32 $0x5300;
	[sflag:s15] =	ssyncadd.s32 $0xFFFFF000  }
0x92: {  	[spmem:s3] =	stream.indirect.scatter.add.f32 [tilespmem:s4], [sflag:$0x9], $0x20, s20, s28, $0xb8;
	[tilespmem:$0x1BE00] =	vst v63  }
0x93: {  	_ =	swait.ge [sflag:s24], $0x1000  }
0x94: {  	[sflag:s24] =	ssyncset.done $0x0  }
0x95: {  	[sflag:s24] =	ssyncadd.s32 $0xFFFFF000  }
0x96: {  	_ =	swait.ge [sflag:s16], $0x1000  }
0x97: {  	[sflag:s16] =	ssyncset.done $0x0  }
0x98: {  	s21 =	simm.s32 $0x5380;
	[sflag:s16] =	ssyncadd.s32 $0xFFFFF000  }
0x99: {  	[spmem:s3] =	stream.indirect.scatter.add.f32 [tilespmem:s6], [sflag:$0x9], $0x20, s21, s28, $0xb8;
	[tilespmem:$0x1BE00] =	vst v63  }
0x9a: {  	_ =	swait.ge [sflag:s24], $0x1000  }
0x9b: {  	s1 =	simm.s32 $0x2000;
	s7 =	simm.s32 $0x1000;
	[sflag:s24] =	ssyncset.done $0x0  }
.LBB2_4:
0x9c: {  	s20 =	sshra.s32 s7, $0x2  }
0x9d: {  	[sflag:s24] =	ssyncadd.s32 $0xFFFFF000;
	s7 =	smov.u32 s1;
	s21 =	sadd.s32 $0x1000, s1  }
0x9e: {  	[tilespmem:s26], [sflag:$0x1] =	stream.indirect.gather [spmem:s2], $0x20, s20, s28, $0xb8;
	[tilespmem:$0x1BE00] =	vst v63  }
0x9f: {  	p4 =	sne.s32 s1, $0x13000;
	s1 =	sadd.s32 $0x80, s20  }
0xa0: {  	[tilespmem:s29], [sflag:$0x2] =	stream.indirect.gather [spmem:s2], $0x20, s1, s28, $0xb8;
	[tilespmem:$0x1BE00] =	vst v63  }
0xa1: {  	s1 =	sadd.s32 $0x100, s20  }
0xa2: {  	[tilespmem:s30], [sflag:$0x3] =	stream.indirect.gather [spmem:s2], $0x20, s1, s28, $0xb8;
	[tilespmem:$0x1BE00] =	vst v63  }
0xa3: {  	s1 =	sadd.s32 $0x180, s20  }
0xa4: {  	[tilespmem:s31], [sflag:$0x4] =	stream.indirect.gather [spmem:s2], $0x20, s1, s28, $0xb8;
	[tilespmem:$0x1BE00] =	vst v63  }
0xa5: {  	s1 =	sadd.s32 $0x200, s20  }
0xa6: {  	[tilespmem:s0], [sflag:$0x5] =	stream.indirect.gather [spmem:s2], $0x20, s1, s28, $0xb8;
	[tilespmem:$0x1BE00] =	vst v63  }
0xa7: {  	s1 =	sadd.s32 $0x280, s20  }
0xa8: {  	[tilespmem:s25], [sflag:$0x6] =	stream.indirect.gather [spmem:s2], $0x20, s1, s28, $0xb8;
	[tilespmem:$0x1BE00] =	vst v63  }
0xa9: {  	s1 =	sadd.s32 $0x300, s20  }
0xaa: {  	[tilespmem:s4], [sflag:$0x7] =	stream.indirect.gather [spmem:s2], $0x20, s1, s28, $0xb8;
	[tilespmem:$0x1BE00] =	vst v63  }
0xab: {  	s1 =	sadd.s32 $0x380, s20  }
0xac: {  	[tilespmem:s6], [sflag:$0x8] =	stream.indirect.gather [spmem:s2], $0x20, s1, s28, $0xb8;
	[tilespmem:$0x1BE00] =	vst v63  }
0xad: {  	_ =	swait.ge [sflag:s8], $0x1000  }
0xae: {  	[sflag:s8] =	ssyncset.done $0x0  }
0xaf: {  	s1 =	sadd.s32 $0x5000, s20;
	[sflag:s8] =	ssyncadd.s32 $0xFFFFF000  }
0xb0: {  	[spmem:s3] =	stream.indirect.scatter.add.f32 [tilespmem:s26], [sflag:$0x9], $0x20, s1, s28, $0xb8;
	[tilespmem:$0x1BE00] =	vst v63  }
0xb1: {  	_ =	swait.ge [sflag:s24], $0x1000  }
0xb2: {  	[sflag:s24] =	ssyncset.done $0x0  }
0xb3: {  	[sflag:s24] =	ssyncadd.s32 $0xFFFFF000  }
0xb4: {  	_ =	swait.ge [sflag:s9], $0x1000  }
0xb5: {  	[sflag:s9] =	ssyncset.done $0x0  }
0xb6: {  	s1 =	sadd.s32 $0x5080, s20;
	[sflag:s9] =	ssyncadd.s32 $0xFFFFF000  }
0xb7: {  	[spmem:s3] =	stream.indirect.scatter.add.f32 [tilespmem:s29], [sflag:$0x9], $0x20, s1, s28, $0xb8;
	[tilespmem:$0x1BE00] =	vst v63  }
0xb8: {  	_ =	swait.ge [sflag:s24], $0x1000  }
0xb9: {  	[sflag:s24] =	ssyncset.done $0x0  }
0xba: {  	[sflag:s24] =	ssyncadd.s32 $0xFFFFF000  }
0xbb: {  	_ =	swait.ge [sflag:s10], $0x1000  }
0xbc: {  	[sflag:s10] =	ssyncset.done $0x0  }
0xbd: {  	s1 =	sadd.s32 $0x5100, s20;
	[sflag:s10] =	ssyncadd.s32 $0xFFFFF000  }
0xbe: {  	[spmem:s3] =	stream.indirect.scatter.add.f32 [tilespmem:s30], [sflag:$0x9], $0x20, s1, s28, $0xb8;
	[tilespmem:$0x1BE00] =	vst v63  }
0xbf: {  	_ =	swait.ge [sflag:s24], $0x1000  }
0xc0: {  	[sflag:s24] =	ssyncset.done $0x0  }
0xc1: {  	[sflag:s24] =	ssyncadd.s32 $0xFFFFF000  }
0xc2: {  	_ =	swait.ge [sflag:s11], $0x1000  }
0xc3: {  	[sflag:s11] =	ssyncset.done $0x0  }
0xc4: {  	s1 =	sadd.s32 $0x5180, s20;
	[sflag:s11] =	ssyncadd.s32 $0xFFFFF000  }
0xc5: {  	[spmem:s3] =	stream.indirect.scatter.add.f32 [tilespmem:s31], [sflag:$0x9], $0x20, s1, s28, $0xb8;
	[tilespmem:$0x1BE00] =	vst v63  }
0xc6: {  	_ =	swait.ge [sflag:s24], $0x1000  }
0xc7: {  	[sflag:s24] =	ssyncset.done $0x0  }
0xc8: {  	[sflag:s24] =	ssyncadd.s32 $0xFFFFF000  }
0xc9: {  	_ =	swait.ge [sflag:s12], $0x1000  }
0xca: {  	[sflag:s12] =	ssyncset.done $0x0  }
0xcb: {  	s1 =	sadd.s32 $0x5200, s20;
	[sflag:s12] =	ssyncadd.s32 $0xFFFFF000  }
0xcc: {  	[spmem:s3] =	stream.indirect.scatter.add.f32 [tilespmem:s0], [sflag:$0x9], $0x20, s1, s28, $0xb8;
	[tilespmem:$0x1BE00] =	vst v63  }
0xcd: {  	_ =	swait.ge [sflag:s24], $0x1000  }
0xce: {  	[sflag:s24] =	ssyncset.done $0x0  }
0xcf: {  	[sflag:s24] =	ssyncadd.s32 $0xFFFFF000  }
0xd0: {  	_ =	swait.ge [sflag:s14], $0x1000  }
0xd1: {  	[sflag:s14] =	ssyncset.done $0x0  }
0xd2: {  	s1 =	sadd.s32 $0x5280, s20;
	[sflag:s14] =	ssyncadd.s32 $0xFFFFF000  }
0xd3: {  	[spmem:s3] =	stream.indirect.scatter.add.f32 [tilespmem:s25], [sflag:$0x9], $0x20, s1, s28, $0xb8;
	[tilespmem:$0x1BE00] =	vst v63  }
0xd4: {  	_ =	swait.ge [sflag:s24], $0x1000  }
0xd5: {  	[sflag:s24] =	ssyncset.done $0x0  }
0xd6: {  	[sflag:s24] =	ssyncadd.s32 $0xFFFFF000  }
0xd7: {  	_ =	swait.ge [sflag:s15], $0x1000  }
0xd8: {  	[sflag:s15] =	ssyncset.done $0x0  }
0xd9: {  	s1 =	sadd.s32 $0x5300, s20;
	[sflag:s15] =	ssyncadd.s32 $0xFFFFF000  }
0xda: {  	[spmem:s3] =	stream.indirect.scatter.add.f32 [tilespmem:s4], [sflag:$0x9], $0x20, s1, s28, $0xb8;
	[tilespmem:$0x1BE00] =	vst v63  }
0xdb: {  	_ =	swait.ge [sflag:s24], $0x1000  }
0xdc: {  	[sflag:s24] =	ssyncset.done $0x0  }
0xdd: {  	[sflag:s24] =	ssyncadd.s32 $0xFFFFF000  }
0xde: {  	_ =	swait.ge [sflag:s16], $0x1000  }
.Ltmp1:
0xdf: {  	[sflag:s16] =	ssyncset.done $0x0;
	(pc) =	sbr.rel @p4 .LBB2_4-.Ltmp1, $4  }
0xe0: {  	s1 =	sadd.s32 $0x5380, s20;
	[sflag:s16] =	ssyncadd.s32 $0xFFFFF000  }
0xe1: {  	[spmem:s3] =	stream.indirect.scatter.add.f32 [tilespmem:s6], [sflag:$0x9], $0x20, s1, s28, $0xb8;
	[tilespmem:$0x1BE00] =	vst v63  }
0xe2: {  	_ =	swait.ge [sflag:s24], $0x1000  }
0xe3: {  	s1 =	smov.u32 s21;
	[sflag:s24] =	ssyncset.done $0x0  }
0xe4: {  	s1 =	sshra.s32 s7, $0x2;
	[sflag:s24] =	ssyncadd.s32 $0xFFFFF000  }
0xe5: {  	[tilespmem:s26], [sflag:$0x1] =	stream.indirect.gather [spmem:s2], $0x20, s1, s28, $0xb8;
	[tilespmem:$0x1BE00] =	vst v63  }
0xe6: {  	s7 =	sadd.s32 $0x80, s1  }
0xe7: {  	[tilespmem:s29], [sflag:$0x2] =	stream.indirect.gather [spmem:s2], $0x20, s7, s28, $0xb8;
	[tilespmem:$0x1BE00] =	vst v63  }
0xe8: {  	s20 =	sadd.s32 $0x100, s1  }
0xe9: {  	[tilespmem:s30], [sflag:$0x3] =	stream.indirect.gather [spmem:s2], $0x20, s20, s28, $0xb8;
	[tilespmem:$0x1BE00] =	vst v63  }
0xea: {  	s21 =	sadd.s32 $0x180, s1  }
0xeb: {  	[tilespmem:s31], [sflag:$0x4] =	stream.indirect.gather [spmem:s2], $0x20, s21, s28, $0xb8;
	[tilespmem:$0x1BE00] =	vst v63  }
0xec: {  	s20 =	sadd.s32 $0x200, s1  }
0xed: {  	[tilespmem:s0], [sflag:$0x5] =	stream.indirect.gather [spmem:s2], $0x20, s20, s28, $0xb8;
	[tilespmem:$0x1BE00] =	vst v63  }
0xee: {  	s21 =	sadd.s32 $0x280, s1  }
0xef: {  	[tilespmem:s25], [sflag:$0x6] =	stream.indirect.gather [spmem:s2], $0x20, s21, s28, $0xb8;
	[tilespmem:$0x1BE00] =	vst v63  }
0xf0: {  	s20 =	sadd.s32 $0x300, s1  }
0xf1: {  	[tilespmem:s4], [sflag:$0x7] =	stream.indirect.gather [spmem:s2], $0x20, s20, s28, $0xb8;
	[tilespmem:$0x1BE00] =	vst v63  }
0xf2: {  	s21 =	sadd.s32 $0x380, s1  }
0xf3: {  	[tilespmem:s6], [sflag:$0x8] =	stream.indirect.gather [spmem:s2], $0x20, s21, s28, $0xb8;
	[tilespmem:$0x1BE00] =	vst v63  }
0xf4: {  	_ =	swait.ge [sflag:s8], $0x1000  }
0xf5: {  	[sflag:s8] =	ssyncset.done $0x0  }
0xf6: {  	s20 =	sadd.s32 $0x5000, s1;
	[sflag:s8] =	ssyncadd.s32 $0xFFFFF000  }
0xf7: {  	[spmem:s3] =	stream.indirect.scatter.add.f32 [tilespmem:s26], [sflag:$0x9], $0x20, s20, s28, $0xb8;
	[tilespmem:$0x1BE00] =	vst v63  }
0xf8: {  	_ =	swait.ge [sflag:s24], $0x1000  }
0xf9: {  	[sflag:s24] =	ssyncset.done $0x0  }
0xfa: {  	[sflag:s24] =	ssyncadd.s32 $0xFFFFF000  }
0xfb: {  	_ =	swait.ge [sflag:s9], $0x1000  }
0xfc: {  	[sflag:s9] =	ssyncset.done $0x0  }
0xfd: {  	s21 =	sadd.s32 $0x5080, s1;
	[sflag:s9] =	ssyncadd.s32 $0xFFFFF000  }
0xfe: {  	[spmem:s3] =	stream.indirect.scatter.add.f32 [tilespmem:s29], [sflag:$0x9], $0x20, s21, s28, $0xb8;
	[tilespmem:$0x1BE00] =	vst v63  }
0xff: {  	_ =	swait.ge [sflag:s24], $0x1000  }
0x100: {  	[sflag:s24] =	ssyncset.done $0x0  }
0x101: {  	[sflag:s24] =	ssyncadd.s32 $0xFFFFF000  }
0x102: {  	_ =	swait.ge [sflag:s10], $0x1000  }
0x103: {  	[sflag:s10] =	ssyncset.done $0x0  }
0x104: {  	s20 =	sadd.s32 $0x5100, s1;
	[sflag:s10] =	ssyncadd.s32 $0xFFFFF000  }
0x105: {  	[spmem:s3] =	stream.indirect.scatter.add.f32 [tilespmem:s30], [sflag:$0x9], $0x20, s20, s28, $0xb8;
	[tilespmem:$0x1BE00] =	vst v63  }
0x106: {  	_ =	swait.ge [sflag:s24], $0x1000  }
0x107: {  	[sflag:s24] =	ssyncset.done $0x0  }
0x108: {  	[sflag:s24] =	ssyncadd.s32 $0xFFFFF000  }
0x109: {  	_ =	swait.ge [sflag:s11], $0x1000  }
0x10a: {  	[sflag:s11] =	ssyncset.done $0x0  }
0x10b: {  	s21 =	sadd.s32 $0x5180, s1;
	[sflag:s11] =	ssyncadd.s32 $0xFFFFF000  }
0x10c: {  	[spmem:s3] =	stream.indirect.scatter.add.f32 [tilespmem:s31], [sflag:$0x9], $0x20, s21, s28, $0xb8;
	[tilespmem:$0x1BE00] =	vst v63  }
0x10d: {  	_ =	swait.ge [sflag:s24], $0x1000  }
0x10e: {  	[sflag:s24] =	ssyncset.done $0x0  }
0x10f: {  	[sflag:s24] =	ssyncadd.s32 $0xFFFFF000  }
0x110: {  	_ =	swait.ge [sflag:s12], $0x1000  }
0x111: {  	[sflag:s12] =	ssyncset.done $0x0  }
0x112: {  	s20 =	sadd.s32 $0x5200, s1;
	[sflag:s12] =	ssyncadd.s32 $0xFFFFF000  }
0x113: {  	[spmem:s3] =	stream.indirect.scatter.add.f32 [tilespmem:s0], [sflag:$0x9], $0x20, s20, s28, $0xb8;
	[tilespmem:$0x1BE00] =	vst v63  }
0x114: {  	_ =	swait.ge [sflag:s24], $0x1000  }
0x115: {  	[sflag:s24] =	ssyncset.done $0x0  }
0x116: {  	[sflag:s24] =	ssyncadd.s32 $0xFFFFF000  }
0x117: {  	_ =	swait.ge [sflag:s14], $0x1000  }
0x118: {  	[sflag:s14] =	ssyncset.done $0x0  }
0x119: {  	s21 =	sadd.s32 $0x5280, s1;
	[sflag:s14] =	ssyncadd.s32 $0xFFFFF000  }
0x11a: {  	[spmem:s3] =	stream.indirect.scatter.add.f32 [tilespmem:s25], [sflag:$0x9], $0x20, s21, s28, $0xb8;
	[tilespmem:$0x1BE00] =	vst v63  }
0x11b: {  	_ =	swait.ge [sflag:s24], $0x1000  }
0x11c: {  	[sflag:s24] =	ssyncset.done $0x0  }
0x11d: {  	[sflag:s24] =	ssyncadd.s32 $0xFFFFF000  }
0x11e: {  	_ =	swait.ge [sflag:s15], $0x1000  }
0x11f: {  	[sflag:s15] =	ssyncset.done $0x0  }
0x120: {  	s20 =	sadd.s32 $0x5300, s1;
	[sflag:s15] =	ssyncadd.s32 $0xFFFFF000  }
0x121: {  	[spmem:s3] =	stream.indirect.scatter.add.f32 [tilespmem:s4], [sflag:$0x9], $0x20, s20, s28, $0xb8;
	[tilespmem:$0x1BE00] =	vst v63  }
0x122: {  	_ =	swait.ge [sflag:s24], $0x1000  }
0x123: {  	[sflag:s24] =	ssyncset.done $0x0  }
0x124: {  	[sflag:s24] =	ssyncadd.s32 $0xFFFFF000  }
0x125: {  	_ =	swait.ge [sflag:s16], $0x1000  }
0x126: {  	[sflag:s16] =	ssyncset.done $0x0  }
0x127: {  	s1 =	sadd.s32 $0x5380, s1;
	[sflag:s16] =	ssyncadd.s32 $0xFFFFF000  }
0x128: {  	[spmem:s3] =	stream.indirect.scatter.add.f32 [tilespmem:s6], [sflag:$0x9], $0x20, s1, s28, $0xb8;
	[tilespmem:$0x1BE00] =	vst v63  }
0x129: {  	_ =	swait.ge [sflag:s24], $0x1000  }
0x12a: {  	[sflag:s24] =	ssyncset.done $0x0  }
0x12b: {  	[sflag:s24] =	ssyncadd.s32 $0xFFFFF000  }
0x12c: {  	[bflag:$0x0] =	sbarrier.arrive $0xFFFF  }
0x12d: {  	s7 =	simm.s32 @!p0 $0x1FC9;
	s1 =	sshrl.u32 @!p0 s13, $0x3;
	s20 =	rddreg [dreg:$0xf]  }
0x12e: {  	[hbm:s20], [sflag:s7] =	dma.local @!p0 [spmem:s1], $0x820  }
0x12f: {  	s1 =	simm.s32 @!p0 $0x9  }
0x130: {  	_ =	swait.ge @!p0 [sflag:s1], $0x820  }
0x131: {  	[sflag:s1] =	ssyncset.done @!p0 $0x0  }
0x132: {  	s7 =	rddreg [dreg:$0xe];
	[sflag:s1] =	ssyncadd.s32 @!p0 $0xFFFFF7E0;
	s1 =	sshrl.u32 @!p1 s13, $0x3  }
0x133: {  	[hbm:s7], [sflag:s18] =	dma.local @!p1 [spmem:s1], $0x9E0  }
0x134: {  	s1 =	simm.s32 @!p1 $0x9  }
0x135: {  	_ =	swait.ge @!p1 [sflag:s1], $0x9E0  }
0x136: {  	s7 =	simm.s32 @!p2 $0x1FC9;
	[sflag:s1] =	ssyncset.done @!p1 $0x0  }
0x137: {  	s18 =	rddreg [dreg:$0x11];
	[sflag:s1] =	ssyncadd.s32 @!p1 $0xFFFFF620;
	s1 =	sshrl.u32 @!p2 s13, $0x3  }
0x138: {  	[hbm:s18], [sflag:s7] =	dma.local @!p2 [spmem:s1], $0x820  }
0x139: {  	s1 =	simm.s32 @!p2 $0x9  }
0x13a: {  	_ =	swait.ge @!p2 [sflag:s1], $0x820  }
0x13b: {  	[sflag:s1] =	ssyncset.done @!p2 $0x0  }
0x13c: {  	s7 =	rddreg [dreg:$0x10];
	[sflag:s1] =	ssyncadd.s32 @!p2 $0xFFFFF7E0;
	s1 =	sshrl.u32 @!p3 s13, $0x3  }
0x13d: {  	[hbm:s7], [sflag:s19] =	dma.local @!p3 [spmem:s1], $0x9E0  }
0x13e: {  	s1 =	simm.s32 @!p3 $0x9  }
0x13f: {  	_ =	swait.ge @!p3 [sflag:s1], $0x9E0  }
0x140: {  	s17 =	sadd.s32 $0x1, s17;
	s21 =	rddreg [dreg:$0x12]  }
0x141: {  	p4 =	sne.s32 s17, s21  }
.Ltmp2:
0x142: {  	_ = 	snop;
	(pc) =	sbr.rel @p4 .LBB2_1-.Ltmp2, $3  }
0x143: {  	_ =	sdelay $0x1  }
0x144: {  	[sflag:s1] =	ssyncset.done @!p3 $0x0  }
0x145: {  	[sflag:s1] =	ssyncadd.s32 @!p3 $0xFFFFF620  }
0x146: {  	_ =	sfence.sel $0x180000  }
0x147: {  	[bflag:$0x0] =	sbarrier.arrive $0xFFFF  }
0x148: {  	_ =	strace $0x90000050  }
0x149: {  	s0 =	stileid.u32;
	[bflag:$0x2] =	sbarrier.arrive $0xFFFF  }
0x14a: {  	p0 =	sne.s32 s0, $0x0;
	s0 =	rddreg [dreg:$0x3]  }
0x14b: {  	s0 =	sadd.s32 @!p0 $0x100000, s0  }
0x14c: {  	[sflag:s0] =	ssyncadd.tile.s32 @!p0 $0x1;
	_ =	shalt  }
.Lfunc_end2:
_tile_overlayer_lowered:
.L_overlay_start_2:
0x14d: {  	(tag) =	ssettag $0x2  }
0x14e: {  	s0 =	rddreg [dreg:$0x0];
	s2 =	stileid.u32  }
0x14f: {  	s1 =	rddreg [dreg:$0x1];
	p0 =	sne.s32 s2, $0x0  }
0x150: {  	s3 =	rddreg [dreg:$0x2];
	[bflag:$0x3] =	sbarrier.arrive $0xFFFF;
	s2 =	simm.s32 @!p0 $0x1C09  }
0x151: {  	[timem:s3], [sflag:s2] =	dma.local @!p0 [hbm:s0], s1  }
0x152: {  	s0 =	simm.s32 @!p0 $0x9  }
0x153: {  	_ =	swait.ge @!p0 [sflag:s0], s1  }
0x154: {  	s1 =	ssub.s32 @!p0 $0x0, s1;
	[sflag:s0] =	ssyncset.done @!p0 $0x0  }
0x155: {  	[sflag:s0] =	ssyncadd.s32 @!p0 s1  }
0x156: {  	[bflag:$0x3] =	sbarrier.arrive $0xFFFF  }
0x157: {  	_ =	shalt  }

// kernel: kernel.8.cloned.1.call-start
scs
__scs_entry_jumppad:
0x0: {  	(pc) =	sbr.rel $0x88, $3  }
0x1: {  	(tag) =	ssettag $0x0;
	lr =	simm.s32 $0x1  }
0x2: {  	[smem:$0x3F97] =	sst lr;
	_ =	strace $0xD0000000  }
0x3: {  	_ = 	snop  }
0x4: {  	_ = 	snop  }
0x5: {  	_ = 	snop  }
0x6: {  	_ = 	snop  }
0x7: {  	_ = 	snop  }
__scs_overlays_trampoline_lowered:
0x8: {  	[smem:$0x3FA6] =	sst s0  }
0x9: {  	[smem:$0x3FA7] =	sst s1  }
0xa: {  	[smem:$0x3FA8] =	sst s2  }
0xb: {  	[smem:$0x3FA9] =	sst s3  }
0xc: {  	[smem:$0x3FAA] =	sst s4  }
0xd: {  	[smem:$0x3FAB] =	sst s5  }
0xe: {  	[smem:$0x3FAC] =	sst s6  }
0xf: {  	[smem:$0x3FAD] =	sst s7  }
0x10: {  	[smem:$0x3FAE] =	sst s8  }
0x11: {  	[smem:$0x3FAF] =	sst s9;
	s0 =	simm.s32 @!p0 $0x0  }
0x12: {  	s1 =	sld [smem:$0x3F95];
	s0 =	simm.s32 @p0 $0x1  }
0x13: {  	[smem:$0x3FB0] =	sst s0;
	s0 =	simm.s32 @!p1 $0x0  }
0x14: {  	s2 =	sld [smem:$0x3F94];
	s0 =	simm.s32 @p1 $0x1  }
0x15: {  	[smem:$0x3FB1] =	sst s0;
	s0 =	simm.s32 @!p2 $0x0  }
0x16: {  	s3 =	sld [smem:$0x3FDB];
	s0 =	simm.s32 @p2 $0x1  }
0x17: {  	s4 =	simm.s32 $0x1BF5;
	[smem:$0x3FB3] =	sst s0  }
0x18: {  	s0 =	sld [smem:$0x3F96];
	_ =	swait.ge [sflag:s4], $0x0  }
0x19: {  	s7 =	sld [smem:$0x3F97]  }
0x1a: {  	s8 =	sadd.s32 $0xFFFFE003, lr  }
0x1b: {  	s9 =	sadd.s32 $0xFFFFFEF7, lr;
	s5 =	simm.s32 $0xFFFFFFFF;
	p2 =	slt.u32 s8, $0xFFFFF086  }
0x1c: {  	p1 =	slt.u32 s9, $0xF7A;
	s5 =	simm.s32 @!p2 $0x0  }
0x1d: {  	s5 =	simm.s32 @p1 $0x1;
	p0 =	seq.s32 s7, s2  }
0x1e: {  	s7 =	smul.u32 @!p0 $0xF7A, s2;
	p2 =	seq.s32 @!p0 s5, $0x0  }
0x1f: {  	s9 =	smul.u32 $0xF7A, s1;
	s8 =	simm.s32 @!p0 $0x1BF5;
	p2 =	por !p2, p0  }
0x20: {  	[sflag:s8] =	ssyncset.s32 @!p0 $0xFFFFF086;
	s6 =	sadd.s32 @!p0 s3, s7;
	s7 =	simm.s32 @!p0 $0x108  }
0x21: {  	s3 =	sadd.s32 s3, s9;
	s6 =	sadd.s32 @!p0 $0x88, s6;
	s7 =	simm.s32 @p2 $0x1082  }
0x22: {  	[simem:s7], [sflag:s8] =	dma.local @!p0 [hbm:s6], $0xF7A  }
0x23: {  	s9 =	sor.u32 $0xD0000000, s2;
	s6 =	simm.s32 $0x108;
	_ =	swait.ge @!p0 [sflag:s8], $0x0  }
0x24: {  	s3 =	sadd.s32 $0x88, s3;
	s6 =	simm.s32 @!p1 $0x1082;
	[sflag:s4] =	ssyncset.s32 $0xFFFFF086  }
0x25: {  	[simem:s6], [sflag:s4] =	dma.local [hbm:s3], $0xF7A  }
0x26: {  	[smem:$0x3F97] =	sst s1;
	(tag) =	ssettag s2;
	_ =	strace s9  }
0x27: {  	s1 =	sld [smem:$0x3FA7]  }
0x28: {  	s2 =	sld [smem:$0x3FA8]  }
0x29: {  	s4 =	sld [smem:$0x3FAA]  }
0x2a: {  	p0 =	seq.s32 s5, $0x0;
	s5 =	sld [smem:$0x3FAB]  }
0x2b: {  	s6 =	sld [smem:$0x3FAC]  }
0x2c: {  	s7 =	sld [smem:$0x3FAD]  }
0x2d: {  	s3 =	simm.s32 $0x108;
	s8 =	sld [smem:$0x3FAE]  }
0x2e: {  	s3 =	simm.s32 @!p0 $0x1082;
	s9 =	sld [smem:$0x3FAF]  }
0x2f: {  	lr =	sadd.s32 s0, s3;
	s0 =	sld [smem:$0x3FA6]  }
0x30: {  	s3 =	sld [smem:$0x3FA9]  }
0x31: {  	[smem:$0x3FB2] =	sst s10  }
0x32: {  	s10 =	sld [smem:$0x3FB0];
	_ =	sdelay $0x3  }
0x33: {  	p0 =	seq.s32 s10, $0x1;
	s10 =	sld [smem:$0x3FB2];
	_ =	sdelay $0x3  }
0x34: {  	[smem:$0x3FB2] =	sst s10  }
0x35: {  	s10 =	sld [smem:$0x3FB1];
	_ =	sdelay $0x3  }
0x36: {  	p1 =	seq.s32 s10, $0x1;
	s10 =	sld [smem:$0x3FB2];
	_ =	sdelay $0x3  }
0x37: {  	[smem:$0x3FB2] =	sst s10  }
0x38: {  	s10 =	sld [smem:$0x3FB3]  }
0x39: {  	_ = 	snop;
	(pc) =	sbr.ind lr, $3  }
0x3a: {  	_ = 	snop  }
0x3b: {  	_ = 	snop  }
0x3c: {  	p2 =	seq.s32 s10, $0x1;
	s10 =	sld [smem:$0x3FB2]  }
0x3d: {  	_ =	shalt  }
0x3e: {  	_ =	shalt  }
0x3f: {  	_ =	shalt  }
0x40: {  	_ =	shalt  }
0x41: {  	_ =	shalt  }
0x42: {  	_ =	shalt  }
0x43: {  	_ =	shalt  }
0x44: {  	_ =	shalt  }
0x45: {  	_ =	shalt  }
0x46: {  	_ =	shalt  }
0x47: {  	_ =	shalt  }
0x48: {  	_ =	shalt  }
0x49: {  	_ =	shalt  }
0x4a: {  	_ =	shalt  }
0x4b: {  	_ =	shalt  }
0x4c: {  	_ =	shalt  }
0x4d: {  	_ =	shalt  }
0x4e: {  	_ =	shalt  }
0x4f: {  	_ =	shalt  }
0x50: {  	_ =	shalt  }
0x51: {  	_ =	shalt  }
0x52: {  	_ =	shalt  }
0x53: {  	_ =	shalt  }
0x54: {  	_ =	shalt  }
0x55: {  	_ =	shalt  }
0x56: {  	_ =	shalt  }
0x57: {  	_ =	shalt  }
0x58: {  	_ =	shalt  }
0x59: {  	_ =	shalt  }
0x5a: {  	_ =	shalt  }
0x5b: {  	_ =	shalt  }
0x5c: {  	_ =	shalt  }
0x5d: {  	_ =	shalt  }
0x5e: {  	_ =	shalt  }
0x5f: {  	_ =	shalt  }
0x60: {  	_ =	shalt  }
0x61: {  	_ =	shalt  }
0x62: {  	_ =	shalt  }
0x63: {  	_ =	shalt  }
0x64: {  	_ =	shalt  }
0x65: {  	_ =	shalt  }
0x66: {  	_ =	shalt  }
0x67: {  	_ =	shalt  }
0x68: {  	_ =	shalt  }
0x69: {  	_ =	shalt  }
0x6a: {  	_ =	shalt  }
0x6b: {  	_ =	shalt  }
0x6c: {  	_ =	shalt  }
0x6d: {  	_ =	shalt  }
0x6e: {  	_ =	shalt  }
0x6f: {  	_ =	shalt  }
0x70: {  	_ =	shalt  }
0x71: {  	_ =	shalt  }
0x72: {  	_ =	shalt  }
0x73: {  	_ =	shalt  }
0x74: {  	_ =	shalt  }
0x75: {  	_ =	shalt  }
0x76: {  	_ =	shalt  }
0x77: {  	_ =	shalt  }
0x78: {  	_ =	shalt  }
0x79: {  	_ =	shalt  }
0x7a: {  	_ =	shalt  }
0x7b: {  	_ =	shalt  }
0x7c: {  	_ =	shalt  }
0x7d: {  	_ =	shalt  }
0x7e: {  	_ =	shalt  }
0x7f: {  	_ =	shalt  }
0x80: {  	_ =	shalt  }
0x81: {  	_ =	shalt  }
0x82: {  	_ =	shalt  }
0x83: {  	_ =	shalt  }
0x84: {  	_ =	shalt  }
0x85: {  	_ =	shalt  }
0x86: {  	_ =	shalt  }
0x87: {  	_ =	shalt  }
.Lfunc_end0:
.L_simem_size_0:
called_computation_lowered:
.L_overlay_start_0:
0x88: {  	s2 =	sld [smem:$0x3FD9]  }
0x89: {  	s3 =	sld [smem:$0x3FFE];
	_ =	sdelay $0x1  }
0x8a: {  	s1 =	srdreg.scid  }
0x8b: {  	s0 =	sand.u32 $0x1, s1  }
0x8c: {  	s17 =	sshll.u32 s0, $0xA;
	s2 =	sadd.s32 s3, s2  }
0x8d: {  	s2 =	sadd.s32 s2, s17  }
0x8e: {  	[smem:$0x3FBE] =	sst s2  }
0x8f: {  	_ = 	snop  }
0x90: {  	(tm) =	ssettm $0x1  }
0x91: {  	s18 =	sld [smem:$0x3FFB];
	_ =	sdelay $0x3  }
0x92: {  	_ =	strace s18  }
0x93: {  	s2 =	sld [smem:$0x3FFC];
	_ =	sdelay $0x3  }
0x94: {  	_ =	strace s2  }
0x95: {  	s2 =	sld [smem:$0x3FFD];
	_ =	sdelay $0x3  }
0x96: {  	_ =	strace s2  }
0x97: {  	_ =	strace $0x8FFFFFFF  }
0x98: {  	s19 =	sld [smem:$0x3FDB];
	_ =	sdelay $0x1  }
0x99: {  	s20 =	simm.s32 $_scs_section_size  }
0x9a: {  	s4 =	simm.s32 $_size__tile_overlayer_lowered;
	s5 =	simm.s32 $_tile_overlayer_lowered  }
0x9b: {  	s6 =	simm.s32 $0x1BFF;
	s21 =	sshll.u32 s5, $0x1;
	s3 =	sadd.s32 s20, s19  }
0x9c: {  	s22 =	simm.s32 $0x0;
	s4 =	sshll.u32 s4, $0x1;
	s5 =	sadd.s32 s21, s3  }
0x9d: {  	[timem:s22], [sflag:s6] =	dma.local [hbm:s5], s4  }
0x9e: {  	_ =	swait.ge [sflag:s6], s4  }
0x9f: {  	s4 =	ssub.s32 $0x0, s4;
	[sflag:s6] =	ssyncset.done $0x0  }
0xa0: {  	[sflag:s6] =	ssyncadd.s32 s4;
	_ =	sdelay $0x1  }
0xa1: {  	s23 =	simm.s32 $0x1B8B  }
0xa2: {  	_ =	swait.ge [sflag:s23], $0x1  }
0xa3: {  	[sflag:s23] =	ssyncset.done $0x0  }
0xa4: {  	[sflag:s23] =	ssyncadd.s32 $0xFFFFFFFF  }
0xa5: {  	s4 =	sld [smem:$0x0]  }
0xa6: {  	s5 =	sand.u32 $0xFFFFFFFE, s1  }
0xa7: {  	p0 =	sne.s32 s1, s5  }
0xa8: {  	s5 =	sshll.u32 @p0 s5, $0xE  }
0xa9: {  	s5 =	sadd.s32 @p0 $0x11B8D, s5;
	s6 =	sshll.u32 @p0 s4, $0x11  }
0xaa: {  	s5 =	sor.u32 @p0 s6, s5  }
0xab: {  	[sflag:s5] =	ssyncadd.remote.s32 @p0 $0x1;
	_ =	sdelay $0x1  }
0xac: {  	s5 =	simm.s32 @p0 $0x1B8D  }
0xad: {  	_ =	swait.eq @p0 [sflag:s5], $0x1  }
0xae: {  	[sflag:s5] =	ssyncadd.s32 @p0 $0xFFFFFFFF  }
0xaf: {  	s6 =	sshll.u32 @!p0 s1, $0xE  }
0xb0: {  	s6 =	sor.u32 @!p0 $0x4000, s6;
	s5 =	simm.s32 @!p0 $0x1B8D  }
0xb1: {  	s4 =	sshll.u32 @!p0 s4, $0x11;
	s6 =	sadd.s32 @!p0 $0x11B8D, s6;
	_ =	swait.eq @!p0 [sflag:s5], $0x1  }
0xb2: {  	s4 =	sor.u32 @!p0 s4, s6;
	[sflag:s5] =	ssyncadd.s32 @!p0 $0xFFFFFFFF  }
0xb3: {  	s25 =	simm.s32 $0x1B8E;
	s24 =	sld [smem:$0x3FFE];
	[sflag:s4] =	ssyncadd.remote.s32 @!p0 $0x1  }
0xb4: {  	s26 =	simm.s32 $execute0_lowered;
	[smem:$0x3FD2] =	sst s25  }
0xb5: {  	s5 =	sshll.u32 s26, $0x1;
	_ =	strace $0x8000004C;
	[dreg:$0x1] =	wrdreg $0xFFFFFFFF  }
0xb6: {  	s28 =	simm.s32 $_size_execute0_lowered;
	s3 =	sadd.s32 s3, s5;
	[dreg:$0x0] =	wrdreg $0x0  }
0xb7: {  	s5 =	sshll.u32 s28, $0x1;
	[dreg:$0x2] =	wrdreg s3  }
0xb8: {  	[dreg:$0x3] =	wrdreg s5  }
0xb9: {  	[dreg:$0x4] =	wrdreg $0xC0  }
0xba: {  	_ =	task [dreg:s22], $0x5FFFF  }
0xbb: {  	[dreg:$0x1] =	wrdreg $0xFFFFFFFF  }
0xbc: {  	[dreg:$0x0] =	wrdreg $0x60  }
0xbd: {  	[dreg:$0x2] =	wrdreg s24  }
0xbe: {  	[dreg:$0x3] =	wrdreg $0x30000  }
0xbf: {  	[dreg:$0x4] =	wrdreg $0x9  }
0xc0: {  	_ =	task.clear_ibuf [dreg:s22], $0x5FFFF;
	_ =	strace $0x9000004C  }
0xc1: {  	s29 =	simm.s32 $0x9;
	_ =	strace $0x8000004E  }
0xc2: {  	_ =	swait.ge [sflag:s29], $0x1  }
0xc3: {  	[sflag:s29] =	ssyncadd.s32 $0xFFFFFFFF  }
0xc4: {  	_ =	strace $0x9000004E  }
0xc5: {  	_ =	sfence  }
0xc6: {  	s30 =	sld [smem:$0x0];
	_ =	sdelay $0x2  }
0xc7: {  	s31 =	sshll.u32 s1, $0xD;
	s1 =	sshrl.u32 s1, $0x2  }
0xc8: {  	s4 =	sand.u32 $0x4000, s31;
	s1 =	sadd.s32 s1, s30  }
0xc9: {  	s0 =	sor.u32 s4, s0;
	s1 =	sshll.u32 s1, $0x11  }
0xca: {  	s0 =	sor.u32 s1, s0  }
0xcb: {  	s0 =	sadd.s32 $0x8F2B, s0  }
0xcc: {  	[sflag:s0] =	ssyncadd.remote.s32 $0x1  }
0xcd: {  	_ =	sfence.sel $0xFFFF  }
0xce: {  	[dreg:$0x0] =	wrdreg $0xFFFFFFFF;
	(pc) =	sbr.abs _section_cstart, $3  }
0xcf: {  	[dreg:$0x1] =	wrdreg $0xFFFFFFFF  }
0xd0: {  	_ =	task.clear_ibuf [dreg:s22], $0x2FFFF;
	_ =	strace $0x9FFFFFFF  }
0xd1: {  	(tm) =	ssettm $0x7FFFFFFF  }
tec
execute0_lowered:
.L_overlay_start_1:
0x0: {  	(tag) =	ssettag $0x1  }
0x1: {  	s0 =	srdreg.scid;
	s13 =	rddreg [dreg:$0x0]  }
0x2: {  	s2 =	rddreg [dreg:$0x1];
	s3 =	simm.s32 $0x0;
	s15 =	simm.s32 $0x1  }
0x3: {  	s16 =	simm.s32 $0x2800;
	s17 =	simm.s32 $0x80;
	s20 =	simm.s32 $0x0  }
0x4: {  	s10 =	sand.u32 $0x1, s0;
	s0 =	stileid.u32;
	[smem:$0x7FF] =	sst s3  }
0x5: {  	s11 =	sadd.s32 $0x6FE10, s13;
	s1 =	sshll.u32 s10, $0x4;
	s5 =	smul.u32 $0x2780, s0  }
0x6: {  	s6 =	smul.u32 $0x9E00, s0;
	s8 =	ssub.s32 $0x2, s10;
	p3 =	seq.s32 s10, $0x1  }
0x7: {  	s4 =	sor.u32 s0, s1;
	s1 =	rddreg [dreg:$0x2];
	_ =	strace $0x8000004D  }
0x8: {  	s31 =	sshrl.u32 s8, $0x1;
	p1 =	seq.s32 @p3 s0, $0xF;
	p4 =	seq.s32 @!p3 s0, $0xF  }
0x9: {  	s4 =	smul.u32 $0x500, s4;
	s7 =	sshrl.u32 s5, $0x3;
	s6 =	sshrl.u32 s6, $0x2  }
0xa: {  	s14 =	ssub.s32 s8, s31;
	s5 =	sadd.s32 s5, s2;
	p0 =	por p1, !p3  }
0xb: {  	p1 =	por !p1, !p3;
	p2 =	por !p4, p3;
	p3 =	por p4, p3  }
0xc: {  	s12 =	sadd.s32 s7, s13;
	s9 =	sadd.s32 s6, s2;
	s14 =	smax.u32 s14, $0x1  }
0xd: {  	s19 =	sshll.u32 @!p0 s0, $0x6;
	s18 =	sshrl.u32 @!p1 s5, $0x3;
	s4 =	sadd.s32 s4, s13  }
0xe: {  	s6 =	sadd.s32 $0x800, s9;
	s7 =	sadd.s32 $0x1000, s9;
	s8 =	sadd.s32 $0x1800, s9  }
0xf: {  	s9 =	sadd.s32 $0x2000, s9;
	s10 =	sadd.s32 $0x6B400, s12;
	s12 =	sadd.s32 $0x66400, s12  }
0x10: {  	v0 =	vimm.f32 $0.0e+00;
	v1 =	vimm.f32 $1.000000000e+00;
	s13 =	sadd.s32 $0x6AE10, s13;
	s19 =	sor.u32 @!p0 $0x1C01, s19;
	s4 =	sadd.s32 $0x17000, s4  }
.LBB2_1:
0x11: {  	[tilespmem:s3], [sflag:$0x1] =	stream.linear.gather [hbm4b:s4+s3], $0x2800, $0x38;
	[tilespmem:$0x5780] =	vst v63  }
0x12: {  	_ =	swait.ge [sflag:s15], $0x2800  }
0x13: {  	[sflag:s15] =	ssyncset.done $0x0  }
0x14: {  	s21 =	simm.s32 $0x40;
	s22 =	simm.s32 $0x0;
	[sflag:s15] =	ssyncadd.s32 $0xFFFFD800  }
.LBB2_2:
0x15: {  	p4 =	sne.s32 s21, $0x1FC0;
	[tilespmem:s22+$0x2800] =	vst v0;
	s22 =	smov.u32 s21;
	s21 =	sadd.s32 $0x40, s21  }
.Ltmp0:
0x16: {  	(pc) =	sbr.rel @p4 .LBB2_2-.Ltmp0, $2  }
0x17: {  	_ =	sdelay $0x2  }
0x18: {  	s22 =	sshra.s32 s22, $0x2  }
0x19: {  	[tilespmem:s22+$0x2800] =	vst v0  }
0x1a: {  	[spmem:s5] =	stream.linear.scatter [tilespmem:s16], [sflag:$0x1], $0x800, $0x38;
	[tilespmem:$0x5780] =	vst v63  }
0x1b: {  	_ =	swait.ge [sflag:s15], $0x800  }
0x1c: {  	[sflag:s15] =	ssyncset.done $0x0  }
0x1d: {  	[sflag:s15] =	ssyncadd.s32 $0xFFFFF800  }
0x1e: {  	[spmem:s6] =	stream.linear.scatter [tilespmem:s16], [sflag:$0x1], $0x800, $0x38;
	[tilespmem:$0x5780] =	vst v63  }
0x1f: {  	_ =	swait.ge [sflag:s15], $0x800  }
0x20: {  	[sflag:s15] =	ssyncset.done $0x0  }
0x21: {  	[sflag:s15] =	ssyncadd.s32 $0xFFFFF800  }
0x22: {  	[spmem:s7] =	stream.linear.scatter [tilespmem:s16], [sflag:$0x1], $0x800, $0x38;
	[tilespmem:$0x5780] =	vst v63  }
0x23: {  	_ =	swait.ge [sflag:s15], $0x800  }
0x24: {  	[sflag:s15] =	ssyncset.done $0x0  }
0x25: {  	[sflag:s15] =	ssyncadd.s32 $0xFFFFF800  }
0x26: {  	[spmem:s8] =	stream.linear.scatter [tilespmem:s16], [sflag:$0x1], $0x800, $0x38;
	[tilespmem:$0x5780] =	vst v63  }
0x27: {  	_ =	swait.ge [sflag:s15], $0x800  }
0x28: {  	[sflag:s15] =	ssyncset.done $0x0  }
0x29: {  	[sflag:s15] =	ssyncadd.s32 $0xFFFFF800  }
0x2a: {  	[spmem:s9] =	stream.linear.scatter [tilespmem:s16], [sflag:$0x1], $0x780, $0x38;
	[tilespmem:$0x5780] =	vst v63  }
0x2b: {  	_ =	swait.ge [sflag:s15], $0x780  }
0x2c: {  	[sflag:s15] =	ssyncset.done $0x0  }
0x2d: {  	s21 =	simm.s32 $0x40;
	s22 =	simm.s32 $0x0;
	[sflag:s15] =	ssyncadd.s32 $0xFFFFF880  }
.LBB2_4:
0x2e: {  	p4 =	sne.s32 s21, $0x1FC0;
	[tilespmem:s22+$0x2800] =	vst v1;
	s22 =	smov.u32 s21;
	s21 =	sadd.s32 $0x40, s21  }
.Ltmp1:
0x2f: {  	(pc) =	sbr.rel @p4 .LBB2_4-.Ltmp1, $2  }
0x30: {  	_ =	sdelay $0x2  }
0x31: {  	s22 =	sshra.s32 s22, $0x2  }
0x32: {  	[tilespmem:s22+$0x2800] =	vst v1  }
0x33: {  	s21 =	simm.s32 $0x0;
	[bflag:$0x0] =	sbarrier.arrive $0xFFFF  }
0x34: {  	[spmem:s2] =	stream.indirect.scatter.add.f32 [tilespmem:s16], [sflag:$0x1], $0x10, s21, s17, $0xb8;
	[tilespmem:$0x5780] =	vst v63  }
0x35: {  	_ =	swait.ge [sflag:s15], $0x800  }
0x36: {  	s21 =	simm.s32 $0x200;
	[sflag:s15] =	ssyncset.done $0x0  }
.LBB2_6:
0x37: {  	s22 =	sshra.s32 s21, $0x2;
	[sflag:s15] =	ssyncadd.s32 $0xFFFFF800;
	p4 =	sne.s32 s21, $0x9E00  }
0x38: {  	[spmem:s2] =	stream.indirect.scatter.add.f32 [tilespmem:s16], [sflag:$0x1], $0x10, s22, s17, $0xb8;
	[tilespmem:$0x5780] =	vst v63  }
.Ltmp2:
0x39: {  	_ = 	snop;
	(pc) =	sbr.rel @p4 .LBB2_6-.Ltmp2, $4  }
0x3a: {  	_ = 	snop  }
0x3b: {  	s21 =	sadd.s32 $0x200, s21  }
0x3c: {  	_ =	swait.ge [sflag:s15], $0x800  }
0x3d: {  	[sflag:s15] =	ssyncset.done $0x0  }
0x3e: {  	[sflag:s15] =	ssyncadd.s32 $0xFFFFF800  }
0x3f: {  	s21 =	simm.s32 @!p1 $0x1FC1;
	[bflag:$0x0] =	sbarrier.arrive $0xFFFF  }
0x40: {  	[hbm:s13], [sflag:s21] =	dma.local @!p1 [spmem:s18], $0x410  }
0x41: {  	s21 =	simm.s32 @!p1 $0x1  }
0x42: {  	_ =	swait.ge @!p1 [sflag:s21], $0x410  }
0x43: {  	[sflag:s21] =	ssyncset.done @!p1 $0x0  }
0x44: {  	[sflag:s21] =	ssyncadd.s32 @!p1 $0xFFFFFBF0;
	s21 =	sshrl.u32 @!p0 s5, $0x3  }
0x45: {  	[hbm:s12], [sflag:s19] =	dma.local @!p0 [spmem:s21], $0x4F0  }
0x46: {  	s21 =	simm.s32 @!p0 $0x1  }
0x47: {  	_ =	swait.ge @!p0 [sflag:s21], $0x4F0  }
0x48: {  	[sflag:s21] =	ssyncset.done @!p0 $0x0  }
0x49: {  	s22 =	simm.s32 @!p2 $0x1FC1;
	[sflag:s21] =	ssyncadd.s32 @!p0 $0xFFFFFB10;
	s21 =	sshrl.u32 @!p2 s5, $0x3  }
0x4a: {  	[hbm:s11], [sflag:s22] =	dma.local @!p2 [spmem:s21], $0x410  }
0x4b: {  	s21 =	simm.s32 @!p2 $0x1  }
0x4c: {  	s20 =	sadd.s32 $0x1, s20;
	_ =	swait.ge @!p2 [sflag:s21], $0x410  }
0x4d: {  	p4 =	sne.s32 s20, s14;
	s22 =	sshll.u32 @!p3 s0, $0x6;
	[sflag:s21] =	ssyncset.done @!p2 $0x0  }
0x4e: {  	[sflag:s21] =	ssyncadd.s32 @!p2 $0xFFFFFBF0;
	s21 =	sor.u32 @!p3 $0x1C01, s22;
	s22 =	sshrl.u32 @!p3 s5, $0x3  }
0x4f: {  	[hbm:s10], [sflag:s21] =	dma.local @!p3 [spmem:s22], $0x4F0  }
.Ltmp3:
0x50: {  	_ = 	snop;
	(pc) =	sbr.rel @p4 .LBB2_1-.Ltmp3, $4  }
0x51: {  	s21 =	simm.s32 @!p3 $0x1  }
0x52: {  	_ =	swait.ge @!p3 [sflag:s21], $0x4F0  }
0x53: {  	[sflag:s21] =	ssyncset.done @!p3 $0x0  }
0x54: {  	[sflag:s21] =	ssyncadd.s32 @!p3 $0xFFFFFB10  }
0x55: {  	_ =	sfence.sel $0x180000  }
0x56: {  	[bflag:$0x0] =	sbarrier.arrive $0xFFFF  }
0x57: {  	p0 =	sne.s32 s0, $0x0;
	_ =	strace $0x9000004D  }
0x58: {  	s0 =	sadd.s32 @!p0 $0x100000, s1;
	[bflag:$0x2] =	sbarrier.arrive $0xFFFF  }
0x59: {  	[sflag:s0] =	ssyncadd.tile.s32 @!p0 $0x1;
	_ =	shalt  }
.Lfunc_end2:
_tile_overlayer_lowered:
.L_overlay_start_2:
0x5a: {  	(tag) =	ssettag $0x2  }
0x5b: {  	s0 =	rddreg [dreg:$0x0];
	s2 =	stileid.u32  }
0x5c: {  	s1 =	rddreg [dreg:$0x1];
	p0 =	sne.s32 s2, $0x0  }
0x5d: {  	s3 =	rddreg [dreg:$0x2];
	[bflag:$0x3] =	sbarrier.arrive $0xFFFF;
	s2 =	simm.s32 @!p0 $0x1C01  }
0x5e: {  	[timem:s3], [sflag:s2] =	dma.local @!p0 [hbm:s0], s1  }
0x5f: {  	s0 =	simm.s32 @!p0 $0x1  }
0x60: {  	_ =	swait.ge @!p0 [sflag:s0], s1  }
0x61: {  	s1 =	ssub.s32 @!p0 $0x0, s1;
	[sflag:s0] =	ssyncset.done @!p0 $0x0  }
0x62: {  	[sflag:s0] =	ssyncadd.s32 @!p0 s1  }
0x63: {  	[bflag:$0x3] =	sbarrier.arrive $0xFFFF  }
0x64: {  	_ =	shalt  }

</sc_bundles>
